<compile_context>
chip_gen: v7x
topology: tpu7x:2x2x1
jax: 0.10.2.dev20260603
libtpu: 0.0.44.dev20260713+nightly
codegen_flags: <defaults>
</compile_context>

<pallas_src>
import functools

import jax
import jax.numpy as jnp
from jax import lax
from jax.experimental import pallas as pl
from jax.experimental.pallas import tpu as pltpu
from jax.experimental.pallas import tpu_sc as plsc

B, A, G, C = 16, 3, 76, 80
NT = 64
NZ = 4 * NT
GG = G * G
CELLS = B * A * GG
LANES = 128
ROWS = CELLS // LANES
IGNORE_THRES = 0.7
NOOBJ_SCALE = 100.0

_f32 = jnp.float32
_i32 = jnp.int32


_SC_OUT_TYPE = (
        jax.ShapeDtypeStruct((NZ, LANES), _f32),
)
_SC_SCRATCH = [
        pltpu.VMEM((NT * 6,), _f32),
        pltpu.VMEM((96,), _f32),
        pltpu.VMEM((2, LANES), _i32),
        pltpu.VMEM((NZ, LANES), _f32),
        pltpu.SemaphoreType.DMA,
]


def _sc_gather_body(t_hbm, anch_hbm, conf_hbm,
               o_conf,
               tv, av, zrow_v,
               bconf, sem):
    tile0 = (lax.axis_index("c") == 0) & (lax.axis_index("s") == 0)

    @pl.when(tile0)
    def _():
        pltpu.sync_copy(t_hbm, tv)
        pltpu.sync_copy(anch_hbm, av)

        for c in range(NT // 16):

            def col(k):
                return tv[pl.ds(k * NT + c * 16, 16)]

            si_i = col(0).astype(_i32)
            gx = col(2) * float(G)
            gy = col(3) * float(G)
            gw = col(4) * float(G)
            gh = col(5) * float(G)
            gi = gx.astype(_i32)
            gj = gy.astype(_i32)

            best = jnp.zeros((16,), _i32)
            bv = jnp.full((16,), -1.0, _f32)
            for a in range(A):
                aw = av[pl.ds((2 * a) * 16, 16)]
                ah = av[pl.ds((2 * a + 1) * 16, 16)]
                inter = jnp.minimum(aw, gw) * jnp.minimum(ah, gh)
                union = aw * ah + 1e-16 + gw * gh - inter
                iou = inter / union
                m = iou > bv
                best = jnp.where(m, a, best)
                bv = jnp.where(m, iou, bv)

            cellbase = si_i * (A * GG) + gj * G + gi
            cell = cellbase + best * GG
            row = lax.shift_right_logical(cell, 7)
            k0 = c * 16
            zrow_v[k0 // LANES, pl.ds(k0 % LANES, 16)] = row
            for a in range(A):
                k = NT + a * NT + c * 16
                arow = lax.shift_right_logical(cellbase + a * GG, 7)
                zrow_v[k // LANES, pl.ds(k % LANES, 16)] = arow

        cps = [
            pltpu.async_copy(conf_hbm.at[zrow_v.at[0]], bconf.at[pl.ds(0, LANES)], sem),
            pltpu.async_copy(conf_hbm.at[zrow_v.at[1]], bconf.at[pl.ds(LANES, LANES)], sem),
        ]
        for cp in cps:
            cp.wait()

        pltpu.sync_copy(bconf, o_conf)


@functools.cache
def _sc_gather():
    mesh = plsc.VectorSubcoreMesh(core_axis_name="c", subcore_axis_name="s")
    return pl.kernel(_sc_gather_body, out_type=_SC_OUT_TYPE, mesh=mesh,
                     scratch_types=_SC_SCRATCH)


def _sp(x):
    return jax.nn.softplus(x)


def _tc_body(conf_ref, tT_ref, t64_ref, anch_ref,
             zconf_ref, gv_ref, pc_ref, out_ref):
    S_all = jnp.sum(_sp(conf_ref[...]))

    anch = anch_ref[...]

    def per_target(t, cell_axis):
        if cell_axis == 0:
            sl = lambda k: t[k:k + 1, :]
        else:
            sl = lambda k: t[:, k:k + 1]
        si = sl(0).astype(_i32)
        lab = sl(1).astype(_i32)
        gx = sl(2) * float(G)
        gy = sl(3) * float(G)
        rw = sl(4)
        rh = sl(5)
        gw = rw * float(G)
        gh = rh * float(G)
        gi = gx.astype(_i32)
        gj = gy.astype(_i32)
        ious = []
        for a in range(A):
            aw = anch[0:1, 2 * a:2 * a + 1]
            ah = anch[0:1, 2 * a + 1:2 * a + 2]
            inter = jnp.minimum(aw, gw) * jnp.minimum(ah, gh)
            union = aw * ah + 1e-16 + gw * gh - inter
            ious.append(inter / union)
        best = jnp.zeros_like(si)
        bv = jnp.full_like(gx, -1.0)
        for a in range(A):
            m = ious[a] > bv
            best = jnp.where(m, a, best)
            bv = jnp.where(m, ious[a], bv)
        cellbase = si * (A * GG) + gj * G + gi
        cell = cellbase + best * GG
        return dict(si=si, lab=lab, gx=gx, gy=gy, gw=gw, gh=gh, rw=rw, rh=rh,
                    ious=ious, best=best, cellbase=cellbase, cell=cell)

    r = per_target(tT_ref[...], 0)
    c = per_target(t64_ref[...], 1)

    i_r = lax.broadcasted_iota(_i32, (NT, NT), 1)
    i_c = lax.broadcasted_iota(_i32, (NT, NT), 0)
    later = i_r > i_c
    dup = jnp.max(jnp.where((c["cell"] == r["cell"]) & later, 1.0, 0.0),
                  axis=1, keepdims=True)
    act = 1.0 - dup
    pk_r = r["cell"] * C + r["lab"]
    pk_c = c["cell"] * C + c["lab"]
    pdup = jnp.max(jnp.where((pk_c == pk_r) & later, 1.0, 0.0),
                   axis=1, keepdims=True)
    pact = 1.0 - pdup

    zc_r = jnp.concatenate(
        [r["cell"]] + [r["cellbase"] + a * GG for a in range(A)], axis=1)
    zc_c = jnp.concatenate(
        [c["cell"]] + [c["cellbase"] + a * GG for a in range(A)], axis=0)
    onef_r = jnp.ones((1, NT), _f32)
    onef_c = jnp.ones((NT, 1), _f32)
    zf_r = jnp.concatenate(
        [onef_r] + [jnp.where(r["ious"][a] > IGNORE_THRES, 1.0, 0.0) for a in range(A)],
        axis=1)
    zf_c = jnp.concatenate(
        [onef_c] + [jnp.where(c["ious"][a] > IGNORE_THRES, 1.0, 0.0) for a in range(A)],
        axis=0)
    zi_r = lax.broadcasted_iota(_i32, (NZ, NZ), 1)
    zi_c = lax.broadcasted_iota(_i32, (NZ, NZ), 0)
    dupz = jnp.max(
        jnp.where((zc_c == zc_r) & (zi_r < zi_c) & (zf_r > 0.0), 1.0, 0.0),
        axis=1, keepdims=True)
    distinct = zf_c * (1.0 - dupz)

    zlane = lax.broadcasted_iota(_i32, (NZ, LANES), 1)
    zval = jnp.sum(jnp.where(zlane == (zc_c & (LANES - 1)), zconf_ref[...], 0.0),
                   axis=1, keepdims=True)
    S_zero = jnp.sum(distinct * _sp(zval))
    n_zeroed = jnp.sum(distinct)

    gv = gv_ref[...].reshape(NT, 4)
    cxv = gv[:, 0:1]
    cyv = gv[:, 1:2]
    wv = gv[:, 2:3]
    hv = gv[:, 3:4]
    cv = lax.slice(zval, (0, 0), (NT, 1))

    tx = c["gx"] - jnp.floor(c["gx"])
    ty = c["gy"] - jnp.floor(c["gy"])
    aw_b = jnp.where(c["best"] == 0, anch[0:1, 0:1],
                     jnp.where(c["best"] == 1, anch[0:1, 2:3], anch[0:1, 4:5]))
    ah_b = jnp.where(c["best"] == 0, anch[0:1, 1:2],
                     jnp.where(c["best"] == 1, anch[0:1, 3:4], anch[0:1, 5:6]))
    tw = jnp.log(c["gw"] / aw_b + 1e-16)
    th = jnp.log(c["gh"] / ah_b + 1e-16)
    scale = 2.0 - c["rw"] * c["rh"]
    S_x = jnp.sum(act * scale * (_sp(cxv) - cxv * tx))
    S_y = jnp.sum(act * scale * (_sp(cyv) - cyv * ty))
    S_w = jnp.sum(act * 0.5 * scale * (wv - tw) ** 2)
    S_h = jnp.sum(act * 0.5 * scale * (hv - th) ** 2)
    S_co = jnp.sum(act * (_sp(cv) - cv))
    n_obj = jnp.sum(act)

    pc = pc_ref[...].reshape(NT, C)
    S_csp = jnp.sum(act * jnp.sum(_sp(pc), axis=1, keepdims=True))
    labsel = lax.broadcasted_iota(_i32, (NT, C), 1) == c["lab"]
    S_clab = jnp.sum(pact * jnp.sum(jnp.where(labsel, pc, 0.0), axis=1, keepdims=True))

    n_noobj = float(CELLS) - n_zeroed
    loss = ((S_x + S_y + S_w + S_h) / n_obj
            + S_co / n_obj
            + NOOBJ_SCALE * (S_all - S_zero) / n_noobj
            + (S_csp - S_clab) / (n_obj * float(C)))
    out_ref[...] = jnp.reshape(loss, (1, 1))


def _idx_body(tT_ref, anch_ref, out_ref):
    t = tT_ref[...]
    anch = anch_ref[...]
    si = t[0:1, :].astype(_i32)
    gx = t[2:3, :] * float(G)
    gy = t[3:4, :] * float(G)
    gw = t[4:5, :] * float(G)
    gh = t[5:6, :] * float(G)
    gi = gx.astype(_i32)
    gj = gy.astype(_i32)
    best = jnp.zeros_like(si)
    bv = jnp.full_like(gx, -1.0)
    for a in range(A):
        aw = anch[0:1, 2 * a:2 * a + 1]
        ah = anch[0:1, 2 * a + 1:2 * a + 2]
        inter = jnp.minimum(aw, gw) * jnp.minimum(ah, gh)
        union = aw * ah + 1e-16 + gw * gh - inter
        iou = inter / union
        m = iou > bv
        best = jnp.where(m, a, best)
        bv = jnp.where(m, iou, bv)
    out_ref[...] = jnp.concatenate([si, best, gj, gi], axis=0)


_TPS = 8


def _row_gather_body(cidx_ref, *refs):
    pc_refs = refs[0:_TPS]
    grid_refs = [refs[_TPS * (1 + g):_TPS * (2 + g)] for g in range(4)]
    out_pc, out_gv = refs[5 * _TPS], refs[5 * _TPS + 1]
    t = pl.program_id(0)
    rows, gvs = [], []
    for k in range(_TPS):
        n = _TPS * t + k
        si = cidx_ref[0, n]
        gi = cidx_ref[3, n]
        sisub = si % 8
        pcblk = pc_refs[k][0, 0, 0]
        selb = lax.broadcasted_iota(_i32, (8, C), 0) == sisub
        rows.append(jnp.sum(jnp.where(selb, pcblk, 0.0), axis=0,
                            keepdims=True)[None])
        sel2 = ((lax.broadcasted_iota(_i32, (8, G), 0) == sisub)
                & (lax.broadcasted_iota(_i32, (8, G), 1) == gi))
        vals = []
        for g in range(4):
            blk = grid_refs[g][k][0, 0]
            vals.append(jnp.sum(jnp.where(sel2, blk, 0.0)).reshape(1, 1, 1))
        gvs.append(jnp.concatenate(vals, axis=2))
    out_pc[...] = jnp.concatenate(rows, axis=0)
    out_gv[...] = jnp.concatenate(gvs, axis=0)


def kernel(pred_boxes, pred_cls, center_x, center_y, width, height, confidence,
           targets, anchors):
    del pred_boxes
    conf2d = confidence.reshape(ROWS, LANES)
    tT = targets.T
    tflat = tT.reshape(NT * 6)
    anch_rep = jnp.repeat(anchors.reshape(6), 16)
    anch8 = anchors.reshape(1, 6)

    zconf = _sc_gather()(tflat, anch_rep, conf2d)
    if isinstance(zconf, (tuple, list)):
        zconf = zconf[0]

    cidx = pl.pallas_call(
        _idx_body,
        out_shape=jax.ShapeDtypeStruct((4, NT), _i32),
    )(tT, anch8)

    pct = jnp.transpose(pred_cls, (1, 2, 3, 0, 4))
    grids_t = [jnp.transpose(v, (1, 2, 0, 3))
               for v in (center_x, center_y, width, height)]

    def pc_map(k):
        return lambda t, cidx: (cidx[1, _TPS * t + k],
                                cidx[2, _TPS * t + k],
                                cidx[3, _TPS * t + k],
                                cidx[0, _TPS * t + k] // 8, 0)

    def grid_map(k):
        return lambda t, cidx: (cidx[1, _TPS * t + k],
                                cidx[2, _TPS * t + k],
                                cidx[0, _TPS * t + k] // 8, 0)

    in_specs = [pl.BlockSpec((1, 1, 1, 8, C), pc_map(k)) for k in range(_TPS)]
    for _ in range(4):
        in_specs += [pl.BlockSpec((1, 1, 8, G), grid_map(k)) for k in range(_TPS)]
    pcr, gvr = pl.pallas_call(
        _row_gather_body,
        grid_spec=pltpu.PrefetchScalarGridSpec(
            num_scalar_prefetch=1,
            grid=(NT // _TPS,),
            in_specs=in_specs,
            out_specs=[
                pl.BlockSpec((_TPS, 1, C), lambda t, cidx: (t, 0, 0)),
                pl.BlockSpec((_TPS, 1, 4), lambda t, cidx: (t, 0, 0)),
            ],
        ),
        out_shape=[
            jax.ShapeDtypeStruct((NT, 1, C), _f32),
            jax.ShapeDtypeStruct((NT, 1, 4), _f32),
        ],
    )(cidx, *([pct] * _TPS),
      *[g for gt in grids_t for g in [gt] * _TPS])

    out = pl.pallas_call(
        _tc_body,
        out_shape=jax.ShapeDtypeStruct((1, 1), _f32),
    )(conf2d, tT, targets, anch8, zconf, gvr, pcr)
    return out.reshape(())

# --- scband reference (transcript-rebuilt; emitter-appended) ---
"""Pipeline reference for scband-yololoss-46007689675243 (READ-ONLY COPY).

The authoritative reference and input builder live on the scoring server;
editing this copy changes nothing except your own understanding.
"""

import jax, jax.numpy as jnp
import numpy as np

B, A, G, C, N = 16, 3, 76, 80, 64


def setup_inputs(seed: int = 0):
    key = jax.random.key(seed)
    ks = jax.random.split(key, 12)
    pred_boxes = jax.random.normal(ks[0], (B, A, G, G, 4), dtype=jnp.float32)
    pred_cls = jax.random.normal(ks[1], (B, A, G, G, C), dtype=jnp.float32)
    center_x = jax.random.normal(ks[2], (B, A, G, G), dtype=jnp.float32)
    center_y = jax.random.normal(ks[3], (B, A, G, G), dtype=jnp.float32)
    width = jax.random.normal(ks[4], (B, A, G, G), dtype=jnp.float32)
    height = jax.random.normal(ks[5], (B, A, G, G), dtype=jnp.float32)
    confidence = jax.random.normal(ks[6], (B, A, G, G), dtype=jnp.float32)
    si = jax.random.randint(ks[7], (N,), 0, B).astype(jnp.float32)
    labels = jax.random.randint(ks[8], (N,), 0, C).astype(jnp.float32)
    xy = jax.random.uniform(ks[9], (N, 2), minval=0.02, maxval=0.98)
    wh = jax.random.uniform(ks[10], (N, 2), minval=0.05, maxval=0.4)
    targets = jnp.concatenate([si[:, None], labels[:, None], xy, wh], axis=1).astype(jnp.float32)
    anchors = jnp.array([[1.25, 1.625], [2.0, 3.75], [4.125, 2.875]], dtype=jnp.float32)
    return {"pred_boxes": pred_boxes, "pred_cls": pred_cls, "center_x": center_x,
            "center_y": center_y, "width": width, "height": height,
            "confidence": confidence, "targets": targets, "anchors": anchors}


def _bce(x, t):
    # BCEWithLogits(x, t) = softplus(x) - x * t  (numerically stable)
    return jax.nn.softplus(x) - x * t


def _build_targets(pred_boxes, pred_cls, target, anchors, ignore_thres):
    b, a, g = pred_boxes.shape[0], pred_boxes.shape[1], pred_boxes.shape[2]
    c = pred_cls.shape[-1]
    tb = target[:, 2:6] * g
    gxy = tb[:, :2]
    gwh = tb[:, 2:]
    raw_wh = target[:, 4:6]
    ious = []
    for i in range(anchors.shape[0]):
        w1 = anchors[i, 0]
        h1 = anchors[i, 1]
        inter = jnp.minimum(w1, gwh[:, 0]) * jnp.minimum(h1, gwh[:, 1])
        union = w1 * h1 + 1e-16 + gwh[:, 0] * gwh[:, 1] - inter
        ious.append(inter / union)
    ious = jnp.stack(ious)
    best_n = jnp.argmax(ious, axis=0)
    si = target[:, 0].astype(jnp.int32)
    labels = target[:, 1].astype(jnp.int32)
    gx, gy = gxy[:, 0], gxy[:, 1]
    gw, gh = gwh[:, 0], gwh[:, 1]
    gi = gx.astype(jnp.int32)
    gj = gy.astype(jnp.int32)
    obj = jnp.zeros((b, a, g, g), jnp.float32).at[si, best_n, gj, gi].set(1.0)
    noobj = jnp.ones((b, a, g, g), jnp.float32).at[si, best_n, gj, gi].set(0.0)
    na = anchors.shape[0]
    n = target.shape[0]
    b_rep = jnp.broadcast_to(si[None, :], (na, n))
    a_rep = jnp.broadcast_to(jnp.arange(na)[:, None], (na, n))
    gj_rep = jnp.broadcast_to(gj[None, :], (na, n))
    gi_rep = jnp.broadcast_to(gi[None, :], (na, n))
    keep = jnp.where(ious > ignore_thres, 0.0, 1.0)
    noobj = noobj.at[b_rep, a_rep, gj_rep, gi_rep].multiply(keep)
    zz = jnp.zeros((b, a, g, g), jnp.float32)
    tx = zz.at[si, best_n, gj, gi].set(gx - jnp.floor(gx))
    ty = zz.at[si, best_n, gj, gi].set(gy - jnp.floor(gy))
    tw = zz.at[si, best_n, gj, gi].set(jnp.log(gw / anchors[best_n, 0] + 1e-16))
    th = zz.at[si, best_n, gj, gi].set(jnp.log(gh / anchors[best_n, 1] + 1e-16))
    rtw = zz.at[si, best_n, gj, gi].set(raw_wh[:, 0])
    rth = zz.at[si, best_n, gj, gi].set(raw_wh[:, 1])
    tcls = jnp.zeros((b, a, g, g, c), jnp.float32).at[si, best_n, gj, gi, labels].set(1.0)
    return obj, noobj, tx, ty, tw, th, tcls, obj, rtw, rth


def _forward(pred_boxes, pred_cls, center_x, center_y, width, height, confidence, targets, anchors):
    ignore_thres = 0.7
    object_scale = 1.0
    noobject_scale = 100.0
    obj, noobj, tx, ty, tw, th, tcls, tconf, rtw, rth = _build_targets(
        pred_boxes, pred_cls, targets, anchors, ignore_thres)
    n_obj = jnp.sum(obj)
    n_noobj = jnp.sum(noobj)
    scale = 2.0 - rtw * rth
    loss_x = jnp.sum(obj * scale * _bce(center_x, tx)) / n_obj
    loss_y = jnp.sum(obj * scale * _bce(center_y, ty)) / n_obj
    loss_w = jnp.sum(obj * 0.5 * scale * (width - tw) ** 2) / n_obj
    loss_h = jnp.sum(obj * 0.5 * scale * (height - th) ** 2) / n_obj
    loss_bbox = loss_x + loss_y + loss_w + loss_h
    loss_conf_obj = jnp.sum(obj * _bce(confidence, tconf)) / n_obj
    loss_conf_noobj = jnp.sum(noobj * _bce(confidence, tconf)) / n_noobj
    loss_conf = object_scale * loss_conf_obj + noobject_scale * loss_conf_noobj
    c = pred_cls.shape[-1]
    loss_cls = jnp.sum(obj[..., None] * _bce(pred_cls, tcls)) / (n_obj * c)
    return loss_bbox + loss_conf + loss_cls


def reference(pred_boxes, pred_cls, center_x, center_y, width, height, confidence, targets, anchors):
    return _forward(pred_boxes, pred_cls, center_x, center_y, width, height, confidence, targets, anchors)

if __name__ == "__main__":
    import jax
    _d = setup_inputs()
    print(jax.jit(kernel)(*tuple(_d.values())))

</pallas_src>

<mosaic_0001>
#map = affine_map<(d0, d1) -> (0)>
#map1 = affine_map<(d0, d1) -> (0, 0)>
module attributes {stable_mosaic.version = 14 : i64} {
  func.func @_sc_gather_body(%arg0: i32, %arg1: i32, %arg2: memref<384xf32, #tpu.memory_space<hbm>>, %arg3: memref<96xf32, #tpu.memory_space<hbm>>, %arg4: memref<2166x128xf32, #tpu.memory_space<hbm>>, %arg5: memref<256x128xf32, #tpu.memory_space<hbm>>, %arg6: memref<384xf32, #tpu.memory_space<vmem>>, %arg7: memref<96xf32, #tpu.memory_space<vmem>>, %arg8: memref<2x128xi32, #tpu.memory_space<vmem>>, %arg9: memref<256x128xf32, #tpu.memory_space<vmem>>, %arg10: memref<!tpu.dma_semaphore, #tpu.memory_space<semaphore_mem>>) attributes {dimension_semantics = [#tpu.dimension_semantics<core_parallel>, #tpu.dimension_semantics<subcore_parallel>], iteration_bounds = array<i64: 2, 16>, scalar_prefetch = 0 : i64, scratch_operands = 5 : i64, tpu.core_type = #tpu.core_type<sc_vector_subcore>, window_params = [{transform_indices = #map}, {transform_indices = #map}, {transform_indices = #map1}, {transform_indices = #map1}]} {
    %eq3A = arith.constant 0 : i32
    %eq3A_0 = arith.cmpi eq, %arg0, %eq3A : i32
    %eq3A_1 = arith.constant 0 : i32
    %eq3A_2 = arith.cmpi eq, %arg1, %eq3A_1 : i32
    %and3A = arith.andi %eq3A_0, %eq3A_2 : i1
    %convert_element_type3A = arith.extui %and3A : i1 to i32
    %cond3A = arith.constant 0 : i32
    %cond3A_3 = arith.cmpi ne, %convert_element_type3A, %cond3A : i32
    scf.if %cond3A_3 {
      "tpu.region"() ({
        %run_scoped3A = tpu.sem_alloc : memref<!tpu.dma_semaphore, #tpu.memory_space<semaphore_mem>>
        tpu.enqueue_dma source(%arg2 : memref<384xf32, #tpu.memory_space<hbm>>) target(%arg6 : memref<384xf32, #tpu.memory_space<vmem>>) target_semaphore(%run_scoped3A : memref<!tpu.dma_semaphore, #tpu.memory_space<semaphore_mem>>)
        tpu.wait_dma2 semaphore(%run_scoped3A : memref<!tpu.dma_semaphore, #tpu.memory_space<semaphore_mem>>) src(%arg2 : memref<384xf32, #tpu.memory_space<hbm>>) dst(%arg6 : memref<384xf32, #tpu.memory_space<vmem>>)
        tpu.yield
      }) : () -> ()
      "tpu.region"() ({
        %run_scoped3A = tpu.sem_alloc : memref<!tpu.dma_semaphore, #tpu.memory_space<semaphore_mem>>
        tpu.enqueue_dma source(%arg3 : memref<96xf32, #tpu.memory_space<hbm>>) target(%arg7 : memref<96xf32, #tpu.memory_space<vmem>>) target_semaphore(%run_scoped3A : memref<!tpu.dma_semaphore, #tpu.memory_space<semaphore_mem>>)
        tpu.wait_dma2 semaphore(%run_scoped3A : memref<!tpu.dma_semaphore, #tpu.memory_space<semaphore_mem>>) src(%arg3 : memref<96xf32, #tpu.memory_space<hbm>>) dst(%arg7 : memref<96xf32, #tpu.memory_space<vmem>>)
        tpu.yield
      }) : () -> ()
      %get3A = arith.constant 0 : index
      %get3A_4 = tpu.vector_load %arg6[%get3A] {strides = array<i32>} : memref<384xf32, #tpu.memory_space<vmem>>, vector<16xf32>,
      %get3A_5 = vector.shape_cast %get3A_4 : vector<16xf32> to vector<16xf32>
      %convert_element_type3A_6 = arith.fptosi %get3A_5 : vector<16xf32> to vector<16xi32>
      %get3A_7 = arith.constant 128 : index
      %get3A_8 = tpu.vector_load %arg6[%get3A_7] {strides = array<i32>} : memref<384xf32, #tpu.memory_space<vmem>>, vector<16xf32>,
      %get3A_9 = vector.shape_cast %get3A_8 : vector<16xf32> to vector<16xf32>
      %mul3A = arith.constant 7.600000e+01 : f32
      %mul3A_10 = vector.broadcast %mul3A : f32 to vector<16xf32>
      %mul3A_11 = arith.mulf %get3A_9, %mul3A_10 : vector<16xf32>
      %get3A_12 = arith.constant 192 : index
      %get3A_13 = tpu.vector_load %arg6[%get3A_12] {strides = array<i32>} : memref<384xf32, #tpu.memory_space<vmem>>, vector<16xf32>,
      %get3A_14 = vector.shape_cast %get3A_13 : vector<16xf32> to vector<16xf32>
      %mul3A_15 = arith.constant 7.600000e+01 : f32
      %mul3A_16 = vector.broadcast %mul3A_15 : f32 to vector<16xf32>
      %mul3A_17 = arith.mulf %get3A_14, %mul3A_16 : vector<16xf32>
      %get3A_18 = arith.constant 256 : index
      %get3A_19 = tpu.vector_load %arg6[%get3A_18] {strides = array<i32>} : memref<384xf32, #tpu.memory_space<vmem>>, vector<16xf32>,
      %get3A_20 = vector.shape_cast %get3A_19 : vector<16xf32> to vector<16xf32>
      %mul3A_21 = arith.constant 7.600000e+01 : f32
      %mul3A_22 = vector.broadcast %mul3A_21 : f32 to vector<16xf32>
      %mul3A_23 = arith.mulf %get3A_20, %mul3A_22 : vector<16xf32>
      %get3A_24 = arith.constant 320 : index
      %get3A_25 = tpu.vector_load %arg6[%get3A_24] {strides = array<i32>} : memref<384xf32, #tpu.memory_space<vmem>>, vector<16xf32>,
      %get3A_26 = vector.shape_cast %get3A_25 : vector<16xf32> to vector<16xf32>
      %mul3A_27 = arith.constant 7.600000e+01 : f32
      %mul3A_28 = vector.broadcast %mul3A_27 : f32 to vector<16xf32>
      %mul3A_29 = arith.mulf %get3A_26, %mul3A_28 : vector<16xf32>
      %convert_element_type3A_30 = arith.fptosi %mul3A_11 : vector<16xf32> to vector<16xi32>
      %convert_element_type3A_31 = arith.fptosi %mul3A_17 : vector<16xf32> to vector<16xi32>
      %broadcast_in_dim3A = arith.constant 0 : i32
      %broadcast_in_dim3A_32 = vector.broadcast %broadcast_in_dim3A : i32 to vector<16xi32>
      %broadcast_in_dim3A_33 = arith.constant -1.000000e+00 : f32
      %broadcast_in_dim3A_34 = vector.broadcast %broadcast_in_dim3A_33 : f32 to vector<16xf32>
      %get3A_35 = arith.constant 0 : index
      %get3A_36 = tpu.vector_load %arg7[%get3A_35] {strides = array<i32>} : memref<96xf32, #tpu.memory_space<vmem>>, vector<16xf32>,
      %get3A_37 = vector.shape_cast %get3A_36 : vector<16xf32> to vector<16xf32>
      %get3A_38 = arith.constant 16 : index
      %get3A_39 = tpu.vector_load %arg7[%get3A_38] {strides = array<i32>} : memref<96xf32, #tpu.memory_space<vmem>>, vector<16xf32>,
      %get3A_40 = vector.shape_cast %get3A_39 : vector<16xf32> to vector<16xf32>
      %min3A = arith.minimumf %get3A_37, %mul3A_23 : vector<16xf32>
      %min3A_41 = arith.minimumf %get3A_40, %mul3A_29 : vector<16xf32>
      %mul3A_42 = arith.mulf %min3A, %min3A_41 : vector<16xf32>
      %mul3A_43 = arith.mulf %get3A_37, %get3A_40 : vector<16xf32>
      %add3A = arith.constant 1.000000e-16 : f32
      %add3A_44 = vector.broadcast %add3A : f32 to vector<16xf32>
      %add3A_45 = arith.addf %mul3A_43, %add3A_44 : vector<16xf32>
      %mul3A_46 = arith.mulf %mul3A_23, %mul3A_29 : vector<16xf32>
      %add3A_47 = arith.addf %add3A_45, %mul3A_46 : vector<16xf32>
      %sub3A = arith.subf %add3A_47, %mul3A_42 : vector<16xf32>
      %div3A = arith.divf %mul3A_42, %sub3A : vector<16xf32>
      %gt3A = arith.cmpf ogt, %div3A, %broadcast_in_dim3A_34 : vector<16xf32>
      %jit3A = arith.constant 0 : i32
      %broadcast_in_dim3A_48 = vector.broadcast %jit3A : i32 to vector<16xi32>
      %select_n3A = arith.select %gt3A, %broadcast_in_dim3A_48, %broadcast_in_dim3A_32 : vector<16xi1>, vector<16xi32>
      %select_n3A_49 = arith.select %gt3A, %div3A, %broadcast_in_dim3A_34 : vector<16xi1>, vector<16xf32>
      %get3A_50 = arith.constant 32 : index
      %get3A_51 = tpu.vector_load %arg7[%get3A_50] {strides = array<i32>} : memref<96xf32, #tpu.memory_space<vmem>>, vector<16xf32>,
      %get3A_52 = vector.shape_cast %get3A_51 : vector<16xf32> to vector<16xf32>
      %get3A_53 = arith.constant 48 : index
      %get3A_54 = tpu.vector_load %arg7[%get3A_53] {strides = array<i32>} : memref<96xf32, #tpu.memory_space<vmem>>, vector<16xf32>,
      %get3A_55 = vector.shape_cast %get3A_54 : vector<16xf32> to vector<16xf32>
      %min3A_56 = arith.minimumf %get3A_52, %mul3A_23 : vector<16xf32>
      %min3A_57 = arith.minimumf %get3A_55, %mul3A_29 : vector<16xf32>
      %mul3A_58 = arith.mulf %min3A_56, %min3A_57 : vector<16xf32>
      %mul3A_59 = arith.mulf %get3A_52, %get3A_55 : vector<16xf32>
      %add3A_60 = arith.constant 1.000000e-16 : f32
      %add3A_61 = vector.broadcast %add3A_60 : f32 to vector<16xf32>
      %add3A_62 = arith.addf %mul3A_59, %add3A_61 : vector<16xf32>
      %mul3A_63 = arith.mulf %mul3A_23, %mul3A_29 : vector<16xf32>
      %add3A_64 = arith.addf %add3A_62, %mul3A_63 : vector<16xf32>
      %sub3A_65 = arith.subf %add3A_64, %mul3A_58 : vector<16xf32>
      %div3A_66 = arith.divf %mul3A_58, %sub3A_65 : vector<16xf32>
      %gt3A_67 = arith.cmpf ogt, %div3A_66, %select_n3A_49 : vector<16xf32>
      %jit3A_68 = arith.constant 1 : i32
      %broadcast_in_dim3A_69 = vector.broadcast %jit3A_68 : i32 to vector<16xi32>
      %select_n3A_70 = arith.select %gt3A_67, %broadcast_in_dim3A_69, %select_n3A : vector<16xi1>, vector<16xi32>
      %select_n3A_71 = arith.select %gt3A_67, %div3A_66, %select_n3A_49 : vector<16xi1>, vector<16xf32>
      %get3A_72 = arith.constant 64 : index
      %get3A_73 = tpu.vector_load %arg7[%get3A_72] {strides = array<i32>} : memref<96xf32, #tpu.memory_space<vmem>>, vector<16xf32>,
      %get3A_74 = vector.shape_cast %get3A_73 : vector<16xf32> to vector<16xf32>
      %get3A_75 = arith.constant 80 : index
      %get3A_76 = tpu.vector_load %arg7[%get3A_75] {strides = array<i32>} : memref<96xf32, #tpu.memory_space<vmem>>, vector<16xf32>,
      %get3A_77 = vector.shape_cast %get3A_76 : vector<16xf32> to vector<16xf32>
      %min3A_78 = arith.minimumf %get3A_74, %mul3A_23 : vector<16xf32>
      %min3A_79 = arith.minimumf %get3A_77, %mul3A_29 : vector<16xf32>
      %mul3A_80 = arith.mulf %min3A_78, %min3A_79 : vector<16xf32>
      %mul3A_81 = arith.mulf %get3A_74, %get3A_77 : vector<16xf32>
      %add3A_82 = arith.constant 1.000000e-16 : f32
      %add3A_83 = vector.broadcast %add3A_82 : f32 to vector<16xf32>
      %add3A_84 = arith.addf %mul3A_81, %add3A_83 : vector<16xf32>
      %mul3A_85 = arith.mulf %mul3A_23, %mul3A_29 : vector<16xf32>
      %add3A_86 = arith.addf %add3A_84, %mul3A_85 : vector<16xf32>
      %sub3A_87 = arith.subf %add3A_86, %mul3A_80 : vector<16xf32>
      %div3A_88 = arith.divf %mul3A_80, %sub3A_87 : vector<16xf32>
      %gt3A_89 = arith.cmpf ogt, %div3A_88, %select_n3A_71 : vector<16xf32>
      %jit3A_90 = arith.constant 2 : i32
      %broadcast_in_dim3A_91 = vector.broadcast %jit3A_90 : i32 to vector<16xi32>
      %select_n3A_92 = arith.select %gt3A_89, %broadcast_in_dim3A_91, %select_n3A_70 : vector<16xi1>, vector<16xi32>
      %select_n3A_93 = arith.select %gt3A_89, %div3A_88, %select_n3A_71 : vector<16xi1>, vector<16xf32>
      %mul3A_94 = arith.constant 17328 : i32
      %mul3A_95 = vector.broadcast %mul3A_94 : i32 to vector<16xi32>
      %mul3A_96 = arith.muli %convert_element_type3A_6, %mul3A_95 : vector<16xi32>
      %mul3A_97 = arith.constant 76 : i32
      %mul3A_98 = vector.broadcast %mul3A_97 : i32 to vector<16xi32>
      %mul3A_99 = arith.muli %convert_element_type3A_31, %mul3A_98 : vector<16xi32>
      %add3A_100 = arith.addi %mul3A_96, %mul3A_99 : vector<16xi32>
      %add3A_101 = arith.addi %add3A_100, %convert_element_type3A_30 : vector<16xi32>
      %mul3A_102 = arith.constant 5776 : i32
      %mul3A_103 = vector.broadcast %mul3A_102 : i32 to vector<16xi32>
      %mul3A_104 = arith.muli %select_n3A_92, %mul3A_103 : vector<16xi32>
      %add3A_105 = arith.addi %add3A_101, %mul3A_104 : vector<16xi32>
      %shift_right_logical3A = arith.constant 7 : i32
      %shift_right_logical3A_106 = vector.broadcast %shift_right_logical3A : i32 to vector<16xi32>
      %shift_right_logical3A_107 = arith.shrui %add3A_105, %shift_right_logical3A_106 : vector<16xi32>
      %swap3A = arith.constant 0 : i32
      %swap3A_108 = arith.index_cast %swap3A : i32 to index
      %swap3A_109 = arith.constant 0 : index
      %swap3A_110 = tpu.vector_load %arg8[%swap3A_108, %swap3A_109] {strides = array<i32>} : memref<2x128xi32, #tpu.memory_space<vmem>>, vector<1x16xi32>,
      %swap3A_111 = vector.shape_cast %swap3A_110 : vector<1x16xi32> to vector<16xi32>
      %swap3A_112 = vector.shape_cast %shift_right_logical3A_107 : vector<16xi32> to vector<1x16xi32>
      tpu.vector_store %arg8[%swap3A_108, %swap3A_109], %swap3A_112 {strides = array<i32>} : memref<2x128xi32, #tpu.memory_space<vmem>>, vector<1x16xi32>,
      %add3A_113 = arith.constant 0 : i32
      %add3A_114 = vector.broadcast %add3A_113 : i32 to vector<16xi32>
      %add3A_115 = arith.addi %add3A_101, %add3A_114 : vector<16xi32>
      %shift_right_logical3A_116 = arith.constant 7 : i32
      %shift_right_logical3A_117 = vector.broadcast %shift_right_logical3A_116 : i32 to vector<16xi32>
      %shift_right_logical3A_118 = arith.shrui %add3A_115, %shift_right_logical3A_117 : vector<16xi32>
      %swap3A_119 = arith.constant 0 : i32
      %swap3A_120 = arith.index_cast %swap3A_119 : i32 to index
      %swap3A_121 = arith.constant 64 : index
      %swap3A_122 = tpu.vector_load %arg8[%swap3A_120, %swap3A_121] {strides = array<i32>} : memref<2x128xi32, #tpu.memory_space<vmem>>, vector<1x16xi32>,
      %swap3A_123 = vector.shape_cast %swap3A_122 : vector<1x16xi32> to vector<16xi32>
      %swap3A_124 = vector.shape_cast %shift_right_logical3A_118 : vector<16xi32> to vector<1x16xi32>
      tpu.vector_store %arg8[%swap3A_120, %swap3A_121], %swap3A_124 {strides = array<i32>} : memref<2x128xi32, #tpu.memory_space<vmem>>, vector<1x16xi32>,
      %add3A_125 = arith.constant 5776 : i32
      %add3A_126 = vector.broadcast %add3A_125 : i32 to vector<16xi32>
      %add3A_127 = arith.addi %add3A_101, %add3A_126 : vector<16xi32>
      %shift_right_logical3A_128 = arith.constant 7 : i32
      %shift_right_logical3A_129 = vector.broadcast %shift_right_logical3A_128 : i32 to vector<16xi32>
      %shift_right_logical3A_130 = arith.shrui %add3A_127, %shift_right_logical3A_129 : vector<16xi32>
      %swap3A_131 = arith.constant 1 : i32
      %swap3A_132 = arith.index_cast %swap3A_131 : i32 to index
      %swap3A_133 = arith.constant 0 : index
      %swap3A_134 = tpu.vector_load %arg8[%swap3A_132, %swap3A_133] {strides = array<i32>} : memref<2x128xi32, #tpu.memory_space<vmem>>, vector<1x16xi32>,
      %swap3A_135 = vector.shape_cast %swap3A_134 : vector<1x16xi32> to vector<16xi32>
      %swap3A_136 = vector.shape_cast %shift_right_logical3A_130 : vector<16xi32> to vector<1x16xi32>
      tpu.vector_store %arg8[%swap3A_132, %swap3A_133], %swap3A_136 {strides = array<i32>} : memref<2x128xi32, #tpu.memory_space<vmem>>, vector<1x16xi32>,
      %add3A_137 = arith.constant 11552 : i32
      %add3A_138 = vector.broadcast %add3A_137 : i32 to vector<16xi32>
      %add3A_139 = arith.addi %add3A_101, %add3A_138 : vector<16xi32>
      %shift_right_logical3A_140 = arith.constant 7 : i32
      %shift_right_logical3A_141 = vector.broadcast %shift_right_logical3A_140 : i32 to vector<16xi32>
      %shift_right_logical3A_142 = arith.shrui %add3A_139, %shift_right_logical3A_141 : vector<16xi32>
      %swap3A_143 = arith.constant 1 : i32
      %swap3A_144 = arith.index_cast %swap3A_143 : i32 to index
      %swap3A_145 = arith.constant 64 : index
      %swap3A_146 = tpu.vector_load %arg8[%swap3A_144, %swap3A_145] {strides = array<i32>} : memref<2x128xi32, #tpu.memory_space<vmem>>, vector<1x16xi32>,
      %swap3A_147 = vector.shape_cast %swap3A_146 : vector<1x16xi32> to vector<16xi32>
      %swap3A_148 = vector.shape_cast %shift_right_logical3A_142 : vector<16xi32> to vector<1x16xi32>
      tpu.vector_store %arg8[%swap3A_144, %swap3A_145], %swap3A_148 {strides = array<i32>} : memref<2x128xi32, #tpu.memory_space<vmem>>, vector<1x16xi32>,
      %get3A_149 = arith.constant 16 : index
      %get3A_150 = tpu.vector_load %arg6[%get3A_149] {strides = array<i32>} : memref<384xf32, #tpu.memory_space<vmem>>, vector<16xf32>,
      %get3A_151 = vector.shape_cast %get3A_150 : vector<16xf32> to vector<16xf32>
      %convert_element_type3A_152 = arith.fptosi %get3A_151 : vector<16xf32> to vector<16xi32>
      %get3A_153 = arith.constant 144 : index
      %get3A_154 = tpu.vector_load %arg6[%get3A_153] {strides = array<i32>} : memref<384xf32, #tpu.memory_space<vmem>>, vector<16xf32>,
      %get3A_155 = vector.shape_cast %get3A_154 : vector<16xf32> to vector<16xf32>
      %mul3A_156 = arith.constant 7.600000e+01 : f32
      %mul3A_157 = vector.broadcast %mul3A_156 : f32 to vector<16xf32>
      %mul3A_158 = arith.mulf %get3A_155, %mul3A_157 : vector<16xf32>
      %get3A_159 = arith.constant 208 : index
      %get3A_160 = tpu.vector_load %arg6[%get3A_159] {strides = array<i32>} : memref<384xf32, #tpu.memory_space<vmem>>, vector<16xf32>,
      %get3A_161 = vector.shape_cast %get3A_160 : vector<16xf32> to vector<16xf32>
      %mul3A_162 = arith.constant 7.600000e+01 : f32
      %mul3A_163 = vector.broadcast %mul3A_162 : f32 to vector<16xf32>
      %mul3A_164 = arith.mulf %get3A_161, %mul3A_163 : vector<16xf32>
      %get3A_165 = arith.constant 272 : index
      %get3A_166 = tpu.vector_load %arg6[%get3A_165] {strides = array<i32>} : memref<384xf32, #tpu.memory_space<vmem>>, vector<16xf32>,
      %get3A_167 = vector.shape_cast %get3A_166 : vector<16xf32> to vector<16xf32>
      %mul3A_168 = arith.constant 7.600000e+01 : f32
      %mul3A_169 = vector.broadcast %mul3A_168 : f32 to vector<16xf32>
      %mul3A_170 = arith.mulf %get3A_167, %mul3A_169 : vector<16xf32>
      %get3A_171 = arith.constant 336 : index
      %get3A_172 = tpu.vector_load %arg6[%get3A_171] {strides = array<i32>} : memref<384xf32, #tpu.memory_space<vmem>>, vector<16xf32>,
      %get3A_173 = vector.shape_cast %get3A_172 : vector<16xf32> to vector<16xf32>
      %mul3A_174 = arith.constant 7.600000e+01 : f32
      %mul3A_175 = vector.broadcast %mul3A_174 : f32 to vector<16xf32>
      %mul3A_176 = arith.mulf %get3A_173, %mul3A_175 : vector<16xf32>
      %convert_element_type3A_177 = arith.fptosi %mul3A_158 : vector<16xf32> to vector<16xi32>
      %convert_element_type3A_178 = arith.fptosi %mul3A_164 : vector<16xf32> to vector<16xi32>
      %broadcast_in_dim3A_179 = arith.constant 0 : i32
      %broadcast_in_dim3A_180 = vector.broadcast %broadcast_in_dim3A_179 : i32 to vector<16xi32>
      %broadcast_in_dim3A_181 = arith.constant -1.000000e+00 : f32
      %broadcast_in_dim3A_182 = vector.broadcast %broadcast_in_dim3A_181 : f32 to vector<16xf32>
      %get3A_183 = arith.constant 0 : index
      %get3A_184 = tpu.vector_load %arg7[%get3A_183] {strides = array<i32>} : memref<96xf32, #tpu.memory_space<vmem>>, vector<16xf32>,
      %get3A_185 = vector.shape_cast %get3A_184 : vector<16xf32> to vector<16xf32>
      %get3A_186 = arith.constant 16 : index
      %get3A_187 = tpu.vector_load %arg7[%get3A_186] {strides = array<i32>} : memref<96xf32, #tpu.memory_space<vmem>>, vector<16xf32>,
      %get3A_188 = vector.shape_cast %get3A_187 : vector<16xf32> to vector<16xf32>
      %min3A_189 = arith.minimumf %get3A_185, %mul3A_170 : vector<16xf32>
      %min3A_190 = arith.minimumf %get3A_188, %mul3A_176 : vector<16xf32>
      %mul3A_191 = arith.mulf %min3A_189, %min3A_190 : vector<16xf32>
      %mul3A_192 = arith.mulf %get3A_185, %get3A_188 : vector<16xf32>
      %add3A_193 = arith.constant 1.000000e-16 : f32
      %add3A_194 = vector.broadcast %add3A_193 : f32 to vector<16xf32>
      %add3A_195 = arith.addf %mul3A_192, %add3A_194 : vector<16xf32>
      %mul3A_196 = arith.mulf %mul3A_170, %mul3A_176 : vector<16xf32>
      %add3A_197 = arith.addf %add3A_195, %mul3A_196 : vector<16xf32>
      %sub3A_198 = arith.subf %add3A_197, %mul3A_191 : vector<16xf32>
      %div3A_199 = arith.divf %mul3A_191, %sub3A_198 : vector<16xf32>
      %gt3A_200 = arith.cmpf ogt, %div3A_199, %broadcast_in_dim3A_182 : vector<16xf32>
      %jit3A_201 = arith.constant 0 : i32
      %broadcast_in_dim3A_202 = vector.broadcast %jit3A_201 : i32 to vector<16xi32>
      %select_n3A_203 = arith.select %gt3A_200, %broadcast_in_dim3A_202, %broadcast_in_dim3A_180 : vector<16xi1>, vector<16xi32>
      %select_n3A_204 = arith.select %gt3A_200, %div3A_199, %broadcast_in_dim3A_182 : vector<16xi1>, vector<16xf32>
      %get3A_205 = arith.constant 32 : index
      %get3A_206 = tpu.vector_load %arg7[%get3A_205] {strides = array<i32>} : memref<96xf32, #tpu.memory_space<vmem>>, vector<16xf32>,
      %get3A_207 = vector.shape_cast %get3A_206 : vector<16xf32> to vector<16xf32>
      %get3A_208 = arith.constant 48 : index
      %get3A_209 = tpu.vector_load %arg7[%get3A_208] {strides = array<i32>} : memref<96xf32, #tpu.memory_space<vmem>>, vector<16xf32>,
      %get3A_210 = vector.shape_cast %get3A_209 : vector<16xf32> to vector<16xf32>
      %min3A_211 = arith.minimumf %get3A_207, %mul3A_170 : vector<16xf32>
      %min3A_212 = arith.minimumf %get3A_210, %mul3A_176 : vector<16xf32>
      %mul3A_213 = arith.mulf %min3A_211, %min3A_212 : vector<16xf32>
      %mul3A_214 = arith.mulf %get3A_207, %get3A_210 : vector<16xf32>
      %add3A_215 = arith.constant 1.000000e-16 : f32
      %add3A_216 = vector.broadcast %add3A_215 : f32 to vector<16xf32>
      %add3A_217 = arith.addf %mul3A_214, %add3A_216 : vector<16xf32>
      %mul3A_218 = arith.mulf %mul3A_170, %mul3A_176 : vector<16xf32>
      %add3A_219 = arith.addf %add3A_217, %mul3A_218 : vector<16xf32>
      %sub3A_220 = arith.subf %add3A_219, %mul3A_213 : vector<16xf32>
      %div3A_221 = arith.divf %mul3A_213, %sub3A_220 : vector<16xf32>
      %gt3A_222 = arith.cmpf ogt, %div3A_221, %select_n3A_204 : vector<16xf32>
      %jit3A_223 = arith.constant 1 : i32
      %broadcast_in_dim3A_224 = vector.broadcast %jit3A_223 : i32 to vector<16xi32>
      %select_n3A_225 = arith.select %gt3A_222, %broadcast_in_dim3A_224, %select_n3A_203 : vector<16xi1>, vector<16xi32>
      %select_n3A_226 = arith.select %gt3A_222, %div3A_221, %select_n3A_204 : vector<16xi1>, vector<16xf32>
      %get3A_227 = arith.constant 64 : index
      %get3A_228 = tpu.vector_load %arg7[%get3A_227] {strides = array<i32>} : memref<96xf32, #tpu.memory_space<vmem>>, vector<16xf32>,
      %get3A_229 = vector.shape_cast %get3A_228 : vector<16xf32> to vector<16xf32>
      %get3A_230 = arith.constant 80 : index
      %get3A_231 = tpu.vector_load %arg7[%get3A_230] {strides = array<i32>} : memref<96xf32, #tpu.memory_space<vmem>>, vector<16xf32>,
      %get3A_232 = vector.shape_cast %get3A_231 : vector<16xf32> to vector<16xf32>
      %min3A_233 = arith.minimumf %get3A_229, %mul3A_170 : vector<16xf32>
      %min3A_234 = arith.minimumf %get3A_232, %mul3A_176 : vector<16xf32>
      %mul3A_235 = arith.mulf %min3A_233, %min3A_234 : vector<16xf32>
      %mul3A_236 = arith.mulf %get3A_229, %get3A_232 : vector<16xf32>
      %add3A_237 = arith.constant 1.000000e-16 : f32
      %add3A_238 = vector.broadcast %add3A_237 : f32 to vector<16xf32>
      %add3A_239 = arith.addf %mul3A_236, %add3A_238 : vector<16xf32>
      %mul3A_240 = arith.mulf %mul3A_170, %mul3A_176 : vector<16xf32>
      %add3A_241 = arith.addf %add3A_239, %mul3A_240 : vector<16xf32>
      %sub3A_242 = arith.subf %add3A_241, %mul3A_235 : vector<16xf32>
      %div3A_243 = arith.divf %mul3A_235, %sub3A_242 : vector<16xf32>
      %gt3A_244 = arith.cmpf ogt, %div3A_243, %select_n3A_226 : vector<16xf32>
      %jit3A_245 = arith.constant 2 : i32
      %broadcast_in_dim3A_246 = vector.broadcast %jit3A_245 : i32 to vector<16xi32>
      %select_n3A_247 = arith.select %gt3A_244, %broadcast_in_dim3A_246, %select_n3A_225 : vector<16xi1>, vector<16xi32>
      %select_n3A_248 = arith.select %gt3A_244, %div3A_243, %select_n3A_226 : vector<16xi1>, vector<16xf32>
      %mul3A_249 = arith.constant 17328 : i32
      %mul3A_250 = vector.broadcast %mul3A_249 : i32 to vector<16xi32>
      %mul3A_251 = arith.muli %convert_element_type3A_152, %mul3A_250 : vector<16xi32>
      %mul3A_252 = arith.constant 76 : i32
      %mul3A_253 = vector.broadcast %mul3A_252 : i32 to vector<16xi32>
      %mul3A_254 = arith.muli %convert_element_type3A_178, %mul3A_253 : vector<16xi32>
      %add3A_255 = arith.addi %mul3A_251, %mul3A_254 : vector<16xi32>
      %add3A_256 = arith.addi %add3A_255, %convert_element_type3A_177 : vector<16xi32>
      %mul3A_257 = arith.constant 5776 : i32
      %mul3A_258 = vector.broadcast %mul3A_257 : i32 to vector<16xi32>
      %mul3A_259 = arith.muli %select_n3A_247, %mul3A_258 : vector<16xi32>
      %add3A_260 = arith.addi %add3A_256, %mul3A_259 : vector<16xi32>
      %shift_right_logical3A_261 = arith.constant 7 : i32
      %shift_right_logical3A_262 = vector.broadcast %shift_right_logical3A_261 : i32 to vector<16xi32>
      %shift_right_logical3A_263 = arith.shrui %add3A_260, %shift_right_logical3A_262 : vector<16xi32>
      %swap3A_264 = arith.constant 0 : i32
      %swap3A_265 = arith.index_cast %swap3A_264 : i32 to index
      %swap3A_266 = arith.constant 16 : index
      %swap3A_267 = tpu.vector_load %arg8[%swap3A_265, %swap3A_266] {strides = array<i32>} : memref<2x128xi32, #tpu.memory_space<vmem>>, vector<1x16xi32>,
      %swap3A_268 = vector.shape_cast %swap3A_267 : vector<1x16xi32> to vector<16xi32>
      %swap3A_269 = vector.shape_cast %shift_right_logical3A_263 : vector<16xi32> to vector<1x16xi32>
      tpu.vector_store %arg8[%swap3A_265, %swap3A_266], %swap3A_269 {strides = array<i32>} : memref<2x128xi32, #tpu.memory_space<vmem>>, vector<1x16xi32>,
      %add3A_270 = arith.constant 0 : i32
      %add3A_271 = vector.broadcast %add3A_270 : i32 to vector<16xi32>
      %add3A_272 = arith.addi %add3A_256, %add3A_271 : vector<16xi32>
      %shift_right_logical3A_273 = arith.constant 7 : i32
      %shift_right_logical3A_274 = vector.broadcast %shift_right_logical3A_273 : i32 to vector<16xi32>
      %shift_right_logical3A_275 = arith.shrui %add3A_272, %shift_right_logical3A_274 : vector<16xi32>
      %swap3A_276 = arith.constant 0 : i32
      %swap3A_277 = arith.index_cast %swap3A_276 : i32 to index
      %swap3A_278 = arith.constant 80 : index
      %swap3A_279 = tpu.vector_load %arg8[%swap3A_277, %swap3A_278] {strides = array<i32>} : memref<2x128xi32, #tpu.memory_space<vmem>>, vector<1x16xi32>,
      %swap3A_280 = vector.shape_cast %swap3A_279 : vector<1x16xi32> to vector<16xi32>
      %swap3A_281 = vector.shape_cast %shift_right_logical3A_275 : vector<16xi32> to vector<1x16xi32>
      tpu.vector_store %arg8[%swap3A_277, %swap3A_278], %swap3A_281 {strides = array<i32>} : memref<2x128xi32, #tpu.memory_space<vmem>>, vector<1x16xi32>,
      %add3A_282 = arith.constant 5776 : i32
      %add3A_283 = vector.broadcast %add3A_282 : i32 to vector<16xi32>
      %add3A_284 = arith.addi %add3A_256, %add3A_283 : vector<16xi32>
      %shift_right_logical3A_285 = arith.constant 7 : i32
      %shift_right_logical3A_286 = vector.broadcast %shift_right_logical3A_285 : i32 to vector<16xi32>
      %shift_right_logical3A_287 = arith.shrui %add3A_284, %shift_right_logical3A_286 : vector<16xi32>
      %swap3A_288 = arith.constant 1 : i32
      %swap3A_289 = arith.index_cast %swap3A_288 : i32 to index
      %swap3A_290 = arith.constant 16 : index
      %swap3A_291 = tpu.vector_load %arg8[%swap3A_289, %swap3A_290] {strides = array<i32>} : memref<2x128xi32, #tpu.memory_space<vmem>>, vector<1x16xi32>,
      %swap3A_292 = vector.shape_cast %swap3A_291 : vector<1x16xi32> to vector<16xi32>
      %swap3A_293 = vector.shape_cast %shift_right_logical3A_287 : vector<16xi32> to vector<1x16xi32>
      tpu.vector_store %arg8[%swap3A_289, %swap3A_290], %swap3A_293 {strides = array<i32>} : memref<2x128xi32, #tpu.memory_space<vmem>>, vector<1x16xi32>,
      %add3A_294 = arith.constant 11552 : i32
      %add3A_295 = vector.broadcast %add3A_294 : i32 to vector<16xi32>
      %add3A_296 = arith.addi %add3A_256, %add3A_295 : vector<16xi32>
      %shift_right_logical3A_297 = arith.constant 7 : i32
      %shift_right_logical3A_298 = vector.broadcast %shift_right_logical3A_297 : i32 to vector<16xi32>
      %shift_right_logical3A_299 = arith.shrui %add3A_296, %shift_right_logical3A_298 : vector<16xi32>
      %swap3A_300 = arith.constant 1 : i32
      %swap3A_301 = arith.index_cast %swap3A_300 : i32 to index
      %swap3A_302 = arith.constant 80 : index
      %swap3A_303 = tpu.vector_load %arg8[%swap3A_301, %swap3A_302] {strides = array<i32>} : memref<2x128xi32, #tpu.memory_space<vmem>>, vector<1x16xi32>,
      %swap3A_304 = vector.shape_cast %swap3A_303 : vector<1x16xi32> to vector<16xi32>
      %swap3A_305 = vector.shape_cast %shift_right_logical3A_299 : vector<16xi32> to vector<1x16xi32>
      tpu.vector_store %arg8[%swap3A_301, %swap3A_302], %swap3A_305 {strides = array<i32>} : memref<2x128xi32, #tpu.memory_space<vmem>>, vector<1x16xi32>,
      %get3A_306 = arith.constant 32 : index
      %get3A_307 = tpu.vector_load %arg6[%get3A_306] {strides = array<i32>} : memref<384xf32, #tpu.memory_space<vmem>>, vector<16xf32>,
      %get3A_308 = vector.shape_cast %get3A_307 : vector<16xf32> to vector<16xf32>
      %convert_element_type3A_309 = arith.fptosi %get3A_308 : vector<16xf32> to vector<16xi32>
      %get3A_310 = arith.constant 160 : index
      %get3A_311 = tpu.vector_load %arg6[%get3A_310] {strides = array<i32>} : memref<384xf32, #tpu.memory_space<vmem>>, vector<16xf32>,
      %get3A_312 = vector.shape_cast %get3A_311 : vector<16xf32> to vector<16xf32>
      %mul3A_313 = arith.constant 7.600000e+01 : f32
      %mul3A_314 = vector.broadcast %mul3A_313 : f32 to vector<16xf32>
      %mul3A_315 = arith.mulf %get3A_312, %mul3A_314 : vector<16xf32>
      %get3A_316 = arith.constant 224 : index
      %get3A_317 = tpu.vector_load %arg6[%get3A_316] {strides = array<i32>} : memref<384xf32, #tpu.memory_space<vmem>>, vector<16xf32>,
      %get3A_318 = vector.shape_cast %get3A_317 : vector<16xf32> to vector<16xf32>
      %mul3A_319 = arith.constant 7.600000e+01 : f32
      %mul3A_320 = vector.broadcast %mul3A_319 : f32 to vector<16xf32>
      %mul3A_321 = arith.mulf %get3A_318, %mul3A_320 : vector<16xf32>
      %get3A_322 = arith.constant 288 : index
      %get3A_323 = tpu.vector_load %arg6[%get3A_322] {strides = array<i32>} : memref<384xf32, #tpu.memory_space<vmem>>, vector<16xf32>,
      %get3A_324 = vector.shape_cast %get3A_323 : vector<16xf32> to vector<16xf32>
      %mul3A_325 = arith.constant 7.600000e+01 : f32
      %mul3A_326 = vector.broadcast %mul3A_325 : f32 to vector<16xf32>
      %mul3A_327 = arith.mulf %get3A_324, %mul3A_326 : vector<16xf32>
      %get3A_328 = arith.constant 352 : index
      %get3A_329 = tpu.vector_load %arg6[%get3A_328] {strides = array<i32>} : memref<384xf32, #tpu.memory_space<vmem>>, vector<16xf32>,
      %get3A_330 = vector.shape_cast %get3A_329 : vector<16xf32> to vector<16xf32>
      %mul3A_331 = arith.constant 7.600000e+01 : f32
      %mul3A_332 = vector.broadcast %mul3A_331 : f32 to vector<16xf32>
      %mul3A_333 = arith.mulf %get3A_330, %mul3A_332 : vector<16xf32>
      %convert_element_type3A_334 = arith.fptosi %mul3A_315 : vector<16xf32> to vector<16xi32>
      %convert_element_type3A_335 = arith.fptosi %mul3A_321 : vector<16xf32> to vector<16xi32>
      %broadcast_in_dim3A_336 = arith.constant 0 : i32
      %broadcast_in_dim3A_337 = vector.broadcast %broadcast_in_dim3A_336 : i32 to vector<16xi32>
      %broadcast_in_dim3A_338 = arith.constant -1.000000e+00 : f32
      %broadcast_in_dim3A_339 = vector.broadcast %broadcast_in_dim3A_338 : f32 to vector<16xf32>
      %get3A_340 = arith.constant 0 : index
      %get3A_341 = tpu.vector_load %arg7[%get3A_340] {strides = array<i32>} : memref<96xf32, #tpu.memory_space<vmem>>, vector<16xf32>,
      %get3A_342 = vector.shape_cast %get3A_341 : vector<16xf32> to vector<16xf32>
      %get3A_343 = arith.constant 16 : index
      %get3A_344 = tpu.vector_load %arg7[%get3A_343] {strides = array<i32>} : memref<96xf32, #tpu.memory_space<vmem>>, vector<16xf32>,
      %get3A_345 = vector.shape_cast %get3A_344 : vector<16xf32> to vector<16xf32>
      %min3A_346 = arith.minimumf %get3A_342, %mul3A_327 : vector<16xf32>
      %min3A_347 = arith.minimumf %get3A_345, %mul3A_333 : vector<16xf32>
      %mul3A_348 = arith.mulf %min3A_346, %min3A_347 : vector<16xf32>
      %mul3A_349 = arith.mulf %get3A_342, %get3A_345 : vector<16xf32>
      %add3A_350 = arith.constant 1.000000e-16 : f32
      %add3A_351 = vector.broadcast %add3A_350 : f32 to vector<16xf32>
      %add3A_352 = arith.addf %mul3A_349, %add3A_351 : vector<16xf32>
      %mul3A_353 = arith.mulf %mul3A_327, %mul3A_333 : vector<16xf32>
      %add3A_354 = arith.addf %add3A_352, %mul3A_353 : vector<16xf32>
      %sub3A_355 = arith.subf %add3A_354, %mul3A_348 : vector<16xf32>
      %div3A_356 = arith.divf %mul3A_348, %sub3A_355 : vector<16xf32>
      %gt3A_357 = arith.cmpf ogt, %div3A_356, %broadcast_in_dim3A_339 : vector<16xf32>
      %jit3A_358 = arith.constant 0 : i32
      %broadcast_in_dim3A_359 = vector.broadcast %jit3A_358 : i32 to vector<16xi32>
      %select_n3A_360 = arith.select %gt3A_357, %broadcast_in_dim3A_359, %broadcast_in_dim3A_337 : vector<16xi1>, vector<16xi32>
      %select_n3A_361 = arith.select %gt3A_357, %div3A_356, %broadcast_in_dim3A_339 : vector<16xi1>, vector<16xf32>
      %get3A_362 = arith.constant 32 : index
      %get3A_363 = tpu.vector_load %arg7[%get3A_362] {strides = array<i32>} : memref<96xf32, #tpu.memory_space<vmem>>, vector<16xf32>,
      %get3A_364 = vector.shape_cast %get3A_363 : vector<16xf32> to vector<16xf32>
      %get3A_365 = arith.constant 48 : index
      %get3A_366 = tpu.vector_load %arg7[%get3A_365] {strides = array<i32>} : memref<96xf32, #tpu.memory_space<vmem>>, vector<16xf32>,
      %get3A_367 = vector.shape_cast %get3A_366 : vector<16xf32> to vector<16xf32>
      %min3A_368 = arith.minimumf %get3A_364, %mul3A_327 : vector<16xf32>
      %min3A_369 = arith.minimumf %get3A_367, %mul3A_333 : vector<16xf32>
      %mul3A_370 = arith.mulf %min3A_368, %min3A_369 : vector<16xf32>
      %mul3A_371 = arith.mulf %get3A_364, %get3A_367 : vector<16xf32>
      %add3A_372 = arith.constant 1.000000e-16 : f32
      %add3A_373 = vector.broadcast %add3A_372 : f32 to vector<16xf32>
      %add3A_374 = arith.addf %mul3A_371, %add3A_373 : vector<16xf32>
      %mul3A_375 = arith.mulf %mul3A_327, %mul3A_333 : vector<16xf32>
      %add3A_376 = arith.addf %add3A_374, %mul3A_375 : vector<16xf32>
      %sub3A_377 = arith.subf %add3A_376, %mul3A_370 : vector<16xf32>
      %div3A_378 = arith.divf %mul3A_370, %sub3A_377 : vector<16xf32>
      %gt3A_379 = arith.cmpf ogt, %div3A_378, %select_n3A_361 : vector<16xf32>
      %jit3A_380 = arith.constant 1 : i32
      %broadcast_in_dim3A_381 = vector.broadcast %jit3A_380 : i32 to vector<16xi32>
      %select_n3A_382 = arith.select %gt3A_379, %broadcast_in_dim3A_381, %select_n3A_360 : vector<16xi1>, vector<16xi32>
      %select_n3A_383 = arith.select %gt3A_379, %div3A_378, %select_n3A_361 : vector<16xi1>, vector<16xf32>
      %get3A_384 = arith.constant 64 : index
      %get3A_385 = tpu.vector_load %arg7[%get3A_384] {strides = array<i32>} : memref<96xf32, #tpu.memory_space<vmem>>, vector<16xf32>,
      %get3A_386 = vector.shape_cast %get3A_385 : vector<16xf32> to vector<16xf32>
      %get3A_387 = arith.constant 80 : index
      %get3A_388 = tpu.vector_load %arg7[%get3A_387] {strides = array<i32>} : memref<96xf32, #tpu.memory_space<vmem>>, vector<16xf32>,
      %get3A_389 = vector.shape_cast %get3A_388 : vector<16xf32> to vector<16xf32>
      %min3A_390 = arith.minimumf %get3A_386, %mul3A_327 : vector<16xf32>
      %min3A_391 = arith.minimumf %get3A_389, %mul3A_333 : vector<16xf32>
      %mul3A_392 = arith.mulf %min3A_390, %min3A_391 : vector<16xf32>
      %mul3A_393 = arith.mulf %get3A_386, %get3A_389 : vector<16xf32>
      %add3A_394 = arith.constant 1.000000e-16 : f32
      %add3A_395 = vector.broadcast %add3A_394 : f32 to vector<16xf32>
      %add3A_396 = arith.addf %mul3A_393, %add3A_395 : vector<16xf32>
      %mul3A_397 = arith.mulf %mul3A_327, %mul3A_333 : vector<16xf32>
      %add3A_398 = arith.addf %add3A_396, %mul3A_397 : vector<16xf32>
      %sub3A_399 = arith.subf %add3A_398, %mul3A_392 : vector<16xf32>
      %div3A_400 = arith.divf %mul3A_392, %sub3A_399 : vector<16xf32>
      %gt3A_401 = arith.cmpf ogt, %div3A_400, %select_n3A_383 : vector<16xf32>
      %jit3A_402 = arith.constant 2 : i32
      %broadcast_in_dim3A_403 = vector.broadcast %jit3A_402 : i32 to vector<16xi32>
      %select_n3A_404 = arith.select %gt3A_401, %broadcast_in_dim3A_403, %select_n3A_382 : vector<16xi1>, vector<16xi32>
      %select_n3A_405 = arith.select %gt3A_401, %div3A_400, %select_n3A_383 : vector<16xi1>, vector<16xf32>
      %mul3A_406 = arith.constant 17328 : i32
      %mul3A_407 = vector.broadcast %mul3A_406 : i32 to vector<16xi32>
      %mul3A_408 = arith.muli %convert_element_type3A_309, %mul3A_407 : vector<16xi32>
      %mul3A_409 = arith.constant 76 : i32
      %mul3A_410 = vector.broadcast %mul3A_409 : i32 to vector<16xi32>
      %mul3A_411 = arith.muli %convert_element_type3A_335, %mul3A_410 : vector<16xi32>
      %add3A_412 = arith.addi %mul3A_408, %mul3A_411 : vector<16xi32>
      %add3A_413 = arith.addi %add3A_412, %convert_element_type3A_334 : vector<16xi32>
      %mul3A_414 = arith.constant 5776 : i32
      %mul3A_415 = vector.broadcast %mul3A_414 : i32 to vector<16xi32>
      %mul3A_416 = arith.muli %select_n3A_404, %mul3A_415 : vector<16xi32>
      %add3A_417 = arith.addi %add3A_413, %mul3A_416 : vector<16xi32>
      %shift_right_logical3A_418 = arith.constant 7 : i32
      %shift_right_logical3A_419 = vector.broadcast %shift_right_logical3A_418 : i32 to vector<16xi32>
      %shift_right_logical3A_420 = arith.shrui %add3A_417, %shift_right_logical3A_419 : vector<16xi32>
      %swap3A_421 = arith.constant 0 : i32
      %swap3A_422 = arith.index_cast %swap3A_421 : i32 to index
      %swap3A_423 = arith.constant 32 : index
      %swap3A_424 = tpu.vector_load %arg8[%swap3A_422, %swap3A_423] {strides = array<i32>} : memref<2x128xi32, #tpu.memory_space<vmem>>, vector<1x16xi32>,
      %swap3A_425 = vector.shape_cast %swap3A_424 : vector<1x16xi32> to vector<16xi32>
      %swap3A_426 = vector.shape_cast %shift_right_logical3A_420 : vector<16xi32> to vector<1x16xi32>
      tpu.vector_store %arg8[%swap3A_422, %swap3A_423], %swap3A_426 {strides = array<i32>} : memref<2x128xi32, #tpu.memory_space<vmem>>, vector<1x16xi32>,
      %add3A_427 = arith.constant 0 : i32
      %add3A_428 = vector.broadcast %add3A_427 : i32 to vector<16xi32>
      %add3A_429 = arith.addi %add3A_413, %add3A_428 : vector<16xi32>
      %shift_right_logical3A_430 = arith.constant 7 : i32
      %shift_right_logical3A_431 = vector.broadcast %shift_right_logical3A_430 : i32 to vector<16xi32>
      %shift_right_logical3A_432 = arith.shrui %add3A_429, %shift_right_logical3A_431 : vector<16xi32>
      %swap3A_433 = arith.constant 0 : i32
      %swap3A_434 = arith.index_cast %swap3A_433 : i32 to index
      %swap3A_435 = arith.constant 96 : index
      %swap3A_436 = tpu.vector_load %arg8[%swap3A_434, %swap3A_435] {strides = array<i32>} : memref<2x128xi32, #tpu.memory_space<vmem>>, vector<1x16xi32>,
      %swap3A_437 = vector.shape_cast %swap3A_436 : vector<1x16xi32> to vector<16xi32>
      %swap3A_438 = vector.shape_cast %shift_right_logical3A_432 : vector<16xi32> to vector<1x16xi32>
      tpu.vector_store %arg8[%swap3A_434, %swap3A_435], %swap3A_438 {strides = array<i32>} : memref<2x128xi32, #tpu.memory_space<vmem>>, vector<1x16xi32>,
      %add3A_439 = arith.constant 5776 : i32
      %add3A_440 = vector.broadcast %add3A_439 : i32 to vector<16xi32>
      %add3A_441 = arith.addi %add3A_413, %add3A_440 : vector<16xi32>
      %shift_right_logical3A_442 = arith.constant 7 : i32
      %shift_right_logical3A_443 = vector.broadcast %shift_right_logical3A_442 : i32 to vector<16xi32>
      %shift_right_logical3A_444 = arith.shrui %add3A_441, %shift_right_logical3A_443 : vector<16xi32>
      %swap3A_445 = arith.constant 1 : i32
      %swap3A_446 = arith.index_cast %swap3A_445 : i32 to index
      %swap3A_447 = arith.constant 32 : index
      %swap3A_448 = tpu.vector_load %arg8[%swap3A_446, %swap3A_447] {strides = array<i32>} : memref<2x128xi32, #tpu.memory_space<vmem>>, vector<1x16xi32>,
      %swap3A_449 = vector.shape_cast %swap3A_448 : vector<1x16xi32> to vector<16xi32>
      %swap3A_450 = vector.shape_cast %shift_right_logical3A_444 : vector<16xi32> to vector<1x16xi32>
      tpu.vector_store %arg8[%swap3A_446, %swap3A_447], %swap3A_450 {strides = array<i32>} : memref<2x128xi32, #tpu.memory_space<vmem>>, vector<1x16xi32>,
      %add3A_451 = arith.constant 11552 : i32
      %add3A_452 = vector.broadcast %add3A_451 : i32 to vector<16xi32>
      %add3A_453 = arith.addi %add3A_413, %add3A_452 : vector<16xi32>
      %shift_right_logical3A_454 = arith.constant 7 : i32
      %shift_right_logical3A_455 = vector.broadcast %shift_right_logical3A_454 : i32 to vector<16xi32>
      %shift_right_logical3A_456 = arith.shrui %add3A_453, %shift_right_logical3A_455 : vector<16xi32>
      %swap3A_457 = arith.constant 1 : i32
      %swap3A_458 = arith.index_cast %swap3A_457 : i32 to index
      %swap3A_459 = arith.constant 96 : index
      %swap3A_460 = tpu.vector_load %arg8[%swap3A_458, %swap3A_459] {strides = array<i32>} : memref<2x128xi32, #tpu.memory_space<vmem>>, vector<1x16xi32>,
      %swap3A_461 = vector.shape_cast %swap3A_460 : vector<1x16xi32> to vector<16xi32>
      %swap3A_462 = vector.shape_cast %shift_right_logical3A_456 : vector<16xi32> to vector<1x16xi32>
      tpu.vector_store %arg8[%swap3A_458, %swap3A_459], %swap3A_462 {strides = array<i32>} : memref<2x128xi32, #tpu.memory_space<vmem>>, vector<1x16xi32>,
      %get3A_463 = arith.constant 48 : index
      %get3A_464 = tpu.vector_load %arg6[%get3A_463] {strides = array<i32>} : memref<384xf32, #tpu.memory_space<vmem>>, vector<16xf32>,
      %get3A_465 = vector.shape_cast %get3A_464 : vector<16xf32> to vector<16xf32>
      %convert_element_type3A_466 = arith.fptosi %get3A_465 : vector<16xf32> to vector<16xi32>
      %get3A_467 = arith.constant 176 : index
      %get3A_468 = tpu.vector_load %arg6[%get3A_467] {strides = array<i32>} : memref<384xf32, #tpu.memory_space<vmem>>, vector<16xf32>,
      %get3A_469 = vector.shape_cast %get3A_468 : vector<16xf32> to vector<16xf32>
      %mul3A_470 = arith.constant 7.600000e+01 : f32
      %mul3A_471 = vector.broadcast %mul3A_470 : f32 to vector<16xf32>
      %mul3A_472 = arith.mulf %get3A_469, %mul3A_471 : vector<16xf32>
      %get3A_473 = arith.constant 240 : index
      %get3A_474 = tpu.vector_load %arg6[%get3A_473] {strides = array<i32>} : memref<384xf32, #tpu.memory_space<vmem>>, vector<16xf32>,
      %get3A_475 = vector.shape_cast %get3A_474 : vector<16xf32> to vector<16xf32>
      %mul3A_476 = arith.constant 7.600000e+01 : f32
      %mul3A_477 = vector.broadcast %mul3A_476 : f32 to vector<16xf32>
      %mul3A_478 = arith.mulf %get3A_475, %mul3A_477 : vector<16xf32>
      %get3A_479 = arith.constant 304 : index
      %get3A_480 = tpu.vector_load %arg6[%get3A_479] {strides = array<i32>} : memref<384xf32, #tpu.memory_space<vmem>>, vector<16xf32>,
      %get3A_481 = vector.shape_cast %get3A_480 : vector<16xf32> to vector<16xf32>
      %mul3A_482 = arith.constant 7.600000e+01 : f32
      %mul3A_483 = vector.broadcast %mul3A_482 : f32 to vector<16xf32>
      %mul3A_484 = arith.mulf %get3A_481, %mul3A_483 : vector<16xf32>
      %get3A_485 = arith.constant 368 : index
      %get3A_486 = tpu.vector_load %arg6[%get3A_485] {strides = array<i32>} : memref<384xf32, #tpu.memory_space<vmem>>, vector<16xf32>,
      %get3A_487 = vector.shape_cast %get3A_486 : vector<16xf32> to vector<16xf32>
      %mul3A_488 = arith.constant 7.600000e+01 : f32
      %mul3A_489 = vector.broadcast %mul3A_488 : f32 to vector<16xf32>
      %mul3A_490 = arith.mulf %get3A_487, %mul3A_489 : vector<16xf32>
      %convert_element_type3A_491 = arith.fptosi %mul3A_472 : vector<16xf32> to vector<16xi32>
      %convert_element_type3A_492 = arith.fptosi %mul3A_478 : vector<16xf32> to vector<16xi32>
      %broadcast_in_dim3A_493 = arith.constant 0 : i32
      %broadcast_in_dim3A_494 = vector.broadcast %broadcast_in_dim3A_493 : i32 to vector<16xi32>
      %broadcast_in_dim3A_495 = arith.constant -1.000000e+00 : f32
      %broadcast_in_dim3A_496 = vector.broadcast %broadcast_in_dim3A_495 : f32 to vector<16xf32>
      %get3A_497 = arith.constant 0 : index
      %get3A_498 = tpu.vector_load %arg7[%get3A_497] {strides = array<i32>} : memref<96xf32, #tpu.memory_space<vmem>>, vector<16xf32>,
      %get3A_499 = vector.shape_cast %get3A_498 : vector<16xf32> to vector<16xf32>
      %get3A_500 = arith.constant 16 : index
      %get3A_501 = tpu.vector_load %arg7[%get3A_500] {strides = array<i32>} : memref<96xf32, #tpu.memory_space<vmem>>, vector<16xf32>,
      %get3A_502 = vector.shape_cast %get3A_501 : vector<16xf32> to vector<16xf32>
      %min3A_503 = arith.minimumf %get3A_499, %mul3A_484 : vector<16xf32>
      %min3A_504 = arith.minimumf %get3A_502, %mul3A_490 : vector<16xf32>
      %mul3A_505 = arith.mulf %min3A_503, %min3A_504 : vector<16xf32>
      %mul3A_506 = arith.mulf %get3A_499, %get3A_502 : vector<16xf32>
      %add3A_507 = arith.constant 1.000000e-16 : f32
      %add3A_508 = vector.broadcast %add3A_507 : f32 to vector<16xf32>
      %add3A_509 = arith.addf %mul3A_506, %add3A_508 : vector<16xf32>
      %mul3A_510 = arith.mulf %mul3A_484, %mul3A_490 : vector<16xf32>
      %add3A_511 = arith.addf %add3A_509, %mul3A_510 : vector<16xf32>
      %sub3A_512 = arith.subf %add3A_511, %mul3A_505 : vector<16xf32>
      %div3A_513 = arith.divf %mul3A_505, %sub3A_512 : vector<16xf32>
      %gt3A_514 = arith.cmpf ogt, %div3A_513, %broadcast_in_dim3A_496 : vector<16xf32>
      %jit3A_515 = arith.constant 0 : i32
      %broadcast_in_dim3A_516 = vector.broadcast %jit3A_515 : i32 to vector<16xi32>
      %select_n3A_517 = arith.select %gt3A_514, %broadcast_in_dim3A_516, %broadcast_in_dim3A_494 : vector<16xi1>, vector<16xi32>
      %select_n3A_518 = arith.select %gt3A_514, %div3A_513, %broadcast_in_dim3A_496 : vector<16xi1>, vector<16xf32>
      %get3A_519 = arith.constant 32 : index
      %get3A_520 = tpu.vector_load %arg7[%get3A_519] {strides = array<i32>} : memref<96xf32, #tpu.memory_space<vmem>>, vector<16xf32>,
      %get3A_521 = vector.shape_cast %get3A_520 : vector<16xf32> to vector<16xf32>
      %get3A_522 = arith.constant 48 : index
      %get3A_523 = tpu.vector_load %arg7[%get3A_522] {strides = array<i32>} : memref<96xf32, #tpu.memory_space<vmem>>, vector<16xf32>,
      %get3A_524 = vector.shape_cast %get3A_523 : vector<16xf32> to vector<16xf32>
      %min3A_525 = arith.minimumf %get3A_521, %mul3A_484 : vector<16xf32>
      %min3A_526 = arith.minimumf %get3A_524, %mul3A_490 : vector<16xf32>
      %mul3A_527 = arith.mulf %min3A_525, %min3A_526 : vector<16xf32>
      %mul3A_528 = arith.mulf %get3A_521, %get3A_524 : vector<16xf32>
      %add3A_529 = arith.constant 1.000000e-16 : f32
      %add3A_530 = vector.broadcast %add3A_529 : f32 to vector<16xf32>
      %add3A_531 = arith.addf %mul3A_528, %add3A_530 : vector<16xf32>
      %mul3A_532 = arith.mulf %mul3A_484, %mul3A_490 : vector<16xf32>
      %add3A_533 = arith.addf %add3A_531, %mul3A_532 : vector<16xf32>
      %sub3A_534 = arith.subf %add3A_533, %mul3A_527 : vector<16xf32>
      %div3A_535 = arith.divf %mul3A_527, %sub3A_534 : vector<16xf32>
      %gt3A_536 = arith.cmpf ogt, %div3A_535, %select_n3A_518 : vector<16xf32>
      %jit3A_537 = arith.constant 1 : i32
      %broadcast_in_dim3A_538 = vector.broadcast %jit3A_537 : i32 to vector<16xi32>
      %select_n3A_539 = arith.select %gt3A_536, %broadcast_in_dim3A_538, %select_n3A_517 : vector<16xi1>, vector<16xi32>
      %select_n3A_540 = arith.select %gt3A_536, %div3A_535, %select_n3A_518 : vector<16xi1>, vector<16xf32>
      %get3A_541 = arith.constant 64 : index
      %get3A_542 = tpu.vector_load %arg7[%get3A_541] {strides = array<i32>} : memref<96xf32, #tpu.memory_space<vmem>>, vector<16xf32>,
      %get3A_543 = vector.shape_cast %get3A_542 : vector<16xf32> to vector<16xf32>
      %get3A_544 = arith.constant 80 : index
      %get3A_545 = tpu.vector_load %arg7[%get3A_544] {strides = array<i32>} : memref<96xf32, #tpu.memory_space<vmem>>, vector<16xf32>,
      %get3A_546 = vector.shape_cast %get3A_545 : vector<16xf32> to vector<16xf32>
      %min3A_547 = arith.minimumf %get3A_543, %mul3A_484 : vector<16xf32>
      %min3A_548 = arith.minimumf %get3A_546, %mul3A_490 : vector<16xf32>
      %mul3A_549 = arith.mulf %min3A_547, %min3A_548 : vector<16xf32>
      %mul3A_550 = arith.mulf %get3A_543, %get3A_546 : vector<16xf32>
      %add3A_551 = arith.constant 1.000000e-16 : f32
      %add3A_552 = vector.broadcast %add3A_551 : f32 to vector<16xf32>
      %add3A_553 = arith.addf %mul3A_550, %add3A_552 : vector<16xf32>
      %mul3A_554 = arith.mulf %mul3A_484, %mul3A_490 : vector<16xf32>
      %add3A_555 = arith.addf %add3A_553, %mul3A_554 : vector<16xf32>
      %sub3A_556 = arith.subf %add3A_555, %mul3A_549 : vector<16xf32>
      %div3A_557 = arith.divf %mul3A_549, %sub3A_556 : vector<16xf32>
      %gt3A_558 = arith.cmpf ogt, %div3A_557, %select_n3A_540 : vector<16xf32>
      %jit3A_559 = arith.constant 2 : i32
      %broadcast_in_dim3A_560 = vector.broadcast %jit3A_559 : i32 to vector<16xi32>
      %select_n3A_561 = arith.select %gt3A_558, %broadcast_in_dim3A_560, %select_n3A_539 : vector<16xi1>, vector<16xi32>
      %select_n3A_562 = arith.select %gt3A_558, %div3A_557, %select_n3A_540 : vector<16xi1>, vector<16xf32>
      %mul3A_563 = arith.constant 17328 : i32
      %mul3A_564 = vector.broadcast %mul3A_563 : i32 to vector<16xi32>
      %mul3A_565 = arith.muli %convert_element_type3A_466, %mul3A_564 : vector<16xi32>
      %mul3A_566 = arith.constant 76 : i32
      %mul3A_567 = vector.broadcast %mul3A_566 : i32 to vector<16xi32>
      %mul3A_568 = arith.muli %convert_element_type3A_492, %mul3A_567 : vector<16xi32>
      %add3A_569 = arith.addi %mul3A_565, %mul3A_568 : vector<16xi32>
      %add3A_570 = arith.addi %add3A_569, %convert_element_type3A_491 : vector<16xi32>
      %mul3A_571 = arith.constant 5776 : i32
      %mul3A_572 = vector.broadcast %mul3A_571 : i32 to vector<16xi32>
      %mul3A_573 = arith.muli %select_n3A_561, %mul3A_572 : vector<16xi32>
      %add3A_574 = arith.addi %add3A_570, %mul3A_573 : vector<16xi32>
      %shift_right_logical3A_575 = arith.constant 7 : i32
      %shift_right_logical3A_576 = vector.broadcast %shift_right_logical3A_575 : i32 to vector<16xi32>
      %shift_right_logical3A_577 = arith.shrui %add3A_574, %shift_right_logical3A_576 : vector<16xi32>
      %swap3A_578 = arith.constant 0 : i32
      %swap3A_579 = arith.index_cast %swap3A_578 : i32 to index
      %swap3A_580 = arith.constant 48 : index
      %swap3A_581 = tpu.vector_load %arg8[%swap3A_579, %swap3A_580] {strides = array<i32>} : memref<2x128xi32, #tpu.memory_space<vmem>>, vector<1x16xi32>,
      %swap3A_582 = vector.shape_cast %swap3A_581 : vector<1x16xi32> to vector<16xi32>
      %swap3A_583 = vector.shape_cast %shift_right_logical3A_577 : vector<16xi32> to vector<1x16xi32>
      tpu.vector_store %arg8[%swap3A_579, %swap3A_580], %swap3A_583 {strides = array<i32>} : memref<2x128xi32, #tpu.memory_space<vmem>>, vector<1x16xi32>,
      %add3A_584 = arith.constant 0 : i32
      %add3A_585 = vector.broadcast %add3A_584 : i32 to vector<16xi32>
      %add3A_586 = arith.addi %add3A_570, %add3A_585 : vector<16xi32>
      %shift_right_logical3A_587 = arith.constant 7 : i32
      %shift_right_logical3A_588 = vector.broadcast %shift_right_logical3A_587 : i32 to vector<16xi32>
      %shift_right_logical3A_589 = arith.shrui %add3A_586, %shift_right_logical3A_588 : vector<16xi32>
      %swap3A_590 = arith.constant 0 : i32
      %swap3A_591 = arith.index_cast %swap3A_590 : i32 to index
      %swap3A_592 = arith.constant 112 : index
      %swap3A_593 = tpu.vector_load %arg8[%swap3A_591, %swap3A_592] {strides = array<i32>} : memref<2x128xi32, #tpu.memory_space<vmem>>, vector<1x16xi32>,
      %swap3A_594 = vector.shape_cast %swap3A_593 : vector<1x16xi32> to vector<16xi32>
      %swap3A_595 = vector.shape_cast %shift_right_logical3A_589 : vector<16xi32> to vector<1x16xi32>
      tpu.vector_store %arg8[%swap3A_591, %swap3A_592], %swap3A_595 {strides = array<i32>} : memref<2x128xi32, #tpu.memory_space<vmem>>, vector<1x16xi32>,
      %add3A_596 = arith.constant 5776 : i32
      %add3A_597 = vector.broadcast %add3A_596 : i32 to vector<16xi32>
      %add3A_598 = arith.addi %add3A_570, %add3A_597 : vector<16xi32>
      %shift_right_logical3A_599 = arith.constant 7 : i32
      %shift_right_logical3A_600 = vector.broadcast %shift_right_logical3A_599 : i32 to vector<16xi32>
      %shift_right_logical3A_601 = arith.shrui %add3A_598, %shift_right_logical3A_600 : vector<16xi32>
      %swap3A_602 = arith.constant 1 : i32
      %swap3A_603 = arith.index_cast %swap3A_602 : i32 to index
      %swap3A_604 = arith.constant 48 : index
      %swap3A_605 = tpu.vector_load %arg8[%swap3A_603, %swap3A_604] {strides = array<i32>} : memref<2x128xi32, #tpu.memory_space<vmem>>, vector<1x16xi32>,
      %swap3A_606 = vector.shape_cast %swap3A_605 : vector<1x16xi32> to vector<16xi32>
      %swap3A_607 = vector.shape_cast %shift_right_logical3A_601 : vector<16xi32> to vector<1x16xi32>
      tpu.vector_store %arg8[%swap3A_603, %swap3A_604], %swap3A_607 {strides = array<i32>} : memref<2x128xi32, #tpu.memory_space<vmem>>, vector<1x16xi32>,
      %add3A_608 = arith.constant 11552 : i32
      %add3A_609 = vector.broadcast %add3A_608 : i32 to vector<16xi32>
      %add3A_610 = arith.addi %add3A_570, %add3A_609 : vector<16xi32>
      %shift_right_logical3A_611 = arith.constant 7 : i32
      %shift_right_logical3A_612 = vector.broadcast %shift_right_logical3A_611 : i32 to vector<16xi32>
      %shift_right_logical3A_613 = arith.shrui %add3A_610, %shift_right_logical3A_612 : vector<16xi32>
      %swap3A_614 = arith.constant 1 : i32
      %swap3A_615 = arith.index_cast %swap3A_614 : i32 to index
      %swap3A_616 = arith.constant 112 : index
      %swap3A_617 = tpu.vector_load %arg8[%swap3A_615, %swap3A_616] {strides = array<i32>} : memref<2x128xi32, #tpu.memory_space<vmem>>, vector<1x16xi32>,
      %swap3A_618 = vector.shape_cast %swap3A_617 : vector<1x16xi32> to vector<16xi32>
      %swap3A_619 = vector.shape_cast %shift_right_logical3A_613 : vector<16xi32> to vector<1x16xi32>
      tpu.vector_store %arg8[%swap3A_615, %swap3A_616], %swap3A_619 {strides = array<i32>} : memref<2x128xi32, #tpu.memory_space<vmem>>, vector<1x16xi32>,
      %dma_start3A = arith.constant 0 : i32
      %dma_start3A_620 = arith.constant 0 : i32
      %dma_start3A_621 = arith.constant 0 : i32
      %dma_start3A_622 = tpu.memref_slice %arg9[%dma_start3A_620, %dma_start3A_621] : memref<256x128xf32, #tpu.memory_space<vmem>> -> memref<128x128xf32, #tpu.memory_space<vmem>>
      %dma_start3A_623 = arith.constant 0 : i32
      %dma_start3A_624 = tpu.memref_slice %arg8[%dma_start3A, %dma_start3A_623] : memref<2x128xi32, #tpu.memory_space<vmem>> -> memref<1x128xi32, #tpu.memory_space<vmem>>
      %dma_start3A_625 = tpu.memref_squeeze %dma_start3A_624 : memref<1x128xi32, #tpu.memory_space<vmem>> -> memref<128xi32, #tpu.memory_space<vmem>>
      %dma_start3A_626 = arith.constant 0 : i32
      %dma_start3A_627 = arith.constant 0 : i32
      %dma_start3A_628 = tpu.memref_slice %arg4[%dma_start3A_626, %dma_start3A_627] : memref<2166x128xf32, #tpu.memory_space<hbm>> -> memref<2166x128xf32, #tpu.memory_space<hbm>>
      tpu.enqueue_indirect_dma source(%dma_start3A_628 : memref<2166x128xf32, #tpu.memory_space<hbm>>) target(%dma_start3A_622 : memref<128x128xf32, #tpu.memory_space<vmem>>) offsets(%dma_start3A_625 : memref<128xi32, #tpu.memory_space<vmem>>) semaphore(%arg10 : memref<!tpu.dma_semaphore, #tpu.memory_space<semaphore_mem>>)
      %dma_start3A_629 = arith.constant 1 : i32
      %dma_start3A_630 = arith.constant 128 : i32
      %dma_start3A_631 = arith.constant 0 : i32
      %dma_start3A_632 = tpu.memref_slice %arg9[%dma_start3A_630, %dma_start3A_631] : memref<256x128xf32, #tpu.memory_space<vmem>> -> memref<128x128xf32, #tpu.memory_space<vmem>>
      %dma_start3A_633 = arith.constant 0 : i32
      %dma_start3A_634 = tpu.memref_slice %arg8[%dma_start3A_629, %dma_start3A_633] : memref<2x128xi32, #tpu.memory_space<vmem>> -> memref<1x128xi32, #tpu.memory_space<vmem>>
      %dma_start3A_635 = tpu.memref_squeeze %dma_start3A_634 : memref<1x128xi32, #tpu.memory_space<vmem>> -> memref<128xi32, #tpu.memory_space<vmem>>
      %dma_start3A_636 = arith.constant 0 : i32
      %dma_start3A_637 = arith.constant 0 : i32
      %dma_start3A_638 = tpu.memref_slice %arg4[%dma_start3A_636, %dma_start3A_637] : memref<2166x128xf32, #tpu.memory_space<hbm>> -> memref<2166x128xf32, #tpu.memory_space<hbm>>
      tpu.enqueue_indirect_dma source(%dma_start3A_638 : memref<2166x128xf32, #tpu.memory_space<hbm>>) target(%dma_start3A_632 : memref<128x128xf32, #tpu.memory_space<vmem>>) offsets(%dma_start3A_635 : memref<128xi32, #tpu.memory_space<vmem>>) semaphore(%arg10 : memref<!tpu.dma_semaphore, #tpu.memory_space<semaphore_mem>>)
      %dma_wait3A = arith.constant 0 : i32
      %dma_wait3A_639 = arith.constant 0 : i32
      %dma_wait3A_640 = arith.constant 0 : i32
      %dma_wait3A_641 = tpu.memref_slice %arg9[%dma_wait3A_639, %dma_wait3A_640] : memref<256x128xf32, #tpu.memory_space<vmem>> -> memref<128x128xf32, #tpu.memory_space<vmem>>
      %dma_wait3A_642 = arith.constant 0 : i32
      %dma_wait3A_643 = tpu.memref_slice %arg8[%dma_wait3A, %dma_wait3A_642] : memref<2x128xi32, #tpu.memory_space<vmem>> -> memref<1x128xi32, #tpu.memory_space<vmem>>
      %dma_wait3A_644 = tpu.memref_squeeze %dma_wait3A_643 : memref<1x128xi32, #tpu.memory_space<vmem>> -> memref<128xi32, #tpu.memory_space<vmem>>
      %dma_wait3A_645 = arith.constant 0 : i32
      %dma_wait3A_646 = arith.constant 0 : i32
      %dma_wait3A_647 = tpu.memref_slice %arg4[%dma_wait3A_645, %dma_wait3A_646] : memref<2166x128xf32, #tpu.memory_space<hbm>> -> memref<2166x128xf32, #tpu.memory_space<hbm>>
      tpu.wait_indirect_dma semaphore(%arg10 : memref<!tpu.dma_semaphore, #tpu.memory_space<semaphore_mem>>) src(%dma_wait3A_647 : memref<2166x128xf32, #tpu.memory_space<hbm>>) dst(%dma_wait3A_641 : memref<128x128xf32, #tpu.memory_space<vmem>>)
      %dma_wait3A_648 = arith.constant 1 : i32
      %dma_wait3A_649 = arith.constant 128 : i32
      %dma_wait3A_650 = arith.constant 0 : i32
      %dma_wait3A_651 = tpu.memref_slice %arg9[%dma_wait3A_649, %dma_wait3A_650] : memref<256x128xf32, #tpu.memory_space<vmem>> -> memref<128x128xf32, #tpu.memory_space<vmem>>
      %dma_wait3A_652 = arith.constant 0 : i32
      %dma_wait3A_653 = tpu.memref_slice %arg8[%dma_wait3A_648, %dma_wait3A_652] : memref<2x128xi32, #tpu.memory_space<vmem>> -> memref<1x128xi32, #tpu.memory_space<vmem>>
      %dma_wait3A_654 = tpu.memref_squeeze %dma_wait3A_653 : memref<1x128xi32, #tpu.memory_space<vmem>> -> memref<128xi32, #tpu.memory_space<vmem>>
      %dma_wait3A_655 = arith.constant 0 : i32
      %dma_wait3A_656 = arith.constant 0 : i32
      %dma_wait3A_657 = tpu.memref_slice %arg4[%dma_wait3A_655, %dma_wait3A_656] : memref<2166x128xf32, #tpu.memory_space<hbm>> -> memref<2166x128xf32, #tpu.memory_space<hbm>>
      tpu.wait_indirect_dma semaphore(%arg10 : memref<!tpu.dma_semaphore, #tpu.memory_space<semaphore_mem>>) src(%dma_wait3A_657 : memref<2166x128xf32, #tpu.memory_space<hbm>>) dst(%dma_wait3A_651 : memref<128x128xf32, #tpu.memory_space<vmem>>)
      "tpu.region"() ({
        %run_scoped3A = tpu.sem_alloc : memref<!tpu.dma_semaphore, #tpu.memory_space<semaphore_mem>>
        tpu.enqueue_dma source(%arg9 : memref<256x128xf32, #tpu.memory_space<vmem>>) target(%arg5 : memref<256x128xf32, #tpu.memory_space<hbm>>) target_semaphore(%run_scoped3A : memref<!tpu.dma_semaphore, #tpu.memory_space<semaphore_mem>>)
        tpu.wait_dma2 semaphore(%run_scoped3A : memref<!tpu.dma_semaphore, #tpu.memory_space<semaphore_mem>>) src(%arg9 : memref<256x128xf32, #tpu.memory_space<vmem>>) dst(%arg5 : memref<256x128xf32, #tpu.memory_space<hbm>>)
        tpu.yield
      }) : () -> ()
    } else {
    }
    return
  }
}

module attributes {stable_mosaic.version = 14 : i64} {
  func.func @_row_gather_body(%arg0: i32, %arg1: memref<4x64xi32, #tpu.memory_space<smem>>, %arg2: memref<1x1x1x8x80xf32, #tpu.memory_space<vmem>>, %arg3: memref<1x1x1x8x80xf32, #tpu.memory_space<vmem>>, %arg4: memref<1x1x1x8x80xf32, #tpu.memory_space<vmem>>, %arg5: memref<1x1x1x8x80xf32, #tpu.memory_space<vmem>>, %arg6: memref<1x1x1x8x80xf32, #tpu.memory_space<vmem>>, %arg7: memref<1x1x1x8x80xf32, #tpu.memory_space<vmem>>, %arg8: memref<1x1x1x8x80xf32, #tpu.memory_space<vmem>>, %arg9: memref<1x1x1x8x80xf32, #tpu.memory_space<vmem>>, %arg10: memref<1x1x8x76xf32, #tpu.memory_space<vmem>>, %arg11: memref<1x1x8x76xf32, #tpu.memory_space<vmem>>, %arg12: memref<1x1x8x76xf32, #tpu.memory_space<vmem>>, %arg13: memref<1x1x8x76xf32, #tpu.memory_space<vmem>>, %arg14: memref<1x1x8x76xf32, #tpu.memory_space<vmem>>, %arg15: memref<1x1x8x76xf32, #tpu.memory_space<vmem>>, %arg16: memref<1x1x8x76xf32, #tpu.memory_space<vmem>>, %arg17: memref<1x1x8x76xf32, #tpu.memory_space<vmem>>, %arg18: memref<1x1x8x76xf32, #tpu.memory_space<vmem>>, %arg19: memref<1x1x8x76xf32, #tpu.memory_space<vmem>>, %arg20: memref<1x1x8x76xf32, #tpu.memory_space<vmem>>, %arg21: memref<1x1x8x76xf32, #tpu.memory_space<vmem>>, %arg22: memref<1x1x8x76xf32, #tpu.memory_space<vmem>>, %arg23: memref<1x1x8x76xf32, #tpu.memory_space<vmem>>, %arg24: memref<1x1x8x76xf32, #tpu.memory_space<vmem>>, %arg25: memref<1x1x8x76xf32, #tpu.memory_space<vmem>>, %arg26: memref<1x1x8x76xf32, #tpu.memory_space<vmem>>, %arg27: memref<1x1x8x76xf32, #tpu.memory_space<vmem>>, %arg28: memref<1x1x8x76xf32, #tpu.memory_space<vmem>>, %arg29: memref<1x1x8x76xf32, #tpu.memory_space<vmem>>, %arg30: memref<1x1x8x76xf32, #tpu.memory_space<vmem>>, %arg31: memref<1x1x8x76xf32, #tpu.memory_space<vmem>>, %arg32: memref<1x1x8x76xf32, #tpu.memory_space<vmem>>, %arg33: memref<1x1x8x76xf32, #tpu.memory_space<vmem>>, %arg34: memref<1x1x8x76xf32, #tpu.memory_space<vmem>>, %arg35: memref<1x1x8x76xf32, #tpu.memory_space<vmem>>, %arg36: memref<1x1x8x76xf32, #tpu.memory_space<vmem>>, %arg37: memref<1x1x8x76xf32, #tpu.memory_space<vmem>>, %arg38: memref<1x1x8x76xf32, #tpu.memory_space<vmem>>, %arg39: memref<1x1x8x76xf32, #tpu.memory_space<vmem>>, %arg40: memref<1x1x8x76xf32, #tpu.memory_space<vmem>>, %arg41: memref<1x1x8x76xf32, #tpu.memory_space<vmem>>, %arg42: memref<8x1x80xf32, #tpu.memory_space<vmem>>, %arg43: memref<8x1x4xf32, #tpu.memory_space<vmem>>) attributes {dimension_semantics = [#tpu.dimension_semantics<arbitrary>], iteration_bounds = array<i64: 8>, scalar_prefetch = 1 : i64, scratch_operands = 0 : i64, tpu.core_type = #tpu.core_type<tc>, window_params = [{transform_indices = @transform_0, window_bounds = array<i64: 1, 1, 1, 8, 80>}, {transform_indices = @transform_1, window_bounds = array<i64: 1, 1, 1, 8, 80>}, {transform_indices = @transform_2, window_bounds = array<i64: 1, 1, 1, 8, 80>}, {transform_indices = @transform_3, window_bounds = array<i64: 1, 1, 1, 8, 80>}, {transform_indices = @transform_4, window_bounds = array<i64: 1, 1, 1, 8, 80>}, {transform_indices = @transform_5, window_bounds = array<i64: 1, 1, 1, 8, 80>}, {transform_indices = @transform_6, window_bounds = array<i64: 1, 1, 1, 8, 80>}, {transform_indices = @transform_7, window_bounds = array<i64: 1, 1, 1, 8, 80>}, {transform_indices = @transform_8, window_bounds = array<i64: 1, 1, 8, 76>}, {transform_indices = @transform_9, window_bounds = array<i64: 1, 1, 8, 76>}, {transform_indices = @transform_10, window_bounds = array<i64: 1, 1, 8, 76>}, {transform_indices = @transform_11, window_bounds = array<i64: 1, 1, 8, 76>}, {transform_indices = @transform_12, window_bounds = array<i64: 1, 1, 8, 76>}, {transform_indices = @transform_13, window_bounds = array<i64: 1, 1, 8, 76>}, {transform_indices = @transform_14, window_bounds = array<i64: 1, 1, 8, 76>}, {transform_indices = @transform_15, window_bounds = array<i64: 1, 1, 8, 76>}, {transform_indices = @transform_16, window_bounds = array<i64: 1, 1, 8, 76>}, {transform_indices = @transform_17, window_bounds = array<i64: 1, 1, 8, 76>}, {transform_indices = @transform_18, window_bounds = array<i64: 1, 1, 8, 76>}, {transform_indices = @transform_19, window_bounds = array<i64: 1, 1, 8, 76>}, {transform_indices = @transform_20, window_bounds = array<i64: 1, 1, 8, 76>}, {transform_indices = @transform_21, window_bounds = array<i64: 1, 1, 8, 76>}, {transform_indices = @transform_22, window_bounds = array<i64: 1, 1, 8, 76>}, {transform_indices = @transform_23, window_bounds = array<i64: 1, 1, 8, 76>}, {transform_indices = @transform_24, window_bounds = array<i64: 1, 1, 8, 76>}, {transform_indices = @transform_25, window_bounds = array<i64: 1, 1, 8, 76>}, {transform_indices = @transform_26, window_bounds = array<i64: 1, 1, 8, 76>}, {transform_indices = @transform_27, window_bounds = array<i64: 1, 1, 8, 76>}, {transform_indices = @transform_28, window_bounds = array<i64: 1, 1, 8, 76>}, {transform_indices = @transform_29, window_bounds = array<i64: 1, 1, 8, 76>}, {transform_indices = @transform_30, window_bounds = array<i64: 1, 1, 8, 76>}, {transform_indices = @transform_31, window_bounds = array<i64: 1, 1, 8, 76>}, {transform_indices = @transform_32, window_bounds = array<i64: 1, 1, 8, 76>}, {transform_indices = @transform_33, window_bounds = array<i64: 1, 1, 8, 76>}, {transform_indices = @transform_34, window_bounds = array<i64: 1, 1, 8, 76>}, {transform_indices = @transform_35, window_bounds = array<i64: 1, 1, 8, 76>}, {transform_indices = @transform_36, window_bounds = array<i64: 1, 1, 8, 76>}, {transform_indices = @transform_37, window_bounds = array<i64: 1, 1, 8, 76>}, {transform_indices = @transform_38, window_bounds = array<i64: 1, 1, 8, 76>}, {transform_indices = @transform_39, window_bounds = array<i64: 1, 1, 8, 76>}, {transform_indices = @transform_40, window_bounds = array<i64: 8, 1, 80>}, {transform_indices = @transform_41, window_bounds = array<i64: 8, 1, 4>}]} {
    %mul3A = arith.constant 8 : i32
    %mul3A_0 = arith.muli %mul3A, %arg0 : i32
    %add3A = arith.constant 0 : i32
    %add3A_1 = arith.addi %mul3A_0, %add3A : i32
    %get3A = arith.constant 0 : index
    %get3A_2 = arith.index_cast %add3A_1 : i32 to index
    %get3A_3 = memref.load %arg1[%get3A, %get3A_2] : memref<4x64xi32, #tpu.memory_space<smem>>
    %get3A_4 = arith.constant 3 : index
    %get3A_5 = arith.index_cast %add3A_1 : i32 to index
    %get3A_6 = memref.load %arg1[%get3A_4, %get3A_5] : memref<4x64xi32, #tpu.memory_space<smem>>
    %jit3A = arith.constant 8 : i32
    %eq3A = arith.constant 0 : i32
    %eq3A_7 = arith.cmpi eq, %jit3A, %eq3A : i32
    %jit3A_8 = arith.constant 1 : i32
    %select_n3A = arith.select %eq3A_7, %jit3A_8, %jit3A : i32
    %rem3A = arith.remsi %get3A_3, %select_n3A : i32
    %ne3A = arith.constant 0 : i32
    %ne3A_9 = arith.cmpi ne, %rem3A, %ne3A : i32
    %lt3A = arith.constant 0 : i32
    %lt3A_10 = arith.cmpi slt, %rem3A, %lt3A : i32
    %lt3A_11 = arith.constant 0 : i32
    %lt3A_12 = arith.cmpi slt, %select_n3A, %lt3A_11 : i32
    %ne3A_13 = arith.xori %lt3A_10, %lt3A_12 : i1
    %and3A = arith.andi %ne3A_13, %ne3A_9 : i1
    %add3A_14 = arith.addi %rem3A, %select_n3A : i32
    %select_n3A_15 = arith.select %and3A, %add3A_14, %rem3A : i32
    %get3A_16 = arith.constant 0 : index
    %get3A_17 = arith.constant 0 : index
    %get3A_18 = arith.constant 0 : index
    %get3A_19 = arith.constant 0 : index
    %get3A_20 = arith.constant 0 : index
    %get3A_21 = vector.load %arg2[%get3A_16, %get3A_17, %get3A_18, %get3A_19, %get3A_20] : memref<1x1x1x8x80xf32, #tpu.memory_space<vmem>>, vector<1x1x1x8x80xf32>
    %get3A_22 = vector.shape_cast %get3A_21 : vector<1x1x1x8x80xf32> to vector<8x80xf32>
    %iota3A = tpu.iota {dimensions = array<i32: 0>} : vector<8x80xi32>
    %eq3A_23 = vector.broadcast %select_n3A_15 : i32 to vector<8x80xi32>
    %eq3A_24 = arith.cmpi eq, %iota3A, %eq3A_23 : vector<8x80xi32>
    %jit3A_25 = arith.constant 0.000000e+00 : f32
    %broadcast_in_dim3A = vector.broadcast %jit3A_25 : f32 to vector<8x80xf32>
    %select_n3A_26 = arith.select %eq3A_24, %get3A_22, %broadcast_in_dim3A : vector<8x80xi1>, vector<8x80xf32>
    %reduce_sum3A = arith.constant dense<0.000000e+00> : vector<80xf32>
    %reduce_sum3A_27 = vector.multi_reduction <add>, %select_n3A_26, %reduce_sum3A [0] : vector<8x80xf32> to vector<80xf32>
    %broadcast_in_dim3A_28 = vector.shape_cast %reduce_sum3A_27 : vector<80xf32> to vector<1x80xf32>
    %broadcast_in_dim3A_29 = vector.shape_cast %broadcast_in_dim3A_28 : vector<1x80xf32> to vector<1x1x80xf32>
    %iota3A_30 = tpu.iota {dimensions = array<i32: 0>} : vector<8x76xi32>
    %eq3A_31 = vector.broadcast %select_n3A_15 : i32 to vector<8x76xi32>
    %eq3A_32 = arith.cmpi eq, %iota3A_30, %eq3A_31 : vector<8x76xi32>
    %iota3A_33 = tpu.iota {dimensions = array<i32: 1>} : vector<8x76xi32>
    %eq3A_34 = vector.broadcast %get3A_6 : i32 to vector<8x76xi32>
    %eq3A_35 = arith.cmpi eq, %iota3A_33, %eq3A_34 : vector<8x76xi32>
    %and3A_36 = arith.andi %eq3A_32, %eq3A_35 : vector<8x76xi1>
    %get3A_37 = arith.constant 0 : index
    %get3A_38 = arith.constant 0 : index
    %get3A_39 = arith.constant 0 : index
    %get3A_40 = arith.constant 0 : index
    %get3A_41 = vector.load %arg10[%get3A_37, %get3A_38, %get3A_39, %get3A_40] : memref<1x1x8x76xf32, #tpu.memory_space<vmem>>, vector<1x1x8x76xf32>
    %get3A_42 = vector.shape_cast %get3A_41 : vector<1x1x8x76xf32> to vector<8x76xf32>
    %jit3A_43 = arith.constant 0.000000e+00 : f32
    %broadcast_in_dim3A_44 = vector.broadcast %jit3A_43 : f32 to vector<8x76xf32>
    %select_n3A_45 = arith.select %and3A_36, %get3A_42, %broadcast_in_dim3A_44 : vector<8x76xi1>, vector<8x76xf32>
    %reduce_sum3A_46 = vector.shape_cast %select_n3A_45 : vector<8x76xf32> to vector<1x8x76xf32>
    %reduce_sum3A_47 = arith.constant dense<0.000000e+00> : vector<1xf32>
    %reduce_sum3A_48 = vector.multi_reduction <add>, %reduce_sum3A_46, %reduce_sum3A_47 [1, 2] : vector<1x8x76xf32> to vector<1xf32>
    %reduce_sum3A_49 = vector.shape_cast %reduce_sum3A_48 : vector<1xf32> to vector<1x1x1xf32>
    %reduce_sum3A_50 = vector.extract %reduce_sum3A_49[0, 0, 0] : f32 from vector<1x1x1xf32>
    %reshape3A = vector.broadcast %reduce_sum3A_50 : f32 to vector<1x1x1xf32>
    %get3A_51 = arith.constant 0 : index
    %get3A_52 = arith.constant 0 : index
    %get3A_53 = arith.constant 0 : index
    %get3A_54 = arith.constant 0 : index
    %get3A_55 = vector.load %arg18[%get3A_51, %get3A_52, %get3A_53, %get3A_54] : memref<1x1x8x76xf32, #tpu.memory_space<vmem>>, vector<1x1x8x76xf32>
    %get3A_56 = vector.shape_cast %get3A_55 : vector<1x1x8x76xf32> to vector<8x76xf32>
    %jit3A_57 = arith.constant 0.000000e+00 : f32
    %broadcast_in_dim3A_58 = vector.broadcast %jit3A_57 : f32 to vector<8x76xf32>
    %select_n3A_59 = arith.select %and3A_36, %get3A_56, %broadcast_in_dim3A_58 : vector<8x76xi1>, vector<8x76xf32>
    %reduce_sum3A_60 = vector.shape_cast %select_n3A_59 : vector<8x76xf32> to vector<1x8x76xf32>
    %reduce_sum3A_61 = arith.constant dense<0.000000e+00> : vector<1xf32>
    %reduce_sum3A_62 = vector.multi_reduction <add>, %reduce_sum3A_60, %reduce_sum3A_61 [1, 2] : vector<1x8x76xf32> to vector<1xf32>
    %reduce_sum3A_63 = vector.shape_cast %reduce_sum3A_62 : vector<1xf32> to vector<1x1x1xf32>
    %reduce_sum3A_64 = vector.extract %reduce_sum3A_63[0, 0, 0] : f32 from vector<1x1x1xf32>
    %reshape3A_65 = vector.broadcast %reduce_sum3A_64 : f32 to vector<1x1x1xf32>
    %get3A_66 = arith.constant 0 : index
    %get3A_67 = arith.constant 0 : index
    %get3A_68 = arith.constant 0 : index
    %get3A_69 = arith.constant 0 : index
    %get3A_70 = vector.load %arg26[%get3A_66, %get3A_67, %get3A_68, %get3A_69] : memref<1x1x8x76xf32, #tpu.memory_space<vmem>>, vector<1x1x8x76xf32>
    %get3A_71 = vector.shape_cast %get3A_70 : vector<1x1x8x76xf32> to vector<8x76xf32>
    %jit3A_72 = arith.constant 0.000000e+00 : f32
    %broadcast_in_dim3A_73 = vector.broadcast %jit3A_72 : f32 to vector<8x76xf32>
    %select_n3A_74 = arith.select %and3A_36, %get3A_71, %broadcast_in_dim3A_73 : vector<8x76xi1>, vector<8x76xf32>
    %reduce_sum3A_75 = vector.shape_cast %select_n3A_74 : vector<8x76xf32> to vector<1x8x76xf32>
    %reduce_sum3A_76 = arith.constant dense<0.000000e+00> : vector<1xf32>
    %reduce_sum3A_77 = vector.multi_reduction <add>, %reduce_sum3A_75, %reduce_sum3A_76 [1, 2] : vector<1x8x76xf32> to vector<1xf32>
    %reduce_sum3A_78 = vector.shape_cast %reduce_sum3A_77 : vector<1xf32> to vector<1x1x1xf32>
    %reduce_sum3A_79 = vector.extract %reduce_sum3A_78[0, 0, 0] : f32 from vector<1x1x1xf32>
    %reshape3A_80 = vector.broadcast %reduce_sum3A_79 : f32 to vector<1x1x1xf32>
    %get3A_81 = arith.constant 0 : index
    %get3A_82 = arith.constant 0 : index
    %get3A_83 = arith.constant 0 : index
    %get3A_84 = arith.constant 0 : index
    %get3A_85 = vector.load %arg34[%get3A_81, %get3A_82, %get3A_83, %get3A_84] : memref<1x1x8x76xf32, #tpu.memory_space<vmem>>, vector<1x1x8x76xf32>
    %get3A_86 = vector.shape_cast %get3A_85 : vector<1x1x8x76xf32> to vector<8x76xf32>
    %jit3A_87 = arith.constant 0.000000e+00 : f32
    %broadcast_in_dim3A_88 = vector.broadcast %jit3A_87 : f32 to vector<8x76xf32>
    %select_n3A_89 = arith.select %and3A_36, %get3A_86, %broadcast_in_dim3A_88 : vector<8x76xi1>, vector<8x76xf32>
    %reduce_sum3A_90 = vector.shape_cast %select_n3A_89 : vector<8x76xf32> to vector<1x8x76xf32>
    %reduce_sum3A_91 = arith.constant dense<0.000000e+00> : vector<1xf32>
    %reduce_sum3A_92 = vector.multi_reduction <add>, %reduce_sum3A_90, %reduce_sum3A_91 [1, 2] : vector<1x8x76xf32> to vector<1xf32>
    %reduce_sum3A_93 = vector.shape_cast %reduce_sum3A_92 : vector<1xf32> to vector<1x1x1xf32>
    %reduce_sum3A_94 = vector.extract %reduce_sum3A_93[0, 0, 0] : f32 from vector<1x1x1xf32>
    %reshape3A_95 = vector.broadcast %reduce_sum3A_94 : f32 to vector<1x1x1xf32>
    %concatenate3A = tpu.concatenate %reshape3A, %reshape3A_65, %reshape3A_80, %reshape3A_95 in 2 : vector<1x1x1xf32>, vector<1x1x1xf32>, vector<1x1x1xf32>, vector<1x1x1xf32> -> vector<1x1x4xf32>
    %mul3A_96 = arith.constant 8 : i32
    %mul3A_97 = arith.muli %mul3A_96, %arg0 : i32
    %add3A_98 = arith.constant 1 : i32
    %add3A_99 = arith.addi %mul3A_97, %add3A_98 : i32
    %get3A_100 = arith.constant 0 : index
    %get3A_101 = arith.index_cast %add3A_99 : i32 to index
    %get3A_102 = memref.load %arg1[%get3A_100, %get3A_101] : memref<4x64xi32, #tpu.memory_space<smem>>
    %get3A_103 = arith.constant 3 : index
    %get3A_104 = arith.index_cast %add3A_99 : i32 to index
    %get3A_105 = memref.load %arg1[%get3A_103, %get3A_104] : memref<4x64xi32, #tpu.memory_space<smem>>
    %jit3A_106 = arith.constant 8 : i32
    %eq3A_107 = arith.constant 0 : i32
    %eq3A_108 = arith.cmpi eq, %jit3A_106, %eq3A_107 : i32
    %jit3A_109 = arith.constant 1 : i32
    %select_n3A_110 = arith.select %eq3A_108, %jit3A_109, %jit3A_106 : i32
    %rem3A_111 = arith.remsi %get3A_102, %select_n3A_110 : i32
    %ne3A_112 = arith.constant 0 : i32
    %ne3A_113 = arith.cmpi ne, %rem3A_111, %ne3A_112 : i32
    %lt3A_114 = arith.constant 0 : i32
    %lt3A_115 = arith.cmpi slt, %rem3A_111, %lt3A_114 : i32
    %lt3A_116 = arith.constant 0 : i32
    %lt3A_117 = arith.cmpi slt, %select_n3A_110, %lt3A_116 : i32
    %ne3A_118 = arith.xori %lt3A_115, %lt3A_117 : i1
    %and3A_119 = arith.andi %ne3A_118, %ne3A_113 : i1
    %add3A_120 = arith.addi %rem3A_111, %select_n3A_110 : i32
    %select_n3A_121 = arith.select %and3A_119, %add3A_120, %rem3A_111 : i32
    %get3A_122 = arith.constant 0 : index
    %get3A_123 = arith.constant 0 : index
    %get3A_124 = arith.constant 0 : index
    %get3A_125 = arith.constant 0 : index
    %get3A_126 = arith.constant 0 : index
    %get3A_127 = vector.load %arg3[%get3A_122, %get3A_123, %get3A_124, %get3A_125, %get3A_126] : memref<1x1x1x8x80xf32, #tpu.memory_space<vmem>>, vector<1x1x1x8x80xf32>
    %get3A_128 = vector.shape_cast %get3A_127 : vector<1x1x1x8x80xf32> to vector<8x80xf32>
    %iota3A_129 = tpu.iota {dimensions = array<i32: 0>} : vector<8x80xi32>
    %eq3A_130 = vector.broadcast %select_n3A_121 : i32 to vector<8x80xi32>
    %eq3A_131 = arith.cmpi eq, %iota3A_129, %eq3A_130 : vector<8x80xi32>
    %jit3A_132 = arith.constant 0.000000e+00 : f32
    %broadcast_in_dim3A_133 = vector.broadcast %jit3A_132 : f32 to vector<8x80xf32>
    %select_n3A_134 = arith.select %eq3A_131, %get3A_128, %broadcast_in_dim3A_133 : vector<8x80xi1>, vector<8x80xf32>
    %reduce_sum3A_135 = arith.constant dense<0.000000e+00> : vector<80xf32>
    %reduce_sum3A_136 = vector.multi_reduction <add>, %select_n3A_134, %reduce_sum3A_135 [0] : vector<8x80xf32> to vector<80xf32>
    %broadcast_in_dim3A_137 = vector.shape_cast %reduce_sum3A_136 : vector<80xf32> to vector<1x80xf32>
    %broadcast_in_dim3A_138 = vector.shape_cast %broadcast_in_dim3A_137 : vector<1x80xf32> to vector<1x1x80xf32>
    %iota3A_139 = tpu.iota {dimensions = array<i32: 0>} : vector<8x76xi32>
    %eq3A_140 = vector.broadcast %select_n3A_121 : i32 to vector<8x76xi32>
    %eq3A_141 = arith.cmpi eq, %iota3A_139, %eq3A_140 : vector<8x76xi32>
    %iota3A_142 = tpu.iota {dimensions = array<i32: 1>} : vector<8x76xi32>
    %eq3A_143 = vector.broadcast %get3A_105 : i32 to vector<8x76xi32>
    %eq3A_144 = arith.cmpi eq, %iota3A_142, %eq3A_143 : vector<8x76xi32>
    %and3A_145 = arith.andi %eq3A_141, %eq3A_144 : vector<8x76xi1>
    %get3A_146 = arith.constant 0 : index
    %get3A_147 = arith.constant 0 : index
    %get3A_148 = arith.constant 0 : index
    %get3A_149 = arith.constant 0 : index
    %get3A_150 = vector.load %arg11[%get3A_146, %get3A_147, %get3A_148, %get3A_149] : memref<1x1x8x76xf32, #tpu.memory_space<vmem>>, vector<1x1x8x76xf32>
    %get3A_151 = vector.shape_cast %get3A_150 : vector<1x1x8x76xf32> to vector<8x76xf32>
    %jit3A_152 = arith.constant 0.000000e+00 : f32
    %broadcast_in_dim3A_153 = vector.broadcast %jit3A_152 : f32 to vector<8x76xf32>
    %select_n3A_154 = arith.select %and3A_145, %get3A_151, %broadcast_in_dim3A_153 : vector<8x76xi1>, vector<8x76xf32>
    %reduce_sum3A_155 = vector.shape_cast %select_n3A_154 : vector<8x76xf32> to vector<1x8x76xf32>
    %reduce_sum3A_156 = arith.constant dense<0.000000e+00> : vector<1xf32>
    %reduce_sum3A_157 = vector.multi_reduction <add>, %reduce_sum3A_155, %reduce_sum3A_156 [1, 2] : vector<1x8x76xf32> to vector<1xf32>
    %reduce_sum3A_158 = vector.shape_cast %reduce_sum3A_157 : vector<1xf32> to vector<1x1x1xf32>
    %reduce_sum3A_159 = vector.extract %reduce_sum3A_158[0, 0, 0] : f32 from vector<1x1x1xf32>
    %reshape3A_160 = vector.broadcast %reduce_sum3A_159 : f32 to vector<1x1x1xf32>
    %get3A_161 = arith.constant 0 : index
    %get3A_162 = arith.constant 0 : index
    %get3A_163 = arith.constant 0 : index
    %get3A_164 = arith.constant 0 : index
    %get3A_165 = vector.load %arg19[%get3A_161, %get3A_162, %get3A_163, %get3A_164] : memref<1x1x8x76xf32, #tpu.memory_space<vmem>>, vector<1x1x8x76xf32>
    %get3A_166 = vector.shape_cast %get3A_165 : vector<1x1x8x76xf32> to vector<8x76xf32>
    %jit3A_167 = arith.constant 0.000000e+00 : f32
    %broadcast_in_dim3A_168 = vector.broadcast %jit3A_167 : f32 to vector<8x76xf32>
    %select_n3A_169 = arith.select %and3A_145, %get3A_166, %broadcast_in_dim3A_168 : vector<8x76xi1>, vector<8x76xf32>
    %reduce_sum3A_170 = vector.shape_cast %select_n3A_169 : vector<8x76xf32> to vector<1x8x76xf32>
    %reduce_sum3A_171 = arith.constant dense<0.000000e+00> : vector<1xf32>
    %reduce_sum3A_172 = vector.multi_reduction <add>, %reduce_sum3A_170, %reduce_sum3A_171 [1, 2] : vector<1x8x76xf32> to vector<1xf32>
    %reduce_sum3A_173 = vector.shape_cast %reduce_sum3A_172 : vector<1xf32> to vector<1x1x1xf32>
    %reduce_sum3A_174 = vector.extract %reduce_sum3A_173[0, 0, 0] : f32 from vector<1x1x1xf32>
    %reshape3A_175 = vector.broadcast %reduce_sum3A_174 : f32 to vector<1x1x1xf32>
    %get3A_176 = arith.constant 0 : index
    %get3A_177 = arith.constant 0 : index
    %get3A_178 = arith.constant 0 : index
    %get3A_179 = arith.constant 0 : index
    %get3A_180 = vector.load %arg27[%get3A_176, %get3A_177, %get3A_178, %get3A_179] : memref<1x1x8x76xf32, #tpu.memory_space<vmem>>, vector<1x1x8x76xf32>
    %get3A_181 = vector.shape_cast %get3A_180 : vector<1x1x8x76xf32> to vector<8x76xf32>
    %jit3A_182 = arith.constant 0.000000e+00 : f32
    %broadcast_in_dim3A_183 = vector.broadcast %jit3A_182 : f32 to vector<8x76xf32>
    %select_n3A_184 = arith.select %and3A_145, %get3A_181, %broadcast_in_dim3A_183 : vector<8x76xi1>, vector<8x76xf32>
    %reduce_sum3A_185 = vector.shape_cast %select_n3A_184 : vector<8x76xf32> to vector<1x8x76xf32>
    %reduce_sum3A_186 = arith.constant dense<0.000000e+00> : vector<1xf32>
    %reduce_sum3A_187 = vector.multi_reduction <add>, %reduce_sum3A_185, %reduce_sum3A_186 [1, 2] : vector<1x8x76xf32> to vector<1xf32>
    %reduce_sum3A_188 = vector.shape_cast %reduce_sum3A_187 : vector<1xf32> to vector<1x1x1xf32>
    %reduce_sum3A_189 = vector.extract %reduce_sum3A_188[0, 0, 0] : f32 from vector<1x1x1xf32>
    %reshape3A_190 = vector.broadcast %reduce_sum3A_189 : f32 to vector<1x1x1xf32>
    %get3A_191 = arith.constant 0 : index
    %get3A_192 = arith.constant 0 : index
    %get3A_193 = arith.constant 0 : index
    %get3A_194 = arith.constant 0 : index
    %get3A_195 = vector.load %arg35[%get3A_191, %get3A_192, %get3A_193, %get3A_194] : memref<1x1x8x76xf32, #tpu.memory_space<vmem>>, vector<1x1x8x76xf32>
    %get3A_196 = vector.shape_cast %get3A_195 : vector<1x1x8x76xf32> to vector<8x76xf32>
    %jit3A_197 = arith.constant 0.000000e+00 : f32
    %broadcast_in_dim3A_198 = vector.broadcast %jit3A_197 : f32 to vector<8x76xf32>
    %select_n3A_199 = arith.select %and3A_145, %get3A_196, %broadcast_in_dim3A_198 : vector<8x76xi1>, vector<8x76xf32>
    %reduce_sum3A_200 = vector.shape_cast %select_n3A_199 : vector<8x76xf32> to vector<1x8x76xf32>
    %reduce_sum3A_201 = arith.constant dense<0.000000e+00> : vector<1xf32>
    %reduce_sum3A_202 = vector.multi_reduction <add>, %reduce_sum3A_200, %reduce_sum3A_201 [1, 2] : vector<1x8x76xf32> to vector<1xf32>
    %reduce_sum3A_203 = vector.shape_cast %reduce_sum3A_202 : vector<1xf32> to vector<1x1x1xf32>
    %reduce_sum3A_204 = vector.extract %reduce_sum3A_203[0, 0, 0] : f32 from vector<1x1x1xf32>
    %reshape3A_205 = vector.broadcast %reduce_sum3A_204 : f32 to vector<1x1x1xf32>
    %concatenate3A_206 = tpu.concatenate %reshape3A_160, %reshape3A_175, %reshape3A_190, %reshape3A_205 in 2 : vector<1x1x1xf32>, vector<1x1x1xf32>, vector<1x1x1xf32>, vector<1x1x1xf32> -> vector<1x1x4xf32>
    %mul3A_207 = arith.constant 8 : i32
    %mul3A_208 = arith.muli %mul3A_207, %arg0 : i32
    %add3A_209 = arith.constant 2 : i32
    %add3A_210 = arith.addi %mul3A_208, %add3A_209 : i32
    %get3A_211 = arith.constant 0 : index
    %get3A_212 = arith.index_cast %add3A_210 : i32 to index
    %get3A_213 = memref.load %arg1[%get3A_211, %get3A_212] : memref<4x64xi32, #tpu.memory_space<smem>>
    %get3A_214 = arith.constant 3 : index
    %get3A_215 = arith.index_cast %add3A_210 : i32 to index
    %get3A_216 = memref.load %arg1[%get3A_214, %get3A_215] : memref<4x64xi32, #tpu.memory_space<smem>>
    %jit3A_217 = arith.constant 8 : i32
    %eq3A_218 = arith.constant 0 : i32
    %eq3A_219 = arith.cmpi eq, %jit3A_217, %eq3A_218 : i32
    %jit3A_220 = arith.constant 1 : i32
    %select_n3A_221 = arith.select %eq3A_219, %jit3A_220, %jit3A_217 : i32
    %rem3A_222 = arith.remsi %get3A_213, %select_n3A_221 : i32
    %ne3A_223 = arith.constant 0 : i32
    %ne3A_224 = arith.cmpi ne, %rem3A_222, %ne3A_223 : i32
    %lt3A_225 = arith.constant 0 : i32
    %lt3A_226 = arith.cmpi slt, %rem3A_222, %lt3A_225 : i32
    %lt3A_227 = arith.constant 0 : i32
    %lt3A_228 = arith.cmpi slt, %select_n3A_221, %lt3A_227 : i32
    %ne3A_229 = arith.xori %lt3A_226, %lt3A_228 : i1
    %and3A_230 = arith.andi %ne3A_229, %ne3A_224 : i1
    %add3A_231 = arith.addi %rem3A_222, %select_n3A_221 : i32
    %select_n3A_232 = arith.select %and3A_230, %add3A_231, %rem3A_222 : i32
    %get3A_233 = arith.constant 0 : index
    %get3A_234 = arith.constant 0 : index
    %get3A_235 = arith.constant 0 : index
    %get3A_236 = arith.constant 0 : index
    %get3A_237 = arith.constant 0 : index
    %get3A_238 = vector.load %arg4[%get3A_233, %get3A_234, %get3A_235, %get3A_236, %get3A_237] : memref<1x1x1x8x80xf32, #tpu.memory_space<vmem>>, vector<1x1x1x8x80xf32>
    %get3A_239 = vector.shape_cast %get3A_238 : vector<1x1x1x8x80xf32> to vector<8x80xf32>
    %iota3A_240 = tpu.iota {dimensions = array<i32: 0>} : vector<8x80xi32>
    %eq3A_241 = vector.broadcast %select_n3A_232 : i32 to vector<8x80xi32>
    %eq3A_242 = arith.cmpi eq, %iota3A_240, %eq3A_241 : vector<8x80xi32>
    %jit3A_243 = arith.constant 0.000000e+00 : f32
    %broadcast_in_dim3A_244 = vector.broadcast %jit3A_243 : f32 to vector<8x80xf32>
    %select_n3A_245 = arith.select %eq3A_242, %get3A_239, %broadcast_in_dim3A_244 : vector<8x80xi1>, vector<8x80xf32>
    %reduce_sum3A_246 = arith.constant dense<0.000000e+00> : vector<80xf32>
    %reduce_sum3A_247 = vector.multi_reduction <add>, %select_n3A_245, %reduce_sum3A_246 [0] : vector<8x80xf32> to vector<80xf32>
    %broadcast_in_dim3A_248 = vector.shape_cast %reduce_sum3A_247 : vector<80xf32> to vector<1x80xf32>
    %broadcast_in_dim3A_249 = vector.shape_cast %broadcast_in_dim3A_248 : vector<1x80xf32> to vector<1x1x80xf32>
    %iota3A_250 = tpu.iota {dimensions = array<i32: 0>} : vector<8x76xi32>
    %eq3A_251 = vector.broadcast %select_n3A_232 : i32 to vector<8x76xi32>
    %eq3A_252 = arith.cmpi eq, %iota3A_250, %eq3A_251 : vector<8x76xi32>
    %iota3A_253 = tpu.iota {dimensions = array<i32: 1>} : vector<8x76xi32>
    %eq3A_254 = vector.broadcast %get3A_216 : i32 to vector<8x76xi32>
    %eq3A_255 = arith.cmpi eq, %iota3A_253, %eq3A_254 : vector<8x76xi32>
    %and3A_256 = arith.andi %eq3A_252, %eq3A_255 : vector<8x76xi1>
    %get3A_257 = arith.constant 0 : index
    %get3A_258 = arith.constant 0 : index
    %get3A_259 = arith.constant 0 : index
    %get3A_260 = arith.constant 0 : index
    %get3A_261 = vector.load %arg12[%get3A_257, %get3A_258, %get3A_259, %get3A_260] : memref<1x1x8x76xf32, #tpu.memory_space<vmem>>, vector<1x1x8x76xf32>
    %get3A_262 = vector.shape_cast %get3A_261 : vector<1x1x8x76xf32> to vector<8x76xf32>
    %jit3A_263 = arith.constant 0.000000e+00 : f32
    %broadcast_in_dim3A_264 = vector.broadcast %jit3A_263 : f32 to vector<8x76xf32>
    %select_n3A_265 = arith.select %and3A_256, %get3A_262, %broadcast_in_dim3A_264 : vector<8x76xi1>, vector<8x76xf32>
    %reduce_sum3A_266 = vector.shape_cast %select_n3A_265 : vector<8x76xf32> to vector<1x8x76xf32>
    %reduce_sum3A_267 = arith.constant dense<0.000000e+00> : vector<1xf32>
    %reduce_sum3A_268 = vector.multi_reduction <add>, %reduce_sum3A_266, %reduce_sum3A_267 [1, 2] : vector<1x8x76xf32> to vector<1xf32>
    %reduce_sum3A_269 = vector.shape_cast %reduce_sum3A_268 : vector<1xf32> to vector<1x1x1xf32>
    %reduce_sum3A_270 = vector.extract %reduce_sum3A_269[0, 0, 0] : f32 from vector<1x1x1xf32>
    %reshape3A_271 = vector.broadcast %reduce_sum3A_270 : f32 to vector<1x1x1xf32>
    %get3A_272 = arith.constant 0 : index
    %get3A_273 = arith.constant 0 : index
    %get3A_274 = arith.constant 0 : index
    %get3A_275 = arith.constant 0 : index
    %get3A_276 = vector.load %arg20[%get3A_272, %get3A_273, %get3A_274, %get3A_275] : memref<1x1x8x76xf32, #tpu.memory_space<vmem>>, vector<1x1x8x76xf32>
    %get3A_277 = vector.shape_cast %get3A_276 : vector<1x1x8x76xf32> to vector<8x76xf32>
    %jit3A_278 = arith.constant 0.000000e+00 : f32
    %broadcast_in_dim3A_279 = vector.broadcast %jit3A_278 : f32 to vector<8x76xf32>
    %select_n3A_280 = arith.select %and3A_256, %get3A_277, %broadcast_in_dim3A_279 : vector<8x76xi1>, vector<8x76xf32>
    %reduce_sum3A_281 = vector.shape_cast %select_n3A_280 : vector<8x76xf32> to vector<1x8x76xf32>
    %reduce_sum3A_282 = arith.constant dense<0.000000e+00> : vector<1xf32>
    %reduce_sum3A_283 = vector.multi_reduction <add>, %reduce_sum3A_281, %reduce_sum3A_282 [1, 2] : vector<1x8x76xf32> to vector<1xf32>
    %reduce_sum3A_284 = vector.shape_cast %reduce_sum3A_283 : vector<1xf32> to vector<1x1x1xf32>
    %reduce_sum3A_285 = vector.extract %reduce_sum3A_284[0, 0, 0] : f32 from vector<1x1x1xf32>
    %reshape3A_286 = vector.broadcast %reduce_sum3A_285 : f32 to vector<1x1x1xf32>
    %get3A_287 = arith.constant 0 : index
    %get3A_288 = arith.constant 0 : index
    %get3A_289 = arith.constant 0 : index
    %get3A_290 = arith.constant 0 : index
    %get3A_291 = vector.load %arg28[%get3A_287, %get3A_288, %get3A_289, %get3A_290] : memref<1x1x8x76xf32, #tpu.memory_space<vmem>>, vector<1x1x8x76xf32>
    %get3A_292 = vector.shape_cast %get3A_291 : vector<1x1x8x76xf32> to vector<8x76xf32>
    %jit3A_293 = arith.constant 0.000000e+00 : f32
    %broadcast_in_dim3A_294 = vector.broadcast %jit3A_293 : f32 to vector<8x76xf32>
    %select_n3A_295 = arith.select %and3A_256, %get3A_292, %broadcast_in_dim3A_294 : vector<8x76xi1>, vector<8x76xf32>
    %reduce_sum3A_296 = vector.shape_cast %select_n3A_295 : vector<8x76xf32> to vector<1x8x76xf32>
    %reduce_sum3A_297 = arith.constant dense<0.000000e+00> : vector<1xf32>
    %reduce_sum3A_298 = vector.multi_reduction <add>, %reduce_sum3A_296, %reduce_sum3A_297 [1, 2] : vector<1x8x76xf32> to vector<1xf32>
    %reduce_sum3A_299 = vector.shape_cast %reduce_sum3A_298 : vector<1xf32> to vector<1x1x1xf32>
    %reduce_sum3A_300 = vector.extract %reduce_sum3A_299[0, 0, 0] : f32 from vector<1x1x1xf32>
    %reshape3A_301 = vector.broadcast %reduce_sum3A_300 : f32 to vector<1x1x1xf32>
    %get3A_302 = arith.constant 0 : index
    %get3A_303 = arith.constant 0 : index
    %get3A_304 = arith.constant 0 : index
    %get3A_305 = arith.constant 0 : index
    %get3A_306 = vector.load %arg36[%get3A_302, %get3A_303, %get3A_304, %get3A_305] : memref<1x1x8x76xf32, #tpu.memory_space<vmem>>, vector<1x1x8x76xf32>
    %get3A_307 = vector.shape_cast %get3A_306 : vector<1x1x8x76xf32> to vector<8x76xf32>
    %jit3A_308 = arith.constant 0.000000e+00 : f32
    %broadcast_in_dim3A_309 = vector.broadcast %jit3A_308 : f32 to vector<8x76xf32>
    %select_n3A_310 = arith.select %and3A_256, %get3A_307, %broadcast_in_dim3A_309 : vector<8x76xi1>, vector<8x76xf32>
    %reduce_sum3A_311 = vector.shape_cast %select_n3A_310 : vector<8x76xf32> to vector<1x8x76xf32>
    %reduce_sum3A_312 = arith.constant dense<0.000000e+00> : vector<1xf32>
    %reduce_sum3A_313 = vector.multi_reduction <add>, %reduce_sum3A_311, %reduce_sum3A_312 [1, 2] : vector<1x8x76xf32> to vector<1xf32>
    %reduce_sum3A_314 = vector.shape_cast %reduce_sum3A_313 : vector<1xf32> to vector<1x1x1xf32>
    %reduce_sum3A_315 = vector.extract %reduce_sum3A_314[0, 0, 0] : f32 from vector<1x1x1xf32>
    %reshape3A_316 = vector.broadcast %reduce_sum3A_315 : f32 to vector<1x1x1xf32>
    %concatenate3A_317 = tpu.concatenate %reshape3A_271, %reshape3A_286, %reshape3A_301, %reshape3A_316 in 2 : vector<1x1x1xf32>, vector<1x1x1xf32>, vector<1x1x1xf32>, vector<1x1x1xf32> -> vector<1x1x4xf32>
    %mul3A_318 = arith.constant 8 : i32
    %mul3A_319 = arith.muli %mul3A_318, %arg0 : i32
    %add3A_320 = arith.constant 3 : i32
    %add3A_321 = arith.addi %mul3A_319, %add3A_320 : i32
    %get3A_322 = arith.constant 0 : index
    %get3A_323 = arith.index_cast %add3A_321 : i32 to index
    %get3A_324 = memref.load %arg1[%get3A_322, %get3A_323] : memref<4x64xi32, #tpu.memory_space<smem>>
    %get3A_325 = arith.constant 3 : index
    %get3A_326 = arith.index_cast %add3A_321 : i32 to index
    %get3A_327 = memref.load %arg1[%get3A_325, %get3A_326] : memref<4x64xi32, #tpu.memory_space<smem>>
    %jit3A_328 = arith.constant 8 : i32
    %eq3A_329 = arith.constant 0 : i32
    %eq3A_330 = arith.cmpi eq, %jit3A_328, %eq3A_329 : i32
    %jit3A_331 = arith.constant 1 : i32
    %select_n3A_332 = arith.select %eq3A_330, %jit3A_331, %jit3A_328 : i32
    %rem3A_333 = arith.remsi %get3A_324, %select_n3A_332 : i32
    %ne3A_334 = arith.constant 0 : i32
    %ne3A_335 = arith.cmpi ne, %rem3A_333, %ne3A_334 : i32
    %lt3A_336 = arith.constant 0 : i32
    %lt3A_337 = arith.cmpi slt, %rem3A_333, %lt3A_336 : i32
    %lt3A_338 = arith.constant 0 : i32
    %lt3A_339 = arith.cmpi slt, %select_n3A_332, %lt3A_338 : i32
    %ne3A_340 = arith.xori %lt3A_337, %lt3A_339 : i1
    %and3A_341 = arith.andi %ne3A_340, %ne3A_335 : i1
    %add3A_342 = arith.addi %rem3A_333, %select_n3A_332 : i32
    %select_n3A_343 = arith.select %and3A_341, %add3A_342, %rem3A_333 : i32
    %get3A_344 = arith.constant 0 : index
    %get3A_345 = arith.constant 0 : index
    %get3A_346 = arith.constant 0 : index
    %get3A_347 = arith.constant 0 : index
    %get3A_348 = arith.constant 0 : index
    %get3A_349 = vector.load %arg5[%get3A_344, %get3A_345, %get3A_346, %get3A_347, %get3A_348] : memref<1x1x1x8x80xf32, #tpu.memory_space<vmem>>, vector<1x1x1x8x80xf32>
    %get3A_350 = vector.shape_cast %get3A_349 : vector<1x1x1x8x80xf32> to vector<8x80xf32>
    %iota3A_351 = tpu.iota {dimensions = array<i32: 0>} : vector<8x80xi32>
    %eq3A_352 = vector.broadcast %select_n3A_343 : i32 to vector<8x80xi32>
    %eq3A_353 = arith.cmpi eq, %iota3A_351, %eq3A_352 : vector<8x80xi32>
    %jit3A_354 = arith.constant 0.000000e+00 : f32
    %broadcast_in_dim3A_355 = vector.broadcast %jit3A_354 : f32 to vector<8x80xf32>
    %select_n3A_356 = arith.select %eq3A_353, %get3A_350, %broadcast_in_dim3A_355 : vector<8x80xi1>, vector<8x80xf32>
    %reduce_sum3A_357 = arith.constant dense<0.000000e+00> : vector<80xf32>
    %reduce_sum3A_358 = vector.multi_reduction <add>, %select_n3A_356, %reduce_sum3A_357 [0] : vector<8x80xf32> to vector<80xf32>
    %broadcast_in_dim3A_359 = vector.shape_cast %reduce_sum3A_358 : vector<80xf32> to vector<1x80xf32>
    %broadcast_in_dim3A_360 = vector.shape_cast %broadcast_in_dim3A_359 : vector<1x80xf32> to vector<1x1x80xf32>
    %iota3A_361 = tpu.iota {dimensions = array<i32: 0>} : vector<8x76xi32>
    %eq3A_362 = vector.broadcast %select_n3A_343 : i32 to vector<8x76xi32>
    %eq3A_363 = arith.cmpi eq, %iota3A_361, %eq3A_362 : vector<8x76xi32>
    %iota3A_364 = tpu.iota {dimensions = array<i32: 1>} : vector<8x76xi32>
    %eq3A_365 = vector.broadcast %get3A_327 : i32 to vector<8x76xi32>
    %eq3A_366 = arith.cmpi eq, %iota3A_364, %eq3A_365 : vector<8x76xi32>
    %and3A_367 = arith.andi %eq3A_363, %eq3A_366 : vector<8x76xi1>
    %get3A_368 = arith.constant 0 : index
    %get3A_369 = arith.constant 0 : index
    %get3A_370 = arith.constant 0 : index
    %get3A_371 = arith.constant 0 : index
    %get3A_372 = vector.load %arg13[%get3A_368, %get3A_369, %get3A_370, %get3A_371] : memref<1x1x8x76xf32, #tpu.memory_space<vmem>>, vector<1x1x8x76xf32>
    %get3A_373 = vector.shape_cast %get3A_372 : vector<1x1x8x76xf32> to vector<8x76xf32>
    %jit3A_374 = arith.constant 0.000000e+00 : f32
    %broadcast_in_dim3A_375 = vector.broadcast %jit3A_374 : f32 to vector<8x76xf32>
    %select_n3A_376 = arith.select %and3A_367, %get3A_373, %broadcast_in_dim3A_375 : vector<8x76xi1>, vector<8x76xf32>
    %reduce_sum3A_377 = vector.shape_cast %select_n3A_376 : vector<8x76xf32> to vector<1x8x76xf32>
    %reduce_sum3A_378 = arith.constant dense<0.000000e+00> : vector<1xf32>
    %reduce_sum3A_379 = vector.multi_reduction <add>, %reduce_sum3A_377, %reduce_sum3A_378 [1, 2] : vector<1x8x76xf32> to vector<1xf32>
    %reduce_sum3A_380 = vector.shape_cast %reduce_sum3A_379 : vector<1xf32> to vector<1x1x1xf32>
    %reduce_sum3A_381 = vector.extract %reduce_sum3A_380[0, 0, 0] : f32 from vector<1x1x1xf32>
    %reshape3A_382 = vector.broadcast %reduce_sum3A_381 : f32 to vector<1x1x1xf32>
    %get3A_383 = arith.constant 0 : index
    %get3A_384 = arith.constant 0 : index
    %get3A_385 = arith.constant 0 : index
    %get3A_386 = arith.constant 0 : index
    %get3A_387 = vector.load %arg21[%get3A_383, %get3A_384, %get3A_385, %get3A_386] : memref<1x1x8x76xf32, #tpu.memory_space<vmem>>, vector<1x1x8x76xf32>
    %get3A_388 = vector.shape_cast %get3A_387 : vector<1x1x8x76xf32> to vector<8x76xf32>
    %jit3A_389 = arith.constant 0.000000e+00 : f32
    %broadcast_in_dim3A_390 = vector.broadcast %jit3A_389 : f32 to vector<8x76xf32>
    %select_n3A_391 = arith.select %and3A_367, %get3A_388, %broadcast_in_dim3A_390 : vector<8x76xi1>, vector<8x76xf32>
    %reduce_sum3A_392 = vector.shape_cast %select_n3A_391 : vector<8x76xf32> to vector<1x8x76xf32>
    %reduce_sum3A_393 = arith.constant dense<0.000000e+00> : vector<1xf32>
    %reduce_sum3A_394 = vector.multi_reduction <add>, %reduce_sum3A_392, %reduce_sum3A_393 [1, 2] : vector<1x8x76xf32> to vector<1xf32>
    %reduce_sum3A_395 = vector.shape_cast %reduce_sum3A_394 : vector<1xf32> to vector<1x1x1xf32>
    %reduce_sum3A_396 = vector.extract %reduce_sum3A_395[0, 0, 0] : f32 from vector<1x1x1xf32>
    %reshape3A_397 = vector.broadcast %reduce_sum3A_396 : f32 to vector<1x1x1xf32>
    %get3A_398 = arith.constant 0 : index
    %get3A_399 = arith.constant 0 : index
    %get3A_400 = arith.constant 0 : index
    %get3A_401 = arith.constant 0 : index
    %get3A_402 = vector.load %arg29[%get3A_398, %get3A_399, %get3A_400, %get3A_401] : memref<1x1x8x76xf32, #tpu.memory_space<vmem>>, vector<1x1x8x76xf32>
    %get3A_403 = vector.shape_cast %get3A_402 : vector<1x1x8x76xf32> to vector<8x76xf32>
    %jit3A_404 = arith.constant 0.000000e+00 : f32
    %broadcast_in_dim3A_405 = vector.broadcast %jit3A_404 : f32 to vector<8x76xf32>
    %select_n3A_406 = arith.select %and3A_367, %get3A_403, %broadcast_in_dim3A_405 : vector<8x76xi1>, vector<8x76xf32>
    %reduce_sum3A_407 = vector.shape_cast %select_n3A_406 : vector<8x76xf32> to vector<1x8x76xf32>
    %reduce_sum3A_408 = arith.constant dense<0.000000e+00> : vector<1xf32>
    %reduce_sum3A_409 = vector.multi_reduction <add>, %reduce_sum3A_407, %reduce_sum3A_408 [1, 2] : vector<1x8x76xf32> to vector<1xf32>
    %reduce_sum3A_410 = vector.shape_cast %reduce_sum3A_409 : vector<1xf32> to vector<1x1x1xf32>
    %reduce_sum3A_411 = vector.extract %reduce_sum3A_410[0, 0, 0] : f32 from vector<1x1x1xf32>
    %reshape3A_412 = vector.broadcast %reduce_sum3A_411 : f32 to vector<1x1x1xf32>
    %get3A_413 = arith.constant 0 : index
    %get3A_414 = arith.constant 0 : index
    %get3A_415 = arith.constant 0 : index
    %get3A_416 = arith.constant 0 : index
    %get3A_417 = vector.load %arg37[%get3A_413, %get3A_414, %get3A_415, %get3A_416] : memref<1x1x8x76xf32, #tpu.memory_space<vmem>>, vector<1x1x8x76xf32>
    %get3A_418 = vector.shape_cast %get3A_417 : vector<1x1x8x76xf32> to vector<8x76xf32>
    %jit3A_419 = arith.constant 0.000000e+00 : f32
    %broadcast_in_dim3A_420 = vector.broadcast %jit3A_419 : f32 to vector<8x76xf32>
    %select_n3A_421 = arith.select %and3A_367, %get3A_418, %broadcast_in_dim3A_420 : vector<8x76xi1>, vector<8x76xf32>
    %reduce_sum3A_422 = vector.shape_cast %select_n3A_421 : vector<8x76xf32> to vector<1x8x76xf32>
    %reduce_sum3A_423 = arith.constant dense<0.000000e+00> : vector<1xf32>
    %reduce_sum3A_424 = vector.multi_reduction <add>, %reduce_sum3A_422, %reduce_sum3A_423 [1, 2] : vector<1x8x76xf32> to vector<1xf32>
    %reduce_sum3A_425 = vector.shape_cast %reduce_sum3A_424 : vector<1xf32> to vector<1x1x1xf32>
    %reduce_sum3A_426 = vector.extract %reduce_sum3A_425[0, 0, 0] : f32 from vector<1x1x1xf32>
    %reshape3A_427 = vector.broadcast %reduce_sum3A_426 : f32 to vector<1x1x1xf32>
    %concatenate3A_428 = tpu.concatenate %reshape3A_382, %reshape3A_397, %reshape3A_412, %reshape3A_427 in 2 : vector<1x1x1xf32>, vector<1x1x1xf32>, vector<1x1x1xf32>, vector<1x1x1xf32> -> vector<1x1x4xf32>
    %mul3A_429 = arith.constant 8 : i32
    %mul3A_430 = arith.muli %mul3A_429, %arg0 : i32
    %add3A_431 = arith.constant 4 : i32
    %add3A_432 = arith.addi %mul3A_430, %add3A_431 : i32
    %get3A_433 = arith.constant 0 : index
    %get3A_434 = arith.index_cast %add3A_432 : i32 to index
    %get3A_435 = memref.load %arg1[%get3A_433, %get3A_434] : memref<4x64xi32, #tpu.memory_space<smem>>
    %get3A_436 = arith.constant 3 : index
    %get3A_437 = arith.index_cast %add3A_432 : i32 to index
    %get3A_438 = memref.load %arg1[%get3A_436, %get3A_437] : memref<4x64xi32, #tpu.memory_space<smem>>
    %jit3A_439 = arith.constant 8 : i32
    %eq3A_440 = arith.constant 0 : i32
    %eq3A_441 = arith.cmpi eq, %jit3A_439, %eq3A_440 : i32
    %jit3A_442 = arith.constant 1 : i32
    %select_n3A_443 = arith.select %eq3A_441, %jit3A_442, %jit3A_439 : i32
    %rem3A_444 = arith.remsi %get3A_435, %select_n3A_443 : i32
    %ne3A_445 = arith.constant 0 : i32
    %ne3A_446 = arith.cmpi ne, %rem3A_444, %ne3A_445 : i32
    %lt3A_447 = arith.constant 0 : i32
    %lt3A_448 = arith.cmpi slt, %rem3A_444, %lt3A_447 : i32
    %lt3A_449 = arith.constant 0 : i32
    %lt3A_450 = arith.cmpi slt, %select_n3A_443, %lt3A_449 : i32
    %ne3A_451 = arith.xori %lt3A_448, %lt3A_450 : i1
    %and3A_452 = arith.andi %ne3A_451, %ne3A_446 : i1
    %add3A_453 = arith.addi %rem3A_444, %select_n3A_443 : i32
    %select_n3A_454 = arith.select %and3A_452, %add3A_453, %rem3A_444 : i32
    %get3A_455 = arith.constant 0 : index
    %get3A_456 = arith.constant 0 : index
    %get3A_457 = arith.constant 0 : index
    %get3A_458 = arith.constant 0 : index
    %get3A_459 = arith.constant 0 : index
    %get3A_460 = vector.load %arg6[%get3A_455, %get3A_456, %get3A_457, %get3A_458, %get3A_459] : memref<1x1x1x8x80xf32, #tpu.memory_space<vmem>>, vector<1x1x1x8x80xf32>
    %get3A_461 = vector.shape_cast %get3A_460 : vector<1x1x1x8x80xf32> to vector<8x80xf32>
    %iota3A_462 = tpu.iota {dimensions = array<i32: 0>} : vector<8x80xi32>
    %eq3A_463 = vector.broadcast %select_n3A_454 : i32 to vector<8x80xi32>
    %eq3A_464 = arith.cmpi eq, %iota3A_462, %eq3A_463 : vector<8x80xi32>
    %jit3A_465 = arith.constant 0.000000e+00 : f32
    %broadcast_in_dim3A_466 = vector.broadcast %jit3A_465 : f32 to vector<8x80xf32>
    %select_n3A_467 = arith.select %eq3A_464, %get3A_461, %broadcast_in_dim3A_466 : vector<8x80xi1>, vector<8x80xf32>
    %reduce_sum3A_468 = arith.constant dense<0.000000e+00> : vector<80xf32>
    %reduce_sum3A_469 = vector.multi_reduction <add>, %select_n3A_467, %reduce_sum3A_468 [0] : vector<8x80xf32> to vector<80xf32>
    %broadcast_in_dim3A_470 = vector.shape_cast %reduce_sum3A_469 : vector<80xf32> to vector<1x80xf32>
    %broadcast_in_dim3A_471 = vector.shape_cast %broadcast_in_dim3A_470 : vector<1x80xf32> to vector<1x1x80xf32>
    %iota3A_472 = tpu.iota {dimensions = array<i32: 0>} : vector<8x76xi32>
    %eq3A_473 = vector.broadcast %select_n3A_454 : i32 to vector<8x76xi32>
    %eq3A_474 = arith.cmpi eq, %iota3A_472, %eq3A_473 : vector<8x76xi32>
    %iota3A_475 = tpu.iota {dimensions = array<i32: 1>} : vector<8x76xi32>
    %eq3A_476 = vector.broadcast %get3A_438 : i32 to vector<8x76xi32>
    %eq3A_477 = arith.cmpi eq, %iota3A_475, %eq3A_476 : vector<8x76xi32>
    %and3A_478 = arith.andi %eq3A_474, %eq3A_477 : vector<8x76xi1>
    %get3A_479 = arith.constant 0 : index
    %get3A_480 = arith.constant 0 : index
    %get3A_481 = arith.constant 0 : index
    %get3A_482 = arith.constant 0 : index
    %get3A_483 = vector.load %arg14[%get3A_479, %get3A_480, %get3A_481, %get3A_482] : memref<1x1x8x76xf32, #tpu.memory_space<vmem>>, vector<1x1x8x76xf32>
    %get3A_484 = vector.shape_cast %get3A_483 : vector<1x1x8x76xf32> to vector<8x76xf32>
    %jit3A_485 = arith.constant 0.000000e+00 : f32
    %broadcast_in_dim3A_486 = vector.broadcast %jit3A_485 : f32 to vector<8x76xf32>
    %select_n3A_487 = arith.select %and3A_478, %get3A_484, %broadcast_in_dim3A_486 : vector<8x76xi1>, vector<8x76xf32>
    %reduce_sum3A_488 = vector.shape_cast %select_n3A_487 : vector<8x76xf32> to vector<1x8x76xf32>
    %reduce_sum3A_489 = arith.constant dense<0.000000e+00> : vector<1xf32>
    %reduce_sum3A_490 = vector.multi_reduction <add>, %reduce_sum3A_488, %reduce_sum3A_489 [1, 2] : vector<1x8x76xf32> to vector<1xf32>
    %reduce_sum3A_491 = vector.shape_cast %reduce_sum3A_490 : vector<1xf32> to vector<1x1x1xf32>
    %reduce_sum3A_492 = vector.extract %reduce_sum3A_491[0, 0, 0] : f32 from vector<1x1x1xf32>
    %reshape3A_493 = vector.broadcast %reduce_sum3A_492 : f32 to vector<1x1x1xf32>
    %get3A_494 = arith.constant 0 : index
    %get3A_495 = arith.constant 0 : index
    %get3A_496 = arith.constant 0 : index
    %get3A_497 = arith.constant 0 : index
    %get3A_498 = vector.load %arg22[%get3A_494, %get3A_495, %get3A_496, %get3A_497] : memref<1x1x8x76xf32, #tpu.memory_space<vmem>>, vector<1x1x8x76xf32>
    %get3A_499 = vector.shape_cast %get3A_498 : vector<1x1x8x76xf32> to vector<8x76xf32>
    %jit3A_500 = arith.constant 0.000000e+00 : f32
    %broadcast_in_dim3A_501 = vector.broadcast %jit3A_500 : f32 to vector<8x76xf32>
    %select_n3A_502 = arith.select %and3A_478, %get3A_499, %broadcast_in_dim3A_501 : vector<8x76xi1>, vector<8x76xf32>
    %reduce_sum3A_503 = vector.shape_cast %select_n3A_502 : vector<8x76xf32> to vector<1x8x76xf32>
    %reduce_sum3A_504 = arith.constant dense<0.000000e+00> : vector<1xf32>
    %reduce_sum3A_505 = vector.multi_reduction <add>, %reduce_sum3A_503, %reduce_sum3A_504 [1, 2] : vector<1x8x76xf32> to vector<1xf32>
    %reduce_sum3A_506 = vector.shape_cast %reduce_sum3A_505 : vector<1xf32> to vector<1x1x1xf32>
    %reduce_sum3A_507 = vector.extract %reduce_sum3A_506[0, 0, 0] : f32 from vector<1x1x1xf32>
    %reshape3A_508 = vector.broadcast %reduce_sum3A_507 : f32 to vector<1x1x1xf32>
    %get3A_509 = arith.constant 0 : index
    %get3A_510 = arith.constant 0 : index
    %get3A_511 = arith.constant 0 : index
    %get3A_512 = arith.constant 0 : index
    %get3A_513 = vector.load %arg30[%get3A_509, %get3A_510, %get3A_511, %get3A_512] : memref<1x1x8x76xf32, #tpu.memory_space<vmem>>, vector<1x1x8x76xf32>
    %get3A_514 = vector.shape_cast %get3A_513 : vector<1x1x8x76xf32> to vector<8x76xf32>
    %jit3A_515 = arith.constant 0.000000e+00 : f32
    %broadcast_in_dim3A_516 = vector.broadcast %jit3A_515 : f32 to vector<8x76xf32>
    %select_n3A_517 = arith.select %and3A_478, %get3A_514, %broadcast_in_dim3A_516 : vector<8x76xi1>, vector<8x76xf32>
    %reduce_sum3A_518 = vector.shape_cast %select_n3A_517 : vector<8x76xf32> to vector<1x8x76xf32>
    %reduce_sum3A_519 = arith.constant dense<0.000000e+00> : vector<1xf32>
    %reduce_sum3A_520 = vector.multi_reduction <add>, %reduce_sum3A_518, %reduce_sum3A_519 [1, 2] : vector<1x8x76xf32> to vector<1xf32>
    %reduce_sum3A_521 = vector.shape_cast %reduce_sum3A_520 : vector<1xf32> to vector<1x1x1xf32>
    %reduce_sum3A_522 = vector.extract %reduce_sum3A_521[0, 0, 0] : f32 from vector<1x1x1xf32>
    %reshape3A_523 = vector.broadcast %reduce_sum3A_522 : f32 to vector<1x1x1xf32>
    %get3A_524 = arith.constant 0 : index
    %get3A_525 = arith.constant 0 : index
    %get3A_526 = arith.constant 0 : index
    %get3A_527 = arith.constant 0 : index
    %get3A_528 = vector.load %arg38[%get3A_524, %get3A_525, %get3A_526, %get3A_527] : memref<1x1x8x76xf32, #tpu.memory_space<vmem>>, vector<1x1x8x76xf32>
    %get3A_529 = vector.shape_cast %get3A_528 : vector<1x1x8x76xf32> to vector<8x76xf32>
    %jit3A_530 = arith.constant 0.000000e+00 : f32
    %broadcast_in_dim3A_531 = vector.broadcast %jit3A_530 : f32 to vector<8x76xf32>
    %select_n3A_532 = arith.select %and3A_478, %get3A_529, %broadcast_in_dim3A_531 : vector<8x76xi1>, vector<8x76xf32>
    %reduce_sum3A_533 = vector.shape_cast %select_n3A_532 : vector<8x76xf32> to vector<1x8x76xf32>
    %reduce_sum3A_534 = arith.constant dense<0.000000e+00> : vector<1xf32>
    %reduce_sum3A_535 = vector.multi_reduction <add>, %reduce_sum3A_533, %reduce_sum3A_534 [1, 2] : vector<1x8x76xf32> to vector<1xf32>
    %reduce_sum3A_536 = vector.shape_cast %reduce_sum3A_535 : vector<1xf32> to vector<1x1x1xf32>
    %reduce_sum3A_537 = vector.extract %reduce_sum3A_536[0, 0, 0] : f32 from vector<1x1x1xf32>
    %reshape3A_538 = vector.broadcast %reduce_sum3A_537 : f32 to vector<1x1x1xf32>
    %concatenate3A_539 = tpu.concatenate %reshape3A_493, %reshape3A_508, %reshape3A_523, %reshape3A_538 in 2 : vector<1x1x1xf32>, vector<1x1x1xf32>, vector<1x1x1xf32>, vector<1x1x1xf32> -> vector<1x1x4xf32>
    %mul3A_540 = arith.constant 8 : i32
    %mul3A_541 = arith.muli %mul3A_540, %arg0 : i32
    %add3A_542 = arith.constant 5 : i32
    %add3A_543 = arith.addi %mul3A_541, %add3A_542 : i32
    %get3A_544 = arith.constant 0 : index
    %get3A_545 = arith.index_cast %add3A_543 : i32 to index
    %get3A_546 = memref.load %arg1[%get3A_544, %get3A_545] : memref<4x64xi32, #tpu.memory_space<smem>>
    %get3A_547 = arith.constant 3 : index
    %get3A_548 = arith.index_cast %add3A_543 : i32 to index
    %get3A_549 = memref.load %arg1[%get3A_547, %get3A_548] : memref<4x64xi32, #tpu.memory_space<smem>>
    %jit3A_550 = arith.constant 8 : i32
    %eq3A_551 = arith.constant 0 : i32
    %eq3A_552 = arith.cmpi eq, %jit3A_550, %eq3A_551 : i32
    %jit3A_553 = arith.constant 1 : i32
    %select_n3A_554 = arith.select %eq3A_552, %jit3A_553, %jit3A_550 : i32
    %rem3A_555 = arith.remsi %get3A_546, %select_n3A_554 : i32
    %ne3A_556 = arith.constant 0 : i32
    %ne3A_557 = arith.cmpi ne, %rem3A_555, %ne3A_556 : i32
    %lt3A_558 = arith.constant 0 : i32
    %lt3A_559 = arith.cmpi slt, %rem3A_555, %lt3A_558 : i32
    %lt3A_560 = arith.constant 0 : i32
    %lt3A_561 = arith.cmpi slt, %select_n3A_554, %lt3A_560 : i32
    %ne3A_562 = arith.xori %lt3A_559, %lt3A_561 : i1
    %and3A_563 = arith.andi %ne3A_562, %ne3A_557 : i1
    %add3A_564 = arith.addi %rem3A_555, %select_n3A_554 : i32
    %select_n3A_565 = arith.select %and3A_563, %add3A_564, %rem3A_555 : i32
    %get3A_566 = arith.constant 0 : index
    %get3A_567 = arith.constant 0 : index
    %get3A_568 = arith.constant 0 : index
    %get3A_569 = arith.constant 0 : index
    %get3A_570 = arith.constant 0 : index
    %get3A_571 = vector.load %arg7[%get3A_566, %get3A_567, %get3A_568, %get3A_569, %get3A_570] : memref<1x1x1x8x80xf32, #tpu.memory_space<vmem>>, vector<1x1x1x8x80xf32>
    %get3A_572 = vector.shape_cast %get3A_571 : vector<1x1x1x8x80xf32> to vector<8x80xf32>
    %iota3A_573 = tpu.iota {dimensions = array<i32: 0>} : vector<8x80xi32>
    %eq3A_574 = vector.broadcast %select_n3A_565 : i32 to vector<8x80xi32>
    %eq3A_575 = arith.cmpi eq, %iota3A_573, %eq3A_574 : vector<8x80xi32>
    %jit3A_576 = arith.constant 0.000000e+00 : f32
    %broadcast_in_dim3A_577 = vector.broadcast %jit3A_576 : f32 to vector<8x80xf32>
    %select_n3A_578 = arith.select %eq3A_575, %get3A_572, %broadcast_in_dim3A_577 : vector<8x80xi1>, vector<8x80xf32>
    %reduce_sum3A_579 = arith.constant dense<0.000000e+00> : vector<80xf32>
    %reduce_sum3A_580 = vector.multi_reduction <add>, %select_n3A_578, %reduce_sum3A_579 [0] : vector<8x80xf32> to vector<80xf32>
    %broadcast_in_dim3A_581 = vector.shape_cast %reduce_sum3A_580 : vector<80xf32> to vector<1x80xf32>
    %broadcast_in_dim3A_582 = vector.shape_cast %broadcast_in_dim3A_581 : vector<1x80xf32> to vector<1x1x80xf32>
    %iota3A_583 = tpu.iota {dimensions = array<i32: 0>} : vector<8x76xi32>
    %eq3A_584 = vector.broadcast %select_n3A_565 : i32 to vector<8x76xi32>
    %eq3A_585 = arith.cmpi eq, %iota3A_583, %eq3A_584 : vector<8x76xi32>
    %iota3A_586 = tpu.iota {dimensions = array<i32: 1>} : vector<8x76xi32>
    %eq3A_587 = vector.broadcast %get3A_549 : i32 to vector<8x76xi32>
    %eq3A_588 = arith.cmpi eq, %iota3A_586, %eq3A_587 : vector<8x76xi32>
    %and3A_589 = arith.andi %eq3A_585, %eq3A_588 : vector<8x76xi1>
    %get3A_590 = arith.constant 0 : index
    %get3A_591 = arith.constant 0 : index
    %get3A_592 = arith.constant 0 : index
    %get3A_593 = arith.constant 0 : index
    %get3A_594 = vector.load %arg15[%get3A_590, %get3A_591, %get3A_592, %get3A_593] : memref<1x1x8x76xf32, #tpu.memory_space<vmem>>, vector<1x1x8x76xf32>
    %get3A_595 = vector.shape_cast %get3A_594 : vector<1x1x8x76xf32> to vector<8x76xf32>
    %jit3A_596 = arith.constant 0.000000e+00 : f32
    %broadcast_in_dim3A_597 = vector.broadcast %jit3A_596 : f32 to vector<8x76xf32>
    %select_n3A_598 = arith.select %and3A_589, %get3A_595, %broadcast_in_dim3A_597 : vector<8x76xi1>, vector<8x76xf32>
    %reduce_sum3A_599 = vector.shape_cast %select_n3A_598 : vector<8x76xf32> to vector<1x8x76xf32>
    %reduce_sum3A_600 = arith.constant dense<0.000000e+00> : vector<1xf32>
    %reduce_sum3A_601 = vector.multi_reduction <add>, %reduce_sum3A_599, %reduce_sum3A_600 [1, 2] : vector<1x8x76xf32> to vector<1xf32>
    %reduce_sum3A_602 = vector.shape_cast %reduce_sum3A_601 : vector<1xf32> to vector<1x1x1xf32>
    %reduce_sum3A_603 = vector.extract %reduce_sum3A_602[0, 0, 0] : f32 from vector<1x1x1xf32>
    %reshape3A_604 = vector.broadcast %reduce_sum3A_603 : f32 to vector<1x1x1xf32>
    %get3A_605 = arith.constant 0 : index
    %get3A_606 = arith.constant 0 : index
    %get3A_607 = arith.constant 0 : index
    %get3A_608 = arith.constant 0 : index
    %get3A_609 = vector.load %arg23[%get3A_605, %get3A_606, %get3A_607, %get3A_608] : memref<1x1x8x76xf32, #tpu.memory_space<vmem>>, vector<1x1x8x76xf32>
    %get3A_610 = vector.shape_cast %get3A_609 : vector<1x1x8x76xf32> to vector<8x76xf32>
    %jit3A_611 = arith.constant 0.000000e+00 : f32
    %broadcast_in_dim3A_612 = vector.broadcast %jit3A_611 : f32 to vector<8x76xf32>
    %select_n3A_613 = arith.select %and3A_589, %get3A_610, %broadcast_in_dim3A_612 : vector<8x76xi1>, vector<8x76xf32>
    %reduce_sum3A_614 = vector.shape_cast %select_n3A_613 : vector<8x76xf32> to vector<1x8x76xf32>
    %reduce_sum3A_615 = arith.constant dense<0.000000e+00> : vector<1xf32>
    %reduce_sum3A_616 = vector.multi_reduction <add>, %reduce_sum3A_614, %reduce_sum3A_615 [1, 2] : vector<1x8x76xf32> to vector<1xf32>
    %reduce_sum3A_617 = vector.shape_cast %reduce_sum3A_616 : vector<1xf32> to vector<1x1x1xf32>
    %reduce_sum3A_618 = vector.extract %reduce_sum3A_617[0, 0, 0] : f32 from vector<1x1x1xf32>
    %reshape3A_619 = vector.broadcast %reduce_sum3A_618 : f32 to vector<1x1x1xf32>
    %get3A_620 = arith.constant 0 : index
    %get3A_621 = arith.constant 0 : index
    %get3A_622 = arith.constant 0 : index
    %get3A_623 = arith.constant 0 : index
    %get3A_624 = vector.load %arg31[%get3A_620, %get3A_621, %get3A_622, %get3A_623] : memref<1x1x8x76xf32, #tpu.memory_space<vmem>>, vector<1x1x8x76xf32>
    %get3A_625 = vector.shape_cast %get3A_624 : vector<1x1x8x76xf32> to vector<8x76xf32>
    %jit3A_626 = arith.constant 0.000000e+00 : f32
    %broadcast_in_dim3A_627 = vector.broadcast %jit3A_626 : f32 to vector<8x76xf32>
    %select_n3A_628 = arith.select %and3A_589, %get3A_625, %broadcast_in_dim3A_627 : vector<8x76xi1>, vector<8x76xf32>
    %reduce_sum3A_629 = vector.shape_cast %select_n3A_628 : vector<8x76xf32> to vector<1x8x76xf32>
    %reduce_sum3A_630 = arith.constant dense<0.000000e+00> : vector<1xf32>
    %reduce_sum3A_631 = vector.multi_reduction <add>, %reduce_sum3A_629, %reduce_sum3A_630 [1, 2] : vector<1x8x76xf32> to vector<1xf32>
    %reduce_sum3A_632 = vector.shape_cast %reduce_sum3A_631 : vector<1xf32> to vector<1x1x1xf32>
    %reduce_sum3A_633 = vector.extract %reduce_sum3A_632[0, 0, 0] : f32 from vector<1x1x1xf32>
    %reshape3A_634 = vector.broadcast %reduce_sum3A_633 : f32 to vector<1x1x1xf32>
    %get3A_635 = arith.constant 0 : index
    %get3A_636 = arith.constant 0 : index
    %get3A_637 = arith.constant 0 : index
    %get3A_638 = arith.constant 0 : index
    %get3A_639 = vector.load %arg39[%get3A_635, %get3A_636, %get3A_637, %get3A_638] : memref<1x1x8x76xf32, #tpu.memory_space<vmem>>, vector<1x1x8x76xf32>
    %get3A_640 = vector.shape_cast %get3A_639 : vector<1x1x8x76xf32> to vector<8x76xf32>
    %jit3A_641 = arith.constant 0.000000e+00 : f32
    %broadcast_in_dim3A_642 = vector.broadcast %jit3A_641 : f32 to vector<8x76xf32>
    %select_n3A_643 = arith.select %and3A_589, %get3A_640, %broadcast_in_dim3A_642 : vector<8x76xi1>, vector<8x76xf32>
    %reduce_sum3A_644 = vector.shape_cast %select_n3A_643 : vector<8x76xf32> to vector<1x8x76xf32>
    %reduce_sum3A_645 = arith.constant dense<0.000000e+00> : vector<1xf32>
    %reduce_sum3A_646 = vector.multi_reduction <add>, %reduce_sum3A_644, %reduce_sum3A_645 [1, 2] : vector<1x8x76xf32> to vector<1xf32>
    %reduce_sum3A_647 = vector.shape_cast %reduce_sum3A_646 : vector<1xf32> to vector<1x1x1xf32>
    %reduce_sum3A_648 = vector.extract %reduce_sum3A_647[0, 0, 0] : f32 from vector<1x1x1xf32>
    %reshape3A_649 = vector.broadcast %reduce_sum3A_648 : f32 to vector<1x1x1xf32>
    %concatenate3A_650 = tpu.concatenate %reshape3A_604, %reshape3A_619, %reshape3A_634, %reshape3A_649 in 2 : vector<1x1x1xf32>, vector<1x1x1xf32>, vector<1x1x1xf32>, vector<1x1x1xf32> -> vector<1x1x4xf32>
    %mul3A_651 = arith.constant 8 : i32
    %mul3A_652 = arith.muli %mul3A_651, %arg0 : i32
    %add3A_653 = arith.constant 6 : i32
    %add3A_654 = arith.addi %mul3A_652, %add3A_653 : i32
    %get3A_655 = arith.constant 0 : index
    %get3A_656 = arith.index_cast %add3A_654 : i32 to index
    %get3A_657 = memref.load %arg1[%get3A_655, %get3A_656] : memref<4x64xi32, #tpu.memory_space<smem>>
    %get3A_658 = arith.constant 3 : index
    %get3A_659 = arith.index_cast %add3A_654 : i32 to index
    %get3A_660 = memref.load %arg1[%get3A_658, %get3A_659] : memref<4x64xi32, #tpu.memory_space<smem>>
    %jit3A_661 = arith.constant 8 : i32
    %eq3A_662 = arith.constant 0 : i32
    %eq3A_663 = arith.cmpi eq, %jit3A_661, %eq3A_662 : i32
    %jit3A_664 = arith.constant 1 : i32
    %select_n3A_665 = arith.select %eq3A_663, %jit3A_664, %jit3A_661 : i32
    %rem3A_666 = arith.remsi %get3A_657, %select_n3A_665 : i32
    %ne3A_667 = arith.constant 0 : i32
    %ne3A_668 = arith.cmpi ne, %rem3A_666, %ne3A_667 : i32
    %lt3A_669 = arith.constant 0 : i32
    %lt3A_670 = arith.cmpi slt, %rem3A_666, %lt3A_669 : i32
    %lt3A_671 = arith.constant 0 : i32
    %lt3A_672 = arith.cmpi slt, %select_n3A_665, %lt3A_671 : i32
    %ne3A_673 = arith.xori %lt3A_670, %lt3A_672 : i1
    %and3A_674 = arith.andi %ne3A_673, %ne3A_668 : i1
    %add3A_675 = arith.addi %rem3A_666, %select_n3A_665 : i32
    %select_n3A_676 = arith.select %and3A_674, %add3A_675, %rem3A_666 : i32
    %get3A_677 = arith.constant 0 : index
    %get3A_678 = arith.constant 0 : index
    %get3A_679 = arith.constant 0 : index
    %get3A_680 = arith.constant 0 : index
    %get3A_681 = arith.constant 0 : index
    %get3A_682 = vector.load %arg8[%get3A_677, %get3A_678, %get3A_679, %get3A_680, %get3A_681] : memref<1x1x1x8x80xf32, #tpu.memory_space<vmem>>, vector<1x1x1x8x80xf32>
    %get3A_683 = vector.shape_cast %get3A_682 : vector<1x1x1x8x80xf32> to vector<8x80xf32>
    %iota3A_684 = tpu.iota {dimensions = array<i32: 0>} : vector<8x80xi32>
    %eq3A_685 = vector.broadcast %select_n3A_676 : i32 to vector<8x80xi32>
    %eq3A_686 = arith.cmpi eq, %iota3A_684, %eq3A_685 : vector<8x80xi32>
    %jit3A_687 = arith.constant 0.000000e+00 : f32
    %broadcast_in_dim3A_688 = vector.broadcast %jit3A_687 : f32 to vector<8x80xf32>
    %select_n3A_689 = arith.select %eq3A_686, %get3A_683, %broadcast_in_dim3A_688 : vector<8x80xi1>, vector<8x80xf32>
    %reduce_sum3A_690 = arith.constant dense<0.000000e+00> : vector<80xf32>
    %reduce_sum3A_691 = vector.multi_reduction <add>, %select_n3A_689, %reduce_sum3A_690 [0] : vector<8x80xf32> to vector<80xf32>
    %broadcast_in_dim3A_692 = vector.shape_cast %reduce_sum3A_691 : vector<80xf32> to vector<1x80xf32>
    %broadcast_in_dim3A_693 = vector.shape_cast %broadcast_in_dim3A_692 : vector<1x80xf32> to vector<1x1x80xf32>
    %iota3A_694 = tpu.iota {dimensions = array<i32: 0>} : vector<8x76xi32>
    %eq3A_695 = vector.broadcast %select_n3A_676 : i32 to vector<8x76xi32>
    %eq3A_696 = arith.cmpi eq, %iota3A_694, %eq3A_695 : vector<8x76xi32>
    %iota3A_697 = tpu.iota {dimensions = array<i32: 1>} : vector<8x76xi32>
    %eq3A_698 = vector.broadcast %get3A_660 : i32 to vector<8x76xi32>
    %eq3A_699 = arith.cmpi eq, %iota3A_697, %eq3A_698 : vector<8x76xi32>
    %and3A_700 = arith.andi %eq3A_696, %eq3A_699 : vector<8x76xi1>
    %get3A_701 = arith.constant 0 : index
    %get3A_702 = arith.constant 0 : index
    %get3A_703 = arith.constant 0 : index
    %get3A_704 = arith.constant 0 : index
    %get3A_705 = vector.load %arg16[%get3A_701, %get3A_702, %get3A_703, %get3A_704] : memref<1x1x8x76xf32, #tpu.memory_space<vmem>>, vector<1x1x8x76xf32>
    %get3A_706 = vector.shape_cast %get3A_705 : vector<1x1x8x76xf32> to vector<8x76xf32>
    %jit3A_707 = arith.constant 0.000000e+00 : f32
    %broadcast_in_dim3A_708 = vector.broadcast %jit3A_707 : f32 to vector<8x76xf32>
    %select_n3A_709 = arith.select %and3A_700, %get3A_706, %broadcast_in_dim3A_708 : vector<8x76xi1>, vector<8x76xf32>
    %reduce_sum3A_710 = vector.shape_cast %select_n3A_709 : vector<8x76xf32> to vector<1x8x76xf32>
    %reduce_sum3A_711 = arith.constant dense<0.000000e+00> : vector<1xf32>
    %reduce_sum3A_712 = vector.multi_reduction <add>, %reduce_sum3A_710, %reduce_sum3A_711 [1, 2] : vector<1x8x76xf32> to vector<1xf32>
    %reduce_sum3A_713 = vector.shape_cast %reduce_sum3A_712 : vector<1xf32> to vector<1x1x1xf32>
    %reduce_sum3A_714 = vector.extract %reduce_sum3A_713[0, 0, 0] : f32 from vector<1x1x1xf32>
    %reshape3A_715 = vector.broadcast %reduce_sum3A_714 : f32 to vector<1x1x1xf32>
    %get3A_716 = arith.constant 0 : index
    %get3A_717 = arith.constant 0 : index
    %get3A_718 = arith.constant 0 : index
    %get3A_719 = arith.constant 0 : index
    %get3A_720 = vector.load %arg24[%get3A_716, %get3A_717, %get3A_718, %get3A_719] : memref<1x1x8x76xf32, #tpu.memory_space<vmem>>, vector<1x1x8x76xf32>
    %get3A_721 = vector.shape_cast %get3A_720 : vector<1x1x8x76xf32> to vector<8x76xf32>
    %jit3A_722 = arith.constant 0.000000e+00 : f32
    %broadcast_in_dim3A_723 = vector.broadcast %jit3A_722 : f32 to vector<8x76xf32>
    %select_n3A_724 = arith.select %and3A_700, %get3A_721, %broadcast_in_dim3A_723 : vector<8x76xi1>, vector<8x76xf32>
    %reduce_sum3A_725 = vector.shape_cast %select_n3A_724 : vector<8x76xf32> to vector<1x8x76xf32>
    %reduce_sum3A_726 = arith.constant dense<0.000000e+00> : vector<1xf32>
    %reduce_sum3A_727 = vector.multi_reduction <add>, %reduce_sum3A_725, %reduce_sum3A_726 [1, 2] : vector<1x8x76xf32> to vector<1xf32>
    %reduce_sum3A_728 = vector.shape_cast %reduce_sum3A_727 : vector<1xf32> to vector<1x1x1xf32>
    %reduce_sum3A_729 = vector.extract %reduce_sum3A_728[0, 0, 0] : f32 from vector<1x1x1xf32>
    %reshape3A_730 = vector.broadcast %reduce_sum3A_729 : f32 to vector<1x1x1xf32>
    %get3A_731 = arith.constant 0 : index
    %get3A_732 = arith.constant 0 : index
    %get3A_733 = arith.constant 0 : index
    %get3A_734 = arith.constant 0 : index
    %get3A_735 = vector.load %arg32[%get3A_731, %get3A_732, %get3A_733, %get3A_734] : memref<1x1x8x76xf32, #tpu.memory_space<vmem>>, vector<1x1x8x76xf32>
    %get3A_736 = vector.shape_cast %get3A_735 : vector<1x1x8x76xf32> to vector<8x76xf32>
    %jit3A_737 = arith.constant 0.000000e+00 : f32
    %broadcast_in_dim3A_738 = vector.broadcast %jit3A_737 : f32 to vector<8x76xf32>
    %select_n3A_739 = arith.select %and3A_700, %get3A_736, %broadcast_in_dim3A_738 : vector<8x76xi1>, vector<8x76xf32>
    %reduce_sum3A_740 = vector.shape_cast %select_n3A_739 : vector<8x76xf32> to vector<1x8x76xf32>
    %reduce_sum3A_741 = arith.constant dense<0.000000e+00> : vector<1xf32>
    %reduce_sum3A_742 = vector.multi_reduction <add>, %reduce_sum3A_740, %reduce_sum3A_741 [1, 2] : vector<1x8x76xf32> to vector<1xf32>
    %reduce_sum3A_743 = vector.shape_cast %reduce_sum3A_742 : vector<1xf32> to vector<1x1x1xf32>
    %reduce_sum3A_744 = vector.extract %reduce_sum3A_743[0, 0, 0] : f32 from vector<1x1x1xf32>
    %reshape3A_745 = vector.broadcast %reduce_sum3A_744 : f32 to vector<1x1x1xf32>
    %get3A_746 = arith.constant 0 : index
    %get3A_747 = arith.constant 0 : index
    %get3A_748 = arith.constant 0 : index
    %get3A_749 = arith.constant 0 : index
    %get3A_750 = vector.load %arg40[%get3A_746, %get3A_747, %get3A_748, %get3A_749] : memref<1x1x8x76xf32, #tpu.memory_space<vmem>>, vector<1x1x8x76xf32>
    %get3A_751 = vector.shape_cast %get3A_750 : vector<1x1x8x76xf32> to vector<8x76xf32>
    %jit3A_752 = arith.constant 0.000000e+00 : f32
    %broadcast_in_dim3A_753 = vector.broadcast %jit3A_752 : f32 to vector<8x76xf32>
    %select_n3A_754 = arith.select %and3A_700, %get3A_751, %broadcast_in_dim3A_753 : vector<8x76xi1>, vector<8x76xf32>
    %reduce_sum3A_755 = vector.shape_cast %select_n3A_754 : vector<8x76xf32> to vector<1x8x76xf32>
    %reduce_sum3A_756 = arith.constant dense<0.000000e+00> : vector<1xf32>
    %reduce_sum3A_757 = vector.multi_reduction <add>, %reduce_sum3A_755, %reduce_sum3A_756 [1, 2] : vector<1x8x76xf32> to vector<1xf32>
    %reduce_sum3A_758 = vector.shape_cast %reduce_sum3A_757 : vector<1xf32> to vector<1x1x1xf32>
    %reduce_sum3A_759 = vector.extract %reduce_sum3A_758[0, 0, 0] : f32 from vector<1x1x1xf32>
    %reshape3A_760 = vector.broadcast %reduce_sum3A_759 : f32 to vector<1x1x1xf32>
    %concatenate3A_761 = tpu.concatenate %reshape3A_715, %reshape3A_730, %reshape3A_745, %reshape3A_760 in 2 : vector<1x1x1xf32>, vector<1x1x1xf32>, vector<1x1x1xf32>, vector<1x1x1xf32> -> vector<1x1x4xf32>
    %mul3A_762 = arith.constant 8 : i32
    %mul3A_763 = arith.muli %mul3A_762, %arg0 : i32
    %add3A_764 = arith.constant 7 : i32
    %add3A_765 = arith.addi %mul3A_763, %add3A_764 : i32
    %get3A_766 = arith.constant 0 : index
    %get3A_767 = arith.index_cast %add3A_765 : i32 to index
    %get3A_768 = memref.load %arg1[%get3A_766, %get3A_767] : memref<4x64xi32, #tpu.memory_space<smem>>
    %get3A_769 = arith.constant 3 : index
    %get3A_770 = arith.index_cast %add3A_765 : i32 to index
    %get3A_771 = memref.load %arg1[%get3A_769, %get3A_770] : memref<4x64xi32, #tpu.memory_space<smem>>
    %jit3A_772 = arith.constant 8 : i32
    %eq3A_773 = arith.constant 0 : i32
    %eq3A_774 = arith.cmpi eq, %jit3A_772, %eq3A_773 : i32
    %jit3A_775 = arith.constant 1 : i32
    %select_n3A_776 = arith.select %eq3A_774, %jit3A_775, %jit3A_772 : i32
    %rem3A_777 = arith.remsi %get3A_768, %select_n3A_776 : i32
    %ne3A_778 = arith.constant 0 : i32
    %ne3A_779 = arith.cmpi ne, %rem3A_777, %ne3A_778 : i32
    %lt3A_780 = arith.constant 0 : i32
    %lt3A_781 = arith.cmpi slt, %rem3A_777, %lt3A_780 : i32
    %lt3A_782 = arith.constant 0 : i32
    %lt3A_783 = arith.cmpi slt, %select_n3A_776, %lt3A_782 : i32
    %ne3A_784 = arith.xori %lt3A_781, %lt3A_783 : i1
    %and3A_785 = arith.andi %ne3A_784, %ne3A_779 : i1
    %add3A_786 = arith.addi %rem3A_777, %select_n3A_776 : i32
    %select_n3A_787 = arith.select %and3A_785, %add3A_786, %rem3A_777 : i32
    %get3A_788 = arith.constant 0 : index
    %get3A_789 = arith.constant 0 : index
    %get3A_790 = arith.constant 0 : index
    %get3A_791 = arith.constant 0 : index
    %get3A_792 = arith.constant 0 : index
    %get3A_793 = vector.load %arg9[%get3A_788, %get3A_789, %get3A_790, %get3A_791, %get3A_792] : memref<1x1x1x8x80xf32, #tpu.memory_space<vmem>>, vector<1x1x1x8x80xf32>
    %get3A_794 = vector.shape_cast %get3A_793 : vector<1x1x1x8x80xf32> to vector<8x80xf32>
    %iota3A_795 = tpu.iota {dimensions = array<i32: 0>} : vector<8x80xi32>
    %eq3A_796 = vector.broadcast %select_n3A_787 : i32 to vector<8x80xi32>
    %eq3A_797 = arith.cmpi eq, %iota3A_795, %eq3A_796 : vector<8x80xi32>
    %jit3A_798 = arith.constant 0.000000e+00 : f32
    %broadcast_in_dim3A_799 = vector.broadcast %jit3A_798 : f32 to vector<8x80xf32>
    %select_n3A_800 = arith.select %eq3A_797, %get3A_794, %broadcast_in_dim3A_799 : vector<8x80xi1>, vector<8x80xf32>
    %reduce_sum3A_801 = arith.constant dense<0.000000e+00> : vector<80xf32>
    %reduce_sum3A_802 = vector.multi_reduction <add>, %select_n3A_800, %reduce_sum3A_801 [0] : vector<8x80xf32> to vector<80xf32>
    %broadcast_in_dim3A_803 = vector.shape_cast %reduce_sum3A_802 : vector<80xf32> to vector<1x80xf32>
    %broadcast_in_dim3A_804 = vector.shape_cast %broadcast_in_dim3A_803 : vector<1x80xf32> to vector<1x1x80xf32>
    %iota3A_805 = tpu.iota {dimensions = array<i32: 0>} : vector<8x76xi32>
    %eq3A_806 = vector.broadcast %select_n3A_787 : i32 to vector<8x76xi32>
    %eq3A_807 = arith.cmpi eq, %iota3A_805, %eq3A_806 : vector<8x76xi32>
    %iota3A_808 = tpu.iota {dimensions = array<i32: 1>} : vector<8x76xi32>
    %eq3A_809 = vector.broadcast %get3A_771 : i32 to vector<8x76xi32>
    %eq3A_810 = arith.cmpi eq, %iota3A_808, %eq3A_809 : vector<8x76xi32>
    %and3A_811 = arith.andi %eq3A_807, %eq3A_810 : vector<8x76xi1>
    %get3A_812 = arith.constant 0 : index
    %get3A_813 = arith.constant 0 : index
    %get3A_814 = arith.constant 0 : index
    %get3A_815 = arith.constant 0 : index
    %get3A_816 = vector.load %arg17[%get3A_812, %get3A_813, %get3A_814, %get3A_815] : memref<1x1x8x76xf32, #tpu.memory_space<vmem>>, vector<1x1x8x76xf32>
    %get3A_817 = vector.shape_cast %get3A_816 : vector<1x1x8x76xf32> to vector<8x76xf32>
    %jit3A_818 = arith.constant 0.000000e+00 : f32
    %broadcast_in_dim3A_819 = vector.broadcast %jit3A_818 : f32 to vector<8x76xf32>
    %select_n3A_820 = arith.select %and3A_811, %get3A_817, %broadcast_in_dim3A_819 : vector<8x76xi1>, vector<8x76xf32>
    %reduce_sum3A_821 = vector.shape_cast %select_n3A_820 : vector<8x76xf32> to vector<1x8x76xf32>
    %reduce_sum3A_822 = arith.constant dense<0.000000e+00> : vector<1xf32>
    %reduce_sum3A_823 = vector.multi_reduction <add>, %reduce_sum3A_821, %reduce_sum3A_822 [1, 2] : vector<1x8x76xf32> to vector<1xf32>
    %reduce_sum3A_824 = vector.shape_cast %reduce_sum3A_823 : vector<1xf32> to vector<1x1x1xf32>
    %reduce_sum3A_825 = vector.extract %reduce_sum3A_824[0, 0, 0] : f32 from vector<1x1x1xf32>
    %reshape3A_826 = vector.broadcast %reduce_sum3A_825 : f32 to vector<1x1x1xf32>
    %get3A_827 = arith.constant 0 : index
    %get3A_828 = arith.constant 0 : index
    %get3A_829 = arith.constant 0 : index
    %get3A_830 = arith.constant 0 : index
    %get3A_831 = vector.load %arg25[%get3A_827, %get3A_828, %get3A_829, %get3A_830] : memref<1x1x8x76xf32, #tpu.memory_space<vmem>>, vector<1x1x8x76xf32>
    %get3A_832 = vector.shape_cast %get3A_831 : vector<1x1x8x76xf32> to vector<8x76xf32>
    %jit3A_833 = arith.constant 0.000000e+00 : f32
    %broadcast_in_dim3A_834 = vector.broadcast %jit3A_833 : f32 to vector<8x76xf32>
    %select_n3A_835 = arith.select %and3A_811, %get3A_832, %broadcast_in_dim3A_834 : vector<8x76xi1>, vector<8x76xf32>
    %reduce_sum3A_836 = vector.shape_cast %select_n3A_835 : vector<8x76xf32> to vector<1x8x76xf32>
    %reduce_sum3A_837 = arith.constant dense<0.000000e+00> : vector<1xf32>
    %reduce_sum3A_838 = vector.multi_reduction <add>, %reduce_sum3A_836, %reduce_sum3A_837 [1, 2] : vector<1x8x76xf32> to vector<1xf32>
    %reduce_sum3A_839 = vector.shape_cast %reduce_sum3A_838 : vector<1xf32> to vector<1x1x1xf32>
    %reduce_sum3A_840 = vector.extract %reduce_sum3A_839[0, 0, 0] : f32 from vector<1x1x1xf32>
    %reshape3A_841 = vector.broadcast %reduce_sum3A_840 : f32 to vector<1x1x1xf32>
    %get3A_842 = arith.constant 0 : index
    %get3A_843 = arith.constant 0 : index
    %get3A_844 = arith.constant 0 : index
    %get3A_845 = arith.constant 0 : index
    %get3A_846 = vector.load %arg33[%get3A_842, %get3A_843, %get3A_844, %get3A_845] : memref<1x1x8x76xf32, #tpu.memory_space<vmem>>, vector<1x1x8x76xf32>
    %get3A_847 = vector.shape_cast %get3A_846 : vector<1x1x8x76xf32> to vector<8x76xf32>
    %jit3A_848 = arith.constant 0.000000e+00 : f32
    %broadcast_in_dim3A_849 = vector.broadcast %jit3A_848 : f32 to vector<8x76xf32>
    %select_n3A_850 = arith.select %and3A_811, %get3A_847, %broadcast_in_dim3A_849 : vector<8x76xi1>, vector<8x76xf32>
    %reduce_sum3A_851 = vector.shape_cast %select_n3A_850 : vector<8x76xf32> to vector<1x8x76xf32>
    %reduce_sum3A_852 = arith.constant dense<0.000000e+00> : vector<1xf32>
    %reduce_sum3A_853 = vector.multi_reduction <add>, %reduce_sum3A_851, %reduce_sum3A_852 [1, 2] : vector<1x8x76xf32> to vector<1xf32>
    %reduce_sum3A_854 = vector.shape_cast %reduce_sum3A_853 : vector<1xf32> to vector<1x1x1xf32>
    %reduce_sum3A_855 = vector.extract %reduce_sum3A_854[0, 0, 0] : f32 from vector<1x1x1xf32>
    %reshape3A_856 = vector.broadcast %reduce_sum3A_855 : f32 to vector<1x1x1xf32>
    %get3A_857 = arith.constant 0 : index
    %get3A_858 = arith.constant 0 : index
    %get3A_859 = arith.constant 0 : index
    %get3A_860 = arith.constant 0 : index
    %get3A_861 = vector.load %arg41[%get3A_857, %get3A_858, %get3A_859, %get3A_860] : memref<1x1x8x76xf32, #tpu.memory_space<vmem>>, vector<1x1x8x76xf32>
    %get3A_862 = vector.shape_cast %get3A_861 : vector<1x1x8x76xf32> to vector<8x76xf32>
    %jit3A_863 = arith.constant 0.000000e+00 : f32
    %broadcast_in_dim3A_864 = vector.broadcast %jit3A_863 : f32 to vector<8x76xf32>
    %select_n3A_865 = arith.select %and3A_811, %get3A_862, %broadcast_in_dim3A_864 : vector<8x76xi1>, vector<8x76xf32>
    %reduce_sum3A_866 = vector.shape_cast %select_n3A_865 : vector<8x76xf32> to vector<1x8x76xf32>
    %reduce_sum3A_867 = arith.constant dense<0.000000e+00> : vector<1xf32>
    %reduce_sum3A_868 = vector.multi_reduction <add>, %reduce_sum3A_866, %reduce_sum3A_867 [1, 2] : vector<1x8x76xf32> to vector<1xf32>
    %reduce_sum3A_869 = vector.shape_cast %reduce_sum3A_868 : vector<1xf32> to vector<1x1x1xf32>
    %reduce_sum3A_870 = vector.extract %reduce_sum3A_869[0, 0, 0] : f32 from vector<1x1x1xf32>
    %reshape3A_871 = vector.broadcast %reduce_sum3A_870 : f32 to vector<1x1x1xf32>
    %concatenate3A_872 = tpu.concatenate %reshape3A_826, %reshape3A_841, %reshape3A_856, %reshape3A_871 in 2 : vector<1x1x1xf32>, vector<1x1x1xf32>, vector<1x1x1xf32>, vector<1x1x1xf32> -> vector<1x1x4xf32>
    %concatenate3A_873 = tpu.concatenate %broadcast_in_dim3A_29, %broadcast_in_dim3A_138, %broadcast_in_dim3A_249, %broadcast_in_dim3A_360, %broadcast_in_dim3A_471, %broadcast_in_dim3A_582, %broadcast_in_dim3A_693, %broadcast_in_dim3A_804 in 0 : vector<1x1x80xf32>, vector<1x1x80xf32>, vector<1x1x80xf32>, vector<1x1x80xf32>, vector<1x1x80xf32>, vector<1x1x80xf32>, vector<1x1x80xf32>, vector<1x1x80xf32> -> vector<8x1x80xf32>
    %swap3A = arith.constant 0 : index
    %swap3A_874 = arith.constant 0 : index
    %swap3A_875 = arith.constant 0 : index
    %swap3A_876 = vector.load %arg42[%swap3A, %swap3A_874, %swap3A_875] : memref<8x1x80xf32, #tpu.memory_space<vmem>>, vector<8x1x80xf32>
    tpu.vector_store %arg42[%swap3A, %swap3A_874, %swap3A_875], %concatenate3A_873 {strides = array<i32>} : memref<8x1x80xf32, #tpu.memory_space<vmem>>, vector<8x1x80xf32>,
    %concatenate3A_877 = tpu.concatenate %concatenate3A, %concatenate3A_206, %concatenate3A_317, %concatenate3A_428, %concatenate3A_539, %concatenate3A_650, %concatenate3A_761, %concatenate3A_872 in 0 : vector<1x1x4xf32>, vector<1x1x4xf32>, vector<1x1x4xf32>, vector<1x1x4xf32>, vector<1x1x4xf32>, vector<1x1x4xf32>, vector<1x1x4xf32>, vector<1x1x4xf32> -> vector<8x1x4xf32>
    %swap3A_878 = arith.constant 0 : index
    %swap3A_879 = arith.constant 0 : index
    %swap3A_880 = arith.constant 0 : index
    %swap3A_881 = vector.load %arg43[%swap3A_878, %swap3A_879, %swap3A_880] : memref<8x1x4xf32, #tpu.memory_space<vmem>>, vector<8x1x4xf32>
    tpu.vector_store %arg43[%swap3A_878, %swap3A_879, %swap3A_880], %concatenate3A_877 {strides = array<i32>} : memref<8x1x4xf32, #tpu.memory_space<vmem>>, vector<8x1x4xf32>,
    return
  }
  func.func @transform_0(%arg0: i32, %arg1: memref<4x64xi32, #tpu.memory_space<smem>>) -> (i32, i32, i32, i32, i32) {
    %mul3A = arith.constant 8 : i32
    %mul3A_0 = arith.muli %mul3A, %arg0 : i32
    %add3A = arith.constant 0 : i32
    %add3A_1 = arith.addi %mul3A_0, %add3A : i32
    %get3A = arith.constant 1 : index
    %get3A_2 = arith.index_cast %add3A_1 : i32 to index
    %get3A_3 = memref.load %arg1[%get3A, %get3A_2] : memref<4x64xi32, #tpu.memory_space<smem>>
    %mul3A_4 = arith.constant 8 : i32
    %mul3A_5 = arith.muli %mul3A_4, %arg0 : i32
    %add3A_6 = arith.constant 0 : i32
    %add3A_7 = arith.addi %mul3A_5, %add3A_6 : i32
    %get3A_8 = arith.constant 2 : index
    %get3A_9 = arith.index_cast %add3A_7 : i32 to index
    %get3A_10 = memref.load %arg1[%get3A_8, %get3A_9] : memref<4x64xi32, #tpu.memory_space<smem>>
    %mul3A_11 = arith.constant 8 : i32
    %mul3A_12 = arith.muli %mul3A_11, %arg0 : i32
    %add3A_13 = arith.constant 0 : i32
    %add3A_14 = arith.addi %mul3A_12, %add3A_13 : i32
    %get3A_15 = arith.constant 3 : index
    %get3A_16 = arith.index_cast %add3A_14 : i32 to index
    %get3A_17 = memref.load %arg1[%get3A_15, %get3A_16] : memref<4x64xi32, #tpu.memory_space<smem>>
    %mul3A_18 = arith.constant 8 : i32
    %mul3A_19 = arith.muli %mul3A_18, %arg0 : i32
    %add3A_20 = arith.constant 0 : i32
    %add3A_21 = arith.addi %mul3A_19, %add3A_20 : i32
    %get3A_22 = arith.constant 0 : index
    %get3A_23 = arith.index_cast %add3A_21 : i32 to index
    %get3A_24 = memref.load %arg1[%get3A_22, %get3A_23] : memref<4x64xi32, #tpu.memory_space<smem>>
    %jit3A = arith.constant 8 : i32
    %div3A = arith.divsi %get3A_24, %jit3A : i32
    %sign3A = arith.constant 0 : i32
    %sign3A_25 = arith.cmpi sgt, %get3A_24, %sign3A : i32
    %sign3A_26 = arith.extui %sign3A_25 : i1 to i32
    %sign3A_27 = arith.constant 0 : i32
    %sign3A_28 = arith.cmpi slt, %get3A_24, %sign3A_27 : i32
    %sign3A_29 = arith.extui %sign3A_28 : i1 to i32
    %sign3A_30 = arith.subi %sign3A_26, %sign3A_29 : i32
    %sign3A_31 = arith.constant 0 : i32
    %sign3A_32 = arith.cmpi sgt, %jit3A, %sign3A_31 : i32
    %sign3A_33 = arith.extui %sign3A_32 : i1 to i32
    %sign3A_34 = arith.constant 0 : i32
    %sign3A_35 = arith.cmpi slt, %jit3A, %sign3A_34 : i32
    %sign3A_36 = arith.extui %sign3A_35 : i1 to i32
    %sign3A_37 = arith.subi %sign3A_33, %sign3A_36 : i32
    %ne3A = arith.cmpi ne, %sign3A_30, %sign3A_37 : i32
    %rem3A = arith.remsi %get3A_24, %jit3A : i32
    %ne3A_38 = arith.constant 0 : i32
    %ne3A_39 = arith.cmpi ne, %rem3A, %ne3A_38 : i32
    %and3A = arith.andi %ne3A, %ne3A_39 : i1
    %sub3A = arith.constant 1 : i32
    %sub3A_40 = arith.subi %div3A, %sub3A : i32
    %select_n3A = arith.select %and3A, %sub3A_40, %div3A : i32
    %c0_i32 = arith.constant 0 : i32
    %c0_i32_41 = arith.constant 0 : i32
    return %get3A_3, %get3A_10, %get3A_17, %select_n3A, %c0_i32 : i32, i32, i32, i32, i32
  }
  func.func @transform_1(%arg0: i32, %arg1: memref<4x64xi32, #tpu.memory_space<smem>>) -> (i32, i32, i32, i32, i32) {
    %mul3A = arith.constant 8 : i32
    %mul3A_0 = arith.muli %mul3A, %arg0 : i32
    %add3A = arith.constant 1 : i32
    %add3A_1 = arith.addi %mul3A_0, %add3A : i32
    %get3A = arith.constant 1 : index
    %get3A_2 = arith.index_cast %add3A_1 : i32 to index
    %get3A_3 = memref.load %arg1[%get3A, %get3A_2] : memref<4x64xi32, #tpu.memory_space<smem>>
    %mul3A_4 = arith.constant 8 : i32
    %mul3A_5 = arith.muli %mul3A_4, %arg0 : i32
    %add3A_6 = arith.constant 1 : i32
    %add3A_7 = arith.addi %mul3A_5, %add3A_6 : i32
    %get3A_8 = arith.constant 2 : index
    %get3A_9 = arith.index_cast %add3A_7 : i32 to index
    %get3A_10 = memref.load %arg1[%get3A_8, %get3A_9] : memref<4x64xi32, #tpu.memory_space<smem>>
    %mul3A_11 = arith.constant 8 : i32
    %mul3A_12 = arith.muli %mul3A_11, %arg0 : i32
    %add3A_13 = arith.constant 1 : i32
    %add3A_14 = arith.addi %mul3A_12, %add3A_13 : i32
    %get3A_15 = arith.constant 3 : index
    %get3A_16 = arith.index_cast %add3A_14 : i32 to index
    %get3A_17 = memref.load %arg1[%get3A_15, %get3A_16] : memref<4x64xi32, #tpu.memory_space<smem>>
    %mul3A_18 = arith.constant 8 : i32
    %mul3A_19 = arith.muli %mul3A_18, %arg0 : i32
    %add3A_20 = arith.constant 1 : i32
    %add3A_21 = arith.addi %mul3A_19, %add3A_20 : i32
    %get3A_22 = arith.constant 0 : index
    %get3A_23 = arith.index_cast %add3A_21 : i32 to index
    %get3A_24 = memref.load %arg1[%get3A_22, %get3A_23] : memref<4x64xi32, #tpu.memory_space<smem>>
    %jit3A = arith.constant 8 : i32
    %div3A = arith.divsi %get3A_24, %jit3A : i32
    %sign3A = arith.constant 0 : i32
    %sign3A_25 = arith.cmpi sgt, %get3A_24, %sign3A : i32
    %sign3A_26 = arith.extui %sign3A_25 : i1 to i32
    %sign3A_27 = arith.constant 0 : i32
    %sign3A_28 = arith.cmpi slt, %get3A_24, %sign3A_27 : i32
    %sign3A_29 = arith.extui %sign3A_28 : i1 to i32
    %sign3A_30 = arith.subi %sign3A_26, %sign3A_29 : i32
    %sign3A_31 = arith.constant 0 : i32
    %sign3A_32 = arith.cmpi sgt, %jit3A, %sign3A_31 : i32
    %sign3A_33 = arith.extui %sign3A_32 : i1 to i32
    %sign3A_34 = arith.constant 0 : i32
    %sign3A_35 = arith.cmpi slt, %jit3A, %sign3A_34 : i32
    %sign3A_36 = arith.extui %sign3A_35 : i1 to i32
    %sign3A_37 = arith.subi %sign3A_33, %sign3A_36 : i32
    %ne3A = arith.cmpi ne, %sign3A_30, %sign3A_37 : i32
    %rem3A = arith.remsi %get3A_24, %jit3A : i32
    %ne3A_38 = arith.constant 0 : i32
    %ne3A_39 = arith.cmpi ne, %rem3A, %ne3A_38 : i32
    %and3A = arith.andi %ne3A, %ne3A_39 : i1
    %sub3A = arith.constant 1 : i32
    %sub3A_40 = arith.subi %div3A, %sub3A : i32
    %select_n3A = arith.select %and3A, %sub3A_40, %div3A : i32
    %c0_i32 = arith.constant 0 : i32
    %c0_i32_41 = arith.constant 0 : i32
    return %get3A_3, %get3A_10, %get3A_17, %select_n3A, %c0_i32 : i32, i32, i32, i32, i32
  }
  func.func @transform_2(%arg0: i32, %arg1: memref<4x64xi32, #tpu.memory_space<smem>>) -> (i32, i32, i32, i32, i32) {
    %mul3A = arith.constant 8 : i32
    %mul3A_0 = arith.muli %mul3A, %arg0 : i32
    %add3A = arith.constant 2 : i32
    %add3A_1 = arith.addi %mul3A_0, %add3A : i32
    %get3A = arith.constant 1 : index
    %get3A_2 = arith.index_cast %add3A_1 : i32 to index
    %get3A_3 = memref.load %arg1[%get3A, %get3A_2] : memref<4x64xi32, #tpu.memory_space<smem>>
    %mul3A_4 = arith.constant 8 : i32
    %mul3A_5 = arith.muli %mul3A_4, %arg0 : i32
    %add3A_6 = arith.constant 2 : i32
    %add3A_7 = arith.addi %mul3A_5, %add3A_6 : i32
    %get3A_8 = arith.constant 2 : index
    %get3A_9 = arith.index_cast %add3A_7 : i32 to index
    %get3A_10 = memref.load %arg1[%get3A_8, %get3A_9] : memref<4x64xi32, #tpu.memory_space<smem>>
    %mul3A_11 = arith.constant 8 : i32
    %mul3A_12 = arith.muli %mul3A_11, %arg0 : i32
    %add3A_13 = arith.constant 2 : i32
    %add3A_14 = arith.addi %mul3A_12, %add3A_13 : i32
    %get3A_15 = arith.constant 3 : index
    %get3A_16 = arith.index_cast %add3A_14 : i32 to index
    %get3A_17 = memref.load %arg1[%get3A_15, %get3A_16] : memref<4x64xi32, #tpu.memory_space<smem>>
    %mul3A_18 = arith.constant 8 : i32
    %mul3A_19 = arith.muli %mul3A_18, %arg0 : i32
    %add3A_20 = arith.constant 2 : i32
    %add3A_21 = arith.addi %mul3A_19, %add3A_20 : i32
    %get3A_22 = arith.constant 0 : index
    %get3A_23 = arith.index_cast %add3A_21 : i32 to index
    %get3A_24 = memref.load %arg1[%get3A_22, %get3A_23] : memref<4x64xi32, #tpu.memory_space<smem>>
    %jit3A = arith.constant 8 : i32
    %div3A = arith.divsi %get3A_24, %jit3A : i32
    %sign3A = arith.constant 0 : i32
    %sign3A_25 = arith.cmpi sgt, %get3A_24, %sign3A : i32
    %sign3A_26 = arith.extui %sign3A_25 : i1 to i32
    %sign3A_27 = arith.constant 0 : i32
    %sign3A_28 = arith.cmpi slt, %get3A_24, %sign3A_27 : i32
    %sign3A_29 = arith.extui %sign3A_28 : i1 to i32
    %sign3A_30 = arith.subi %sign3A_26, %sign3A_29 : i32
    %sign3A_31 = arith.constant 0 : i32
    %sign3A_32 = arith.cmpi sgt, %jit3A, %sign3A_31 : i32
    %sign3A_33 = arith.extui %sign3A_32 : i1 to i32
    %sign3A_34 = arith.constant 0 : i32
    %sign3A_35 = arith.cmpi slt, %jit3A, %sign3A_34 : i32
    %sign3A_36 = arith.extui %sign3A_35 : i1 to i32
    %sign3A_37 = arith.subi %sign3A_33, %sign3A_36 : i32
    %ne3A = arith.cmpi ne, %sign3A_30, %sign3A_37 : i32
    %rem3A = arith.remsi %get3A_24, %jit3A : i32
    %ne3A_38 = arith.constant 0 : i32
    %ne3A_39 = arith.cmpi ne, %rem3A, %ne3A_38 : i32
    %and3A = arith.andi %ne3A, %ne3A_39 : i1
    %sub3A = arith.constant 1 : i32
    %sub3A_40 = arith.subi %div3A, %sub3A : i32
    %select_n3A = arith.select %and3A, %sub3A_40, %div3A : i32
    %c0_i32 = arith.constant 0 : i32
    %c0_i32_41 = arith.constant 0 : i32
    return %get3A_3, %get3A_10, %get3A_17, %select_n3A, %c0_i32 : i32, i32, i32, i32, i32
  }
  func.func @transform_3(%arg0: i32, %arg1: memref<4x64xi32, #tpu.memory_space<smem>>) -> (i32, i32, i32, i32, i32) {
    %mul3A = arith.constant 8 : i32
    %mul3A_0 = arith.muli %mul3A, %arg0 : i32
    %add3A = arith.constant 3 : i32
    %add3A_1 = arith.addi %mul3A_0, %add3A : i32
    %get3A = arith.constant 1 : index
    %get3A_2 = arith.index_cast %add3A_1 : i32 to index
    %get3A_3 = memref.load %arg1[%get3A, %get3A_2] : memref<4x64xi32, #tpu.memory_space<smem>>
    %mul3A_4 = arith.constant 8 : i32
    %mul3A_5 = arith.muli %mul3A_4, %arg0 : i32
    %add3A_6 = arith.constant 3 : i32
    %add3A_7 = arith.addi %mul3A_5, %add3A_6 : i32
    %get3A_8 = arith.constant 2 : index
    %get3A_9 = arith.index_cast %add3A_7 : i32 to index
    %get3A_10 = memref.load %arg1[%get3A_8, %get3A_9] : memref<4x64xi32, #tpu.memory_space<smem>>
    %mul3A_11 = arith.constant 8 : i32
    %mul3A_12 = arith.muli %mul3A_11, %arg0 : i32
    %add3A_13 = arith.constant 3 : i32
    %add3A_14 = arith.addi %mul3A_12, %add3A_13 : i32
    %get3A_15 = arith.constant 3 : index
    %get3A_16 = arith.index_cast %add3A_14 : i32 to index
    %get3A_17 = memref.load %arg1[%get3A_15, %get3A_16] : memref<4x64xi32, #tpu.memory_space<smem>>
    %mul3A_18 = arith.constant 8 : i32
    %mul3A_19 = arith.muli %mul3A_18, %arg0 : i32
    %add3A_20 = arith.constant 3 : i32
    %add3A_21 = arith.addi %mul3A_19, %add3A_20 : i32
    %get3A_22 = arith.constant 0 : index
    %get3A_23 = arith.index_cast %add3A_21 : i32 to index
    %get3A_24 = memref.load %arg1[%get3A_22, %get3A_23] : memref<4x64xi32, #tpu.memory_space<smem>>
    %jit3A = arith.constant 8 : i32
    %div3A = arith.divsi %get3A_24, %jit3A : i32
    %sign3A = arith.constant 0 : i32
    %sign3A_25 = arith.cmpi sgt, %get3A_24, %sign3A : i32
    %sign3A_26 = arith.extui %sign3A_25 : i1 to i32
    %sign3A_27 = arith.constant 0 : i32
    %sign3A_28 = arith.cmpi slt, %get3A_24, %sign3A_27 : i32
    %sign3A_29 = arith.extui %sign3A_28 : i1 to i32
    %sign3A_30 = arith.subi %sign3A_26, %sign3A_29 : i32
    %sign3A_31 = arith.constant 0 : i32
    %sign3A_32 = arith.cmpi sgt, %jit3A, %sign3A_31 : i32
    %sign3A_33 = arith.extui %sign3A_32 : i1 to i32
    %sign3A_34 = arith.constant 0 : i32
    %sign3A_35 = arith.cmpi slt, %jit3A, %sign3A_34 : i32
    %sign3A_36 = arith.extui %sign3A_35 : i1 to i32
    %sign3A_37 = arith.subi %sign3A_33, %sign3A_36 : i32
    %ne3A = arith.cmpi ne, %sign3A_30, %sign3A_37 : i32
    %rem3A = arith.remsi %get3A_24, %jit3A : i32
    %ne3A_38 = arith.constant 0 : i32
    %ne3A_39 = arith.cmpi ne, %rem3A, %ne3A_38 : i32
    %and3A = arith.andi %ne3A, %ne3A_39 : i1
    %sub3A = arith.constant 1 : i32
    %sub3A_40 = arith.subi %div3A, %sub3A : i32
    %select_n3A = arith.select %and3A, %sub3A_40, %div3A : i32
    %c0_i32 = arith.constant 0 : i32
    %c0_i32_41 = arith.constant 0 : i32
    return %get3A_3, %get3A_10, %get3A_17, %select_n3A, %c0_i32 : i32, i32, i32, i32, i32
  }
  func.func @transform_4(%arg0: i32, %arg1: memref<4x64xi32, #tpu.memory_space<smem>>) -> (i32, i32, i32, i32, i32) {
    %mul3A = arith.constant 8 : i32
    %mul3A_0 = arith.muli %mul3A, %arg0 : i32
    %add3A = arith.constant 4 : i32
    %add3A_1 = arith.addi %mul3A_0, %add3A : i32
    %get3A = arith.constant 1 : index
    %get3A_2 = arith.index_cast %add3A_1 : i32 to index
    %get3A_3 = memref.load %arg1[%get3A, %get3A_2] : memref<4x64xi32, #tpu.memory_space<smem>>
    %mul3A_4 = arith.constant 8 : i32
    %mul3A_5 = arith.muli %mul3A_4, %arg0 : i32
    %add3A_6 = arith.constant 4 : i32
    %add3A_7 = arith.addi %mul3A_5, %add3A_6 : i32
    %get3A_8 = arith.constant 2 : index
    %get3A_9 = arith.index_cast %add3A_7 : i32 to index
    %get3A_10 = memref.load %arg1[%get3A_8, %get3A_9] : memref<4x64xi32, #tpu.memory_space<smem>>
    %mul3A_11 = arith.constant 8 : i32
    %mul3A_12 = arith.muli %mul3A_11, %arg0 : i32
    %add3A_13 = arith.constant 4 : i32
    %add3A_14 = arith.addi %mul3A_12, %add3A_13 : i32
    %get3A_15 = arith.constant 3 : index
    %get3A_16 = arith.index_cast %add3A_14 : i32 to index
    %get3A_17 = memref.load %arg1[%get3A_15, %get3A_16] : memref<4x64xi32, #tpu.memory_space<smem>>
    %mul3A_18 = arith.constant 8 : i32
    %mul3A_19 = arith.muli %mul3A_18, %arg0 : i32
    %add3A_20 = arith.constant 4 : i32
    %add3A_21 = arith.addi %mul3A_19, %add3A_20 : i32
    %get3A_22 = arith.constant 0 : index
    %get3A_23 = arith.index_cast %add3A_21 : i32 to index
    %get3A_24 = memref.load %arg1[%get3A_22, %get3A_23] : memref<4x64xi32, #tpu.memory_space<smem>>
    %jit3A = arith.constant 8 : i32
    %div3A = arith.divsi %get3A_24, %jit3A : i32
    %sign3A = arith.constant 0 : i32
    %sign3A_25 = arith.cmpi sgt, %get3A_24, %sign3A : i32
    %sign3A_26 = arith.extui %sign3A_25 : i1 to i32
    %sign3A_27 = arith.constant 0 : i32
    %sign3A_28 = arith.cmpi slt, %get3A_24, %sign3A_27 : i32
    %sign3A_29 = arith.extui %sign3A_28 : i1 to i32
    %sign3A_30 = arith.subi %sign3A_26, %sign3A_29 : i32
    %sign3A_31 = arith.constant 0 : i32
    %sign3A_32 = arith.cmpi sgt, %jit3A, %sign3A_31 : i32
    %sign3A_33 = arith.extui %sign3A_32 : i1 to i32
    %sign3A_34 = arith.constant 0 : i32
    %sign3A_35 = arith.cmpi slt, %jit3A, %sign3A_34 : i32
    %sign3A_36 = arith.extui %sign3A_35 : i1 to i32
    %sign3A_37 = arith.subi %sign3A_33, %sign3A_36 : i32
    %ne3A = arith.cmpi ne, %sign3A_30, %sign3A_37 : i32
    %rem3A = arith.remsi %get3A_24, %jit3A : i32
    %ne3A_38 = arith.constant 0 : i32
    %ne3A_39 = arith.cmpi ne, %rem3A, %ne3A_38 : i32
    %and3A = arith.andi %ne3A, %ne3A_39 : i1
    %sub3A = arith.constant 1 : i32
    %sub3A_40 = arith.subi %div3A, %sub3A : i32
    %select_n3A = arith.select %and3A, %sub3A_40, %div3A : i32
    %c0_i32 = arith.constant 0 : i32
    %c0_i32_41 = arith.constant 0 : i32
    return %get3A_3, %get3A_10, %get3A_17, %select_n3A, %c0_i32 : i32, i32, i32, i32, i32
  }
  func.func @transform_5(%arg0: i32, %arg1: memref<4x64xi32, #tpu.memory_space<smem>>) -> (i32, i32, i32, i32, i32) {
    %mul3A = arith.constant 8 : i32
    %mul3A_0 = arith.muli %mul3A, %arg0 : i32
    %add3A = arith.constant 5 : i32
    %add3A_1 = arith.addi %mul3A_0, %add3A : i32
    %get3A = arith.constant 1 : index
    %get3A_2 = arith.index_cast %add3A_1 : i32 to index
    %get3A_3 = memref.load %arg1[%get3A, %get3A_2] : memref<4x64xi32, #tpu.memory_space<smem>>
    %mul3A_4 = arith.constant 8 : i32
    %mul3A_5 = arith.muli %mul3A_4, %arg0 : i32
    %add3A_6 = arith.constant 5 : i32
    %add3A_7 = arith.addi %mul3A_5, %add3A_6 : i32
    %get3A_8 = arith.constant 2 : index
    %get3A_9 = arith.index_cast %add3A_7 : i32 to index
    %get3A_10 = memref.load %arg1[%get3A_8, %get3A_9] : memref<4x64xi32, #tpu.memory_space<smem>>
    %mul3A_11 = arith.constant 8 : i32
    %mul3A_12 = arith.muli %mul3A_11, %arg0 : i32
    %add3A_13 = arith.constant 5 : i32
    %add3A_14 = arith.addi %mul3A_12, %add3A_13 : i32
    %get3A_15 = arith.constant 3 : index
    %get3A_16 = arith.index_cast %add3A_14 : i32 to index
    %get3A_17 = memref.load %arg1[%get3A_15, %get3A_16] : memref<4x64xi32, #tpu.memory_space<smem>>
    %mul3A_18 = arith.constant 8 : i32
    %mul3A_19 = arith.muli %mul3A_18, %arg0 : i32
    %add3A_20 = arith.constant 5 : i32
    %add3A_21 = arith.addi %mul3A_19, %add3A_20 : i32
    %get3A_22 = arith.constant 0 : index
    %get3A_23 = arith.index_cast %add3A_21 : i32 to index
    %get3A_24 = memref.load %arg1[%get3A_22, %get3A_23] : memref<4x64xi32, #tpu.memory_space<smem>>
    %jit3A = arith.constant 8 : i32
    %div3A = arith.divsi %get3A_24, %jit3A : i32
    %sign3A = arith.constant 0 : i32
    %sign3A_25 = arith.cmpi sgt, %get3A_24, %sign3A : i32
    %sign3A_26 = arith.extui %sign3A_25 : i1 to i32
    %sign3A_27 = arith.constant 0 : i32
    %sign3A_28 = arith.cmpi slt, %get3A_24, %sign3A_27 : i32
    %sign3A_29 = arith.extui %sign3A_28 : i1 to i32
    %sign3A_30 = arith.subi %sign3A_26, %sign3A_29 : i32
    %sign3A_31 = arith.constant 0 : i32
    %sign3A_32 = arith.cmpi sgt, %jit3A, %sign3A_31 : i32
    %sign3A_33 = arith.extui %sign3A_32 : i1 to i32
    %sign3A_34 = arith.constant 0 : i32
    %sign3A_35 = arith.cmpi slt, %jit3A, %sign3A_34 : i32
    %sign3A_36 = arith.extui %sign3A_35 : i1 to i32
    %sign3A_37 = arith.subi %sign3A_33, %sign3A_36 : i32
    %ne3A = arith.cmpi ne, %sign3A_30, %sign3A_37 : i32
    %rem3A = arith.remsi %get3A_24, %jit3A : i32
    %ne3A_38 = arith.constant 0 : i32
    %ne3A_39 = arith.cmpi ne, %rem3A, %ne3A_38 : i32
    %and3A = arith.andi %ne3A, %ne3A_39 : i1
    %sub3A = arith.constant 1 : i32
    %sub3A_40 = arith.subi %div3A, %sub3A : i32
    %select_n3A = arith.select %and3A, %sub3A_40, %div3A : i32
    %c0_i32 = arith.constant 0 : i32
    %c0_i32_41 = arith.constant 0 : i32
    return %get3A_3, %get3A_10, %get3A_17, %select_n3A, %c0_i32 : i32, i32, i32, i32, i32
  }
  func.func @transform_6(%arg0: i32, %arg1: memref<4x64xi32, #tpu.memory_space<smem>>) -> (i32, i32, i32, i32, i32) {
    %mul3A = arith.constant 8 : i32
    %mul3A_0 = arith.muli %mul3A, %arg0 : i32
    %add3A = arith.constant 6 : i32
    %add3A_1 = arith.addi %mul3A_0, %add3A : i32
    %get3A = arith.constant 1 : index
    %get3A_2 = arith.index_cast %add3A_1 : i32 to index
    %get3A_3 = memref.load %arg1[%get3A, %get3A_2] : memref<4x64xi32, #tpu.memory_space<smem>>
    %mul3A_4 = arith.constant 8 : i32
    %mul3A_5 = arith.muli %mul3A_4, %arg0 : i32
    %add3A_6 = arith.constant 6 : i32
    %add3A_7 = arith.addi %mul3A_5, %add3A_6 : i32
    %get3A_8 = arith.constant 2 : index
    %get3A_9 = arith.index_cast %add3A_7 : i32 to index
    %get3A_10 = memref.load %arg1[%get3A_8, %get3A_9] : memref<4x64xi32, #tpu.memory_space<smem>>
    %mul3A_11 = arith.constant 8 : i32
    %mul3A_12 = arith.muli %mul3A_11, %arg0 : i32
    %add3A_13 = arith.constant 6 : i32
    %add3A_14 = arith.addi %mul3A_12, %add3A_13 : i32
    %get3A_15 = arith.constant 3 : index
    %get3A_16 = arith.index_cast %add3A_14 : i32 to index
    %get3A_17 = memref.load %arg1[%get3A_15, %get3A_16] : memref<4x64xi32, #tpu.memory_space<smem>>
    %mul3A_18 = arith.constant 8 : i32
    %mul3A_19 = arith.muli %mul3A_18, %arg0 : i32
    %add3A_20 = arith.constant 6 : i32
    %add3A_21 = arith.addi %mul3A_19, %add3A_20 : i32
    %get3A_22 = arith.constant 0 : index
    %get3A_23 = arith.index_cast %add3A_21 : i32 to index
    %get3A_24 = memref.load %arg1[%get3A_22, %get3A_23] : memref<4x64xi32, #tpu.memory_space<smem>>
    %jit3A = arith.constant 8 : i32
    %div3A = arith.divsi %get3A_24, %jit3A : i32
    %sign3A = arith.constant 0 : i32
    %sign3A_25 = arith.cmpi sgt, %get3A_24, %sign3A : i32
    %sign3A_26 = arith.extui %sign3A_25 : i1 to i32
    %sign3A_27 = arith.constant 0 : i32
    %sign3A_28 = arith.cmpi slt, %get3A_24, %sign3A_27 : i32
    %sign3A_29 = arith.extui %sign3A_28 : i1 to i32
    %sign3A_30 = arith.subi %sign3A_26, %sign3A_29 : i32
    %sign3A_31 = arith.constant 0 : i32
    %sign3A_32 = arith.cmpi sgt, %jit3A, %sign3A_31 : i32
    %sign3A_33 = arith.extui %sign3A_32 : i1 to i32
    %sign3A_34 = arith.constant 0 : i32
    %sign3A_35 = arith.cmpi slt, %jit3A, %sign3A_34 : i32
    %sign3A_36 = arith.extui %sign3A_35 : i1 to i32
    %sign3A_37 = arith.subi %sign3A_33, %sign3A_36 : i32
    %ne3A = arith.cmpi ne, %sign3A_30, %sign3A_37 : i32
    %rem3A = arith.remsi %get3A_24, %jit3A : i32
    %ne3A_38 = arith.constant 0 : i32
    %ne3A_39 = arith.cmpi ne, %rem3A, %ne3A_38 : i32
    %and3A = arith.andi %ne3A, %ne3A_39 : i1
    %sub3A = arith.constant 1 : i32
    %sub3A_40 = arith.subi %div3A, %sub3A : i32
    %select_n3A = arith.select %and3A, %sub3A_40, %div3A : i32
    %c0_i32 = arith.constant 0 : i32
    %c0_i32_41 = arith.constant 0 : i32
    return %get3A_3, %get3A_10, %get3A_17, %select_n3A, %c0_i32 : i32, i32, i32, i32, i32
  }
  func.func @transform_7(%arg0: i32, %arg1: memref<4x64xi32, #tpu.memory_space<smem>>) -> (i32, i32, i32, i32, i32) {
    %mul3A = arith.constant 8 : i32
    %mul3A_0 = arith.muli %mul3A, %arg0 : i32
    %add3A = arith.constant 7 : i32
    %add3A_1 = arith.addi %mul3A_0, %add3A : i32
    %get3A = arith.constant 1 : index
    %get3A_2 = arith.index_cast %add3A_1 : i32 to index
    %get3A_3 = memref.load %arg1[%get3A, %get3A_2] : memref<4x64xi32, #tpu.memory_space<smem>>
    %mul3A_4 = arith.constant 8 : i32
    %mul3A_5 = arith.muli %mul3A_4, %arg0 : i32
    %add3A_6 = arith.constant 7 : i32
    %add3A_7 = arith.addi %mul3A_5, %add3A_6 : i32
    %get3A_8 = arith.constant 2 : index
    %get3A_9 = arith.index_cast %add3A_7 : i32 to index
    %get3A_10 = memref.load %arg1[%get3A_8, %get3A_9] : memref<4x64xi32, #tpu.memory_space<smem>>
    %mul3A_11 = arith.constant 8 : i32
    %mul3A_12 = arith.muli %mul3A_11, %arg0 : i32
    %add3A_13 = arith.constant 7 : i32
    %add3A_14 = arith.addi %mul3A_12, %add3A_13 : i32
    %get3A_15 = arith.constant 3 : index
    %get3A_16 = arith.index_cast %add3A_14 : i32 to index
    %get3A_17 = memref.load %arg1[%get3A_15, %get3A_16] : memref<4x64xi32, #tpu.memory_space<smem>>
    %mul3A_18 = arith.constant 8 : i32
    %mul3A_19 = arith.muli %mul3A_18, %arg0 : i32
    %add3A_20 = arith.constant 7 : i32
    %add3A_21 = arith.addi %mul3A_19, %add3A_20 : i32
    %get3A_22 = arith.constant 0 : index
    %get3A_23 = arith.index_cast %add3A_21 : i32 to index
    %get3A_24 = memref.load %arg1[%get3A_22, %get3A_23] : memref<4x64xi32, #tpu.memory_space<smem>>
    %jit3A = arith.constant 8 : i32
    %div3A = arith.divsi %get3A_24, %jit3A : i32
    %sign3A = arith.constant 0 : i32
    %sign3A_25 = arith.cmpi sgt, %get3A_24, %sign3A : i32
    %sign3A_26 = arith.extui %sign3A_25 : i1 to i32
    %sign3A_27 = arith.constant 0 : i32
    %sign3A_28 = arith.cmpi slt, %get3A_24, %sign3A_27 : i32
    %sign3A_29 = arith.extui %sign3A_28 : i1 to i32
    %sign3A_30 = arith.subi %sign3A_26, %sign3A_29 : i32
    %sign3A_31 = arith.constant 0 : i32
    %sign3A_32 = arith.cmpi sgt, %jit3A, %sign3A_31 : i32
    %sign3A_33 = arith.extui %sign3A_32 : i1 to i32
    %sign3A_34 = arith.constant 0 : i32
    %sign3A_35 = arith.cmpi slt, %jit3A, %sign3A_34 : i32
    %sign3A_36 = arith.extui %sign3A_35 : i1 to i32
    %sign3A_37 = arith.subi %sign3A_33, %sign3A_36 : i32
    %ne3A = arith.cmpi ne, %sign3A_30, %sign3A_37 : i32
    %rem3A = arith.remsi %get3A_24, %jit3A : i32
    %ne3A_38 = arith.constant 0 : i32
    %ne3A_39 = arith.cmpi ne, %rem3A, %ne3A_38 : i32
    %and3A = arith.andi %ne3A, %ne3A_39 : i1
    %sub3A = arith.constant 1 : i32
    %sub3A_40 = arith.subi %div3A, %sub3A : i32
    %select_n3A = arith.select %and3A, %sub3A_40, %div3A : i32
    %c0_i32 = arith.constant 0 : i32
    %c0_i32_41 = arith.constant 0 : i32
    return %get3A_3, %get3A_10, %get3A_17, %select_n3A, %c0_i32 : i32, i32, i32, i32, i32
  }
  func.func @transform_8(%arg0: i32, %arg1: memref<4x64xi32, #tpu.memory_space<smem>>) -> (i32, i32, i32, i32) {
    %mul3A = arith.constant 8 : i32
    %mul3A_0 = arith.muli %mul3A, %arg0 : i32
    %add3A = arith.constant 0 : i32
    %add3A_1 = arith.addi %mul3A_0, %add3A : i32
    %get3A = arith.constant 1 : index
    %get3A_2 = arith.index_cast %add3A_1 : i32 to index
    %get3A_3 = memref.load %arg1[%get3A, %get3A_2] : memref<4x64xi32, #tpu.memory_space<smem>>
    %mul3A_4 = arith.constant 8 : i32
    %mul3A_5 = arith.muli %mul3A_4, %arg0 : i32
    %add3A_6 = arith.constant 0 : i32
    %add3A_7 = arith.addi %mul3A_5, %add3A_6 : i32
    %get3A_8 = arith.constant 2 : index
    %get3A_9 = arith.index_cast %add3A_7 : i32 to index
    %get3A_10 = memref.load %arg1[%get3A_8, %get3A_9] : memref<4x64xi32, #tpu.memory_space<smem>>
    %mul3A_11 = arith.constant 8 : i32
    %mul3A_12 = arith.muli %mul3A_11, %arg0 : i32
    %add3A_13 = arith.constant 0 : i32
    %add3A_14 = arith.addi %mul3A_12, %add3A_13 : i32
    %get3A_15 = arith.constant 0 : index
    %get3A_16 = arith.index_cast %add3A_14 : i32 to index
    %get3A_17 = memref.load %arg1[%get3A_15, %get3A_16] : memref<4x64xi32, #tpu.memory_space<smem>>
    %jit3A = arith.constant 8 : i32
    %div3A = arith.divsi %get3A_17, %jit3A : i32
    %sign3A = arith.constant 0 : i32
    %sign3A_18 = arith.cmpi sgt, %get3A_17, %sign3A : i32
    %sign3A_19 = arith.extui %sign3A_18 : i1 to i32
    %sign3A_20 = arith.constant 0 : i32
    %sign3A_21 = arith.cmpi slt, %get3A_17, %sign3A_20 : i32
    %sign3A_22 = arith.extui %sign3A_21 : i1 to i32
    %sign3A_23 = arith.subi %sign3A_19, %sign3A_22 : i32
    %sign3A_24 = arith.constant 0 : i32
    %sign3A_25 = arith.cmpi sgt, %jit3A, %sign3A_24 : i32
    %sign3A_26 = arith.extui %sign3A_25 : i1 to i32
    %sign3A_27 = arith.constant 0 : i32
    %sign3A_28 = arith.cmpi slt, %jit3A, %sign3A_27 : i32
    %sign3A_29 = arith.extui %sign3A_28 : i1 to i32
    %sign3A_30 = arith.subi %sign3A_26, %sign3A_29 : i32
    %ne3A = arith.cmpi ne, %sign3A_23, %sign3A_30 : i32
    %rem3A = arith.remsi %get3A_17, %jit3A : i32
    %ne3A_31 = arith.constant 0 : i32
    %ne3A_32 = arith.cmpi ne, %rem3A, %ne3A_31 : i32
    %and3A = arith.andi %ne3A, %ne3A_32 : i1
    %sub3A = arith.constant 1 : i32
    %sub3A_33 = arith.subi %div3A, %sub3A : i32
    %select_n3A = arith.select %and3A, %sub3A_33, %div3A : i32
    %c0_i32 = arith.constant 0 : i32
    %c0_i32_34 = arith.constant 0 : i32
    return %get3A_3, %get3A_10, %select_n3A, %c0_i32 : i32, i32, i32, i32
  }
  func.func @transform_9(%arg0: i32, %arg1: memref<4x64xi32, #tpu.memory_space<smem>>) -> (i32, i32, i32, i32) {
    %mul3A = arith.constant 8 : i32
    %mul3A_0 = arith.muli %mul3A, %arg0 : i32
    %add3A = arith.constant 1 : i32
    %add3A_1 = arith.addi %mul3A_0, %add3A : i32
    %get3A = arith.constant 1 : index
    %get3A_2 = arith.index_cast %add3A_1 : i32 to index
    %get3A_3 = memref.load %arg1[%get3A, %get3A_2] : memref<4x64xi32, #tpu.memory_space<smem>>
    %mul3A_4 = arith.constant 8 : i32
    %mul3A_5 = arith.muli %mul3A_4, %arg0 : i32
    %add3A_6 = arith.constant 1 : i32
    %add3A_7 = arith.addi %mul3A_5, %add3A_6 : i32
    %get3A_8 = arith.constant 2 : index
    %get3A_9 = arith.index_cast %add3A_7 : i32 to index
    %get3A_10 = memref.load %arg1[%get3A_8, %get3A_9] : memref<4x64xi32, #tpu.memory_space<smem>>
    %mul3A_11 = arith.constant 8 : i32
    %mul3A_12 = arith.muli %mul3A_11, %arg0 : i32
    %add3A_13 = arith.constant 1 : i32
    %add3A_14 = arith.addi %mul3A_12, %add3A_13 : i32
    %get3A_15 = arith.constant 0 : index
    %get3A_16 = arith.index_cast %add3A_14 : i32 to index
    %get3A_17 = memref.load %arg1[%get3A_15, %get3A_16] : memref<4x64xi32, #tpu.memory_space<smem>>
    %jit3A = arith.constant 8 : i32
    %div3A = arith.divsi %get3A_17, %jit3A : i32
    %sign3A = arith.constant 0 : i32
    %sign3A_18 = arith.cmpi sgt, %get3A_17, %sign3A : i32
    %sign3A_19 = arith.extui %sign3A_18 : i1 to i32
    %sign3A_20 = arith.constant 0 : i32
    %sign3A_21 = arith.cmpi slt, %get3A_17, %sign3A_20 : i32
    %sign3A_22 = arith.extui %sign3A_21 : i1 to i32
    %sign3A_23 = arith.subi %sign3A_19, %sign3A_22 : i32
    %sign3A_24 = arith.constant 0 : i32
    %sign3A_25 = arith.cmpi sgt, %jit3A, %sign3A_24 : i32
    %sign3A_26 = arith.extui %sign3A_25 : i1 to i32
    %sign3A_27 = arith.constant 0 : i32
    %sign3A_28 = arith.cmpi slt, %jit3A, %sign3A_27 : i32
    %sign3A_29 = arith.extui %sign3A_28 : i1 to i32
    %sign3A_30 = arith.subi %sign3A_26, %sign3A_29 : i32
    %ne3A = arith.cmpi ne, %sign3A_23, %sign3A_30 : i32
    %rem3A = arith.remsi %get3A_17, %jit3A : i32
    %ne3A_31 = arith.constant 0 : i32
    %ne3A_32 = arith.cmpi ne, %rem3A, %ne3A_31 : i32
    %and3A = arith.andi %ne3A, %ne3A_32 : i1
    %sub3A = arith.constant 1 : i32
    %sub3A_33 = arith.subi %div3A, %sub3A : i32
    %select_n3A = arith.select %and3A, %sub3A_33, %div3A : i32
    %c0_i32 = arith.constant 0 : i32
    %c0_i32_34 = arith.constant 0 : i32
    return %get3A_3, %get3A_10, %select_n3A, %c0_i32 : i32, i32, i32, i32
  }
  func.func @transform_10(%arg0: i32, %arg1: memref<4x64xi32, #tpu.memory_space<smem>>) -> (i32, i32, i32, i32) {
    %mul3A = arith.constant 8 : i32
    %mul3A_0 = arith.muli %mul3A, %arg0 : i32
    %add3A = arith.constant 2 : i32
    %add3A_1 = arith.addi %mul3A_0, %add3A : i32
    %get3A = arith.constant 1 : index
    %get3A_2 = arith.index_cast %add3A_1 : i32 to index
    %get3A_3 = memref.load %arg1[%get3A, %get3A_2] : memref<4x64xi32, #tpu.memory_space<smem>>
    %mul3A_4 = arith.constant 8 : i32
    %mul3A_5 = arith.muli %mul3A_4, %arg0 : i32
    %add3A_6 = arith.constant 2 : i32
    %add3A_7 = arith.addi %mul3A_5, %add3A_6 : i32
    %get3A_8 = arith.constant 2 : index
    %get3A_9 = arith.index_cast %add3A_7 : i32 to index
    %get3A_10 = memref.load %arg1[%get3A_8, %get3A_9] : memref<4x64xi32, #tpu.memory_space<smem>>
    %mul3A_11 = arith.constant 8 : i32
    %mul3A_12 = arith.muli %mul3A_11, %arg0 : i32
    %add3A_13 = arith.constant 2 : i32
    %add3A_14 = arith.addi %mul3A_12, %add3A_13 : i32
    %get3A_15 = arith.constant 0 : index
    %get3A_16 = arith.index_cast %add3A_14 : i32 to index
    %get3A_17 = memref.load %arg1[%get3A_15, %get3A_16] : memref<4x64xi32, #tpu.memory_space<smem>>
    %jit3A = arith.constant 8 : i32
    %div3A = arith.divsi %get3A_17, %jit3A : i32
    %sign3A = arith.constant 0 : i32
    %sign3A_18 = arith.cmpi sgt, %get3A_17, %sign3A : i32
    %sign3A_19 = arith.extui %sign3A_18 : i1 to i32
    %sign3A_20 = arith.constant 0 : i32
    %sign3A_21 = arith.cmpi slt, %get3A_17, %sign3A_20 : i32
    %sign3A_22 = arith.extui %sign3A_21 : i1 to i32
    %sign3A_23 = arith.subi %sign3A_19, %sign3A_22 : i32
    %sign3A_24 = arith.constant 0 : i32
    %sign3A_25 = arith.cmpi sgt, %jit3A, %sign3A_24 : i32
    %sign3A_26 = arith.extui %sign3A_25 : i1 to i32
    %sign3A_27 = arith.constant 0 : i32
    %sign3A_28 = arith.cmpi slt, %jit3A, %sign3A_27 : i32
    %sign3A_29 = arith.extui %sign3A_28 : i1 to i32
    %sign3A_30 = arith.subi %sign3A_26, %sign3A_29 : i32
    %ne3A = arith.cmpi ne, %sign3A_23, %sign3A_30 : i32
    %rem3A = arith.remsi %get3A_17, %jit3A : i32
    %ne3A_31 = arith.constant 0 : i32
    %ne3A_32 = arith.cmpi ne, %rem3A, %ne3A_31 : i32
    %and3A = arith.andi %ne3A, %ne3A_32 : i1
    %sub3A = arith.constant 1 : i32
    %sub3A_33 = arith.subi %div3A, %sub3A : i32
    %select_n3A = arith.select %and3A, %sub3A_33, %div3A : i32
    %c0_i32 = arith.constant 0 : i32
    %c0_i32_34 = arith.constant 0 : i32
    return %get3A_3, %get3A_10, %select_n3A, %c0_i32 : i32, i32, i32, i32
  }
  func.func @transform_11(%arg0: i32, %arg1: memref<4x64xi32, #tpu.memory_space<smem>>) -> (i32, i32, i32, i32) {
    %mul3A = arith.constant 8 : i32
    %mul3A_0 = arith.muli %mul3A, %arg0 : i32
    %add3A = arith.constant 3 : i32
    %add3A_1 = arith.addi %mul3A_0, %add3A : i32
    %get3A = arith.constant 1 : index
    %get3A_2 = arith.index_cast %add3A_1 : i32 to index
    %get3A_3 = memref.load %arg1[%get3A, %get3A_2] : memref<4x64xi32, #tpu.memory_space<smem>>
    %mul3A_4 = arith.constant 8 : i32
    %mul3A_5 = arith.muli %mul3A_4, %arg0 : i32
    %add3A_6 = arith.constant 3 : i32
    %add3A_7 = arith.addi %mul3A_5, %add3A_6 : i32
    %get3A_8 = arith.constant 2 : index
    %get3A_9 = arith.index_cast %add3A_7 : i32 to index
    %get3A_10 = memref.load %arg1[%get3A_8, %get3A_9] : memref<4x64xi32, #tpu.memory_space<smem>>
    %mul3A_11 = arith.constant 8 : i32
    %mul3A_12 = arith.muli %mul3A_11, %arg0 : i32
    %add3A_13 = arith.constant 3 : i32
    %add3A_14 = arith.addi %mul3A_12, %add3A_13 : i32
    %get3A_15 = arith.constant 0 : index
    %get3A_16 = arith.index_cast %add3A_14 : i32 to index
    %get3A_17 = memref.load %arg1[%get3A_15, %get3A_16] : memref<4x64xi32, #tpu.memory_space<smem>>
    %jit3A = arith.constant 8 : i32
    %div3A = arith.divsi %get3A_17, %jit3A : i32
    %sign3A = arith.constant 0 : i32
    %sign3A_18 = arith.cmpi sgt, %get3A_17, %sign3A : i32
    %sign3A_19 = arith.extui %sign3A_18 : i1 to i32
    %sign3A_20 = arith.constant 0 : i32
    %sign3A_21 = arith.cmpi slt, %get3A_17, %sign3A_20 : i32
    %sign3A_22 = arith.extui %sign3A_21 : i1 to i32
    %sign3A_23 = arith.subi %sign3A_19, %sign3A_22 : i32
    %sign3A_24 = arith.constant 0 : i32
    %sign3A_25 = arith.cmpi sgt, %jit3A, %sign3A_24 : i32
    %sign3A_26 = arith.extui %sign3A_25 : i1 to i32
    %sign3A_27 = arith.constant 0 : i32
    %sign3A_28 = arith.cmpi slt, %jit3A, %sign3A_27 : i32
    %sign3A_29 = arith.extui %sign3A_28 : i1 to i32
    %sign3A_30 = arith.subi %sign3A_26, %sign3A_29 : i32
    %ne3A = arith.cmpi ne, %sign3A_23, %sign3A_30 : i32
    %rem3A = arith.remsi %get3A_17, %jit3A : i32
    %ne3A_31 = arith.constant 0 : i32
    %ne3A_32 = arith.cmpi ne, %rem3A, %ne3A_31 : i32
    %and3A = arith.andi %ne3A, %ne3A_32 : i1
    %sub3A = arith.constant 1 : i32
    %sub3A_33 = arith.subi %div3A, %sub3A : i32
    %select_n3A = arith.select %and3A, %sub3A_33, %div3A : i32
    %c0_i32 = arith.constant 0 : i32
    %c0_i32_34 = arith.constant 0 : i32
    return %get3A_3, %get3A_10, %select_n3A, %c0_i32 : i32, i32, i32, i32
  }
  func.func @transform_12(%arg0: i32, %arg1: memref<4x64xi32, #tpu.memory_space<smem>>) -> (i32, i32, i32, i32) {
    %mul3A = arith.constant 8 : i32
    %mul3A_0 = arith.muli %mul3A, %arg0 : i32
    %add3A = arith.constant 4 : i32
    %add3A_1 = arith.addi %mul3A_0, %add3A : i32
    %get3A = arith.constant 1 : index
    %get3A_2 = arith.index_cast %add3A_1 : i32 to index
    %get3A_3 = memref.load %arg1[%get3A, %get3A_2] : memref<4x64xi32, #tpu.memory_space<smem>>
    %mul3A_4 = arith.constant 8 : i32
    %mul3A_5 = arith.muli %mul3A_4, %arg0 : i32
    %add3A_6 = arith.constant 4 : i32
    %add3A_7 = arith.addi %mul3A_5, %add3A_6 : i32
    %get3A_8 = arith.constant 2 : index
    %get3A_9 = arith.index_cast %add3A_7 : i32 to index
    %get3A_10 = memref.load %arg1[%get3A_8, %get3A_9] : memref<4x64xi32, #tpu.memory_space<smem>>
    %mul3A_11 = arith.constant 8 : i32
    %mul3A_12 = arith.muli %mul3A_11, %arg0 : i32
    %add3A_13 = arith.constant 4 : i32
    %add3A_14 = arith.addi %mul3A_12, %add3A_13 : i32
    %get3A_15 = arith.constant 0 : index
    %get3A_16 = arith.index_cast %add3A_14 : i32 to index
    %get3A_17 = memref.load %arg1[%get3A_15, %get3A_16] : memref<4x64xi32, #tpu.memory_space<smem>>
    %jit3A = arith.constant 8 : i32
    %div3A = arith.divsi %get3A_17, %jit3A : i32
    %sign3A = arith.constant 0 : i32
    %sign3A_18 = arith.cmpi sgt, %get3A_17, %sign3A : i32
    %sign3A_19 = arith.extui %sign3A_18 : i1 to i32
    %sign3A_20 = arith.constant 0 : i32
    %sign3A_21 = arith.cmpi slt, %get3A_17, %sign3A_20 : i32
    %sign3A_22 = arith.extui %sign3A_21 : i1 to i32
    %sign3A_23 = arith.subi %sign3A_19, %sign3A_22 : i32
    %sign3A_24 = arith.constant 0 : i32
    %sign3A_25 = arith.cmpi sgt, %jit3A, %sign3A_24 : i32
    %sign3A_26 = arith.extui %sign3A_25 : i1 to i32
    %sign3A_27 = arith.constant 0 : i32
    %sign3A_28 = arith.cmpi slt, %jit3A, %sign3A_27 : i32
    %sign3A_29 = arith.extui %sign3A_28 : i1 to i32
    %sign3A_30 = arith.subi %sign3A_26, %sign3A_29 : i32
    %ne3A = arith.cmpi ne, %sign3A_23, %sign3A_30 : i32
    %rem3A = arith.remsi %get3A_17, %jit3A : i32
    %ne3A_31 = arith.constant 0 : i32
    %ne3A_32 = arith.cmpi ne, %rem3A, %ne3A_31 : i32
    %and3A = arith.andi %ne3A, %ne3A_32 : i1
    %sub3A = arith.constant 1 : i32
    %sub3A_33 = arith.subi %div3A, %sub3A : i32
    %select_n3A = arith.select %and3A, %sub3A_33, %div3A : i32
    %c0_i32 = arith.constant 0 : i32
    %c0_i32_34 = arith.constant 0 : i32
    return %get3A_3, %get3A_10, %select_n3A, %c0_i32 : i32, i32, i32, i32
  }
  func.func @transform_13(%arg0: i32, %arg1: memref<4x64xi32, #tpu.memory_space<smem>>) -> (i32, i32, i32, i32) {
    %mul3A = arith.constant 8 : i32
    %mul3A_0 = arith.muli %mul3A, %arg0 : i32
    %add3A = arith.constant 5 : i32
    %add3A_1 = arith.addi %mul3A_0, %add3A : i32
    %get3A = arith.constant 1 : index
    %get3A_2 = arith.index_cast %add3A_1 : i32 to index
    %get3A_3 = memref.load %arg1[%get3A, %get3A_2] : memref<4x64xi32, #tpu.memory_space<smem>>
    %mul3A_4 = arith.constant 8 : i32
    %mul3A_5 = arith.muli %mul3A_4, %arg0 : i32
    %add3A_6 = arith.constant 5 : i32
    %add3A_7 = arith.addi %mul3A_5, %add3A_6 : i32
    %get3A_8 = arith.constant 2 : index
    %get3A_9 = arith.index_cast %add3A_7 : i32 to index
    %get3A_10 = memref.load %arg1[%get3A_8, %get3A_9] : memref<4x64xi32, #tpu.memory_space<smem>>
    %mul3A_11 = arith.constant 8 : i32
    %mul3A_12 = arith.muli %mul3A_11, %arg0 : i32
    %add3A_13 = arith.constant 5 : i32
    %add3A_14 = arith.addi %mul3A_12, %add3A_13 : i32
    %get3A_15 = arith.constant 0 : index
    %get3A_16 = arith.index_cast %add3A_14 : i32 to index
    %get3A_17 = memref.load %arg1[%get3A_15, %get3A_16] : memref<4x64xi32, #tpu.memory_space<smem>>
    %jit3A = arith.constant 8 : i32
    %div3A = arith.divsi %get3A_17, %jit3A : i32
    %sign3A = arith.constant 0 : i32
    %sign3A_18 = arith.cmpi sgt, %get3A_17, %sign3A : i32
    %sign3A_19 = arith.extui %sign3A_18 : i1 to i32
    %sign3A_20 = arith.constant 0 : i32
    %sign3A_21 = arith.cmpi slt, %get3A_17, %sign3A_20 : i32
    %sign3A_22 = arith.extui %sign3A_21 : i1 to i32
    %sign3A_23 = arith.subi %sign3A_19, %sign3A_22 : i32
    %sign3A_24 = arith.constant 0 : i32
    %sign3A_25 = arith.cmpi sgt, %jit3A, %sign3A_24 : i32
    %sign3A_26 = arith.extui %sign3A_25 : i1 to i32
    %sign3A_27 = arith.constant 0 : i32
    %sign3A_28 = arith.cmpi slt, %jit3A, %sign3A_27 : i32
    %sign3A_29 = arith.extui %sign3A_28 : i1 to i32
    %sign3A_30 = arith.subi %sign3A_26, %sign3A_29 : i32
    %ne3A = arith.cmpi ne, %sign3A_23, %sign3A_30 : i32
    %rem3A = arith.remsi %get3A_17, %jit3A : i32
    %ne3A_31 = arith.constant 0 : i32
    %ne3A_32 = arith.cmpi ne, %rem3A, %ne3A_31 : i32
    %and3A = arith.andi %ne3A, %ne3A_32 : i1
    %sub3A = arith.constant 1 : i32
    %sub3A_33 = arith.subi %div3A, %sub3A : i32
    %select_n3A = arith.select %and3A, %sub3A_33, %div3A : i32
    %c0_i32 = arith.constant 0 : i32
    %c0_i32_34 = arith.constant 0 : i32
    return %get3A_3, %get3A_10, %select_n3A, %c0_i32 : i32, i32, i32, i32
  }
  func.func @transform_14(%arg0: i32, %arg1: memref<4x64xi32, #tpu.memory_space<smem>>) -> (i32, i32, i32, i32) {
    %mul3A = arith.constant 8 : i32
    %mul3A_0 = arith.muli %mul3A, %arg0 : i32
    %add3A = arith.constant 6 : i32
    %add3A_1 = arith.addi %mul3A_0, %add3A : i32
    %get3A = arith.constant 1 : index
    %get3A_2 = arith.index_cast %add3A_1 : i32 to index
    %get3A_3 = memref.load %arg1[%get3A, %get3A_2] : memref<4x64xi32, #tpu.memory_space<smem>>
    %mul3A_4 = arith.constant 8 : i32
    %mul3A_5 = arith.muli %mul3A_4, %arg0 : i32
    %add3A_6 = arith.constant 6 : i32
    %add3A_7 = arith.addi %mul3A_5, %add3A_6 : i32
    %get3A_8 = arith.constant 2 : index
    %get3A_9 = arith.index_cast %add3A_7 : i32 to index
    %get3A_10 = memref.load %arg1[%get3A_8, %get3A_9] : memref<4x64xi32, #tpu.memory_space<smem>>
    %mul3A_11 = arith.constant 8 : i32
    %mul3A_12 = arith.muli %mul3A_11, %arg0 : i32
    %add3A_13 = arith.constant 6 : i32
    %add3A_14 = arith.addi %mul3A_12, %add3A_13 : i32
    %get3A_15 = arith.constant 0 : index
    %get3A_16 = arith.index_cast %add3A_14 : i32 to index
    %get3A_17 = memref.load %arg1[%get3A_15, %get3A_16] : memref<4x64xi32, #tpu.memory_space<smem>>
    %jit3A = arith.constant 8 : i32
    %div3A = arith.divsi %get3A_17, %jit3A : i32
    %sign3A = arith.constant 0 : i32
    %sign3A_18 = arith.cmpi sgt, %get3A_17, %sign3A : i32
    %sign3A_19 = arith.extui %sign3A_18 : i1 to i32
    %sign3A_20 = arith.constant 0 : i32
    %sign3A_21 = arith.cmpi slt, %get3A_17, %sign3A_20 : i32
    %sign3A_22 = arith.extui %sign3A_21 : i1 to i32
    %sign3A_23 = arith.subi %sign3A_19, %sign3A_22 : i32
    %sign3A_24 = arith.constant 0 : i32
    %sign3A_25 = arith.cmpi sgt, %jit3A, %sign3A_24 : i32
    %sign3A_26 = arith.extui %sign3A_25 : i1 to i32
    %sign3A_27 = arith.constant 0 : i32
    %sign3A_28 = arith.cmpi slt, %jit3A, %sign3A_27 : i32
    %sign3A_29 = arith.extui %sign3A_28 : i1 to i32
    %sign3A_30 = arith.subi %sign3A_26, %sign3A_29 : i32
    %ne3A = arith.cmpi ne, %sign3A_23, %sign3A_30 : i32
    %rem3A = arith.remsi %get3A_17, %jit3A : i32
    %ne3A_31 = arith.constant 0 : i32
    %ne3A_32 = arith.cmpi ne, %rem3A, %ne3A_31 : i32
    %and3A = arith.andi %ne3A, %ne3A_32 : i1
    %sub3A = arith.constant 1 : i32
    %sub3A_33 = arith.subi %div3A, %sub3A : i32
    %select_n3A = arith.select %and3A, %sub3A_33, %div3A : i32
    %c0_i32 = arith.constant 0 : i32
    %c0_i32_34 = arith.constant 0 : i32
    return %get3A_3, %get3A_10, %select_n3A, %c0_i32 : i32, i32, i32, i32
  }
  func.func @transform_15(%arg0: i32, %arg1: memref<4x64xi32, #tpu.memory_space<smem>>) -> (i32, i32, i32, i32) {
    %mul3A = arith.constant 8 : i32
    %mul3A_0 = arith.muli %mul3A, %arg0 : i32
    %add3A = arith.constant 7 : i32
    %add3A_1 = arith.addi %mul3A_0, %add3A : i32
    %get3A = arith.constant 1 : index
    %get3A_2 = arith.index_cast %add3A_1 : i32 to index
    %get3A_3 = memref.load %arg1[%get3A, %get3A_2] : memref<4x64xi32, #tpu.memory_space<smem>>
    %mul3A_4 = arith.constant 8 : i32
    %mul3A_5 = arith.muli %mul3A_4, %arg0 : i32
    %add3A_6 = arith.constant 7 : i32
    %add3A_7 = arith.addi %mul3A_5, %add3A_6 : i32
    %get3A_8 = arith.constant 2 : index
    %get3A_9 = arith.index_cast %add3A_7 : i32 to index
    %get3A_10 = memref.load %arg1[%get3A_8, %get3A_9] : memref<4x64xi32, #tpu.memory_space<smem>>
    %mul3A_11 = arith.constant 8 : i32
    %mul3A_12 = arith.muli %mul3A_11, %arg0 : i32
    %add3A_13 = arith.constant 7 : i32
    %add3A_14 = arith.addi %mul3A_12, %add3A_13 : i32
    %get3A_15 = arith.constant 0 : index
    %get3A_16 = arith.index_cast %add3A_14 : i32 to index
    %get3A_17 = memref.load %arg1[%get3A_15, %get3A_16] : memref<4x64xi32, #tpu.memory_space<smem>>
    %jit3A = arith.constant 8 : i32
    %div3A = arith.divsi %get3A_17, %jit3A : i32
    %sign3A = arith.constant 0 : i32
    %sign3A_18 = arith.cmpi sgt, %get3A_17, %sign3A : i32
    %sign3A_19 = arith.extui %sign3A_18 : i1 to i32
    %sign3A_20 = arith.constant 0 : i32
    %sign3A_21 = arith.cmpi slt, %get3A_17, %sign3A_20 : i32
    %sign3A_22 = arith.extui %sign3A_21 : i1 to i32
    %sign3A_23 = arith.subi %sign3A_19, %sign3A_22 : i32
    %sign3A_24 = arith.constant 0 : i32
    %sign3A_25 = arith.cmpi sgt, %jit3A, %sign3A_24 : i32
    %sign3A_26 = arith.extui %sign3A_25 : i1 to i32
    %sign3A_27 = arith.constant 0 : i32
    %sign3A_28 = arith.cmpi slt, %jit3A, %sign3A_27 : i32
    %sign3A_29 = arith.extui %sign3A_28 : i1 to i32
    %sign3A_30 = arith.subi %sign3A_26, %sign3A_29 : i32
    %ne3A = arith.cmpi ne, %sign3A_23, %sign3A_30 : i32
    %rem3A = arith.remsi %get3A_17, %jit3A : i32
    %ne3A_31 = arith.constant 0 : i32
    %ne3A_32 = arith.cmpi ne, %rem3A, %ne3A_31 : i32
    %and3A = arith.andi %ne3A, %ne3A_32 : i1
    %sub3A = arith.constant 1 : i32
    %sub3A_33 = arith.subi %div3A, %sub3A : i32
    %select_n3A = arith.select %and3A, %sub3A_33, %div3A : i32
    %c0_i32 = arith.constant 0 : i32
    %c0_i32_34 = arith.constant 0 : i32
    return %get3A_3, %get3A_10, %select_n3A, %c0_i32 : i32, i32, i32, i32
  }
  func.func @transform_16(%arg0: i32, %arg1: memref<4x64xi32, #tpu.memory_space<smem>>) -> (i32, i32, i32, i32) {
    %mul3A = arith.constant 8 : i32
    %mul3A_0 = arith.muli %mul3A, %arg0 : i32
    %add3A = arith.constant 0 : i32
    %add3A_1 = arith.addi %mul3A_0, %add3A : i32
    %get3A = arith.constant 1 : index
    %get3A_2 = arith.index_cast %add3A_1 : i32 to index
    %get3A_3 = memref.load %arg1[%get3A, %get3A_2] : memref<4x64xi32, #tpu.memory_space<smem>>
    %mul3A_4 = arith.constant 8 : i32
    %mul3A_5 = arith.muli %mul3A_4, %arg0 : i32
    %add3A_6 = arith.constant 0 : i32
    %add3A_7 = arith.addi %mul3A_5, %add3A_6 : i32
    %get3A_8 = arith.constant 2 : index
    %get3A_9 = arith.index_cast %add3A_7 : i32 to index
    %get3A_10 = memref.load %arg1[%get3A_8, %get3A_9] : memref<4x64xi32, #tpu.memory_space<smem>>
    %mul3A_11 = arith.constant 8 : i32
    %mul3A_12 = arith.muli %mul3A_11, %arg0 : i32
    %add3A_13 = arith.constant 0 : i32
    %add3A_14 = arith.addi %mul3A_12, %add3A_13 : i32
    %get3A_15 = arith.constant 0 : index
    %get3A_16 = arith.index_cast %add3A_14 : i32 to index
    %get3A_17 = memref.load %arg1[%get3A_15, %get3A_16] : memref<4x64xi32, #tpu.memory_space<smem>>
    %jit3A = arith.constant 8 : i32
    %div3A = arith.divsi %get3A_17, %jit3A : i32
    %sign3A = arith.constant 0 : i32
    %sign3A_18 = arith.cmpi sgt, %get3A_17, %sign3A : i32
    %sign3A_19 = arith.extui %sign3A_18 : i1 to i32
    %sign3A_20 = arith.constant 0 : i32
    %sign3A_21 = arith.cmpi slt, %get3A_17, %sign3A_20 : i32
    %sign3A_22 = arith.extui %sign3A_21 : i1 to i32
    %sign3A_23 = arith.subi %sign3A_19, %sign3A_22 : i32
    %sign3A_24 = arith.constant 0 : i32
    %sign3A_25 = arith.cmpi sgt, %jit3A, %sign3A_24 : i32
    %sign3A_26 = arith.extui %sign3A_25 : i1 to i32
    %sign3A_27 = arith.constant 0 : i32
    %sign3A_28 = arith.cmpi slt, %jit3A, %sign3A_27 : i32
    %sign3A_29 = arith.extui %sign3A_28 : i1 to i32
    %sign3A_30 = arith.subi %sign3A_26, %sign3A_29 : i32
    %ne3A = arith.cmpi ne, %sign3A_23, %sign3A_30 : i32
    %rem3A = arith.remsi %get3A_17, %jit3A : i32
    %ne3A_31 = arith.constant 0 : i32
    %ne3A_32 = arith.cmpi ne, %rem3A, %ne3A_31 : i32
    %and3A = arith.andi %ne3A, %ne3A_32 : i1
    %sub3A = arith.constant 1 : i32
    %sub3A_33 = arith.subi %div3A, %sub3A : i32
    %select_n3A = arith.select %and3A, %sub3A_33, %div3A : i32
    %c0_i32 = arith.constant 0 : i32
    %c0_i32_34 = arith.constant 0 : i32
    return %get3A_3, %get3A_10, %select_n3A, %c0_i32 : i32, i32, i32, i32
  }
  func.func @transform_17(%arg0: i32, %arg1: memref<4x64xi32, #tpu.memory_space<smem>>) -> (i32, i32, i32, i32) {
    %mul3A = arith.constant 8 : i32
    %mul3A_0 = arith.muli %mul3A, %arg0 : i32
    %add3A = arith.constant 1 : i32
    %add3A_1 = arith.addi %mul3A_0, %add3A : i32
    %get3A = arith.constant 1 : index
    %get3A_2 = arith.index_cast %add3A_1 : i32 to index
    %get3A_3 = memref.load %arg1[%get3A, %get3A_2] : memref<4x64xi32, #tpu.memory_space<smem>>
    %mul3A_4 = arith.constant 8 : i32
    %mul3A_5 = arith.muli %mul3A_4, %arg0 : i32
    %add3A_6 = arith.constant 1 : i32
    %add3A_7 = arith.addi %mul3A_5, %add3A_6 : i32
    %get3A_8 = arith.constant 2 : index
    %get3A_9 = arith.index_cast %add3A_7 : i32 to index
    %get3A_10 = memref.load %arg1[%get3A_8, %get3A_9] : memref<4x64xi32, #tpu.memory_space<smem>>
    %mul3A_11 = arith.constant 8 : i32
    %mul3A_12 = arith.muli %mul3A_11, %arg0 : i32
    %add3A_13 = arith.constant 1 : i32
    %add3A_14 = arith.addi %mul3A_12, %add3A_13 : i32
    %get3A_15 = arith.constant 0 : index
    %get3A_16 = arith.index_cast %add3A_14 : i32 to index
    %get3A_17 = memref.load %arg1[%get3A_15, %get3A_16] : memref<4x64xi32, #tpu.memory_space<smem>>
    %jit3A = arith.constant 8 : i32
    %div3A = arith.divsi %get3A_17, %jit3A : i32
    %sign3A = arith.constant 0 : i32
    %sign3A_18 = arith.cmpi sgt, %get3A_17, %sign3A : i32
    %sign3A_19 = arith.extui %sign3A_18 : i1 to i32
    %sign3A_20 = arith.constant 0 : i32
    %sign3A_21 = arith.cmpi slt, %get3A_17, %sign3A_20 : i32
    %sign3A_22 = arith.extui %sign3A_21 : i1 to i32
    %sign3A_23 = arith.subi %sign3A_19, %sign3A_22 : i32
    %sign3A_24 = arith.constant 0 : i32
    %sign3A_25 = arith.cmpi sgt, %jit3A, %sign3A_24 : i32
    %sign3A_26 = arith.extui %sign3A_25 : i1 to i32
    %sign3A_27 = arith.constant 0 : i32
    %sign3A_28 = arith.cmpi slt, %jit3A, %sign3A_27 : i32
    %sign3A_29 = arith.extui %sign3A_28 : i1 to i32
    %sign3A_30 = arith.subi %sign3A_26, %sign3A_29 : i32
    %ne3A = arith.cmpi ne, %sign3A_23, %sign3A_30 : i32
    %rem3A = arith.remsi %get3A_17, %jit3A : i32
    %ne3A_31 = arith.constant 0 : i32
    %ne3A_32 = arith.cmpi ne, %rem3A, %ne3A_31 : i32
    %and3A = arith.andi %ne3A, %ne3A_32 : i1
    %sub3A = arith.constant 1 : i32
    %sub3A_33 = arith.subi %div3A, %sub3A : i32
    %select_n3A = arith.select %and3A, %sub3A_33, %div3A : i32
    %c0_i32 = arith.constant 0 : i32
    %c0_i32_34 = arith.constant 0 : i32
    return %get3A_3, %get3A_10, %select_n3A, %c0_i32 : i32, i32, i32, i32
  }
  func.func @transform_18(%arg0: i32, %arg1: memref<4x64xi32, #tpu.memory_space<smem>>) -> (i32, i32, i32, i32) {
    %mul3A = arith.constant 8 : i32
    %mul3A_0 = arith.muli %mul3A, %arg0 : i32
    %add3A = arith.constant 2 : i32
    %add3A_1 = arith.addi %mul3A_0, %add3A : i32
    %get3A = arith.constant 1 : index
    %get3A_2 = arith.index_cast %add3A_1 : i32 to index
    %get3A_3 = memref.load %arg1[%get3A, %get3A_2] : memref<4x64xi32, #tpu.memory_space<smem>>
    %mul3A_4 = arith.constant 8 : i32
    %mul3A_5 = arith.muli %mul3A_4, %arg0 : i32
    %add3A_6 = arith.constant 2 : i32
    %add3A_7 = arith.addi %mul3A_5, %add3A_6 : i32
    %get3A_8 = arith.constant 2 : index
    %get3A_9 = arith.index_cast %add3A_7 : i32 to index
    %get3A_10 = memref.load %arg1[%get3A_8, %get3A_9] : memref<4x64xi32, #tpu.memory_space<smem>>
    %mul3A_11 = arith.constant 8 : i32
    %mul3A_12 = arith.muli %mul3A_11, %arg0 : i32
    %add3A_13 = arith.constant 2 : i32
    %add3A_14 = arith.addi %mul3A_12, %add3A_13 : i32
    %get3A_15 = arith.constant 0 : index
    %get3A_16 = arith.index_cast %add3A_14 : i32 to index
    %get3A_17 = memref.load %arg1[%get3A_15, %get3A_16] : memref<4x64xi32, #tpu.memory_space<smem>>
    %jit3A = arith.constant 8 : i32
    %div3A = arith.divsi %get3A_17, %jit3A : i32
    %sign3A = arith.constant 0 : i32
    %sign3A_18 = arith.cmpi sgt, %get3A_17, %sign3A : i32
    %sign3A_19 = arith.extui %sign3A_18 : i1 to i32
    %sign3A_20 = arith.constant 0 : i32
    %sign3A_21 = arith.cmpi slt, %get3A_17, %sign3A_20 : i32
    %sign3A_22 = arith.extui %sign3A_21 : i1 to i32
    %sign3A_23 = arith.subi %sign3A_19, %sign3A_22 : i32
    %sign3A_24 = arith.constant 0 : i32
    %sign3A_25 = arith.cmpi sgt, %jit3A, %sign3A_24 : i32
    %sign3A_26 = arith.extui %sign3A_25 : i1 to i32
    %sign3A_27 = arith.constant 0 : i32
    %sign3A_28 = arith.cmpi slt, %jit3A, %sign3A_27 : i32
    %sign3A_29 = arith.extui %sign3A_28 : i1 to i32
    %sign3A_30 = arith.subi %sign3A_26, %sign3A_29 : i32
    %ne3A = arith.cmpi ne, %sign3A_23, %sign3A_30 : i32
    %rem3A = arith.remsi %get3A_17, %jit3A : i32
    %ne3A_31 = arith.constant 0 : i32
    %ne3A_32 = arith.cmpi ne, %rem3A, %ne3A_31 : i32
    %and3A = arith.andi %ne3A, %ne3A_32 : i1
    %sub3A = arith.constant 1 : i32
    %sub3A_33 = arith.subi %div3A, %sub3A : i32
    %select_n3A = arith.select %and3A, %sub3A_33, %div3A : i32
    %c0_i32 = arith.constant 0 : i32
    %c0_i32_34 = arith.constant 0 : i32
    return %get3A_3, %get3A_10, %select_n3A, %c0_i32 : i32, i32, i32, i32
  }
  func.func @transform_19(%arg0: i32, %arg1: memref<4x64xi32, #tpu.memory_space<smem>>) -> (i32, i32, i32, i32) {
    %mul3A = arith.constant 8 : i32
    %mul3A_0 = arith.muli %mul3A, %arg0 : i32
    %add3A = arith.constant 3 : i32
    %add3A_1 = arith.addi %mul3A_0, %add3A : i32
    %get3A = arith.constant 1 : index
    %get3A_2 = arith.index_cast %add3A_1 : i32 to index
    %get3A_3 = memref.load %arg1[%get3A, %get3A_2] : memref<4x64xi32, #tpu.memory_space<smem>>
    %mul3A_4 = arith.constant 8 : i32
    %mul3A_5 = arith.muli %mul3A_4, %arg0 : i32
    %add3A_6 = arith.constant 3 : i32
    %add3A_7 = arith.addi %mul3A_5, %add3A_6 : i32
    %get3A_8 = arith.constant 2 : index
    %get3A_9 = arith.index_cast %add3A_7 : i32 to index
    %get3A_10 = memref.load %arg1[%get3A_8, %get3A_9] : memref<4x64xi32, #tpu.memory_space<smem>>
    %mul3A_11 = arith.constant 8 : i32
    %mul3A_12 = arith.muli %mul3A_11, %arg0 : i32
    %add3A_13 = arith.constant 3 : i32
    %add3A_14 = arith.addi %mul3A_12, %add3A_13 : i32
    %get3A_15 = arith.constant 0 : index
    %get3A_16 = arith.index_cast %add3A_14 : i32 to index
    %get3A_17 = memref.load %arg1[%get3A_15, %get3A_16] : memref<4x64xi32, #tpu.memory_space<smem>>
    %jit3A = arith.constant 8 : i32
    %div3A = arith.divsi %get3A_17, %jit3A : i32
    %sign3A = arith.constant 0 : i32
    %sign3A_18 = arith.cmpi sgt, %get3A_17, %sign3A : i32
    %sign3A_19 = arith.extui %sign3A_18 : i1 to i32
    %sign3A_20 = arith.constant 0 : i32
    %sign3A_21 = arith.cmpi slt, %get3A_17, %sign3A_20 : i32
    %sign3A_22 = arith.extui %sign3A_21 : i1 to i32
    %sign3A_23 = arith.subi %sign3A_19, %sign3A_22 : i32
    %sign3A_24 = arith.constant 0 : i32
    %sign3A_25 = arith.cmpi sgt, %jit3A, %sign3A_24 : i32
    %sign3A_26 = arith.extui %sign3A_25 : i1 to i32
    %sign3A_27 = arith.constant 0 : i32
    %sign3A_28 = arith.cmpi slt, %jit3A, %sign3A_27 : i32
    %sign3A_29 = arith.extui %sign3A_28 : i1 to i32
    %sign3A_30 = arith.subi %sign3A_26, %sign3A_29 : i32
    %ne3A = arith.cmpi ne, %sign3A_23, %sign3A_30 : i32
    %rem3A = arith.remsi %get3A_17, %jit3A : i32
    %ne3A_31 = arith.constant 0 : i32
    %ne3A_32 = arith.cmpi ne, %rem3A, %ne3A_31 : i32
    %and3A = arith.andi %ne3A, %ne3A_32 : i1
    %sub3A = arith.constant 1 : i32
    %sub3A_33 = arith.subi %div3A, %sub3A : i32
    %select_n3A = arith.select %and3A, %sub3A_33, %div3A : i32
    %c0_i32 = arith.constant 0 : i32
    %c0_i32_34 = arith.constant 0 : i32
    return %get3A_3, %get3A_10, %select_n3A, %c0_i32 : i32, i32, i32, i32
  }
  func.func @transform_20(%arg0: i32, %arg1: memref<4x64xi32, #tpu.memory_space<smem>>) -> (i32, i32, i32, i32) {
    %mul3A = arith.constant 8 : i32
    %mul3A_0 = arith.muli %mul3A, %arg0 : i32
    %add3A = arith.constant 4 : i32
    %add3A_1 = arith.addi %mul3A_0, %add3A : i32
    %get3A = arith.constant 1 : index
    %get3A_2 = arith.index_cast %add3A_1 : i32 to index
    %get3A_3 = memref.load %arg1[%get3A, %get3A_2] : memref<4x64xi32, #tpu.memory_space<smem>>
    %mul3A_4 = arith.constant 8 : i32
    %mul3A_5 = arith.muli %mul3A_4, %arg0 : i32
    %add3A_6 = arith.constant 4 : i32
    %add3A_7 = arith.addi %mul3A_5, %add3A_6 : i32
    %get3A_8 = arith.constant 2 : index
    %get3A_9 = arith.index_cast %add3A_7 : i32 to index
    %get3A_10 = memref.load %arg1[%get3A_8, %get3A_9] : memref<4x64xi32, #tpu.memory_space<smem>>
    %mul3A_11 = arith.constant 8 : i32
    %mul3A_12 = arith.muli %mul3A_11, %arg0 : i32
    %add3A_13 = arith.constant 4 : i32
    %add3A_14 = arith.addi %mul3A_12, %add3A_13 : i32
    %get3A_15 = arith.constant 0 : index
    %get3A_16 = arith.index_cast %add3A_14 : i32 to index
    %get3A_17 = memref.load %arg1[%get3A_15, %get3A_16] : memref<4x64xi32, #tpu.memory_space<smem>>
    %jit3A = arith.constant 8 : i32
    %div3A = arith.divsi %get3A_17, %jit3A : i32
    %sign3A = arith.constant 0 : i32
    %sign3A_18 = arith.cmpi sgt, %get3A_17, %sign3A : i32
    %sign3A_19 = arith.extui %sign3A_18 : i1 to i32
    %sign3A_20 = arith.constant 0 : i32
    %sign3A_21 = arith.cmpi slt, %get3A_17, %sign3A_20 : i32
    %sign3A_22 = arith.extui %sign3A_21 : i1 to i32
    %sign3A_23 = arith.subi %sign3A_19, %sign3A_22 : i32
    %sign3A_24 = arith.constant 0 : i32
    %sign3A_25 = arith.cmpi sgt, %jit3A, %sign3A_24 : i32
    %sign3A_26 = arith.extui %sign3A_25 : i1 to i32
    %sign3A_27 = arith.constant 0 : i32
    %sign3A_28 = arith.cmpi slt, %jit3A, %sign3A_27 : i32
    %sign3A_29 = arith.extui %sign3A_28 : i1 to i32
    %sign3A_30 = arith.subi %sign3A_26, %sign3A_29 : i32
    %ne3A = arith.cmpi ne, %sign3A_23, %sign3A_30 : i32
    %rem3A = arith.remsi %get3A_17, %jit3A : i32
    %ne3A_31 = arith.constant 0 : i32
    %ne3A_32 = arith.cmpi ne, %rem3A, %ne3A_31 : i32
    %and3A = arith.andi %ne3A, %ne3A_32 : i1
    %sub3A = arith.constant 1 : i32
    %sub3A_33 = arith.subi %div3A, %sub3A : i32
    %select_n3A = arith.select %and3A, %sub3A_33, %div3A : i32
    %c0_i32 = arith.constant 0 : i32
    %c0_i32_34 = arith.constant 0 : i32
    return %get3A_3, %get3A_10, %select_n3A, %c0_i32 : i32, i32, i32, i32
  }
  func.func @transform_21(%arg0: i32, %arg1: memref<4x64xi32, #tpu.memory_space<smem>>) -> (i32, i32, i32, i32) {
    %mul3A = arith.constant 8 : i32
    %mul3A_0 = arith.muli %mul3A, %arg0 : i32
    %add3A = arith.constant 5 : i32
    %add3A_1 = arith.addi %mul3A_0, %add3A : i32
    %get3A = arith.constant 1 : index
    %get3A_2 = arith.index_cast %add3A_1 : i32 to index
    %get3A_3 = memref.load %arg1[%get3A, %get3A_2] : memref<4x64xi32, #tpu.memory_space<smem>>
    %mul3A_4 = arith.constant 8 : i32
    %mul3A_5 = arith.muli %mul3A_4, %arg0 : i32
    %add3A_6 = arith.constant 5 : i32
    %add3A_7 = arith.addi %mul3A_5, %add3A_6 : i32
    %get3A_8 = arith.constant 2 : index
    %get3A_9 = arith.index_cast %add3A_7 : i32 to index
    %get3A_10 = memref.load %arg1[%get3A_8, %get3A_9] : memref<4x64xi32, #tpu.memory_space<smem>>
    %mul3A_11 = arith.constant 8 : i32
    %mul3A_12 = arith.muli %mul3A_11, %arg0 : i32
    %add3A_13 = arith.constant 5 : i32
    %add3A_14 = arith.addi %mul3A_12, %add3A_13 : i32
    %get3A_15 = arith.constant 0 : index
    %get3A_16 = arith.index_cast %add3A_14 : i32 to index
    %get3A_17 = memref.load %arg1[%get3A_15, %get3A_16] : memref<4x64xi32, #tpu.memory_space<smem>>
    %jit3A = arith.constant 8 : i32
    %div3A = arith.divsi %get3A_17, %jit3A : i32
    %sign3A = arith.constant 0 : i32
    %sign3A_18 = arith.cmpi sgt, %get3A_17, %sign3A : i32
    %sign3A_19 = arith.extui %sign3A_18 : i1 to i32
    %sign3A_20 = arith.constant 0 : i32
    %sign3A_21 = arith.cmpi slt, %get3A_17, %sign3A_20 : i32
    %sign3A_22 = arith.extui %sign3A_21 : i1 to i32
    %sign3A_23 = arith.subi %sign3A_19, %sign3A_22 : i32
    %sign3A_24 = arith.constant 0 : i32
    %sign3A_25 = arith.cmpi sgt, %jit3A, %sign3A_24 : i32
    %sign3A_26 = arith.extui %sign3A_25 : i1 to i32
    %sign3A_27 = arith.constant 0 : i32
    %sign3A_28 = arith.cmpi slt, %jit3A, %sign3A_27 : i32
    %sign3A_29 = arith.extui %sign3A_28 : i1 to i32
    %sign3A_30 = arith.subi %sign3A_26, %sign3A_29 : i32
    %ne3A = arith.cmpi ne, %sign3A_23, %sign3A_30 : i32
    %rem3A = arith.remsi %get3A_17, %jit3A : i32
    %ne3A_31 = arith.constant 0 : i32
    %ne3A_32 = arith.cmpi ne, %rem3A, %ne3A_31 : i32
    %and3A = arith.andi %ne3A, %ne3A_32 : i1
    %sub3A = arith.constant 1 : i32
    %sub3A_33 = arith.subi %div3A, %sub3A : i32
    %select_n3A = arith.select %and3A, %sub3A_33, %div3A : i32
    %c0_i32 = arith.constant 0 : i32
    %c0_i32_34 = arith.constant 0 : i32
    return %get3A_3, %get3A_10, %select_n3A, %c0_i32 : i32, i32, i32, i32
  }
  func.func @transform_22(%arg0: i32, %arg1: memref<4x64xi32, #tpu.memory_space<smem>>) -> (i32, i32, i32, i32) {
    %mul3A = arith.constant 8 : i32
    %mul3A_0 = arith.muli %mul3A, %arg0 : i32
    %add3A = arith.constant 6 : i32
    %add3A_1 = arith.addi %mul3A_0, %add3A : i32
    %get3A = arith.constant 1 : index
    %get3A_2 = arith.index_cast %add3A_1 : i32 to index
    %get3A_3 = memref.load %arg1[%get3A, %get3A_2] : memref<4x64xi32, #tpu.memory_space<smem>>
    %mul3A_4 = arith.constant 8 : i32
    %mul3A_5 = arith.muli %mul3A_4, %arg0 : i32
    %add3A_6 = arith.constant 6 : i32
    %add3A_7 = arith.addi %mul3A_5, %add3A_6 : i32
    %get3A_8 = arith.constant 2 : index
    %get3A_9 = arith.index_cast %add3A_7 : i32 to index
    %get3A_10 = memref.load %arg1[%get3A_8, %get3A_9] : memref<4x64xi32, #tpu.memory_space<smem>>
    %mul3A_11 = arith.constant 8 : i32
    %mul3A_12 = arith.muli %mul3A_11, %arg0 : i32
    %add3A_13 = arith.constant 6 : i32
    %add3A_14 = arith.addi %mul3A_12, %add3A_13 : i32
    %get3A_15 = arith.constant 0 : index
    %get3A_16 = arith.index_cast %add3A_14 : i32 to index
    %get3A_17 = memref.load %arg1[%get3A_15, %get3A_16] : memref<4x64xi32, #tpu.memory_space<smem>>
    %jit3A = arith.constant 8 : i32
    %div3A = arith.divsi %get3A_17, %jit3A : i32
    %sign3A = arith.constant 0 : i32
    %sign3A_18 = arith.cmpi sgt, %get3A_17, %sign3A : i32
    %sign3A_19 = arith.extui %sign3A_18 : i1 to i32
    %sign3A_20 = arith.constant 0 : i32
    %sign3A_21 = arith.cmpi slt, %get3A_17, %sign3A_20 : i32
    %sign3A_22 = arith.extui %sign3A_21 : i1 to i32
    %sign3A_23 = arith.subi %sign3A_19, %sign3A_22 : i32
    %sign3A_24 = arith.constant 0 : i32
    %sign3A_25 = arith.cmpi sgt, %jit3A, %sign3A_24 : i32
    %sign3A_26 = arith.extui %sign3A_25 : i1 to i32
    %sign3A_27 = arith.constant 0 : i32
    %sign3A_28 = arith.cmpi slt, %jit3A, %sign3A_27 : i32
    %sign3A_29 = arith.extui %sign3A_28 : i1 to i32
    %sign3A_30 = arith.subi %sign3A_26, %sign3A_29 : i32
    %ne3A = arith.cmpi ne, %sign3A_23, %sign3A_30 : i32
    %rem3A = arith.remsi %get3A_17, %jit3A : i32
    %ne3A_31 = arith.constant 0 : i32
    %ne3A_32 = arith.cmpi ne, %rem3A, %ne3A_31 : i32
    %and3A = arith.andi %ne3A, %ne3A_32 : i1
    %sub3A = arith.constant 1 : i32
    %sub3A_33 = arith.subi %div3A, %sub3A : i32
    %select_n3A = arith.select %and3A, %sub3A_33, %div3A : i32
    %c0_i32 = arith.constant 0 : i32
    %c0_i32_34 = arith.constant 0 : i32
    return %get3A_3, %get3A_10, %select_n3A, %c0_i32 : i32, i32, i32, i32
  }
  func.func @transform_23(%arg0: i32, %arg1: memref<4x64xi32, #tpu.memory_space<smem>>) -> (i32, i32, i32, i32) {
    %mul3A = arith.constant 8 : i32
    %mul3A_0 = arith.muli %mul3A, %arg0 : i32
    %add3A = arith.constant 7 : i32
    %add3A_1 = arith.addi %mul3A_0, %add3A : i32
    %get3A = arith.constant 1 : index
    %get3A_2 = arith.index_cast %add3A_1 : i32 to index
    %get3A_3 = memref.load %arg1[%get3A, %get3A_2] : memref<4x64xi32, #tpu.memory_space<smem>>
    %mul3A_4 = arith.constant 8 : i32
    %mul3A_5 = arith.muli %mul3A_4, %arg0 : i32
    %add3A_6 = arith.constant 7 : i32
    %add3A_7 = arith.addi %mul3A_5, %add3A_6 : i32
    %get3A_8 = arith.constant 2 : index
    %get3A_9 = arith.index_cast %add3A_7 : i32 to index
    %get3A_10 = memref.load %arg1[%get3A_8, %get3A_9] : memref<4x64xi32, #tpu.memory_space<smem>>
    %mul3A_11 = arith.constant 8 : i32
    %mul3A_12 = arith.muli %mul3A_11, %arg0 : i32
    %add3A_13 = arith.constant 7 : i32
    %add3A_14 = arith.addi %mul3A_12, %add3A_13 : i32
    %get3A_15 = arith.constant 0 : index
    %get3A_16 = arith.index_cast %add3A_14 : i32 to index
    %get3A_17 = memref.load %arg1[%get3A_15, %get3A_16] : memref<4x64xi32, #tpu.memory_space<smem>>
    %jit3A = arith.constant 8 : i32
    %div3A = arith.divsi %get3A_17, %jit3A : i32
    %sign3A = arith.constant 0 : i32
    %sign3A_18 = arith.cmpi sgt, %get3A_17, %sign3A : i32
    %sign3A_19 = arith.extui %sign3A_18 : i1 to i32
    %sign3A_20 = arith.constant 0 : i32
    %sign3A_21 = arith.cmpi slt, %get3A_17, %sign3A_20 : i32
    %sign3A_22 = arith.extui %sign3A_21 : i1 to i32
    %sign3A_23 = arith.subi %sign3A_19, %sign3A_22 : i32
    %sign3A_24 = arith.constant 0 : i32
    %sign3A_25 = arith.cmpi sgt, %jit3A, %sign3A_24 : i32
    %sign3A_26 = arith.extui %sign3A_25 : i1 to i32
    %sign3A_27 = arith.constant 0 : i32
    %sign3A_28 = arith.cmpi slt, %jit3A, %sign3A_27 : i32
    %sign3A_29 = arith.extui %sign3A_28 : i1 to i32
    %sign3A_30 = arith.subi %sign3A_26, %sign3A_29 : i32
    %ne3A = arith.cmpi ne, %sign3A_23, %sign3A_30 : i32
    %rem3A = arith.remsi %get3A_17, %jit3A : i32
    %ne3A_31 = arith.constant 0 : i32
    %ne3A_32 = arith.cmpi ne, %rem3A, %ne3A_31 : i32
    %and3A = arith.andi %ne3A, %ne3A_32 : i1
    %sub3A = arith.constant 1 : i32
    %sub3A_33 = arith.subi %div3A, %sub3A : i32
    %select_n3A = arith.select %and3A, %sub3A_33, %div3A : i32
    %c0_i32 = arith.constant 0 : i32
    %c0_i32_34 = arith.constant 0 : i32
    return %get3A_3, %get3A_10, %select_n3A, %c0_i32 : i32, i32, i32, i32
  }
  func.func @transform_24(%arg0: i32, %arg1: memref<4x64xi32, #tpu.memory_space<smem>>) -> (i32, i32, i32, i32) {
    %mul3A = arith.constant 8 : i32
    %mul3A_0 = arith.muli %mul3A, %arg0 : i32
    %add3A = arith.constant 0 : i32
    %add3A_1 = arith.addi %mul3A_0, %add3A : i32
    %get3A = arith.constant 1 : index
    %get3A_2 = arith.index_cast %add3A_1 : i32 to index
    %get3A_3 = memref.load %arg1[%get3A, %get3A_2] : memref<4x64xi32, #tpu.memory_space<smem>>
    %mul3A_4 = arith.constant 8 : i32
    %mul3A_5 = arith.muli %mul3A_4, %arg0 : i32
    %add3A_6 = arith.constant 0 : i32
    %add3A_7 = arith.addi %mul3A_5, %add3A_6 : i32
    %get3A_8 = arith.constant 2 : index
    %get3A_9 = arith.index_cast %add3A_7 : i32 to index
    %get3A_10 = memref.load %arg1[%get3A_8, %get3A_9] : memref<4x64xi32, #tpu.memory_space<smem>>
    %mul3A_11 = arith.constant 8 : i32
    %mul3A_12 = arith.muli %mul3A_11, %arg0 : i32
    %add3A_13 = arith.constant 0 : i32
    %add3A_14 = arith.addi %mul3A_12, %add3A_13 : i32
    %get3A_15 = arith.constant 0 : index
    %get3A_16 = arith.index_cast %add3A_14 : i32 to index
    %get3A_17 = memref.load %arg1[%get3A_15, %get3A_16] : memref<4x64xi32, #tpu.memory_space<smem>>
    %jit3A = arith.constant 8 : i32
    %div3A = arith.divsi %get3A_17, %jit3A : i32
    %sign3A = arith.constant 0 : i32
    %sign3A_18 = arith.cmpi sgt, %get3A_17, %sign3A : i32
    %sign3A_19 = arith.extui %sign3A_18 : i1 to i32
    %sign3A_20 = arith.constant 0 : i32
    %sign3A_21 = arith.cmpi slt, %get3A_17, %sign3A_20 : i32
    %sign3A_22 = arith.extui %sign3A_21 : i1 to i32
    %sign3A_23 = arith.subi %sign3A_19, %sign3A_22 : i32
    %sign3A_24 = arith.constant 0 : i32
    %sign3A_25 = arith.cmpi sgt, %jit3A, %sign3A_24 : i32
    %sign3A_26 = arith.extui %sign3A_25 : i1 to i32
    %sign3A_27 = arith.constant 0 : i32
    %sign3A_28 = arith.cmpi slt, %jit3A, %sign3A_27 : i32
    %sign3A_29 = arith.extui %sign3A_28 : i1 to i32
    %sign3A_30 = arith.subi %sign3A_26, %sign3A_29 : i32
    %ne3A = arith.cmpi ne, %sign3A_23, %sign3A_30 : i32
    %rem3A = arith.remsi %get3A_17, %jit3A : i32
    %ne3A_31 = arith.constant 0 : i32
    %ne3A_32 = arith.cmpi ne, %rem3A, %ne3A_31 : i32
    %and3A = arith.andi %ne3A, %ne3A_32 : i1
    %sub3A = arith.constant 1 : i32
    %sub3A_33 = arith.subi %div3A, %sub3A : i32
    %select_n3A = arith.select %and3A, %sub3A_33, %div3A : i32
    %c0_i32 = arith.constant 0 : i32
    %c0_i32_34 = arith.constant 0 : i32
    return %get3A_3, %get3A_10, %select_n3A, %c0_i32 : i32, i32, i32, i32
  }
  func.func @transform_25(%arg0: i32, %arg1: memref<4x64xi32, #tpu.memory_space<smem>>) -> (i32, i32, i32, i32) {
    %mul3A = arith.constant 8 : i32
    %mul3A_0 = arith.muli %mul3A, %arg0 : i32
    %add3A = arith.constant 1 : i32
    %add3A_1 = arith.addi %mul3A_0, %add3A : i32
    %get3A = arith.constant 1 : index
    %get3A_2 = arith.index_cast %add3A_1 : i32 to index
    %get3A_3 = memref.load %arg1[%get3A, %get3A_2] : memref<4x64xi32, #tpu.memory_space<smem>>
    %mul3A_4 = arith.constant 8 : i32
    %mul3A_5 = arith.muli %mul3A_4, %arg0 : i32
    %add3A_6 = arith.constant 1 : i32
    %add3A_7 = arith.addi %mul3A_5, %add3A_6 : i32
    %get3A_8 = arith.constant 2 : index
    %get3A_9 = arith.index_cast %add3A_7 : i32 to index
    %get3A_10 = memref.load %arg1[%get3A_8, %get3A_9] : memref<4x64xi32, #tpu.memory_space<smem>>
    %mul3A_11 = arith.constant 8 : i32
    %mul3A_12 = arith.muli %mul3A_11, %arg0 : i32
    %add3A_13 = arith.constant 1 : i32
    %add3A_14 = arith.addi %mul3A_12, %add3A_13 : i32
    %get3A_15 = arith.constant 0 : index
    %get3A_16 = arith.index_cast %add3A_14 : i32 to index
    %get3A_17 = memref.load %arg1[%get3A_15, %get3A_16] : memref<4x64xi32, #tpu.memory_space<smem>>
    %jit3A = arith.constant 8 : i32
    %div3A = arith.divsi %get3A_17, %jit3A : i32
    %sign3A = arith.constant 0 : i32
    %sign3A_18 = arith.cmpi sgt, %get3A_17, %sign3A : i32
    %sign3A_19 = arith.extui %sign3A_18 : i1 to i32
    %sign3A_20 = arith.constant 0 : i32
    %sign3A_21 = arith.cmpi slt, %get3A_17, %sign3A_20 : i32
    %sign3A_22 = arith.extui %sign3A_21 : i1 to i32
    %sign3A_23 = arith.subi %sign3A_19, %sign3A_22 : i32
    %sign3A_24 = arith.constant 0 : i32
    %sign3A_25 = arith.cmpi sgt, %jit3A, %sign3A_24 : i32
    %sign3A_26 = arith.extui %sign3A_25 : i1 to i32
    %sign3A_27 = arith.constant 0 : i32
    %sign3A_28 = arith.cmpi slt, %jit3A, %sign3A_27 : i32
    %sign3A_29 = arith.extui %sign3A_28 : i1 to i32
    %sign3A_30 = arith.subi %sign3A_26, %sign3A_29 : i32
    %ne3A = arith.cmpi ne, %sign3A_23, %sign3A_30 : i32
    %rem3A = arith.remsi %get3A_17, %jit3A : i32
    %ne3A_31 = arith.constant 0 : i32
    %ne3A_32 = arith.cmpi ne, %rem3A, %ne3A_31 : i32
    %and3A = arith.andi %ne3A, %ne3A_32 : i1
    %sub3A = arith.constant 1 : i32
    %sub3A_33 = arith.subi %div3A, %sub3A : i32
    %select_n3A = arith.select %and3A, %sub3A_33, %div3A : i32
    %c0_i32 = arith.constant 0 : i32
    %c0_i32_34 = arith.constant 0 : i32
    return %get3A_3, %get3A_10, %select_n3A, %c0_i32 : i32, i32, i32, i32
  }
  func.func @transform_26(%arg0: i32, %arg1: memref<4x64xi32, #tpu.memory_space<smem>>) -> (i32, i32, i32, i32) {
    %mul3A = arith.constant 8 : i32
    %mul3A_0 = arith.muli %mul3A, %arg0 : i32
    %add3A = arith.constant 2 : i32
    %add3A_1 = arith.addi %mul3A_0, %add3A : i32
    %get3A = arith.constant 1 : index
    %get3A_2 = arith.index_cast %add3A_1 : i32 to index
    %get3A_3 = memref.load %arg1[%get3A, %get3A_2] : memref<4x64xi32, #tpu.memory_space<smem>>
    %mul3A_4 = arith.constant 8 : i32
    %mul3A_5 = arith.muli %mul3A_4, %arg0 : i32
    %add3A_6 = arith.constant 2 : i32
    %add3A_7 = arith.addi %mul3A_5, %add3A_6 : i32
    %get3A_8 = arith.constant 2 : index
    %get3A_9 = arith.index_cast %add3A_7 : i32 to index
    %get3A_10 = memref.load %arg1[%get3A_8, %get3A_9] : memref<4x64xi32, #tpu.memory_space<smem>>
    %mul3A_11 = arith.constant 8 : i32
    %mul3A_12 = arith.muli %mul3A_11, %arg0 : i32
    %add3A_13 = arith.constant 2 : i32
    %add3A_14 = arith.addi %mul3A_12, %add3A_13 : i32
    %get3A_15 = arith.constant 0 : index
    %get3A_16 = arith.index_cast %add3A_14 : i32 to index
    %get3A_17 = memref.load %arg1[%get3A_15, %get3A_16] : memref<4x64xi32, #tpu.memory_space<smem>>
    %jit3A = arith.constant 8 : i32
    %div3A = arith.divsi %get3A_17, %jit3A : i32
    %sign3A = arith.constant 0 : i32
    %sign3A_18 = arith.cmpi sgt, %get3A_17, %sign3A : i32
    %sign3A_19 = arith.extui %sign3A_18 : i1 to i32
    %sign3A_20 = arith.constant 0 : i32
    %sign3A_21 = arith.cmpi slt, %get3A_17, %sign3A_20 : i32
    %sign3A_22 = arith.extui %sign3A_21 : i1 to i32
    %sign3A_23 = arith.subi %sign3A_19, %sign3A_22 : i32
    %sign3A_24 = arith.constant 0 : i32
    %sign3A_25 = arith.cmpi sgt, %jit3A, %sign3A_24 : i32
    %sign3A_26 = arith.extui %sign3A_25 : i1 to i32
    %sign3A_27 = arith.constant 0 : i32
    %sign3A_28 = arith.cmpi slt, %jit3A, %sign3A_27 : i32
    %sign3A_29 = arith.extui %sign3A_28 : i1 to i32
    %sign3A_30 = arith.subi %sign3A_26, %sign3A_29 : i32
    %ne3A = arith.cmpi ne, %sign3A_23, %sign3A_30 : i32
    %rem3A = arith.remsi %get3A_17, %jit3A : i32
    %ne3A_31 = arith.constant 0 : i32
    %ne3A_32 = arith.cmpi ne, %rem3A, %ne3A_31 : i32
    %and3A = arith.andi %ne3A, %ne3A_32 : i1
    %sub3A = arith.constant 1 : i32
    %sub3A_33 = arith.subi %div3A, %sub3A : i32
    %select_n3A = arith.select %and3A, %sub3A_33, %div3A : i32
    %c0_i32 = arith.constant 0 : i32
    %c0_i32_34 = arith.constant 0 : i32
    return %get3A_3, %get3A_10, %select_n3A, %c0_i32 : i32, i32, i32, i32
  }
  func.func @transform_27(%arg0: i32, %arg1: memref<4x64xi32, #tpu.memory_space<smem>>) -> (i32, i32, i32, i32) {
    %mul3A = arith.constant 8 : i32
    %mul3A_0 = arith.muli %mul3A, %arg0 : i32
    %add3A = arith.constant 3 : i32
    %add3A_1 = arith.addi %mul3A_0, %add3A : i32
    %get3A = arith.constant 1 : index
    %get3A_2 = arith.index_cast %add3A_1 : i32 to index
    %get3A_3 = memref.load %arg1[%get3A, %get3A_2] : memref<4x64xi32, #tpu.memory_space<smem>>
    %mul3A_4 = arith.constant 8 : i32
    %mul3A_5 = arith.muli %mul3A_4, %arg0 : i32
    %add3A_6 = arith.constant 3 : i32
    %add3A_7 = arith.addi %mul3A_5, %add3A_6 : i32
    %get3A_8 = arith.constant 2 : index
    %get3A_9 = arith.index_cast %add3A_7 : i32 to index
    %get3A_10 = memref.load %arg1[%get3A_8, %get3A_9] : memref<4x64xi32, #tpu.memory_space<smem>>
    %mul3A_11 = arith.constant 8 : i32
    %mul3A_12 = arith.muli %mul3A_11, %arg0 : i32
    %add3A_13 = arith.constant 3 : i32
    %add3A_14 = arith.addi %mul3A_12, %add3A_13 : i32
    %get3A_15 = arith.constant 0 : index
    %get3A_16 = arith.index_cast %add3A_14 : i32 to index
    %get3A_17 = memref.load %arg1[%get3A_15, %get3A_16] : memref<4x64xi32, #tpu.memory_space<smem>>
    %jit3A = arith.constant 8 : i32
    %div3A = arith.divsi %get3A_17, %jit3A : i32
    %sign3A = arith.constant 0 : i32
    %sign3A_18 = arith.cmpi sgt, %get3A_17, %sign3A : i32
    %sign3A_19 = arith.extui %sign3A_18 : i1 to i32
    %sign3A_20 = arith.constant 0 : i32
    %sign3A_21 = arith.cmpi slt, %get3A_17, %sign3A_20 : i32
    %sign3A_22 = arith.extui %sign3A_21 : i1 to i32
    %sign3A_23 = arith.subi %sign3A_19, %sign3A_22 : i32
    %sign3A_24 = arith.constant 0 : i32
    %sign3A_25 = arith.cmpi sgt, %jit3A, %sign3A_24 : i32
    %sign3A_26 = arith.extui %sign3A_25 : i1 to i32
    %sign3A_27 = arith.constant 0 : i32
    %sign3A_28 = arith.cmpi slt, %jit3A, %sign3A_27 : i32
    %sign3A_29 = arith.extui %sign3A_28 : i1 to i32
    %sign3A_30 = arith.subi %sign3A_26, %sign3A_29 : i32
    %ne3A = arith.cmpi ne, %sign3A_23, %sign3A_30 : i32
    %rem3A = arith.remsi %get3A_17, %jit3A : i32
    %ne3A_31 = arith.constant 0 : i32
    %ne3A_32 = arith.cmpi ne, %rem3A, %ne3A_31 : i32
    %and3A = arith.andi %ne3A, %ne3A_32 : i1
    %sub3A = arith.constant 1 : i32
    %sub3A_33 = arith.subi %div3A, %sub3A : i32
    %select_n3A = arith.select %and3A, %sub3A_33, %div3A : i32
    %c0_i32 = arith.constant 0 : i32
    %c0_i32_34 = arith.constant 0 : i32
    return %get3A_3, %get3A_10, %select_n3A, %c0_i32 : i32, i32, i32, i32
  }
  func.func @transform_28(%arg0: i32, %arg1: memref<4x64xi32, #tpu.memory_space<smem>>) -> (i32, i32, i32, i32) {
    %mul3A = arith.constant 8 : i32
    %mul3A_0 = arith.muli %mul3A, %arg0 : i32
    %add3A = arith.constant 4 : i32
    %add3A_1 = arith.addi %mul3A_0, %add3A : i32
    %get3A = arith.constant 1 : index
    %get3A_2 = arith.index_cast %add3A_1 : i32 to index
    %get3A_3 = memref.load %arg1[%get3A, %get3A_2] : memref<4x64xi32, #tpu.memory_space<smem>>
    %mul3A_4 = arith.constant 8 : i32
    %mul3A_5 = arith.muli %mul3A_4, %arg0 : i32
    %add3A_6 = arith.constant 4 : i32
    %add3A_7 = arith.addi %mul3A_5, %add3A_6 : i32
    %get3A_8 = arith.constant 2 : index
    %get3A_9 = arith.index_cast %add3A_7 : i32 to index
    %get3A_10 = memref.load %arg1[%get3A_8, %get3A_9] : memref<4x64xi32, #tpu.memory_space<smem>>
    %mul3A_11 = arith.constant 8 : i32
    %mul3A_12 = arith.muli %mul3A_11, %arg0 : i32
    %add3A_13 = arith.constant 4 : i32
    %add3A_14 = arith.addi %mul3A_12, %add3A_13 : i32
    %get3A_15 = arith.constant 0 : index
    %get3A_16 = arith.index_cast %add3A_14 : i32 to index
    %get3A_17 = memref.load %arg1[%get3A_15, %get3A_16] : memref<4x64xi32, #tpu.memory_space<smem>>
    %jit3A = arith.constant 8 : i32
    %div3A = arith.divsi %get3A_17, %jit3A : i32
    %sign3A = arith.constant 0 : i32
    %sign3A_18 = arith.cmpi sgt, %get3A_17, %sign3A : i32
    %sign3A_19 = arith.extui %sign3A_18 : i1 to i32
    %sign3A_20 = arith.constant 0 : i32
    %sign3A_21 = arith.cmpi slt, %get3A_17, %sign3A_20 : i32
    %sign3A_22 = arith.extui %sign3A_21 : i1 to i32
    %sign3A_23 = arith.subi %sign3A_19, %sign3A_22 : i32
    %sign3A_24 = arith.constant 0 : i32
    %sign3A_25 = arith.cmpi sgt, %jit3A, %sign3A_24 : i32
    %sign3A_26 = arith.extui %sign3A_25 : i1 to i32
    %sign3A_27 = arith.constant 0 : i32
    %sign3A_28 = arith.cmpi slt, %jit3A, %sign3A_27 : i32
    %sign3A_29 = arith.extui %sign3A_28 : i1 to i32
    %sign3A_30 = arith.subi %sign3A_26, %sign3A_29 : i32
    %ne3A = arith.cmpi ne, %sign3A_23, %sign3A_30 : i32
    %rem3A = arith.remsi %get3A_17, %jit3A : i32
    %ne3A_31 = arith.constant 0 : i32
    %ne3A_32 = arith.cmpi ne, %rem3A, %ne3A_31 : i32
    %and3A = arith.andi %ne3A, %ne3A_32 : i1
    %sub3A = arith.constant 1 : i32
    %sub3A_33 = arith.subi %div3A, %sub3A : i32
    %select_n3A = arith.select %and3A, %sub3A_33, %div3A : i32
    %c0_i32 = arith.constant 0 : i32
    %c0_i32_34 = arith.constant 0 : i32
    return %get3A_3, %get3A_10, %select_n3A, %c0_i32 : i32, i32, i32, i32
  }
  func.func @transform_29(%arg0: i32, %arg1: memref<4x64xi32, #tpu.memory_space<smem>>) -> (i32, i32, i32, i32) {
    %mul3A = arith.constant 8 : i32
    %mul3A_0 = arith.muli %mul3A, %arg0 : i32
    %add3A = arith.constant 5 : i32
    %add3A_1 = arith.addi %mul3A_0, %add3A : i32
    %get3A = arith.constant 1 : index
    %get3A_2 = arith.index_cast %add3A_1 : i32 to index
    %get3A_3 = memref.load %arg1[%get3A, %get3A_2] : memref<4x64xi32, #tpu.memory_space<smem>>
    %mul3A_4 = arith.constant 8 : i32
    %mul3A_5 = arith.muli %mul3A_4, %arg0 : i32
    %add3A_6 = arith.constant 5 : i32
    %add3A_7 = arith.addi %mul3A_5, %add3A_6 : i32
    %get3A_8 = arith.constant 2 : index
    %get3A_9 = arith.index_cast %add3A_7 : i32 to index
    %get3A_10 = memref.load %arg1[%get3A_8, %get3A_9] : memref<4x64xi32, #tpu.memory_space<smem>>
    %mul3A_11 = arith.constant 8 : i32
    %mul3A_12 = arith.muli %mul3A_11, %arg0 : i32
    %add3A_13 = arith.constant 5 : i32
    %add3A_14 = arith.addi %mul3A_12, %add3A_13 : i32
    %get3A_15 = arith.constant 0 : index
    %get3A_16 = arith.index_cast %add3A_14 : i32 to index
    %get3A_17 = memref.load %arg1[%get3A_15, %get3A_16] : memref<4x64xi32, #tpu.memory_space<smem>>
    %jit3A = arith.constant 8 : i32
    %div3A = arith.divsi %get3A_17, %jit3A : i32
    %sign3A = arith.constant 0 : i32
    %sign3A_18 = arith.cmpi sgt, %get3A_17, %sign3A : i32
    %sign3A_19 = arith.extui %sign3A_18 : i1 to i32
    %sign3A_20 = arith.constant 0 : i32
    %sign3A_21 = arith.cmpi slt, %get3A_17, %sign3A_20 : i32
    %sign3A_22 = arith.extui %sign3A_21 : i1 to i32
    %sign3A_23 = arith.subi %sign3A_19, %sign3A_22 : i32
    %sign3A_24 = arith.constant 0 : i32
    %sign3A_25 = arith.cmpi sgt, %jit3A, %sign3A_24 : i32
    %sign3A_26 = arith.extui %sign3A_25 : i1 to i32
    %sign3A_27 = arith.constant 0 : i32
    %sign3A_28 = arith.cmpi slt, %jit3A, %sign3A_27 : i32
    %sign3A_29 = arith.extui %sign3A_28 : i1 to i32
    %sign3A_30 = arith.subi %sign3A_26, %sign3A_29 : i32
    %ne3A = arith.cmpi ne, %sign3A_23, %sign3A_30 : i32
    %rem3A = arith.remsi %get3A_17, %jit3A : i32
    %ne3A_31 = arith.constant 0 : i32
    %ne3A_32 = arith.cmpi ne, %rem3A, %ne3A_31 : i32
    %and3A = arith.andi %ne3A, %ne3A_32 : i1
    %sub3A = arith.constant 1 : i32
    %sub3A_33 = arith.subi %div3A, %sub3A : i32
    %select_n3A = arith.select %and3A, %sub3A_33, %div3A : i32
    %c0_i32 = arith.constant 0 : i32
    %c0_i32_34 = arith.constant 0 : i32
    return %get3A_3, %get3A_10, %select_n3A, %c0_i32 : i32, i32, i32, i32
  }
  func.func @transform_30(%arg0: i32, %arg1: memref<4x64xi32, #tpu.memory_space<smem>>) -> (i32, i32, i32, i32) {
    %mul3A = arith.constant 8 : i32
    %mul3A_0 = arith.muli %mul3A, %arg0 : i32
    %add3A = arith.constant 6 : i32
    %add3A_1 = arith.addi %mul3A_0, %add3A : i32
    %get3A = arith.constant 1 : index
    %get3A_2 = arith.index_cast %add3A_1 : i32 to index
    %get3A_3 = memref.load %arg1[%get3A, %get3A_2] : memref<4x64xi32, #tpu.memory_space<smem>>
    %mul3A_4 = arith.constant 8 : i32
    %mul3A_5 = arith.muli %mul3A_4, %arg0 : i32
    %add3A_6 = arith.constant 6 : i32
    %add3A_7 = arith.addi %mul3A_5, %add3A_6 : i32
    %get3A_8 = arith.constant 2 : index
    %get3A_9 = arith.index_cast %add3A_7 : i32 to index
    %get3A_10 = memref.load %arg1[%get3A_8, %get3A_9] : memref<4x64xi32, #tpu.memory_space<smem>>
    %mul3A_11 = arith.constant 8 : i32
    %mul3A_12 = arith.muli %mul3A_11, %arg0 : i32
    %add3A_13 = arith.constant 6 : i32
    %add3A_14 = arith.addi %mul3A_12, %add3A_13 : i32
    %get3A_15 = arith.constant 0 : index
    %get3A_16 = arith.index_cast %add3A_14 : i32 to index
    %get3A_17 = memref.load %arg1[%get3A_15, %get3A_16] : memref<4x64xi32, #tpu.memory_space<smem>>
    %jit3A = arith.constant 8 : i32
    %div3A = arith.divsi %get3A_17, %jit3A : i32
    %sign3A = arith.constant 0 : i32
    %sign3A_18 = arith.cmpi sgt, %get3A_17, %sign3A : i32
    %sign3A_19 = arith.extui %sign3A_18 : i1 to i32
    %sign3A_20 = arith.constant 0 : i32
    %sign3A_21 = arith.cmpi slt, %get3A_17, %sign3A_20 : i32
    %sign3A_22 = arith.extui %sign3A_21 : i1 to i32
    %sign3A_23 = arith.subi %sign3A_19, %sign3A_22 : i32
    %sign3A_24 = arith.constant 0 : i32
    %sign3A_25 = arith.cmpi sgt, %jit3A, %sign3A_24 : i32
    %sign3A_26 = arith.extui %sign3A_25 : i1 to i32
    %sign3A_27 = arith.constant 0 : i32
    %sign3A_28 = arith.cmpi slt, %jit3A, %sign3A_27 : i32
    %sign3A_29 = arith.extui %sign3A_28 : i1 to i32
    %sign3A_30 = arith.subi %sign3A_26, %sign3A_29 : i32
    %ne3A = arith.cmpi ne, %sign3A_23, %sign3A_30 : i32
    %rem3A = arith.remsi %get3A_17, %jit3A : i32
    %ne3A_31 = arith.constant 0 : i32
    %ne3A_32 = arith.cmpi ne, %rem3A, %ne3A_31 : i32
    %and3A = arith.andi %ne3A, %ne3A_32 : i1
    %sub3A = arith.constant 1 : i32
    %sub3A_33 = arith.subi %div3A, %sub3A : i32
    %select_n3A = arith.select %and3A, %sub3A_33, %div3A : i32
    %c0_i32 = arith.constant 0 : i32
    %c0_i32_34 = arith.constant 0 : i32
    return %get3A_3, %get3A_10, %select_n3A, %c0_i32 : i32, i32, i32, i32
  }
  func.func @transform_31(%arg0: i32, %arg1: memref<4x64xi32, #tpu.memory_space<smem>>) -> (i32, i32, i32, i32) {
    %mul3A = arith.constant 8 : i32
    %mul3A_0 = arith.muli %mul3A, %arg0 : i32
    %add3A = arith.constant 7 : i32
    %add3A_1 = arith.addi %mul3A_0, %add3A : i32
    %get3A = arith.constant 1 : index
    %get3A_2 = arith.index_cast %add3A_1 : i32 to index
    %get3A_3 = memref.load %arg1[%get3A, %get3A_2] : memref<4x64xi32, #tpu.memory_space<smem>>
    %mul3A_4 = arith.constant 8 : i32
    %mul3A_5 = arith.muli %mul3A_4, %arg0 : i32
    %add3A_6 = arith.constant 7 : i32
    %add3A_7 = arith.addi %mul3A_5, %add3A_6 : i32
    %get3A_8 = arith.constant 2 : index
    %get3A_9 = arith.index_cast %add3A_7 : i32 to index
    %get3A_10 = memref.load %arg1[%get3A_8, %get3A_9] : memref<4x64xi32, #tpu.memory_space<smem>>
    %mul3A_11 = arith.constant 8 : i32
    %mul3A_12 = arith.muli %mul3A_11, %arg0 : i32
    %add3A_13 = arith.constant 7 : i32
    %add3A_14 = arith.addi %mul3A_12, %add3A_13 : i32
    %get3A_15 = arith.constant 0 : index
    %get3A_16 = arith.index_cast %add3A_14 : i32 to index
    %get3A_17 = memref.load %arg1[%get3A_15, %get3A_16] : memref<4x64xi32, #tpu.memory_space<smem>>
    %jit3A = arith.constant 8 : i32
    %div3A = arith.divsi %get3A_17, %jit3A : i32
    %sign3A = arith.constant 0 : i32
    %sign3A_18 = arith.cmpi sgt, %get3A_17, %sign3A : i32
    %sign3A_19 = arith.extui %sign3A_18 : i1 to i32
    %sign3A_20 = arith.constant 0 : i32
    %sign3A_21 = arith.cmpi slt, %get3A_17, %sign3A_20 : i32
    %sign3A_22 = arith.extui %sign3A_21 : i1 to i32
    %sign3A_23 = arith.subi %sign3A_19, %sign3A_22 : i32
    %sign3A_24 = arith.constant 0 : i32
    %sign3A_25 = arith.cmpi sgt, %jit3A, %sign3A_24 : i32
    %sign3A_26 = arith.extui %sign3A_25 : i1 to i32
    %sign3A_27 = arith.constant 0 : i32
    %sign3A_28 = arith.cmpi slt, %jit3A, %sign3A_27 : i32
    %sign3A_29 = arith.extui %sign3A_28 : i1 to i32
    %sign3A_30 = arith.subi %sign3A_26, %sign3A_29 : i32
    %ne3A = arith.cmpi ne, %sign3A_23, %sign3A_30 : i32
    %rem3A = arith.remsi %get3A_17, %jit3A : i32
    %ne3A_31 = arith.constant 0 : i32
    %ne3A_32 = arith.cmpi ne, %rem3A, %ne3A_31 : i32
    %and3A = arith.andi %ne3A, %ne3A_32 : i1
    %sub3A = arith.constant 1 : i32
    %sub3A_33 = arith.subi %div3A, %sub3A : i32
    %select_n3A = arith.select %and3A, %sub3A_33, %div3A : i32
    %c0_i32 = arith.constant 0 : i32
    %c0_i32_34 = arith.constant 0 : i32
    return %get3A_3, %get3A_10, %select_n3A, %c0_i32 : i32, i32, i32, i32
  }
  func.func @transform_32(%arg0: i32, %arg1: memref<4x64xi32, #tpu.memory_space<smem>>) -> (i32, i32, i32, i32) {
    %mul3A = arith.constant 8 : i32
    %mul3A_0 = arith.muli %mul3A, %arg0 : i32
    %add3A = arith.constant 0 : i32
    %add3A_1 = arith.addi %mul3A_0, %add3A : i32
    %get3A = arith.constant 1 : index
    %get3A_2 = arith.index_cast %add3A_1 : i32 to index
    %get3A_3 = memref.load %arg1[%get3A, %get3A_2] : memref<4x64xi32, #tpu.memory_space<smem>>
    %mul3A_4 = arith.constant 8 : i32
    %mul3A_5 = arith.muli %mul3A_4, %arg0 : i32
    %add3A_6 = arith.constant 0 : i32
    %add3A_7 = arith.addi %mul3A_5, %add3A_6 : i32
    %get3A_8 = arith.constant 2 : index
    %get3A_9 = arith.index_cast %add3A_7 : i32 to index
    %get3A_10 = memref.load %arg1[%get3A_8, %get3A_9] : memref<4x64xi32, #tpu.memory_space<smem>>
    %mul3A_11 = arith.constant 8 : i32
    %mul3A_12 = arith.muli %mul3A_11, %arg0 : i32
    %add3A_13 = arith.constant 0 : i32
    %add3A_14 = arith.addi %mul3A_12, %add3A_13 : i32
    %get3A_15 = arith.constant 0 : index
    %get3A_16 = arith.index_cast %add3A_14 : i32 to index
    %get3A_17 = memref.load %arg1[%get3A_15, %get3A_16] : memref<4x64xi32, #tpu.memory_space<smem>>
    %jit3A = arith.constant 8 : i32
    %div3A = arith.divsi %get3A_17, %jit3A : i32
    %sign3A = arith.constant 0 : i32
    %sign3A_18 = arith.cmpi sgt, %get3A_17, %sign3A : i32
    %sign3A_19 = arith.extui %sign3A_18 : i1 to i32
    %sign3A_20 = arith.constant 0 : i32
    %sign3A_21 = arith.cmpi slt, %get3A_17, %sign3A_20 : i32
    %sign3A_22 = arith.extui %sign3A_21 : i1 to i32
    %sign3A_23 = arith.subi %sign3A_19, %sign3A_22 : i32
    %sign3A_24 = arith.constant 0 : i32
    %sign3A_25 = arith.cmpi sgt, %jit3A, %sign3A_24 : i32
    %sign3A_26 = arith.extui %sign3A_25 : i1 to i32
    %sign3A_27 = arith.constant 0 : i32
    %sign3A_28 = arith.cmpi slt, %jit3A, %sign3A_27 : i32
    %sign3A_29 = arith.extui %sign3A_28 : i1 to i32
    %sign3A_30 = arith.subi %sign3A_26, %sign3A_29 : i32
    %ne3A = arith.cmpi ne, %sign3A_23, %sign3A_30 : i32
    %rem3A = arith.remsi %get3A_17, %jit3A : i32
    %ne3A_31 = arith.constant 0 : i32
    %ne3A_32 = arith.cmpi ne, %rem3A, %ne3A_31 : i32
    %and3A = arith.andi %ne3A, %ne3A_32 : i1
    %sub3A = arith.constant 1 : i32
    %sub3A_33 = arith.subi %div3A, %sub3A : i32
    %select_n3A = arith.select %and3A, %sub3A_33, %div3A : i32
    %c0_i32 = arith.constant 0 : i32
    %c0_i32_34 = arith.constant 0 : i32
    return %get3A_3, %get3A_10, %select_n3A, %c0_i32 : i32, i32, i32, i32
  }
  func.func @transform_33(%arg0: i32, %arg1: memref<4x64xi32, #tpu.memory_space<smem>>) -> (i32, i32, i32, i32) {
    %mul3A = arith.constant 8 : i32
    %mul3A_0 = arith.muli %mul3A, %arg0 : i32
    %add3A = arith.constant 1 : i32
    %add3A_1 = arith.addi %mul3A_0, %add3A : i32
    %get3A = arith.constant 1 : index
    %get3A_2 = arith.index_cast %add3A_1 : i32 to index
    %get3A_3 = memref.load %arg1[%get3A, %get3A_2] : memref<4x64xi32, #tpu.memory_space<smem>>
    %mul3A_4 = arith.constant 8 : i32
    %mul3A_5 = arith.muli %mul3A_4, %arg0 : i32
    %add3A_6 = arith.constant 1 : i32
    %add3A_7 = arith.addi %mul3A_5, %add3A_6 : i32
    %get3A_8 = arith.constant 2 : index
    %get3A_9 = arith.index_cast %add3A_7 : i32 to index
    %get3A_10 = memref.load %arg1[%get3A_8, %get3A_9] : memref<4x64xi32, #tpu.memory_space<smem>>
    %mul3A_11 = arith.constant 8 : i32
    %mul3A_12 = arith.muli %mul3A_11, %arg0 : i32
    %add3A_13 = arith.constant 1 : i32
    %add3A_14 = arith.addi %mul3A_12, %add3A_13 : i32
    %get3A_15 = arith.constant 0 : index
    %get3A_16 = arith.index_cast %add3A_14 : i32 to index
    %get3A_17 = memref.load %arg1[%get3A_15, %get3A_16] : memref<4x64xi32, #tpu.memory_space<smem>>
    %jit3A = arith.constant 8 : i32
    %div3A = arith.divsi %get3A_17, %jit3A : i32
    %sign3A = arith.constant 0 : i32
    %sign3A_18 = arith.cmpi sgt, %get3A_17, %sign3A : i32
    %sign3A_19 = arith.extui %sign3A_18 : i1 to i32
    %sign3A_20 = arith.constant 0 : i32
    %sign3A_21 = arith.cmpi slt, %get3A_17, %sign3A_20 : i32
    %sign3A_22 = arith.extui %sign3A_21 : i1 to i32
    %sign3A_23 = arith.subi %sign3A_19, %sign3A_22 : i32
    %sign3A_24 = arith.constant 0 : i32
    %sign3A_25 = arith.cmpi sgt, %jit3A, %sign3A_24 : i32
    %sign3A_26 = arith.extui %sign3A_25 : i1 to i32
    %sign3A_27 = arith.constant 0 : i32
    %sign3A_28 = arith.cmpi slt, %jit3A, %sign3A_27 : i32
    %sign3A_29 = arith.extui %sign3A_28 : i1 to i32
    %sign3A_30 = arith.subi %sign3A_26, %sign3A_29 : i32
    %ne3A = arith.cmpi ne, %sign3A_23, %sign3A_30 : i32
    %rem3A = arith.remsi %get3A_17, %jit3A : i32
    %ne3A_31 = arith.constant 0 : i32
    %ne3A_32 = arith.cmpi ne, %rem3A, %ne3A_31 : i32
    %and3A = arith.andi %ne3A, %ne3A_32 : i1
    %sub3A = arith.constant 1 : i32
    %sub3A_33 = arith.subi %div3A, %sub3A : i32
    %select_n3A = arith.select %and3A, %sub3A_33, %div3A : i32
    %c0_i32 = arith.constant 0 : i32
    %c0_i32_34 = arith.constant 0 : i32
    return %get3A_3, %get3A_10, %select_n3A, %c0_i32 : i32, i32, i32, i32
  }
  func.func @transform_34(%arg0: i32, %arg1: memref<4x64xi32, #tpu.memory_space<smem>>) -> (i32, i32, i32, i32) {
    %mul3A = arith.constant 8 : i32
    %mul3A_0 = arith.muli %mul3A, %arg0 : i32
    %add3A = arith.constant 2 : i32
    %add3A_1 = arith.addi %mul3A_0, %add3A : i32
    %get3A = arith.constant 1 : index
    %get3A_2 = arith.index_cast %add3A_1 : i32 to index
    %get3A_3 = memref.load %arg1[%get3A, %get3A_2] : memref<4x64xi32, #tpu.memory_space<smem>>
    %mul3A_4 = arith.constant 8 : i32
    %mul3A_5 = arith.muli %mul3A_4, %arg0 : i32
    %add3A_6 = arith.constant 2 : i32
    %add3A_7 = arith.addi %mul3A_5, %add3A_6 : i32
    %get3A_8 = arith.constant 2 : index
    %get3A_9 = arith.index_cast %add3A_7 : i32 to index
    %get3A_10 = memref.load %arg1[%get3A_8, %get3A_9] : memref<4x64xi32, #tpu.memory_space<smem>>
    %mul3A_11 = arith.constant 8 : i32
    %mul3A_12 = arith.muli %mul3A_11, %arg0 : i32
    %add3A_13 = arith.constant 2 : i32
    %add3A_14 = arith.addi %mul3A_12, %add3A_13 : i32
    %get3A_15 = arith.constant 0 : index
    %get3A_16 = arith.index_cast %add3A_14 : i32 to index
    %get3A_17 = memref.load %arg1[%get3A_15, %get3A_16] : memref<4x64xi32, #tpu.memory_space<smem>>
    %jit3A = arith.constant 8 : i32
    %div3A = arith.divsi %get3A_17, %jit3A : i32
    %sign3A = arith.constant 0 : i32
    %sign3A_18 = arith.cmpi sgt, %get3A_17, %sign3A : i32
    %sign3A_19 = arith.extui %sign3A_18 : i1 to i32
    %sign3A_20 = arith.constant 0 : i32
    %sign3A_21 = arith.cmpi slt, %get3A_17, %sign3A_20 : i32
    %sign3A_22 = arith.extui %sign3A_21 : i1 to i32
    %sign3A_23 = arith.subi %sign3A_19, %sign3A_22 : i32
    %sign3A_24 = arith.constant 0 : i32
    %sign3A_25 = arith.cmpi sgt, %jit3A, %sign3A_24 : i32
    %sign3A_26 = arith.extui %sign3A_25 : i1 to i32
    %sign3A_27 = arith.constant 0 : i32
    %sign3A_28 = arith.cmpi slt, %jit3A, %sign3A_27 : i32
    %sign3A_29 = arith.extui %sign3A_28 : i1 to i32
    %sign3A_30 = arith.subi %sign3A_26, %sign3A_29 : i32
    %ne3A = arith.cmpi ne, %sign3A_23, %sign3A_30 : i32
    %rem3A = arith.remsi %get3A_17, %jit3A : i32
    %ne3A_31 = arith.constant 0 : i32
    %ne3A_32 = arith.cmpi ne, %rem3A, %ne3A_31 : i32
    %and3A = arith.andi %ne3A, %ne3A_32 : i1
    %sub3A = arith.constant 1 : i32
    %sub3A_33 = arith.subi %div3A, %sub3A : i32
    %select_n3A = arith.select %and3A, %sub3A_33, %div3A : i32
    %c0_i32 = arith.constant 0 : i32
    %c0_i32_34 = arith.constant 0 : i32
    return %get3A_3, %get3A_10, %select_n3A, %c0_i32 : i32, i32, i32, i32
  }
  func.func @transform_35(%arg0: i32, %arg1: memref<4x64xi32, #tpu.memory_space<smem>>) -> (i32, i32, i32, i32) {
    %mul3A = arith.constant 8 : i32
    %mul3A_0 = arith.muli %mul3A, %arg0 : i32
    %add3A = arith.constant 3 : i32
    %add3A_1 = arith.addi %mul3A_0, %add3A : i32
    %get3A = arith.constant 1 : index
    %get3A_2 = arith.index_cast %add3A_1 : i32 to index
    %get3A_3 = memref.load %arg1[%get3A, %get3A_2] : memref<4x64xi32, #tpu.memory_space<smem>>
    %mul3A_4 = arith.constant 8 : i32
    %mul3A_5 = arith.muli %mul3A_4, %arg0 : i32
    %add3A_6 = arith.constant 3 : i32
    %add3A_7 = arith.addi %mul3A_5, %add3A_6 : i32
    %get3A_8 = arith.constant 2 : index
    %get3A_9 = arith.index_cast %add3A_7 : i32 to index
    %get3A_10 = memref.load %arg1[%get3A_8, %get3A_9] : memref<4x64xi32, #tpu.memory_space<smem>>
    %mul3A_11 = arith.constant 8 : i32
    %mul3A_12 = arith.muli %mul3A_11, %arg0 : i32
    %add3A_13 = arith.constant 3 : i32
    %add3A_14 = arith.addi %mul3A_12, %add3A_13 : i32
    %get3A_15 = arith.constant 0 : index
    %get3A_16 = arith.index_cast %add3A_14 : i32 to index
    %get3A_17 = memref.load %arg1[%get3A_15, %get3A_16] : memref<4x64xi32, #tpu.memory_space<smem>>
    %jit3A = arith.constant 8 : i32
    %div3A = arith.divsi %get3A_17, %jit3A : i32
    %sign3A = arith.constant 0 : i32
    %sign3A_18 = arith.cmpi sgt, %get3A_17, %sign3A : i32
    %sign3A_19 = arith.extui %sign3A_18 : i1 to i32
    %sign3A_20 = arith.constant 0 : i32
    %sign3A_21 = arith.cmpi slt, %get3A_17, %sign3A_20 : i32
    %sign3A_22 = arith.extui %sign3A_21 : i1 to i32
    %sign3A_23 = arith.subi %sign3A_19, %sign3A_22 : i32
    %sign3A_24 = arith.constant 0 : i32
    %sign3A_25 = arith.cmpi sgt, %jit3A, %sign3A_24 : i32
    %sign3A_26 = arith.extui %sign3A_25 : i1 to i32
    %sign3A_27 = arith.constant 0 : i32
    %sign3A_28 = arith.cmpi slt, %jit3A, %sign3A_27 : i32
    %sign3A_29 = arith.extui %sign3A_28 : i1 to i32
    %sign3A_30 = arith.subi %sign3A_26, %sign3A_29 : i32
    %ne3A = arith.cmpi ne, %sign3A_23, %sign3A_30 : i32
    %rem3A = arith.remsi %get3A_17, %jit3A : i32
    %ne3A_31 = arith.constant 0 : i32
    %ne3A_32 = arith.cmpi ne, %rem3A, %ne3A_31 : i32
    %and3A = arith.andi %ne3A, %ne3A_32 : i1
    %sub3A = arith.constant 1 : i32
    %sub3A_33 = arith.subi %div3A, %sub3A : i32
    %select_n3A = arith.select %and3A, %sub3A_33, %div3A : i32
    %c0_i32 = arith.constant 0 : i32
    %c0_i32_34 = arith.constant 0 : i32
    return %get3A_3, %get3A_10, %select_n3A, %c0_i32 : i32, i32, i32, i32
  }
  func.func @transform_36(%arg0: i32, %arg1: memref<4x64xi32, #tpu.memory_space<smem>>) -> (i32, i32, i32, i32) {
    %mul3A = arith.constant 8 : i32
    %mul3A_0 = arith.muli %mul3A, %arg0 : i32
    %add3A = arith.constant 4 : i32
    %add3A_1 = arith.addi %mul3A_0, %add3A : i32
    %get3A = arith.constant 1 : index
    %get3A_2 = arith.index_cast %add3A_1 : i32 to index
    %get3A_3 = memref.load %arg1[%get3A, %get3A_2] : memref<4x64xi32, #tpu.memory_space<smem>>
    %mul3A_4 = arith.constant 8 : i32
    %mul3A_5 = arith.muli %mul3A_4, %arg0 : i32
    %add3A_6 = arith.constant 4 : i32
    %add3A_7 = arith.addi %mul3A_5, %add3A_6 : i32
    %get3A_8 = arith.constant 2 : index
    %get3A_9 = arith.index_cast %add3A_7 : i32 to index
    %get3A_10 = memref.load %arg1[%get3A_8, %get3A_9] : memref<4x64xi32, #tpu.memory_space<smem>>
    %mul3A_11 = arith.constant 8 : i32
    %mul3A_12 = arith.muli %mul3A_11, %arg0 : i32
    %add3A_13 = arith.constant 4 : i32
    %add3A_14 = arith.addi %mul3A_12, %add3A_13 : i32
    %get3A_15 = arith.constant 0 : index
    %get3A_16 = arith.index_cast %add3A_14 : i32 to index
    %get3A_17 = memref.load %arg1[%get3A_15, %get3A_16] : memref<4x64xi32, #tpu.memory_space<smem>>
    %jit3A = arith.constant 8 : i32
    %div3A = arith.divsi %get3A_17, %jit3A : i32
    %sign3A = arith.constant 0 : i32
    %sign3A_18 = arith.cmpi sgt, %get3A_17, %sign3A : i32
    %sign3A_19 = arith.extui %sign3A_18 : i1 to i32
    %sign3A_20 = arith.constant 0 : i32
    %sign3A_21 = arith.cmpi slt, %get3A_17, %sign3A_20 : i32
    %sign3A_22 = arith.extui %sign3A_21 : i1 to i32
    %sign3A_23 = arith.subi %sign3A_19, %sign3A_22 : i32
    %sign3A_24 = arith.constant 0 : i32
    %sign3A_25 = arith.cmpi sgt, %jit3A, %sign3A_24 : i32
    %sign3A_26 = arith.extui %sign3A_25 : i1 to i32
    %sign3A_27 = arith.constant 0 : i32
    %sign3A_28 = arith.cmpi slt, %jit3A, %sign3A_27 : i32
    %sign3A_29 = arith.extui %sign3A_28 : i1 to i32
    %sign3A_30 = arith.subi %sign3A_26, %sign3A_29 : i32
    %ne3A = arith.cmpi ne, %sign3A_23, %sign3A_30 : i32
    %rem3A = arith.remsi %get3A_17, %jit3A : i32
    %ne3A_31 = arith.constant 0 : i32
    %ne3A_32 = arith.cmpi ne, %rem3A, %ne3A_31 : i32
    %and3A = arith.andi %ne3A, %ne3A_32 : i1
    %sub3A = arith.constant 1 : i32
    %sub3A_33 = arith.subi %div3A, %sub3A : i32
    %select_n3A = arith.select %and3A, %sub3A_33, %div3A : i32
    %c0_i32 = arith.constant 0 : i32
    %c0_i32_34 = arith.constant 0 : i32
    return %get3A_3, %get3A_10, %select_n3A, %c0_i32 : i32, i32, i32, i32
  }
  func.func @transform_37(%arg0: i32, %arg1: memref<4x64xi32, #tpu.memory_space<smem>>) -> (i32, i32, i32, i32) {
    %mul3A = arith.constant 8 : i32
    %mul3A_0 = arith.muli %mul3A, %arg0 : i32
    %add3A = arith.constant 5 : i32
    %add3A_1 = arith.addi %mul3A_0, %add3A : i32
    %get3A = arith.constant 1 : index
    %get3A_2 = arith.index_cast %add3A_1 : i32 to index
    %get3A_3 = memref.load %arg1[%get3A, %get3A_2] : memref<4x64xi32, #tpu.memory_space<smem>>
    %mul3A_4 = arith.constant 8 : i32
    %mul3A_5 = arith.muli %mul3A_4, %arg0 : i32
    %add3A_6 = arith.constant 5 : i32
    %add3A_7 = arith.addi %mul3A_5, %add3A_6 : i32
    %get3A_8 = arith.constant 2 : index
    %get3A_9 = arith.index_cast %add3A_7 : i32 to index
    %get3A_10 = memref.load %arg1[%get3A_8, %get3A_9] : memref<4x64xi32, #tpu.memory_space<smem>>
    %mul3A_11 = arith.constant 8 : i32
    %mul3A_12 = arith.muli %mul3A_11, %arg0 : i32
    %add3A_13 = arith.constant 5 : i32
    %add3A_14 = arith.addi %mul3A_12, %add3A_13 : i32
    %get3A_15 = arith.constant 0 : index
    %get3A_16 = arith.index_cast %add3A_14 : i32 to index
    %get3A_17 = memref.load %arg1[%get3A_15, %get3A_16] : memref<4x64xi32, #tpu.memory_space<smem>>
    %jit3A = arith.constant 8 : i32
    %div3A = arith.divsi %get3A_17, %jit3A : i32
    %sign3A = arith.constant 0 : i32
    %sign3A_18 = arith.cmpi sgt, %get3A_17, %sign3A : i32
    %sign3A_19 = arith.extui %sign3A_18 : i1 to i32
    %sign3A_20 = arith.constant 0 : i32
    %sign3A_21 = arith.cmpi slt, %get3A_17, %sign3A_20 : i32
    %sign3A_22 = arith.extui %sign3A_21 : i1 to i32
    %sign3A_23 = arith.subi %sign3A_19, %sign3A_22 : i32
    %sign3A_24 = arith.constant 0 : i32
    %sign3A_25 = arith.cmpi sgt, %jit3A, %sign3A_24 : i32
    %sign3A_26 = arith.extui %sign3A_25 : i1 to i32
    %sign3A_27 = arith.constant 0 : i32
    %sign3A_28 = arith.cmpi slt, %jit3A, %sign3A_27 : i32
    %sign3A_29 = arith.extui %sign3A_28 : i1 to i32
    %sign3A_30 = arith.subi %sign3A_26, %sign3A_29 : i32
    %ne3A = arith.cmpi ne, %sign3A_23, %sign3A_30 : i32
    %rem3A = arith.remsi %get3A_17, %jit3A : i32
    %ne3A_31 = arith.constant 0 : i32
    %ne3A_32 = arith.cmpi ne, %rem3A, %ne3A_31 : i32
    %and3A = arith.andi %ne3A, %ne3A_32 : i1
    %sub3A = arith.constant 1 : i32
    %sub3A_33 = arith.subi %div3A, %sub3A : i32
    %select_n3A = arith.select %and3A, %sub3A_33, %div3A : i32
    %c0_i32 = arith.constant 0 : i32
    %c0_i32_34 = arith.constant 0 : i32
    return %get3A_3, %get3A_10, %select_n3A, %c0_i32 : i32, i32, i32, i32
  }
  func.func @transform_38(%arg0: i32, %arg1: memref<4x64xi32, #tpu.memory_space<smem>>) -> (i32, i32, i32, i32) {
    %mul3A = arith.constant 8 : i32
    %mul3A_0 = arith.muli %mul3A, %arg0 : i32
    %add3A = arith.constant 6 : i32
    %add3A_1 = arith.addi %mul3A_0, %add3A : i32
    %get3A = arith.constant 1 : index
    %get3A_2 = arith.index_cast %add3A_1 : i32 to index
    %get3A_3 = memref.load %arg1[%get3A, %get3A_2] : memref<4x64xi32, #tpu.memory_space<smem>>
    %mul3A_4 = arith.constant 8 : i32
    %mul3A_5 = arith.muli %mul3A_4, %arg0 : i32
    %add3A_6 = arith.constant 6 : i32
    %add3A_7 = arith.addi %mul3A_5, %add3A_6 : i32
    %get3A_8 = arith.constant 2 : index
    %get3A_9 = arith.index_cast %add3A_7 : i32 to index
    %get3A_10 = memref.load %arg1[%get3A_8, %get3A_9] : memref<4x64xi32, #tpu.memory_space<smem>>
    %mul3A_11 = arith.constant 8 : i32
    %mul3A_12 = arith.muli %mul3A_11, %arg0 : i32
    %add3A_13 = arith.constant 6 : i32
    %add3A_14 = arith.addi %mul3A_12, %add3A_13 : i32
    %get3A_15 = arith.constant 0 : index
    %get3A_16 = arith.index_cast %add3A_14 : i32 to index
    %get3A_17 = memref.load %arg1[%get3A_15, %get3A_16] : memref<4x64xi32, #tpu.memory_space<smem>>
    %jit3A = arith.constant 8 : i32
    %div3A = arith.divsi %get3A_17, %jit3A : i32
    %sign3A = arith.constant 0 : i32
    %sign3A_18 = arith.cmpi sgt, %get3A_17, %sign3A : i32
    %sign3A_19 = arith.extui %sign3A_18 : i1 to i32
    %sign3A_20 = arith.constant 0 : i32
    %sign3A_21 = arith.cmpi slt, %get3A_17, %sign3A_20 : i32
    %sign3A_22 = arith.extui %sign3A_21 : i1 to i32
    %sign3A_23 = arith.subi %sign3A_19, %sign3A_22 : i32
    %sign3A_24 = arith.constant 0 : i32
    %sign3A_25 = arith.cmpi sgt, %jit3A, %sign3A_24 : i32
    %sign3A_26 = arith.extui %sign3A_25 : i1 to i32
    %sign3A_27 = arith.constant 0 : i32
    %sign3A_28 = arith.cmpi slt, %jit3A, %sign3A_27 : i32
    %sign3A_29 = arith.extui %sign3A_28 : i1 to i32
    %sign3A_30 = arith.subi %sign3A_26, %sign3A_29 : i32
    %ne3A = arith.cmpi ne, %sign3A_23, %sign3A_30 : i32
    %rem3A = arith.remsi %get3A_17, %jit3A : i32
    %ne3A_31 = arith.constant 0 : i32
    %ne3A_32 = arith.cmpi ne, %rem3A, %ne3A_31 : i32
    %and3A = arith.andi %ne3A, %ne3A_32 : i1
    %sub3A = arith.constant 1 : i32
    %sub3A_33 = arith.subi %div3A, %sub3A : i32
    %select_n3A = arith.select %and3A, %sub3A_33, %div3A : i32
    %c0_i32 = arith.constant 0 : i32
    %c0_i32_34 = arith.constant 0 : i32
    return %get3A_3, %get3A_10, %select_n3A, %c0_i32 : i32, i32, i32, i32
  }
  func.func @transform_39(%arg0: i32, %arg1: memref<4x64xi32, #tpu.memory_space<smem>>) -> (i32, i32, i32, i32) {
    %mul3A = arith.constant 8 : i32
    %mul3A_0 = arith.muli %mul3A, %arg0 : i32
    %add3A = arith.constant 7 : i32
    %add3A_1 = arith.addi %mul3A_0, %add3A : i32
    %get3A = arith.constant 1 : index
    %get3A_2 = arith.index_cast %add3A_1 : i32 to index
    %get3A_3 = memref.load %arg1[%get3A, %get3A_2] : memref<4x64xi32, #tpu.memory_space<smem>>
    %mul3A_4 = arith.constant 8 : i32
    %mul3A_5 = arith.muli %mul3A_4, %arg0 : i32
    %add3A_6 = arith.constant 7 : i32
    %add3A_7 = arith.addi %mul3A_5, %add3A_6 : i32
    %get3A_8 = arith.constant 2 : index
    %get3A_9 = arith.index_cast %add3A_7 : i32 to index
    %get3A_10 = memref.load %arg1[%get3A_8, %get3A_9] : memref<4x64xi32, #tpu.memory_space<smem>>
    %mul3A_11 = arith.constant 8 : i32
    %mul3A_12 = arith.muli %mul3A_11, %arg0 : i32
    %add3A_13 = arith.constant 7 : i32
    %add3A_14 = arith.addi %mul3A_12, %add3A_13 : i32
    %get3A_15 = arith.constant 0 : index
    %get3A_16 = arith.index_cast %add3A_14 : i32 to index
    %get3A_17 = memref.load %arg1[%get3A_15, %get3A_16] : memref<4x64xi32, #tpu.memory_space<smem>>
    %jit3A = arith.constant 8 : i32
    %div3A = arith.divsi %get3A_17, %jit3A : i32
    %sign3A = arith.constant 0 : i32
    %sign3A_18 = arith.cmpi sgt, %get3A_17, %sign3A : i32
    %sign3A_19 = arith.extui %sign3A_18 : i1 to i32
    %sign3A_20 = arith.constant 0 : i32
    %sign3A_21 = arith.cmpi slt, %get3A_17, %sign3A_20 : i32
    %sign3A_22 = arith.extui %sign3A_21 : i1 to i32
    %sign3A_23 = arith.subi %sign3A_19, %sign3A_22 : i32
    %sign3A_24 = arith.constant 0 : i32
    %sign3A_25 = arith.cmpi sgt, %jit3A, %sign3A_24 : i32
    %sign3A_26 = arith.extui %sign3A_25 : i1 to i32
    %sign3A_27 = arith.constant 0 : i32
    %sign3A_28 = arith.cmpi slt, %jit3A, %sign3A_27 : i32
    %sign3A_29 = arith.extui %sign3A_28 : i1 to i32
    %sign3A_30 = arith.subi %sign3A_26, %sign3A_29 : i32
    %ne3A = arith.cmpi ne, %sign3A_23, %sign3A_30 : i32
    %rem3A = arith.remsi %get3A_17, %jit3A : i32
    %ne3A_31 = arith.constant 0 : i32
    %ne3A_32 = arith.cmpi ne, %rem3A, %ne3A_31 : i32
    %and3A = arith.andi %ne3A, %ne3A_32 : i1
    %sub3A = arith.constant 1 : i32
    %sub3A_33 = arith.subi %div3A, %sub3A : i32
    %select_n3A = arith.select %and3A, %sub3A_33, %div3A : i32
    %c0_i32 = arith.constant 0 : i32
    %c0_i32_34 = arith.constant 0 : i32
    return %get3A_3, %get3A_10, %select_n3A, %c0_i32 : i32, i32, i32, i32
  }
  func.func @transform_40(%arg0: i32, %arg1: memref<4x64xi32, #tpu.memory_space<smem>>) -> (i32, i32, i32) {
    %c0_i32 = arith.constant 0 : i32
    %c0_i32_0 = arith.constant 0 : i32
    %c0_i32_1 = arith.constant 0 : i32
    return %arg0, %c0_i32, %c0_i32_0 : i32, i32, i32
  }
  func.func @transform_41(%arg0: i32, %arg1: memref<4x64xi32, #tpu.memory_space<smem>>) -> (i32, i32, i32) {
    %c0_i32 = arith.constant 0 : i32
    %c0_i32_0 = arith.constant 0 : i32
    %c0_i32_1 = arith.constant 0 : i32
    return %arg0, %c0_i32, %c0_i32_0 : i32, i32, i32
  }
}

module attributes {stable_mosaic.version = 14 : i64} {
  func.func @_idx_body(%arg0: memref<6x64xf32, #tpu.memory_space<vmem>>, %arg1: memref<1x6xf32, #tpu.memory_space<vmem>>, %arg2: memref<4x64xi32, #tpu.memory_space<vmem>>) attributes {dimension_semantics = [], scalar_prefetch = 0 : i64, scratch_operands = 0 : i64, tpu.core_type = #tpu.core_type<tc>} {
    %get3A = arith.constant 0 : index
    %get3A_0 = arith.constant 0 : index
    %get3A_1 = vector.load %arg0[%get3A, %get3A_0] : memref<6x64xf32, #tpu.memory_space<vmem>>, vector<6x64xf32>
    %get3A_2 = arith.constant 0 : index
    %get3A_3 = arith.constant 0 : index
    %get3A_4 = vector.load %arg1[%get3A_2, %get3A_3] : memref<1x6xf32, #tpu.memory_space<vmem>>, vector<1x6xf32>
    %slice3A = vector.extract_strided_slice %get3A_1 {offsets = [0, 0], sizes = [1, 64], strides = [1, 1]} : vector<6x64xf32> to vector<1x64xf32>
    %convert_element_type3A = arith.fptosi %slice3A : vector<1x64xf32> to vector<1x64xi32>
    %slice3A_5 = vector.extract_strided_slice %get3A_1 {offsets = [2, 0], sizes = [1, 64], strides = [1, 1]} : vector<6x64xf32> to vector<1x64xf32>
    %mul3A = arith.constant 7.600000e+01 : f32
    %mul3A_6 = vector.broadcast %mul3A : f32 to vector<1x64xf32>
    %mul3A_7 = arith.mulf %slice3A_5, %mul3A_6 : vector<1x64xf32>
    %slice3A_8 = vector.extract_strided_slice %get3A_1 {offsets = [3, 0], sizes = [1, 64], strides = [1, 1]} : vector<6x64xf32> to vector<1x64xf32>
    %mul3A_9 = arith.constant 7.600000e+01 : f32
    %mul3A_10 = vector.broadcast %mul3A_9 : f32 to vector<1x64xf32>
    %mul3A_11 = arith.mulf %slice3A_8, %mul3A_10 : vector<1x64xf32>
    %slice3A_12 = vector.extract_strided_slice %get3A_1 {offsets = [4, 0], sizes = [1, 64], strides = [1, 1]} : vector<6x64xf32> to vector<1x64xf32>
    %mul3A_13 = arith.constant 7.600000e+01 : f32
    %mul3A_14 = vector.broadcast %mul3A_13 : f32 to vector<1x64xf32>
    %mul3A_15 = arith.mulf %slice3A_12, %mul3A_14 : vector<1x64xf32>
    %slice3A_16 = vector.extract_strided_slice %get3A_1 {offsets = [5, 0], sizes = [1, 64], strides = [1, 1]} : vector<6x64xf32> to vector<1x64xf32>
    %mul3A_17 = arith.constant 7.600000e+01 : f32
    %mul3A_18 = vector.broadcast %mul3A_17 : f32 to vector<1x64xf32>
    %mul3A_19 = arith.mulf %slice3A_16, %mul3A_18 : vector<1x64xf32>
    %convert_element_type3A_20 = arith.fptosi %mul3A_7 : vector<1x64xf32> to vector<1x64xi32>
    %convert_element_type3A_21 = arith.fptosi %mul3A_11 : vector<1x64xf32> to vector<1x64xi32>
    %broadcast_in_dim3A = arith.constant 0 : i32
    %broadcast_in_dim3A_22 = vector.broadcast %broadcast_in_dim3A : i32 to vector<1x64xi32>
    %broadcast_in_dim3A_23 = arith.constant -1.000000e+00 : f32
    %broadcast_in_dim3A_24 = vector.broadcast %broadcast_in_dim3A_23 : f32 to vector<1x64xf32>
    %slice3A_25 = vector.extract_strided_slice %get3A_4 {offsets = [0, 0], sizes = [1, 1], strides = [1, 1]} : vector<1x6xf32> to vector<1x1xf32>
    %slice3A_26 = vector.extract_strided_slice %get3A_4 {offsets = [0, 1], sizes = [1, 1], strides = [1, 1]} : vector<1x6xf32> to vector<1x1xf32>
    %min3A = vector.broadcast %slice3A_25 : vector<1x1xf32> to vector<1x64xf32>
    %min3A_27 = arith.minimumf %min3A, %mul3A_15 : vector<1x64xf32>
    %min3A_28 = vector.broadcast %slice3A_26 : vector<1x1xf32> to vector<1x64xf32>
    %min3A_29 = arith.minimumf %min3A_28, %mul3A_19 : vector<1x64xf32>
    %mul3A_30 = arith.mulf %min3A_27, %min3A_29 : vector<1x64xf32>
    %mul3A_31 = arith.mulf %slice3A_25, %slice3A_26 : vector<1x1xf32>
    %add3A = arith.constant 1.000000e-16 : f32
    %add3A_32 = vector.broadcast %add3A : f32 to vector<1x1xf32>
    %add3A_33 = arith.addf %mul3A_31, %add3A_32 : vector<1x1xf32>
    %mul3A_34 = arith.mulf %mul3A_15, %mul3A_19 : vector<1x64xf32>
    %add3A_35 = vector.broadcast %add3A_33 : vector<1x1xf32> to vector<1x64xf32>
    %add3A_36 = arith.addf %add3A_35, %mul3A_34 : vector<1x64xf32>
    %sub3A = arith.subf %add3A_36, %mul3A_30 : vector<1x64xf32>
    %div3A = arith.divf %mul3A_30, %sub3A : vector<1x64xf32>
    %gt3A = arith.cmpf ogt, %div3A, %broadcast_in_dim3A_24 : vector<1x64xf32>
    %jit3A = arith.constant 0 : i32
    %broadcast_in_dim3A_37 = vector.broadcast %jit3A : i32 to vector<1x64xi32>
    %select_n3A = arith.select %gt3A, %broadcast_in_dim3A_37, %broadcast_in_dim3A_22 : vector<1x64xi1>, vector<1x64xi32>
    %select_n3A_38 = arith.select %gt3A, %div3A, %broadcast_in_dim3A_24 : vector<1x64xi1>, vector<1x64xf32>
    %slice3A_39 = vector.extract_strided_slice %get3A_4 {offsets = [0, 2], sizes = [1, 1], strides = [1, 1]} : vector<1x6xf32> to vector<1x1xf32>
    %slice3A_40 = vector.extract_strided_slice %get3A_4 {offsets = [0, 3], sizes = [1, 1], strides = [1, 1]} : vector<1x6xf32> to vector<1x1xf32>
    %min3A_41 = vector.broadcast %slice3A_39 : vector<1x1xf32> to vector<1x64xf32>
    %min3A_42 = arith.minimumf %min3A_41, %mul3A_15 : vector<1x64xf32>
    %min3A_43 = vector.broadcast %slice3A_40 : vector<1x1xf32> to vector<1x64xf32>
    %min3A_44 = arith.minimumf %min3A_43, %mul3A_19 : vector<1x64xf32>
    %mul3A_45 = arith.mulf %min3A_42, %min3A_44 : vector<1x64xf32>
    %mul3A_46 = arith.mulf %slice3A_39, %slice3A_40 : vector<1x1xf32>
    %add3A_47 = arith.constant 1.000000e-16 : f32
    %add3A_48 = vector.broadcast %add3A_47 : f32 to vector<1x1xf32>
    %add3A_49 = arith.addf %mul3A_46, %add3A_48 : vector<1x1xf32>
    %mul3A_50 = arith.mulf %mul3A_15, %mul3A_19 : vector<1x64xf32>
    %add3A_51 = vector.broadcast %add3A_49 : vector<1x1xf32> to vector<1x64xf32>
    %add3A_52 = arith.addf %add3A_51, %mul3A_50 : vector<1x64xf32>
    %sub3A_53 = arith.subf %add3A_52, %mul3A_45 : vector<1x64xf32>
    %div3A_54 = arith.divf %mul3A_45, %sub3A_53 : vector<1x64xf32>
    %gt3A_55 = arith.cmpf ogt, %div3A_54, %select_n3A_38 : vector<1x64xf32>
    %jit3A_56 = arith.constant 1 : i32
    %broadcast_in_dim3A_57 = vector.broadcast %jit3A_56 : i32 to vector<1x64xi32>
    %select_n3A_58 = arith.select %gt3A_55, %broadcast_in_dim3A_57, %select_n3A : vector<1x64xi1>, vector<1x64xi32>
    %select_n3A_59 = arith.select %gt3A_55, %div3A_54, %select_n3A_38 : vector<1x64xi1>, vector<1x64xf32>
    %slice3A_60 = vector.extract_strided_slice %get3A_4 {offsets = [0, 4], sizes = [1, 1], strides = [1, 1]} : vector<1x6xf32> to vector<1x1xf32>
    %slice3A_61 = vector.extract_strided_slice %get3A_4 {offsets = [0, 5], sizes = [1, 1], strides = [1, 1]} : vector<1x6xf32> to vector<1x1xf32>
    %min3A_62 = vector.broadcast %slice3A_60 : vector<1x1xf32> to vector<1x64xf32>
    %min3A_63 = arith.minimumf %min3A_62, %mul3A_15 : vector<1x64xf32>
    %min3A_64 = vector.broadcast %slice3A_61 : vector<1x1xf32> to vector<1x64xf32>
    %min3A_65 = arith.minimumf %min3A_64, %mul3A_19 : vector<1x64xf32>
    %mul3A_66 = arith.mulf %min3A_63, %min3A_65 : vector<1x64xf32>
    %mul3A_67 = arith.mulf %slice3A_60, %slice3A_61 : vector<1x1xf32>
    %add3A_68 = arith.constant 1.000000e-16 : f32
    %add3A_69 = vector.broadcast %add3A_68 : f32 to vector<1x1xf32>
    %add3A_70 = arith.addf %mul3A_67, %add3A_69 : vector<1x1xf32>
    %mul3A_71 = arith.mulf %mul3A_15, %mul3A_19 : vector<1x64xf32>
    %add3A_72 = vector.broadcast %add3A_70 : vector<1x1xf32> to vector<1x64xf32>
    %add3A_73 = arith.addf %add3A_72, %mul3A_71 : vector<1x64xf32>
    %sub3A_74 = arith.subf %add3A_73, %mul3A_66 : vector<1x64xf32>
    %div3A_75 = arith.divf %mul3A_66, %sub3A_74 : vector<1x64xf32>
    %gt3A_76 = arith.cmpf ogt, %div3A_75, %select_n3A_59 : vector<1x64xf32>
    %jit3A_77 = arith.constant 2 : i32
    %broadcast_in_dim3A_78 = vector.broadcast %jit3A_77 : i32 to vector<1x64xi32>
    %select_n3A_79 = arith.select %gt3A_76, %broadcast_in_dim3A_78, %select_n3A_58 : vector<1x64xi1>, vector<1x64xi32>
    %concatenate3A = tpu.concatenate %convert_element_type3A, %select_n3A_79, %convert_element_type3A_21, %convert_element_type3A_20 in 0 : vector<1x64xi32>, vector<1x64xi32>, vector<1x64xi32>, vector<1x64xi32> -> vector<4x64xi32>
    %swap3A = arith.constant 0 : index
    %swap3A_80 = arith.constant 0 : index
    %swap3A_81 = vector.load %arg2[%swap3A, %swap3A_80] : memref<4x64xi32, #tpu.memory_space<vmem>>, vector<4x64xi32>
    tpu.vector_store %arg2[%swap3A, %swap3A_80], %concatenate3A {strides = array<i32>} : memref<4x64xi32, #tpu.memory_space<vmem>>, vector<4x64xi32>,
    return
  }
}

module attributes {stable_mosaic.version = 14 : i64} {
  func.func @_tc_body(%arg0: memref<2166x128xf32, #tpu.memory_space<vmem>>, %arg1: memref<6x64xf32, #tpu.memory_space<vmem>>, %arg2: memref<64x6xf32, #tpu.memory_space<vmem>>, %arg3: memref<1x6xf32, #tpu.memory_space<vmem>>, %arg4: memref<256x128xf32, #tpu.memory_space<vmem>>, %arg5: memref<64x1x4xf32, #tpu.memory_space<vmem>>, %arg6: memref<64x1x80xf32, #tpu.memory_space<vmem>>, %arg7: memref<1x1xf32, #tpu.memory_space<vmem>>) attributes {dimension_semantics = [], scalar_prefetch = 0 : i64, scratch_operands = 0 : i64, tpu.core_type = #tpu.core_type<tc>} {
    %get3A = arith.constant 0 : index
    %get3A_0 = arith.constant 0 : index
    %get3A_1 = vector.load %arg0[%get3A, %get3A_0] : memref<2166x128xf32, #tpu.memory_space<vmem>>, vector<2166x128xf32>
    %custom_jvp_call3A = arith.constant 0.000000e+00 : f32
    %max3A = vector.broadcast %custom_jvp_call3A : f32 to vector<2166x128xf32>
    %max3A_2 = arith.maximumf %get3A_1, %max3A : vector<2166x128xf32>
    %sub3A = vector.broadcast %custom_jvp_call3A : f32 to vector<2166x128xf32>
    %sub3A_3 = arith.subf %get3A_1, %sub3A : vector<2166x128xf32>
    %ne3A = arith.cmpf one, %sub3A_3, %sub3A_3 : vector<2166x128xf32>
    %add3A = vector.broadcast %custom_jvp_call3A : f32 to vector<2166x128xf32>
    %add3A_4 = arith.addf %get3A_1, %add3A : vector<2166x128xf32>
    %abs3A = math.absf %sub3A_3 : vector<2166x128xf32>
    %neg3A = arith.constant 0.000000e+00 : f32
    %neg3A_5 = vector.broadcast %neg3A : f32 to vector<2166x128xf32>
    %neg3A_6 = arith.subf %neg3A_5, %abs3A : vector<2166x128xf32>
    %exp3A = math.exp %neg3A_6 : vector<2166x128xf32>
    %log1p3A = math.log1p %exp3A : vector<2166x128xf32>
    %add3A_7 = arith.addf %max3A_2, %log1p3A : vector<2166x128xf32>
    %select_n3A = arith.select %ne3A, %add3A_4, %add3A_7 : vector<2166x128xi1>, vector<2166x128xf32>
    %reduce_sum3A = vector.shape_cast %select_n3A : vector<2166x128xf32> to vector<1x2166x128xf32>
    %reduce_sum3A_8 = arith.constant dense<0.000000e+00> : vector<1xf32>
    %reduce_sum3A_9 = vector.multi_reduction <add>, %reduce_sum3A, %reduce_sum3A_8 [1, 2] : vector<1x2166x128xf32> to vector<1xf32>
    %reduce_sum3A_10 = vector.shape_cast %reduce_sum3A_9 : vector<1xf32> to vector<1x1x1xf32>
    %reduce_sum3A_11 = vector.extract %reduce_sum3A_10[0, 0, 0] : f32 from vector<1x1x1xf32>
    %get3A_12 = arith.constant 0 : index
    %get3A_13 = arith.constant 0 : index
    %get3A_14 = vector.load %arg3[%get3A_12, %get3A_13] : memref<1x6xf32, #tpu.memory_space<vmem>>, vector<1x6xf32>
    %get3A_15 = arith.constant 0 : index
    %get3A_16 = arith.constant 0 : index
    %get3A_17 = vector.load %arg1[%get3A_15, %get3A_16] : memref<6x64xf32, #tpu.memory_space<vmem>>, vector<6x64xf32>
    %slice3A = vector.extract_strided_slice %get3A_17 {offsets = [0, 0], sizes = [1, 64], strides = [1, 1]} : vector<6x64xf32> to vector<1x64xf32>
    %convert_element_type3A = arith.fptosi %slice3A : vector<1x64xf32> to vector<1x64xi32>
    %slice3A_18 = vector.extract_strided_slice %get3A_17 {offsets = [1, 0], sizes = [1, 64], strides = [1, 1]} : vector<6x64xf32> to vector<1x64xf32>
    %convert_element_type3A_19 = arith.fptosi %slice3A_18 : vector<1x64xf32> to vector<1x64xi32>
    %slice3A_20 = vector.extract_strided_slice %get3A_17 {offsets = [2, 0], sizes = [1, 64], strides = [1, 1]} : vector<6x64xf32> to vector<1x64xf32>
    %mul3A = arith.constant 7.600000e+01 : f32
    %mul3A_21 = vector.broadcast %mul3A : f32 to vector<1x64xf32>
    %mul3A_22 = arith.mulf %slice3A_20, %mul3A_21 : vector<1x64xf32>
    %slice3A_23 = vector.extract_strided_slice %get3A_17 {offsets = [3, 0], sizes = [1, 64], strides = [1, 1]} : vector<6x64xf32> to vector<1x64xf32>
    %mul3A_24 = arith.constant 7.600000e+01 : f32
    %mul3A_25 = vector.broadcast %mul3A_24 : f32 to vector<1x64xf32>
    %mul3A_26 = arith.mulf %slice3A_23, %mul3A_25 : vector<1x64xf32>
    %slice3A_27 = vector.extract_strided_slice %get3A_17 {offsets = [4, 0], sizes = [1, 64], strides = [1, 1]} : vector<6x64xf32> to vector<1x64xf32>
    %slice3A_28 = vector.extract_strided_slice %get3A_17 {offsets = [5, 0], sizes = [1, 64], strides = [1, 1]} : vector<6x64xf32> to vector<1x64xf32>
    %mul3A_29 = arith.constant 7.600000e+01 : f32
    %mul3A_30 = vector.broadcast %mul3A_29 : f32 to vector<1x64xf32>
    %mul3A_31 = arith.mulf %slice3A_27, %mul3A_30 : vector<1x64xf32>
    %mul3A_32 = arith.constant 7.600000e+01 : f32
    %mul3A_33 = vector.broadcast %mul3A_32 : f32 to vector<1x64xf32>
    %mul3A_34 = arith.mulf %slice3A_28, %mul3A_33 : vector<1x64xf32>
    %convert_element_type3A_35 = arith.fptosi %mul3A_22 : vector<1x64xf32> to vector<1x64xi32>
    %convert_element_type3A_36 = arith.fptosi %mul3A_26 : vector<1x64xf32> to vector<1x64xi32>
    %slice3A_37 = vector.extract_strided_slice %get3A_14 {offsets = [0, 0], sizes = [1, 1], strides = [1, 1]} : vector<1x6xf32> to vector<1x1xf32>
    %slice3A_38 = vector.extract_strided_slice %get3A_14 {offsets = [0, 1], sizes = [1, 1], strides = [1, 1]} : vector<1x6xf32> to vector<1x1xf32>
    %min3A = vector.broadcast %slice3A_37 : vector<1x1xf32> to vector<1x64xf32>
    %min3A_39 = arith.minimumf %min3A, %mul3A_31 : vector<1x64xf32>
    %min3A_40 = vector.broadcast %slice3A_38 : vector<1x1xf32> to vector<1x64xf32>
    %min3A_41 = arith.minimumf %min3A_40, %mul3A_34 : vector<1x64xf32>
    %mul3A_42 = arith.mulf %min3A_39, %min3A_41 : vector<1x64xf32>
    %mul3A_43 = arith.mulf %slice3A_37, %slice3A_38 : vector<1x1xf32>
    %add3A_44 = arith.constant 1.000000e-16 : f32
    %add3A_45 = vector.broadcast %add3A_44 : f32 to vector<1x1xf32>
    %add3A_46 = arith.addf %mul3A_43, %add3A_45 : vector<1x1xf32>
    %mul3A_47 = arith.mulf %mul3A_31, %mul3A_34 : vector<1x64xf32>
    %add3A_48 = vector.broadcast %add3A_46 : vector<1x1xf32> to vector<1x64xf32>
    %add3A_49 = arith.addf %add3A_48, %mul3A_47 : vector<1x64xf32>
    %sub3A_50 = arith.subf %add3A_49, %mul3A_42 : vector<1x64xf32>
    %div3A = arith.divf %mul3A_42, %sub3A_50 : vector<1x64xf32>
    %slice3A_51 = vector.extract_strided_slice %get3A_14 {offsets = [0, 2], sizes = [1, 1], strides = [1, 1]} : vector<1x6xf32> to vector<1x1xf32>
    %slice3A_52 = vector.extract_strided_slice %get3A_14 {offsets = [0, 3], sizes = [1, 1], strides = [1, 1]} : vector<1x6xf32> to vector<1x1xf32>
    %min3A_53 = vector.broadcast %slice3A_51 : vector<1x1xf32> to vector<1x64xf32>
    %min3A_54 = arith.minimumf %min3A_53, %mul3A_31 : vector<1x64xf32>
    %min3A_55 = vector.broadcast %slice3A_52 : vector<1x1xf32> to vector<1x64xf32>
    %min3A_56 = arith.minimumf %min3A_55, %mul3A_34 : vector<1x64xf32>
    %mul3A_57 = arith.mulf %min3A_54, %min3A_56 : vector<1x64xf32>
    %mul3A_58 = arith.mulf %slice3A_51, %slice3A_52 : vector<1x1xf32>
    %add3A_59 = arith.constant 1.000000e-16 : f32
    %add3A_60 = vector.broadcast %add3A_59 : f32 to vector<1x1xf32>
    %add3A_61 = arith.addf %mul3A_58, %add3A_60 : vector<1x1xf32>
    %mul3A_62 = arith.mulf %mul3A_31, %mul3A_34 : vector<1x64xf32>
    %add3A_63 = vector.broadcast %add3A_61 : vector<1x1xf32> to vector<1x64xf32>
    %add3A_64 = arith.addf %add3A_63, %mul3A_62 : vector<1x64xf32>
    %sub3A_65 = arith.subf %add3A_64, %mul3A_57 : vector<1x64xf32>
    %div3A_66 = arith.divf %mul3A_57, %sub3A_65 : vector<1x64xf32>
    %slice3A_67 = vector.extract_strided_slice %get3A_14 {offsets = [0, 4], sizes = [1, 1], strides = [1, 1]} : vector<1x6xf32> to vector<1x1xf32>
    %slice3A_68 = vector.extract_strided_slice %get3A_14 {offsets = [0, 5], sizes = [1, 1], strides = [1, 1]} : vector<1x6xf32> to vector<1x1xf32>
    %min3A_69 = vector.broadcast %slice3A_67 : vector<1x1xf32> to vector<1x64xf32>
    %min3A_70 = arith.minimumf %min3A_69, %mul3A_31 : vector<1x64xf32>
    %min3A_71 = vector.broadcast %slice3A_68 : vector<1x1xf32> to vector<1x64xf32>
    %min3A_72 = arith.minimumf %min3A_71, %mul3A_34 : vector<1x64xf32>
    %mul3A_73 = arith.mulf %min3A_70, %min3A_72 : vector<1x64xf32>
    %mul3A_74 = arith.mulf %slice3A_67, %slice3A_68 : vector<1x1xf32>
    %add3A_75 = arith.constant 1.000000e-16 : f32
    %add3A_76 = vector.broadcast %add3A_75 : f32 to vector<1x1xf32>
    %add3A_77 = arith.addf %mul3A_74, %add3A_76 : vector<1x1xf32>
    %mul3A_78 = arith.mulf %mul3A_31, %mul3A_34 : vector<1x64xf32>
    %add3A_79 = vector.broadcast %add3A_77 : vector<1x1xf32> to vector<1x64xf32>
    %add3A_80 = arith.addf %add3A_79, %mul3A_78 : vector<1x64xf32>
    %sub3A_81 = arith.subf %add3A_80, %mul3A_73 : vector<1x64xf32>
    %div3A_82 = arith.divf %mul3A_73, %sub3A_81 : vector<1x64xf32>
    %broadcast_in_dim3A = arith.constant 0 : i32
    %broadcast_in_dim3A_83 = vector.broadcast %broadcast_in_dim3A : i32 to vector<1x64xi32>
    %broadcast_in_dim3A_84 = arith.constant -1.000000e+00 : f32
    %broadcast_in_dim3A_85 = vector.broadcast %broadcast_in_dim3A_84 : f32 to vector<1x64xf32>
    %gt3A = arith.cmpf ogt, %div3A, %broadcast_in_dim3A_85 : vector<1x64xf32>
    %jit3A = arith.constant 0 : i32
    %broadcast_in_dim3A_86 = vector.broadcast %jit3A : i32 to vector<1x64xi32>
    %select_n3A_87 = arith.select %gt3A, %broadcast_in_dim3A_86, %broadcast_in_dim3A_83 : vector<1x64xi1>, vector<1x64xi32>
    %select_n3A_88 = arith.select %gt3A, %div3A, %broadcast_in_dim3A_85 : vector<1x64xi1>, vector<1x64xf32>
    %gt3A_89 = arith.cmpf ogt, %div3A_66, %select_n3A_88 : vector<1x64xf32>
    %jit3A_90 = arith.constant 1 : i32
    %broadcast_in_dim3A_91 = vector.broadcast %jit3A_90 : i32 to vector<1x64xi32>
    %select_n3A_92 = arith.select %gt3A_89, %broadcast_in_dim3A_91, %select_n3A_87 : vector<1x64xi1>, vector<1x64xi32>
    %select_n3A_93 = arith.select %gt3A_89, %div3A_66, %select_n3A_88 : vector<1x64xi1>, vector<1x64xf32>
    %gt3A_94 = arith.cmpf ogt, %div3A_82, %select_n3A_93 : vector<1x64xf32>
    %jit3A_95 = arith.constant 2 : i32
    %broadcast_in_dim3A_96 = vector.broadcast %jit3A_95 : i32 to vector<1x64xi32>
    %select_n3A_97 = arith.select %gt3A_94, %broadcast_in_dim3A_96, %select_n3A_92 : vector<1x64xi1>, vector<1x64xi32>
    %mul3A_98 = arith.constant 17328 : i32
    %mul3A_99 = vector.broadcast %mul3A_98 : i32 to vector<1x64xi32>
    %mul3A_100 = arith.muli %convert_element_type3A, %mul3A_99 : vector<1x64xi32>
    %mul3A_101 = arith.constant 76 : i32
    %mul3A_102 = vector.broadcast %mul3A_101 : i32 to vector<1x64xi32>
    %mul3A_103 = arith.muli %convert_element_type3A_36, %mul3A_102 : vector<1x64xi32>
    %add3A_104 = arith.addi %mul3A_100, %mul3A_103 : vector<1x64xi32>
    %add3A_105 = arith.addi %add3A_104, %convert_element_type3A_35 : vector<1x64xi32>
    %mul3A_106 = arith.constant 5776 : i32
    %mul3A_107 = vector.broadcast %mul3A_106 : i32 to vector<1x64xi32>
    %mul3A_108 = arith.muli %select_n3A_97, %mul3A_107 : vector<1x64xi32>
    %add3A_109 = arith.addi %add3A_105, %mul3A_108 : vector<1x64xi32>
    %get3A_110 = arith.constant 0 : index
    %get3A_111 = arith.constant 0 : index
    %get3A_112 = vector.load %arg2[%get3A_110, %get3A_111] : memref<64x6xf32, #tpu.memory_space<vmem>>, vector<64x6xf32>
    %slice3A_113 = vector.extract_strided_slice %get3A_112 {offsets = [0, 0], sizes = [64, 1], strides = [1, 1]} : vector<64x6xf32> to vector<64x1xf32>
    %convert_element_type3A_114 = arith.fptosi %slice3A_113 : vector<64x1xf32> to vector<64x1xi32>
    %slice3A_115 = vector.extract_strided_slice %get3A_112 {offsets = [0, 1], sizes = [64, 1], strides = [1, 1]} : vector<64x6xf32> to vector<64x1xf32>
    %convert_element_type3A_116 = arith.fptosi %slice3A_115 : vector<64x1xf32> to vector<64x1xi32>
    %slice3A_117 = vector.extract_strided_slice %get3A_112 {offsets = [0, 2], sizes = [64, 1], strides = [1, 1]} : vector<64x6xf32> to vector<64x1xf32>
    %mul3A_118 = arith.constant 7.600000e+01 : f32
    %mul3A_119 = vector.broadcast %mul3A_118 : f32 to vector<64x1xf32>
    %mul3A_120 = arith.mulf %slice3A_117, %mul3A_119 : vector<64x1xf32>
    %slice3A_121 = vector.extract_strided_slice %get3A_112 {offsets = [0, 3], sizes = [64, 1], strides = [1, 1]} : vector<64x6xf32> to vector<64x1xf32>
    %mul3A_122 = arith.constant 7.600000e+01 : f32
    %mul3A_123 = vector.broadcast %mul3A_122 : f32 to vector<64x1xf32>
    %mul3A_124 = arith.mulf %slice3A_121, %mul3A_123 : vector<64x1xf32>
    %slice3A_125 = vector.extract_strided_slice %get3A_112 {offsets = [0, 4], sizes = [64, 1], strides = [1, 1]} : vector<64x6xf32> to vector<64x1xf32>
    %slice3A_126 = vector.extract_strided_slice %get3A_112 {offsets = [0, 5], sizes = [64, 1], strides = [1, 1]} : vector<64x6xf32> to vector<64x1xf32>
    %mul3A_127 = arith.constant 7.600000e+01 : f32
    %mul3A_128 = vector.broadcast %mul3A_127 : f32 to vector<64x1xf32>
    %mul3A_129 = arith.mulf %slice3A_125, %mul3A_128 : vector<64x1xf32>
    %mul3A_130 = arith.constant 7.600000e+01 : f32
    %mul3A_131 = vector.broadcast %mul3A_130 : f32 to vector<64x1xf32>
    %mul3A_132 = arith.mulf %slice3A_126, %mul3A_131 : vector<64x1xf32>
    %convert_element_type3A_133 = arith.fptosi %mul3A_120 : vector<64x1xf32> to vector<64x1xi32>
    %convert_element_type3A_134 = arith.fptosi %mul3A_124 : vector<64x1xf32> to vector<64x1xi32>
    %slice3A_135 = vector.extract_strided_slice %get3A_14 {offsets = [0, 0], sizes = [1, 1], strides = [1, 1]} : vector<1x6xf32> to vector<1x1xf32>
    %slice3A_136 = vector.extract_strided_slice %get3A_14 {offsets = [0, 1], sizes = [1, 1], strides = [1, 1]} : vector<1x6xf32> to vector<1x1xf32>
    %min3A_137 = vector.broadcast %slice3A_135 : vector<1x1xf32> to vector<64x1xf32>
    %min3A_138 = arith.minimumf %min3A_137, %mul3A_129 : vector<64x1xf32>
    %min3A_139 = vector.broadcast %slice3A_136 : vector<1x1xf32> to vector<64x1xf32>
    %min3A_140 = arith.minimumf %min3A_139, %mul3A_132 : vector<64x1xf32>
    %mul3A_141 = arith.mulf %min3A_138, %min3A_140 : vector<64x1xf32>
    %mul3A_142 = arith.mulf %slice3A_135, %slice3A_136 : vector<1x1xf32>
    %add3A_143 = arith.constant 1.000000e-16 : f32
    %add3A_144 = vector.broadcast %add3A_143 : f32 to vector<1x1xf32>
    %add3A_145 = arith.addf %mul3A_142, %add3A_144 : vector<1x1xf32>
    %mul3A_146 = arith.mulf %mul3A_129, %mul3A_132 : vector<64x1xf32>
    %add3A_147 = vector.broadcast %add3A_145 : vector<1x1xf32> to vector<64x1xf32>
    %add3A_148 = arith.addf %add3A_147, %mul3A_146 : vector<64x1xf32>
    %sub3A_149 = arith.subf %add3A_148, %mul3A_141 : vector<64x1xf32>
    %div3A_150 = arith.divf %mul3A_141, %sub3A_149 : vector<64x1xf32>
    %slice3A_151 = vector.extract_strided_slice %get3A_14 {offsets = [0, 2], sizes = [1, 1], strides = [1, 1]} : vector<1x6xf32> to vector<1x1xf32>
    %slice3A_152 = vector.extract_strided_slice %get3A_14 {offsets = [0, 3], sizes = [1, 1], strides = [1, 1]} : vector<1x6xf32> to vector<1x1xf32>
    %min3A_153 = vector.broadcast %slice3A_151 : vector<1x1xf32> to vector<64x1xf32>
    %min3A_154 = arith.minimumf %min3A_153, %mul3A_129 : vector<64x1xf32>
    %min3A_155 = vector.broadcast %slice3A_152 : vector<1x1xf32> to vector<64x1xf32>
    %min3A_156 = arith.minimumf %min3A_155, %mul3A_132 : vector<64x1xf32>
    %mul3A_157 = arith.mulf %min3A_154, %min3A_156 : vector<64x1xf32>
    %mul3A_158 = arith.mulf %slice3A_151, %slice3A_152 : vector<1x1xf32>
    %add3A_159 = arith.constant 1.000000e-16 : f32
    %add3A_160 = vector.broadcast %add3A_159 : f32 to vector<1x1xf32>
    %add3A_161 = arith.addf %mul3A_158, %add3A_160 : vector<1x1xf32>
    %mul3A_162 = arith.mulf %mul3A_129, %mul3A_132 : vector<64x1xf32>
    %add3A_163 = vector.broadcast %add3A_161 : vector<1x1xf32> to vector<64x1xf32>
    %add3A_164 = arith.addf %add3A_163, %mul3A_162 : vector<64x1xf32>
    %sub3A_165 = arith.subf %add3A_164, %mul3A_157 : vector<64x1xf32>
    %div3A_166 = arith.divf %mul3A_157, %sub3A_165 : vector<64x1xf32>
    %slice3A_167 = vector.extract_strided_slice %get3A_14 {offsets = [0, 4], sizes = [1, 1], strides = [1, 1]} : vector<1x6xf32> to vector<1x1xf32>
    %slice3A_168 = vector.extract_strided_slice %get3A_14 {offsets = [0, 5], sizes = [1, 1], strides = [1, 1]} : vector<1x6xf32> to vector<1x1xf32>
    %min3A_169 = vector.broadcast %slice3A_167 : vector<1x1xf32> to vector<64x1xf32>
    %min3A_170 = arith.minimumf %min3A_169, %mul3A_129 : vector<64x1xf32>
    %min3A_171 = vector.broadcast %slice3A_168 : vector<1x1xf32> to vector<64x1xf32>
    %min3A_172 = arith.minimumf %min3A_171, %mul3A_132 : vector<64x1xf32>
    %mul3A_173 = arith.mulf %min3A_170, %min3A_172 : vector<64x1xf32>
    %mul3A_174 = arith.mulf %slice3A_167, %slice3A_168 : vector<1x1xf32>
    %add3A_175 = arith.constant 1.000000e-16 : f32
    %add3A_176 = vector.broadcast %add3A_175 : f32 to vector<1x1xf32>
    %add3A_177 = arith.addf %mul3A_174, %add3A_176 : vector<1x1xf32>
    %mul3A_178 = arith.mulf %mul3A_129, %mul3A_132 : vector<64x1xf32>
    %add3A_179 = vector.broadcast %add3A_177 : vector<1x1xf32> to vector<64x1xf32>
    %add3A_180 = arith.addf %add3A_179, %mul3A_178 : vector<64x1xf32>
    %sub3A_181 = arith.subf %add3A_180, %mul3A_173 : vector<64x1xf32>
    %div3A_182 = arith.divf %mul3A_173, %sub3A_181 : vector<64x1xf32>
    %broadcast_in_dim3A_183 = arith.constant 0 : i32
    %broadcast_in_dim3A_184 = vector.broadcast %broadcast_in_dim3A_183 : i32 to vector<64x1xi32>
    %broadcast_in_dim3A_185 = arith.constant -1.000000e+00 : f32
    %broadcast_in_dim3A_186 = vector.broadcast %broadcast_in_dim3A_185 : f32 to vector<64x1xf32>
    %gt3A_187 = arith.cmpf ogt, %div3A_150, %broadcast_in_dim3A_186 : vector<64x1xf32>
    %jit3A_188 = arith.constant 0 : i32
    %broadcast_in_dim3A_189 = vector.broadcast %jit3A_188 : i32 to vector<64x1xi32>
    %select_n3A_190 = arith.select %gt3A_187, %broadcast_in_dim3A_189, %broadcast_in_dim3A_184 : vector<64x1xi1>, vector<64x1xi32>
    %select_n3A_191 = arith.select %gt3A_187, %div3A_150, %broadcast_in_dim3A_186 : vector<64x1xi1>, vector<64x1xf32>
    %gt3A_192 = arith.cmpf ogt, %div3A_166, %select_n3A_191 : vector<64x1xf32>
    %jit3A_193 = arith.constant 1 : i32
    %broadcast_in_dim3A_194 = vector.broadcast %jit3A_193 : i32 to vector<64x1xi32>
    %select_n3A_195 = arith.select %gt3A_192, %broadcast_in_dim3A_194, %select_n3A_190 : vector<64x1xi1>, vector<64x1xi32>
    %select_n3A_196 = arith.select %gt3A_192, %div3A_166, %select_n3A_191 : vector<64x1xi1>, vector<64x1xf32>
    %gt3A_197 = arith.cmpf ogt, %div3A_182, %select_n3A_196 : vector<64x1xf32>
    %jit3A_198 = arith.constant 2 : i32
    %broadcast_in_dim3A_199 = vector.broadcast %jit3A_198 : i32 to vector<64x1xi32>
    %select_n3A_200 = arith.select %gt3A_197, %broadcast_in_dim3A_199, %select_n3A_195 : vector<64x1xi1>, vector<64x1xi32>
    %mul3A_201 = arith.constant 17328 : i32
    %mul3A_202 = vector.broadcast %mul3A_201 : i32 to vector<64x1xi32>
    %mul3A_203 = arith.muli %convert_element_type3A_114, %mul3A_202 : vector<64x1xi32>
    %mul3A_204 = arith.constant 76 : i32
    %mul3A_205 = vector.broadcast %mul3A_204 : i32 to vector<64x1xi32>
    %mul3A_206 = arith.muli %convert_element_type3A_134, %mul3A_205 : vector<64x1xi32>
    %add3A_207 = arith.addi %mul3A_203, %mul3A_206 : vector<64x1xi32>
    %add3A_208 = arith.addi %add3A_207, %convert_element_type3A_133 : vector<64x1xi32>
    %mul3A_209 = arith.constant 5776 : i32
    %mul3A_210 = vector.broadcast %mul3A_209 : i32 to vector<64x1xi32>
    %mul3A_211 = arith.muli %select_n3A_200, %mul3A_210 : vector<64x1xi32>
    %add3A_212 = arith.addi %add3A_208, %mul3A_211 : vector<64x1xi32>
    %iota3A = tpu.iota {dimensions = array<i32: 1>} : vector<64x64xi32>
    %iota3A_213 = tpu.iota {dimensions = array<i32: 0>} : vector<64x64xi32>
    %gt3A_214 = arith.cmpi sgt, %iota3A, %iota3A_213 : vector<64x64xi32>
    %eq3A = vector.broadcast %add3A_212 : vector<64x1xi32> to vector<64x64xi32>
    %eq3A_215 = vector.broadcast %add3A_109 : vector<1x64xi32> to vector<64x64xi32>
    %eq3A_216 = arith.cmpi eq, %eq3A, %eq3A_215 : vector<64x64xi32>
    %and3A = arith.andi %eq3A_216, %gt3A_214 : vector<64x64xi1>
    %jit3A_217 = arith.constant 1.000000e+00 : f32
    %jit3A_218 = arith.constant 0.000000e+00 : f32
    %broadcast_in_dim3A_219 = vector.broadcast %jit3A_217 : f32 to vector<64x64xf32>
    %broadcast_in_dim3A_220 = vector.broadcast %jit3A_218 : f32 to vector<64x64xf32>
    %select_n3A_221 = arith.select %and3A, %broadcast_in_dim3A_219, %broadcast_in_dim3A_220 : vector<64x64xi1>, vector<64x64xf32>
    %reduce_max3A = arith.constant dense<0xFF800000> : vector<64xf32>
    %reduce_max3A_222 = vector.multi_reduction <maximumf>, %select_n3A_221, %reduce_max3A [1] : vector<64x64xf32> to vector<64xf32>
    %broadcast_in_dim3A_223 = vector.shape_cast %reduce_max3A_222 : vector<64xf32> to vector<64x1xf32>
    %sub3A_224 = arith.constant 1.000000e+00 : f32
    %sub3A_225 = vector.broadcast %sub3A_224 : f32 to vector<64x1xf32>
    %sub3A_226 = arith.subf %sub3A_225, %broadcast_in_dim3A_223 : vector<64x1xf32>
    %mul3A_227 = arith.constant 80 : i32
    %mul3A_228 = vector.broadcast %mul3A_227 : i32 to vector<1x64xi32>
    %mul3A_229 = arith.muli %add3A_109, %mul3A_228 : vector<1x64xi32>
    %add3A_230 = arith.addi %mul3A_229, %convert_element_type3A_19 : vector<1x64xi32>
    %mul3A_231 = arith.constant 80 : i32
    %mul3A_232 = vector.broadcast %mul3A_231 : i32 to vector<64x1xi32>
    %mul3A_233 = arith.muli %add3A_212, %mul3A_232 : vector<64x1xi32>
    %add3A_234 = arith.addi %mul3A_233, %convert_element_type3A_116 : vector<64x1xi32>
    %eq3A_235 = vector.broadcast %add3A_234 : vector<64x1xi32> to vector<64x64xi32>
    %eq3A_236 = vector.broadcast %add3A_230 : vector<1x64xi32> to vector<64x64xi32>
    %eq3A_237 = arith.cmpi eq, %eq3A_235, %eq3A_236 : vector<64x64xi32>
    %and3A_238 = arith.andi %eq3A_237, %gt3A_214 : vector<64x64xi1>
    %jit3A_239 = arith.constant 1.000000e+00 : f32
    %jit3A_240 = arith.constant 0.000000e+00 : f32
    %broadcast_in_dim3A_241 = vector.broadcast %jit3A_239 : f32 to vector<64x64xf32>
    %broadcast_in_dim3A_242 = vector.broadcast %jit3A_240 : f32 to vector<64x64xf32>
    %select_n3A_243 = arith.select %and3A_238, %broadcast_in_dim3A_241, %broadcast_in_dim3A_242 : vector<64x64xi1>, vector<64x64xf32>
    %reduce_max3A_244 = arith.constant dense<0xFF800000> : vector<64xf32>
    %reduce_max3A_245 = vector.multi_reduction <maximumf>, %select_n3A_243, %reduce_max3A_244 [1] : vector<64x64xf32> to vector<64xf32>
    %broadcast_in_dim3A_246 = vector.shape_cast %reduce_max3A_245 : vector<64xf32> to vector<64x1xf32>
    %sub3A_247 = arith.constant 1.000000e+00 : f32
    %sub3A_248 = vector.broadcast %sub3A_247 : f32 to vector<64x1xf32>
    %sub3A_249 = arith.subf %sub3A_248, %broadcast_in_dim3A_246 : vector<64x1xf32>
    %add3A_250 = arith.constant 0 : i32
    %add3A_251 = vector.broadcast %add3A_250 : i32 to vector<1x64xi32>
    %add3A_252 = arith.addi %add3A_105, %add3A_251 : vector<1x64xi32>
    %add3A_253 = arith.constant 5776 : i32
    %add3A_254 = vector.broadcast %add3A_253 : i32 to vector<1x64xi32>
    %add3A_255 = arith.addi %add3A_105, %add3A_254 : vector<1x64xi32>
    %add3A_256 = arith.constant 11552 : i32
    %add3A_257 = vector.broadcast %add3A_256 : i32 to vector<1x64xi32>
    %add3A_258 = arith.addi %add3A_105, %add3A_257 : vector<1x64xi32>
    %concatenate3A = tpu.concatenate %add3A_109, %add3A_252, %add3A_255, %add3A_258 in 1 : vector<1x64xi32>, vector<1x64xi32>, vector<1x64xi32>, vector<1x64xi32> -> vector<1x256xi32>
    %add3A_259 = arith.constant 0 : i32
    %add3A_260 = vector.broadcast %add3A_259 : i32 to vector<64x1xi32>
    %add3A_261 = arith.addi %add3A_208, %add3A_260 : vector<64x1xi32>
    %add3A_262 = arith.constant 5776 : i32
    %add3A_263 = vector.broadcast %add3A_262 : i32 to vector<64x1xi32>
    %add3A_264 = arith.addi %add3A_208, %add3A_263 : vector<64x1xi32>
    %add3A_265 = arith.constant 11552 : i32
    %add3A_266 = vector.broadcast %add3A_265 : i32 to vector<64x1xi32>
    %add3A_267 = arith.addi %add3A_208, %add3A_266 : vector<64x1xi32>
    %concatenate3A_268 = tpu.concatenate %add3A_212, %add3A_261, %add3A_264, %add3A_267 in 0 : vector<64x1xi32>, vector<64x1xi32>, vector<64x1xi32>, vector<64x1xi32> -> vector<256x1xi32>
    %broadcast_in_dim3A_269 = arith.constant 1.000000e+00 : f32
    %broadcast_in_dim3A_270 = vector.broadcast %broadcast_in_dim3A_269 : f32 to vector<1x64xf32>
    %broadcast_in_dim3A_271 = arith.constant 1.000000e+00 : f32
    %broadcast_in_dim3A_272 = vector.broadcast %broadcast_in_dim3A_271 : f32 to vector<64x1xf32>
    %gt3A_273 = arith.constant 0.699999988 : f32
    %gt3A_274 = vector.broadcast %gt3A_273 : f32 to vector<1x64xf32>
    %gt3A_275 = arith.cmpf ogt, %div3A, %gt3A_274 : vector<1x64xf32>
    %jit3A_276 = arith.constant 1.000000e+00 : f32
    %jit3A_277 = arith.constant 0.000000e+00 : f32
    %broadcast_in_dim3A_278 = vector.broadcast %jit3A_276 : f32 to vector<1x64xf32>
    %broadcast_in_dim3A_279 = vector.broadcast %jit3A_277 : f32 to vector<1x64xf32>
    %select_n3A_280 = arith.select %gt3A_275, %broadcast_in_dim3A_278, %broadcast_in_dim3A_279 : vector<1x64xi1>, vector<1x64xf32>
    %gt3A_281 = arith.constant 0.699999988 : f32
    %gt3A_282 = vector.broadcast %gt3A_281 : f32 to vector<1x64xf32>
    %gt3A_283 = arith.cmpf ogt, %div3A_66, %gt3A_282 : vector<1x64xf32>
    %jit3A_284 = arith.constant 1.000000e+00 : f32
    %jit3A_285 = arith.constant 0.000000e+00 : f32
    %broadcast_in_dim3A_286 = vector.broadcast %jit3A_284 : f32 to vector<1x64xf32>
    %broadcast_in_dim3A_287 = vector.broadcast %jit3A_285 : f32 to vector<1x64xf32>
    %select_n3A_288 = arith.select %gt3A_283, %broadcast_in_dim3A_286, %broadcast_in_dim3A_287 : vector<1x64xi1>, vector<1x64xf32>
    %gt3A_289 = arith.constant 0.699999988 : f32
    %gt3A_290 = vector.broadcast %gt3A_289 : f32 to vector<1x64xf32>
    %gt3A_291 = arith.cmpf ogt, %div3A_82, %gt3A_290 : vector<1x64xf32>
    %jit3A_292 = arith.constant 1.000000e+00 : f32
    %jit3A_293 = arith.constant 0.000000e+00 : f32
    %broadcast_in_dim3A_294 = vector.broadcast %jit3A_292 : f32 to vector<1x64xf32>
    %broadcast_in_dim3A_295 = vector.broadcast %jit3A_293 : f32 to vector<1x64xf32>
    %select_n3A_296 = arith.select %gt3A_291, %broadcast_in_dim3A_294, %broadcast_in_dim3A_295 : vector<1x64xi1>, vector<1x64xf32>
    %concatenate3A_297 = tpu.concatenate %broadcast_in_dim3A_270, %select_n3A_280, %select_n3A_288, %select_n3A_296 in 1 : vector<1x64xf32>, vector<1x64xf32>, vector<1x64xf32>, vector<1x64xf32> -> vector<1x256xf32>
    %gt3A_298 = arith.constant 0.699999988 : f32
    %gt3A_299 = vector.broadcast %gt3A_298 : f32 to vector<64x1xf32>
    %gt3A_300 = arith.cmpf ogt, %div3A_150, %gt3A_299 : vector<64x1xf32>
    %jit3A_301 = arith.constant 1.000000e+00 : f32
    %jit3A_302 = arith.constant 0.000000e+00 : f32
    %broadcast_in_dim3A_303 = vector.broadcast %jit3A_301 : f32 to vector<64x1xf32>
    %broadcast_in_dim3A_304 = vector.broadcast %jit3A_302 : f32 to vector<64x1xf32>
    %select_n3A_305 = arith.select %gt3A_300, %broadcast_in_dim3A_303, %broadcast_in_dim3A_304 : vector<64x1xi1>, vector<64x1xf32>
    %gt3A_306 = arith.constant 0.699999988 : f32
    %gt3A_307 = vector.broadcast %gt3A_306 : f32 to vector<64x1xf32>
    %gt3A_308 = arith.cmpf ogt, %div3A_166, %gt3A_307 : vector<64x1xf32>
    %jit3A_309 = arith.constant 1.000000e+00 : f32
    %jit3A_310 = arith.constant 0.000000e+00 : f32
    %broadcast_in_dim3A_311 = vector.broadcast %jit3A_309 : f32 to vector<64x1xf32>
    %broadcast_in_dim3A_312 = vector.broadcast %jit3A_310 : f32 to vector<64x1xf32>
    %select_n3A_313 = arith.select %gt3A_308, %broadcast_in_dim3A_311, %broadcast_in_dim3A_312 : vector<64x1xi1>, vector<64x1xf32>
    %gt3A_314 = arith.constant 0.699999988 : f32
    %gt3A_315 = vector.broadcast %gt3A_314 : f32 to vector<64x1xf32>
    %gt3A_316 = arith.cmpf ogt, %div3A_182, %gt3A_315 : vector<64x1xf32>
    %jit3A_317 = arith.constant 1.000000e+00 : f32
    %jit3A_318 = arith.constant 0.000000e+00 : f32
    %broadcast_in_dim3A_319 = vector.broadcast %jit3A_317 : f32 to vector<64x1xf32>
    %broadcast_in_dim3A_320 = vector.broadcast %jit3A_318 : f32 to vector<64x1xf32>
    %select_n3A_321 = arith.select %gt3A_316, %broadcast_in_dim3A_319, %broadcast_in_dim3A_320 : vector<64x1xi1>, vector<64x1xf32>
    %concatenate3A_322 = tpu.concatenate %broadcast_in_dim3A_272, %select_n3A_305, %select_n3A_313, %select_n3A_321 in 0 : vector<64x1xf32>, vector<64x1xf32>, vector<64x1xf32>, vector<64x1xf32> -> vector<256x1xf32>
    %iota3A_323 = tpu.iota {dimensions = array<i32: 1>} : vector<256x256xi32>
    %iota3A_324 = tpu.iota {dimensions = array<i32: 0>} : vector<256x256xi32>
    %eq3A_325 = vector.broadcast %concatenate3A_268 : vector<256x1xi32> to vector<256x256xi32>
    %eq3A_326 = vector.broadcast %concatenate3A : vector<1x256xi32> to vector<256x256xi32>
    %eq3A_327 = arith.cmpi eq, %eq3A_325, %eq3A_326 : vector<256x256xi32>
    %lt3A = arith.cmpi slt, %iota3A_323, %iota3A_324 : vector<256x256xi32>
    %and3A_328 = arith.andi %eq3A_327, %lt3A : vector<256x256xi1>
    %gt3A_329 = arith.constant 0.000000e+00 : f32
    %gt3A_330 = vector.broadcast %gt3A_329 : f32 to vector<1x256xf32>
    %gt3A_331 = arith.cmpf ogt, %concatenate3A_297, %gt3A_330 : vector<1x256xf32>
    %and3A_332 = vector.broadcast %gt3A_331 : vector<1x256xi1> to vector<256x256xi1>
    %and3A_333 = arith.andi %and3A_328, %and3A_332 : vector<256x256xi1>
    %jit3A_334 = arith.constant 1.000000e+00 : f32
    %jit3A_335 = arith.constant 0.000000e+00 : f32
    %broadcast_in_dim3A_336 = vector.broadcast %jit3A_334 : f32 to vector<256x256xf32>
    %broadcast_in_dim3A_337 = vector.broadcast %jit3A_335 : f32 to vector<256x256xf32>
    %select_n3A_338 = arith.select %and3A_333, %broadcast_in_dim3A_336, %broadcast_in_dim3A_337 : vector<256x256xi1>, vector<256x256xf32>
    %reduce_max3A_339 = arith.constant dense<0xFF800000> : vector<256xf32>
    %reduce_max3A_340 = vector.multi_reduction <maximumf>, %select_n3A_338, %reduce_max3A_339 [1] : vector<256x256xf32> to vector<256xf32>
    %broadcast_in_dim3A_341 = vector.shape_cast %reduce_max3A_340 : vector<256xf32> to vector<256x1xf32>
    %sub3A_342 = arith.constant 1.000000e+00 : f32
    %sub3A_343 = vector.broadcast %sub3A_342 : f32 to vector<256x1xf32>
    %sub3A_344 = arith.subf %sub3A_343, %broadcast_in_dim3A_341 : vector<256x1xf32>
    %mul3A_345 = arith.mulf %concatenate3A_322, %sub3A_344 : vector<256x1xf32>
    %iota3A_346 = tpu.iota {dimensions = array<i32: 1>} : vector<256x128xi32>
    %and3A_347 = arith.constant 127 : i32
    %and3A_348 = vector.broadcast %and3A_347 : i32 to vector<256x1xi32>
    %and3A_349 = arith.andi %concatenate3A_268, %and3A_348 : vector<256x1xi32>
    %eq3A_350 = vector.broadcast %and3A_349 : vector<256x1xi32> to vector<256x128xi32>
    %eq3A_351 = arith.cmpi eq, %iota3A_346, %eq3A_350 : vector<256x128xi32>
    %get3A_352 = arith.constant 0 : index
    %get3A_353 = arith.constant 0 : index
    %get3A_354 = vector.load %arg4[%get3A_352, %get3A_353] : memref<256x128xf32, #tpu.memory_space<vmem>>, vector<256x128xf32>
    %jit3A_355 = arith.constant 0.000000e+00 : f32
    %broadcast_in_dim3A_356 = vector.broadcast %jit3A_355 : f32 to vector<256x128xf32>
    %select_n3A_357 = arith.select %eq3A_351, %get3A_354, %broadcast_in_dim3A_356 : vector<256x128xi1>, vector<256x128xf32>
    %reduce_sum3A_358 = arith.constant dense<0.000000e+00> : vector<256xf32>
    %reduce_sum3A_359 = vector.multi_reduction <add>, %select_n3A_357, %reduce_sum3A_358 [1] : vector<256x128xf32> to vector<256xf32>
    %broadcast_in_dim3A_360 = vector.shape_cast %reduce_sum3A_359 : vector<256xf32> to vector<256x1xf32>
    %custom_jvp_call3A_361 = arith.constant 0.000000e+00 : f32
    %max3A_362 = vector.broadcast %custom_jvp_call3A_361 : f32 to vector<256x1xf32>
    %max3A_363 = arith.maximumf %broadcast_in_dim3A_360, %max3A_362 : vector<256x1xf32>
    %sub3A_364 = vector.broadcast %custom_jvp_call3A_361 : f32 to vector<256x1xf32>
    %sub3A_365 = arith.subf %broadcast_in_dim3A_360, %sub3A_364 : vector<256x1xf32>
    %ne3A_366 = arith.cmpf one, %sub3A_365, %sub3A_365 : vector<256x1xf32>
    %add3A_367 = vector.broadcast %custom_jvp_call3A_361 : f32 to vector<256x1xf32>
    %add3A_368 = arith.addf %broadcast_in_dim3A_360, %add3A_367 : vector<256x1xf32>
    %abs3A_369 = math.absf %sub3A_365 : vector<256x1xf32>
    %neg3A_370 = arith.constant 0.000000e+00 : f32
    %neg3A_371 = vector.broadcast %neg3A_370 : f32 to vector<256x1xf32>
    %neg3A_372 = arith.subf %neg3A_371, %abs3A_369 : vector<256x1xf32>
    %exp3A_373 = math.exp %neg3A_372 : vector<256x1xf32>
    %log1p3A_374 = math.log1p %exp3A_373 : vector<256x1xf32>
    %add3A_375 = arith.addf %max3A_363, %log1p3A_374 : vector<256x1xf32>
    %select_n3A_376 = arith.select %ne3A_366, %add3A_368, %add3A_375 : vector<256x1xi1>, vector<256x1xf32>
    %mul3A_377 = arith.mulf %mul3A_345, %select_n3A_376 : vector<256x1xf32>
    %reduce_sum3A_378 = vector.shape_cast %mul3A_377 : vector<256x1xf32> to vector<1x256x1xf32>
    %reduce_sum3A_379 = arith.constant dense<0.000000e+00> : vector<1xf32>
    %reduce_sum3A_380 = vector.multi_reduction <add>, %reduce_sum3A_378, %reduce_sum3A_379 [1, 2] : vector<1x256x1xf32> to vector<1xf32>
    %reduce_sum3A_381 = vector.shape_cast %reduce_sum3A_380 : vector<1xf32> to vector<1x1x1xf32>
    %reduce_sum3A_382 = vector.extract %reduce_sum3A_381[0, 0, 0] : f32 from vector<1x1x1xf32>
    %reduce_sum3A_383 = vector.shape_cast %mul3A_345 : vector<256x1xf32> to vector<1x256x1xf32>
    %reduce_sum3A_384 = arith.constant dense<0.000000e+00> : vector<1xf32>
    %reduce_sum3A_385 = vector.multi_reduction <add>, %reduce_sum3A_383, %reduce_sum3A_384 [1, 2] : vector<1x256x1xf32> to vector<1xf32>
    %reduce_sum3A_386 = vector.shape_cast %reduce_sum3A_385 : vector<1xf32> to vector<1x1x1xf32>
    %reduce_sum3A_387 = vector.extract %reduce_sum3A_386[0, 0, 0] : f32 from vector<1x1x1xf32>
    %get3A_388 = arith.constant 0 : index
    %get3A_389 = arith.constant 0 : index
    %get3A_390 = arith.constant 0 : index
    %get3A_391 = vector.load %arg5[%get3A_388, %get3A_389, %get3A_390] : memref<64x1x4xf32, #tpu.memory_space<vmem>>, vector<64x1x4xf32>
    %reshape3A = vector.shape_cast %get3A_391 : vector<64x1x4xf32> to vector<64x4xf32>
    %slice3A_392 = vector.extract_strided_slice %reshape3A {offsets = [0, 0], sizes = [64, 1], strides = [1, 1]} : vector<64x4xf32> to vector<64x1xf32>
    %slice3A_393 = vector.extract_strided_slice %reshape3A {offsets = [0, 1], sizes = [64, 1], strides = [1, 1]} : vector<64x4xf32> to vector<64x1xf32>
    %slice3A_394 = vector.extract_strided_slice %reshape3A {offsets = [0, 2], sizes = [64, 1], strides = [1, 1]} : vector<64x4xf32> to vector<64x1xf32>
    %slice3A_395 = vector.extract_strided_slice %reshape3A {offsets = [0, 3], sizes = [64, 1], strides = [1, 1]} : vector<64x4xf32> to vector<64x1xf32>
    %slice3A_396 = vector.extract_strided_slice %broadcast_in_dim3A_360 {offsets = [0, 0], sizes = [64, 1], strides = [1, 1]} : vector<256x1xf32> to vector<64x1xf32>
    %floor3A = math.floor %mul3A_120 : vector<64x1xf32>
    %sub3A_397 = arith.subf %mul3A_120, %floor3A : vector<64x1xf32>
    %floor3A_398 = math.floor %mul3A_124 : vector<64x1xf32>
    %sub3A_399 = arith.subf %mul3A_124, %floor3A_398 : vector<64x1xf32>
    %eq3A_400 = arith.constant 0 : i32
    %eq3A_401 = vector.broadcast %eq3A_400 : i32 to vector<64x1xi32>
    %eq3A_402 = arith.cmpi eq, %select_n3A_200, %eq3A_401 : vector<64x1xi32>
    %slice3A_403 = vector.extract_strided_slice %get3A_14 {offsets = [0, 0], sizes = [1, 1], strides = [1, 1]} : vector<1x6xf32> to vector<1x1xf32>
    %eq3A_404 = arith.constant 1 : i32
    %eq3A_405 = vector.broadcast %eq3A_404 : i32 to vector<64x1xi32>
    %eq3A_406 = arith.cmpi eq, %select_n3A_200, %eq3A_405 : vector<64x1xi32>
    %slice3A_407 = vector.extract_strided_slice %get3A_14 {offsets = [0, 2], sizes = [1, 1], strides = [1, 1]} : vector<1x6xf32> to vector<1x1xf32>
    %slice3A_408 = vector.extract_strided_slice %get3A_14 {offsets = [0, 4], sizes = [1, 1], strides = [1, 1]} : vector<1x6xf32> to vector<1x1xf32>
    %broadcast_in_dim3A_409 = vector.shape_cast %slice3A_407 : vector<1x1xf32> to vector<1x1xf32>
    %broadcast_in_dim3A_410 = vector.broadcast %broadcast_in_dim3A_409 : vector<1x1xf32> to vector<64x1xf32>
    %broadcast_in_dim3A_411 = vector.shape_cast %slice3A_408 : vector<1x1xf32> to vector<1x1xf32>
    %broadcast_in_dim3A_412 = vector.broadcast %broadcast_in_dim3A_411 : vector<1x1xf32> to vector<64x1xf32>
    %select_n3A_413 = arith.select %eq3A_406, %broadcast_in_dim3A_410, %broadcast_in_dim3A_412 : vector<64x1xi1>, vector<64x1xf32>
    %broadcast_in_dim3A_414 = vector.shape_cast %slice3A_403 : vector<1x1xf32> to vector<1x1xf32>
    %broadcast_in_dim3A_415 = vector.broadcast %broadcast_in_dim3A_414 : vector<1x1xf32> to vector<64x1xf32>
    %select_n3A_416 = arith.select %eq3A_402, %broadcast_in_dim3A_415, %select_n3A_413 : vector<64x1xi1>, vector<64x1xf32>
    %eq3A_417 = arith.constant 0 : i32
    %eq3A_418 = vector.broadcast %eq3A_417 : i32 to vector<64x1xi32>
    %eq3A_419 = arith.cmpi eq, %select_n3A_200, %eq3A_418 : vector<64x1xi32>
    %slice3A_420 = vector.extract_strided_slice %get3A_14 {offsets = [0, 1], sizes = [1, 1], strides = [1, 1]} : vector<1x6xf32> to vector<1x1xf32>
    %eq3A_421 = arith.constant 1 : i32
    %eq3A_422 = vector.broadcast %eq3A_421 : i32 to vector<64x1xi32>
    %eq3A_423 = arith.cmpi eq, %select_n3A_200, %eq3A_422 : vector<64x1xi32>
    %slice3A_424 = vector.extract_strided_slice %get3A_14 {offsets = [0, 3], sizes = [1, 1], strides = [1, 1]} : vector<1x6xf32> to vector<1x1xf32>
    %slice3A_425 = vector.extract_strided_slice %get3A_14 {offsets = [0, 5], sizes = [1, 1], strides = [1, 1]} : vector<1x6xf32> to vector<1x1xf32>
    %broadcast_in_dim3A_426 = vector.shape_cast %slice3A_424 : vector<1x1xf32> to vector<1x1xf32>
    %broadcast_in_dim3A_427 = vector.broadcast %broadcast_in_dim3A_426 : vector<1x1xf32> to vector<64x1xf32>
    %broadcast_in_dim3A_428 = vector.shape_cast %slice3A_425 : vector<1x1xf32> to vector<1x1xf32>
    %broadcast_in_dim3A_429 = vector.broadcast %broadcast_in_dim3A_428 : vector<1x1xf32> to vector<64x1xf32>
    %select_n3A_430 = arith.select %eq3A_423, %broadcast_in_dim3A_427, %broadcast_in_dim3A_429 : vector<64x1xi1>, vector<64x1xf32>
    %broadcast_in_dim3A_431 = vector.shape_cast %slice3A_420 : vector<1x1xf32> to vector<1x1xf32>
    %broadcast_in_dim3A_432 = vector.broadcast %broadcast_in_dim3A_431 : vector<1x1xf32> to vector<64x1xf32>
    %select_n3A_433 = arith.select %eq3A_419, %broadcast_in_dim3A_432, %select_n3A_430 : vector<64x1xi1>, vector<64x1xf32>
    %div3A_434 = arith.divf %mul3A_129, %select_n3A_416 : vector<64x1xf32>
    %add3A_435 = arith.constant 1.000000e-16 : f32
    %add3A_436 = vector.broadcast %add3A_435 : f32 to vector<64x1xf32>
    %add3A_437 = arith.addf %div3A_434, %add3A_436 : vector<64x1xf32>
    %log3A = math.log %add3A_437 : vector<64x1xf32>
    %div3A_438 = arith.divf %mul3A_132, %select_n3A_433 : vector<64x1xf32>
    %add3A_439 = arith.constant 1.000000e-16 : f32
    %add3A_440 = vector.broadcast %add3A_439 : f32 to vector<64x1xf32>
    %add3A_441 = arith.addf %div3A_438, %add3A_440 : vector<64x1xf32>
    %log3A_442 = math.log %add3A_441 : vector<64x1xf32>
    %mul3A_443 = arith.mulf %slice3A_125, %slice3A_126 : vector<64x1xf32>
    %sub3A_444 = arith.constant 2.000000e+00 : f32
    %sub3A_445 = vector.broadcast %sub3A_444 : f32 to vector<64x1xf32>
    %sub3A_446 = arith.subf %sub3A_445, %mul3A_443 : vector<64x1xf32>
    %mul3A_447 = arith.mulf %sub3A_226, %sub3A_446 : vector<64x1xf32>
    %custom_jvp_call3A_448 = arith.constant 0.000000e+00 : f32
    %max3A_449 = vector.broadcast %custom_jvp_call3A_448 : f32 to vector<64x1xf32>
    %max3A_450 = arith.maximumf %slice3A_392, %max3A_449 : vector<64x1xf32>
    %sub3A_451 = vector.broadcast %custom_jvp_call3A_448 : f32 to vector<64x1xf32>
    %sub3A_452 = arith.subf %slice3A_392, %sub3A_451 : vector<64x1xf32>
    %ne3A_453 = arith.cmpf one, %sub3A_452, %sub3A_452 : vector<64x1xf32>
    %add3A_454 = vector.broadcast %custom_jvp_call3A_448 : f32 to vector<64x1xf32>
    %add3A_455 = arith.addf %slice3A_392, %add3A_454 : vector<64x1xf32>
    %abs3A_456 = math.absf %sub3A_452 : vector<64x1xf32>
    %neg3A_457 = arith.constant 0.000000e+00 : f32
    %neg3A_458 = vector.broadcast %neg3A_457 : f32 to vector<64x1xf32>
    %neg3A_459 = arith.subf %neg3A_458, %abs3A_456 : vector<64x1xf32>
    %exp3A_460 = math.exp %neg3A_459 : vector<64x1xf32>
    %log1p3A_461 = math.log1p %exp3A_460 : vector<64x1xf32>
    %add3A_462 = arith.addf %max3A_450, %log1p3A_461 : vector<64x1xf32>
    %select_n3A_463 = arith.select %ne3A_453, %add3A_455, %add3A_462 : vector<64x1xi1>, vector<64x1xf32>
    %mul3A_464 = arith.mulf %slice3A_392, %sub3A_397 : vector<64x1xf32>
    %sub3A_465 = arith.subf %select_n3A_463, %mul3A_464 : vector<64x1xf32>
    %mul3A_466 = arith.mulf %mul3A_447, %sub3A_465 : vector<64x1xf32>
    %reduce_sum3A_467 = vector.shape_cast %mul3A_466 : vector<64x1xf32> to vector<1x64x1xf32>
    %reduce_sum3A_468 = arith.constant dense<0.000000e+00> : vector<1xf32>
    %reduce_sum3A_469 = vector.multi_reduction <add>, %reduce_sum3A_467, %reduce_sum3A_468 [1, 2] : vector<1x64x1xf32> to vector<1xf32>
    %reduce_sum3A_470 = vector.shape_cast %reduce_sum3A_469 : vector<1xf32> to vector<1x1x1xf32>
    %reduce_sum3A_471 = vector.extract %reduce_sum3A_470[0, 0, 0] : f32 from vector<1x1x1xf32>
    %mul3A_472 = arith.mulf %sub3A_226, %sub3A_446 : vector<64x1xf32>
    %custom_jvp_call3A_473 = arith.constant 0.000000e+00 : f32
    %max3A_474 = vector.broadcast %custom_jvp_call3A_473 : f32 to vector<64x1xf32>
    %max3A_475 = arith.maximumf %slice3A_393, %max3A_474 : vector<64x1xf32>
    %sub3A_476 = vector.broadcast %custom_jvp_call3A_473 : f32 to vector<64x1xf32>
    %sub3A_477 = arith.subf %slice3A_393, %sub3A_476 : vector<64x1xf32>
    %ne3A_478 = arith.cmpf one, %sub3A_477, %sub3A_477 : vector<64x1xf32>
    %add3A_479 = vector.broadcast %custom_jvp_call3A_473 : f32 to vector<64x1xf32>
    %add3A_480 = arith.addf %slice3A_393, %add3A_479 : vector<64x1xf32>
    %abs3A_481 = math.absf %sub3A_477 : vector<64x1xf32>
    %neg3A_482 = arith.constant 0.000000e+00 : f32
    %neg3A_483 = vector.broadcast %neg3A_482 : f32 to vector<64x1xf32>
    %neg3A_484 = arith.subf %neg3A_483, %abs3A_481 : vector<64x1xf32>
    %exp3A_485 = math.exp %neg3A_484 : vector<64x1xf32>
    %log1p3A_486 = math.log1p %exp3A_485 : vector<64x1xf32>
    %add3A_487 = arith.addf %max3A_475, %log1p3A_486 : vector<64x1xf32>
    %select_n3A_488 = arith.select %ne3A_478, %add3A_480, %add3A_487 : vector<64x1xi1>, vector<64x1xf32>
    %mul3A_489 = arith.mulf %slice3A_393, %sub3A_399 : vector<64x1xf32>
    %sub3A_490 = arith.subf %select_n3A_488, %mul3A_489 : vector<64x1xf32>
    %mul3A_491 = arith.mulf %mul3A_472, %sub3A_490 : vector<64x1xf32>
    %reduce_sum3A_492 = vector.shape_cast %mul3A_491 : vector<64x1xf32> to vector<1x64x1xf32>
    %reduce_sum3A_493 = arith.constant dense<0.000000e+00> : vector<1xf32>
    %reduce_sum3A_494 = vector.multi_reduction <add>, %reduce_sum3A_492, %reduce_sum3A_493 [1, 2] : vector<1x64x1xf32> to vector<1xf32>
    %reduce_sum3A_495 = vector.shape_cast %reduce_sum3A_494 : vector<1xf32> to vector<1x1x1xf32>
    %reduce_sum3A_496 = vector.extract %reduce_sum3A_495[0, 0, 0] : f32 from vector<1x1x1xf32>
    %mul3A_497 = arith.constant 5.000000e-01 : f32
    %mul3A_498 = vector.broadcast %mul3A_497 : f32 to vector<64x1xf32>
    %mul3A_499 = arith.mulf %sub3A_226, %mul3A_498 : vector<64x1xf32>
    %mul3A_500 = arith.mulf %mul3A_499, %sub3A_446 : vector<64x1xf32>
    %sub3A_501 = arith.subf %slice3A_394, %log3A : vector<64x1xf32>
    %integer_pow3A = arith.mulf %sub3A_501, %sub3A_501 : vector<64x1xf32>
    %mul3A_502 = arith.mulf %mul3A_500, %integer_pow3A : vector<64x1xf32>
    %reduce_sum3A_503 = vector.shape_cast %mul3A_502 : vector<64x1xf32> to vector<1x64x1xf32>
    %reduce_sum3A_504 = arith.constant dense<0.000000e+00> : vector<1xf32>
    %reduce_sum3A_505 = vector.multi_reduction <add>, %reduce_sum3A_503, %reduce_sum3A_504 [1, 2] : vector<1x64x1xf32> to vector<1xf32>
    %reduce_sum3A_506 = vector.shape_cast %reduce_sum3A_505 : vector<1xf32> to vector<1x1x1xf32>
    %reduce_sum3A_507 = vector.extract %reduce_sum3A_506[0, 0, 0] : f32 from vector<1x1x1xf32>
    %mul3A_508 = arith.constant 5.000000e-01 : f32
    %mul3A_509 = vector.broadcast %mul3A_508 : f32 to vector<64x1xf32>
    %mul3A_510 = arith.mulf %sub3A_226, %mul3A_509 : vector<64x1xf32>
    %mul3A_511 = arith.mulf %mul3A_510, %sub3A_446 : vector<64x1xf32>
    %sub3A_512 = arith.subf %slice3A_395, %log3A_442 : vector<64x1xf32>
    %integer_pow3A_513 = arith.mulf %sub3A_512, %sub3A_512 : vector<64x1xf32>
    %mul3A_514 = arith.mulf %mul3A_511, %integer_pow3A_513 : vector<64x1xf32>
    %reduce_sum3A_515 = vector.shape_cast %mul3A_514 : vector<64x1xf32> to vector<1x64x1xf32>
    %reduce_sum3A_516 = arith.constant dense<0.000000e+00> : vector<1xf32>
    %reduce_sum3A_517 = vector.multi_reduction <add>, %reduce_sum3A_515, %reduce_sum3A_516 [1, 2] : vector<1x64x1xf32> to vector<1xf32>
    %reduce_sum3A_518 = vector.shape_cast %reduce_sum3A_517 : vector<1xf32> to vector<1x1x1xf32>
    %reduce_sum3A_519 = vector.extract %reduce_sum3A_518[0, 0, 0] : f32 from vector<1x1x1xf32>
    %custom_jvp_call3A_520 = arith.constant 0.000000e+00 : f32
    %max3A_521 = vector.broadcast %custom_jvp_call3A_520 : f32 to vector<64x1xf32>
    %max3A_522 = arith.maximumf %slice3A_396, %max3A_521 : vector<64x1xf32>
    %sub3A_523 = vector.broadcast %custom_jvp_call3A_520 : f32 to vector<64x1xf32>
    %sub3A_524 = arith.subf %slice3A_396, %sub3A_523 : vector<64x1xf32>
    %ne3A_525 = arith.cmpf one, %sub3A_524, %sub3A_524 : vector<64x1xf32>
    %add3A_526 = vector.broadcast %custom_jvp_call3A_520 : f32 to vector<64x1xf32>
    %add3A_527 = arith.addf %slice3A_396, %add3A_526 : vector<64x1xf32>
    %abs3A_528 = math.absf %sub3A_524 : vector<64x1xf32>
    %neg3A_529 = arith.constant 0.000000e+00 : f32
    %neg3A_530 = vector.broadcast %neg3A_529 : f32 to vector<64x1xf32>
    %neg3A_531 = arith.subf %neg3A_530, %abs3A_528 : vector<64x1xf32>
    %exp3A_532 = math.exp %neg3A_531 : vector<64x1xf32>
    %log1p3A_533 = math.log1p %exp3A_532 : vector<64x1xf32>
    %add3A_534 = arith.addf %max3A_522, %log1p3A_533 : vector<64x1xf32>
    %select_n3A_535 = arith.select %ne3A_525, %add3A_527, %add3A_534 : vector<64x1xi1>, vector<64x1xf32>
    %sub3A_536 = arith.subf %select_n3A_535, %slice3A_396 : vector<64x1xf32>
    %mul3A_537 = arith.mulf %sub3A_226, %sub3A_536 : vector<64x1xf32>
    %reduce_sum3A_538 = vector.shape_cast %mul3A_537 : vector<64x1xf32> to vector<1x64x1xf32>
    %reduce_sum3A_539 = arith.constant dense<0.000000e+00> : vector<1xf32>
    %reduce_sum3A_540 = vector.multi_reduction <add>, %reduce_sum3A_538, %reduce_sum3A_539 [1, 2] : vector<1x64x1xf32> to vector<1xf32>
    %reduce_sum3A_541 = vector.shape_cast %reduce_sum3A_540 : vector<1xf32> to vector<1x1x1xf32>
    %reduce_sum3A_542 = vector.extract %reduce_sum3A_541[0, 0, 0] : f32 from vector<1x1x1xf32>
    %reduce_sum3A_543 = vector.shape_cast %sub3A_226 : vector<64x1xf32> to vector<1x64x1xf32>
    %reduce_sum3A_544 = arith.constant dense<0.000000e+00> : vector<1xf32>
    %reduce_sum3A_545 = vector.multi_reduction <add>, %reduce_sum3A_543, %reduce_sum3A_544 [1, 2] : vector<1x64x1xf32> to vector<1xf32>
    %reduce_sum3A_546 = vector.shape_cast %reduce_sum3A_545 : vector<1xf32> to vector<1x1x1xf32>
    %reduce_sum3A_547 = vector.extract %reduce_sum3A_546[0, 0, 0] : f32 from vector<1x1x1xf32>
    %get3A_548 = arith.constant 0 : index
    %get3A_549 = arith.constant 0 : index
    %get3A_550 = arith.constant 0 : index
    %get3A_551 = vector.load %arg6[%get3A_548, %get3A_549, %get3A_550] : memref<64x1x80xf32, #tpu.memory_space<vmem>>, vector<64x1x80xf32>
    %reshape3A_552 = vector.shape_cast %get3A_551 : vector<64x1x80xf32> to vector<64x80xf32>
    %custom_jvp_call3A_553 = arith.constant 0.000000e+00 : f32
    %max3A_554 = vector.broadcast %custom_jvp_call3A_553 : f32 to vector<64x80xf32>
    %max3A_555 = arith.maximumf %reshape3A_552, %max3A_554 : vector<64x80xf32>
    %sub3A_556 = vector.broadcast %custom_jvp_call3A_553 : f32 to vector<64x80xf32>
    %sub3A_557 = arith.subf %reshape3A_552, %sub3A_556 : vector<64x80xf32>
    %ne3A_558 = arith.cmpf one, %sub3A_557, %sub3A_557 : vector<64x80xf32>
    %add3A_559 = vector.broadcast %custom_jvp_call3A_553 : f32 to vector<64x80xf32>
    %add3A_560 = arith.addf %reshape3A_552, %add3A_559 : vector<64x80xf32>
    %abs3A_561 = math.absf %sub3A_557 : vector<64x80xf32>
    %neg3A_562 = arith.constant 0.000000e+00 : f32
    %neg3A_563 = vector.broadcast %neg3A_562 : f32 to vector<64x80xf32>
    %neg3A_564 = arith.subf %neg3A_563, %abs3A_561 : vector<64x80xf32>
    %exp3A_565 = math.exp %neg3A_564 : vector<64x80xf32>
    %log1p3A_566 = math.log1p %exp3A_565 : vector<64x80xf32>
    %add3A_567 = arith.addf %max3A_555, %log1p3A_566 : vector<64x80xf32>
    %select_n3A_568 = arith.select %ne3A_558, %add3A_560, %add3A_567 : vector<64x80xi1>, vector<64x80xf32>
    %reduce_sum3A_569 = arith.constant dense<0.000000e+00> : vector<64xf32>
    %reduce_sum3A_570 = vector.multi_reduction <add>, %select_n3A_568, %reduce_sum3A_569 [1] : vector<64x80xf32> to vector<64xf32>
    %broadcast_in_dim3A_571 = vector.shape_cast %reduce_sum3A_570 : vector<64xf32> to vector<64x1xf32>
    %mul3A_572 = arith.mulf %sub3A_226, %broadcast_in_dim3A_571 : vector<64x1xf32>
    %reduce_sum3A_573 = vector.shape_cast %mul3A_572 : vector<64x1xf32> to vector<1x64x1xf32>
    %reduce_sum3A_574 = arith.constant dense<0.000000e+00> : vector<1xf32>
    %reduce_sum3A_575 = vector.multi_reduction <add>, %reduce_sum3A_573, %reduce_sum3A_574 [1, 2] : vector<1x64x1xf32> to vector<1xf32>
    %reduce_sum3A_576 = vector.shape_cast %reduce_sum3A_575 : vector<1xf32> to vector<1x1x1xf32>
    %reduce_sum3A_577 = vector.extract %reduce_sum3A_576[0, 0, 0] : f32 from vector<1x1x1xf32>
    %iota3A_578 = tpu.iota {dimensions = array<i32: 1>} : vector<64x80xi32>
    %eq3A_579 = vector.broadcast %convert_element_type3A_116 : vector<64x1xi32> to vector<64x80xi32>
    %eq3A_580 = arith.cmpi eq, %iota3A_578, %eq3A_579 : vector<64x80xi32>
    %jit3A_581 = arith.constant 0.000000e+00 : f32
    %broadcast_in_dim3A_582 = vector.broadcast %jit3A_581 : f32 to vector<64x80xf32>
    %select_n3A_583 = arith.select %eq3A_580, %reshape3A_552, %broadcast_in_dim3A_582 : vector<64x80xi1>, vector<64x80xf32>
    %reduce_sum3A_584 = arith.constant dense<0.000000e+00> : vector<64xf32>
    %reduce_sum3A_585 = vector.multi_reduction <add>, %select_n3A_583, %reduce_sum3A_584 [1] : vector<64x80xf32> to vector<64xf32>
    %broadcast_in_dim3A_586 = vector.shape_cast %reduce_sum3A_585 : vector<64xf32> to vector<64x1xf32>
    %mul3A_587 = arith.mulf %sub3A_249, %broadcast_in_dim3A_586 : vector<64x1xf32>
    %reduce_sum3A_588 = vector.shape_cast %mul3A_587 : vector<64x1xf32> to vector<1x64x1xf32>
    %reduce_sum3A_589 = arith.constant dense<0.000000e+00> : vector<1xf32>
    %reduce_sum3A_590 = vector.multi_reduction <add>, %reduce_sum3A_588, %reduce_sum3A_589 [1, 2] : vector<1x64x1xf32> to vector<1xf32>
    %reduce_sum3A_591 = vector.shape_cast %reduce_sum3A_590 : vector<1xf32> to vector<1x1x1xf32>
    %reduce_sum3A_592 = vector.extract %reduce_sum3A_591[0, 0, 0] : f32 from vector<1x1x1xf32>
    %sub3A_593 = arith.constant 2.772480e+05 : f32
    %sub3A_594 = arith.subf %sub3A_593, %reduce_sum3A_387 : f32
    %add3A_595 = arith.addf %reduce_sum3A_471, %reduce_sum3A_496 : f32
    %add3A_596 = arith.addf %add3A_595, %reduce_sum3A_507 : f32
    %add3A_597 = arith.addf %add3A_596, %reduce_sum3A_519 : f32
    %div3A_598 = arith.divf %add3A_597, %reduce_sum3A_547 : f32
    %div3A_599 = arith.divf %reduce_sum3A_542, %reduce_sum3A_547 : f32
    %add3A_600 = arith.addf %div3A_598, %div3A_599 : f32
    %sub3A_601 = arith.subf %reduce_sum3A_11, %reduce_sum3A_382 : f32
    %mul3A_602 = arith.constant 1.000000e+02 : f32
    %mul3A_603 = arith.mulf %mul3A_602, %sub3A_601 : f32
    %div3A_604 = arith.divf %mul3A_603, %sub3A_594 : f32
    %add3A_605 = arith.addf %add3A_600, %div3A_604 : f32
    %sub3A_606 = arith.subf %reduce_sum3A_577, %reduce_sum3A_592 : f32
    %mul3A_607 = arith.constant 8.000000e+01 : f32
    %mul3A_608 = arith.mulf %reduce_sum3A_547, %mul3A_607 : f32
    %div3A_609 = arith.divf %sub3A_606, %mul3A_608 : f32
    %add3A_610 = arith.addf %add3A_605, %div3A_609 : f32
    %reshape3A_611 = vector.broadcast %add3A_610 : f32 to vector<1x1xf32>
    %swap3A = arith.constant 0 : index
    %swap3A_612 = arith.constant 0 : index
    %swap3A_613 = vector.load %arg7[%swap3A, %swap3A_612] : memref<1x1xf32, #tpu.memory_space<vmem>>, vector<1x1xf32>
    tpu.vector_store %arg7[%swap3A, %swap3A_612], %reshape3A_611 {strides = array<i32>} : memref<1x1xf32, #tpu.memory_space<vmem>>, vector<1x1xf32>,
    return
  }
}

</mosaic_0001>

<sc_bundles>
// kernel: kernel.6.cloned.1.call-start
scs
__scs_entry_jumppad:
0x0: {  	(pc) =	sbr.rel $0x88, $3  }
0x1: {  	(tag) =	ssettag $0x0;
	lr =	simm.s32 $0x1  }
0x2: {  	[smem:$0x3F99] =	sst lr;
	_ =	strace $0xD0000000  }
0x3: {  	_ = 	snop  }
0x4: {  	_ = 	snop  }
0x5: {  	_ = 	snop  }
0x6: {  	_ = 	snop  }
0x7: {  	_ = 	snop  }
__scs_overlays_trampoline_lowered:
0x8: {  	[smem:$0x3FA8] =	sst s0  }
0x9: {  	[smem:$0x3FA9] =	sst s1  }
0xa: {  	[smem:$0x3FAA] =	sst s2  }
0xb: {  	[smem:$0x3FAB] =	sst s3  }
0xc: {  	[smem:$0x3FAC] =	sst s4  }
0xd: {  	[smem:$0x3FAD] =	sst s5  }
0xe: {  	[smem:$0x3FAE] =	sst s6  }
0xf: {  	[smem:$0x3FAF] =	sst s7  }
0x10: {  	[smem:$0x3FB0] =	sst s8  }
0x11: {  	[smem:$0x3FB1] =	sst s9;
	s0 =	simm.s32 @!p0 $0x0  }
0x12: {  	s1 =	sld [smem:$0x3F97];
	s0 =	simm.s32 @p0 $0x1  }
0x13: {  	[smem:$0x3FB2] =	sst s0;
	s0 =	simm.s32 @!p1 $0x0  }
0x14: {  	s2 =	sld [smem:$0x3F96];
	s0 =	simm.s32 @p1 $0x1  }
0x15: {  	[smem:$0x3FB3] =	sst s0;
	s0 =	simm.s32 @!p2 $0x0  }
0x16: {  	s3 =	sld [smem:$0x3FDB];
	s0 =	simm.s32 @p2 $0x1  }
0x17: {  	s4 =	simm.s32 $0x1BF5;
	[smem:$0x3FB5] =	sst s0  }
0x18: {  	s0 =	sld [smem:$0x3F98];
	_ =	swait.ge [sflag:s4], $0x0  }
0x19: {  	s7 =	sld [smem:$0x3F99]  }
0x1a: {  	s8 =	sadd.s32 $0xFFFFE003, lr  }
0x1b: {  	s9 =	sadd.s32 $0xFFFFFEF7, lr;
	s5 =	simm.s32 $0xFFFFFFFF;
	p2 =	slt.u32 s8, $0xFFFFF086  }
0x1c: {  	p1 =	slt.u32 s9, $0xF7A;
	s5 =	simm.s32 @!p2 $0x0  }
0x1d: {  	s5 =	simm.s32 @p1 $0x1;
	p0 =	seq.s32 s7, s2  }
0x1e: {  	s7 =	smul.u32 @!p0 $0xF7A, s2;
	p2 =	seq.s32 @!p0 s5, $0x0  }
0x1f: {  	s9 =	smul.u32 $0xF7A, s1;
	s8 =	simm.s32 @!p0 $0x1BF5;
	p2 =	por !p2, p0  }
0x20: {  	[sflag:s8] =	ssyncset.s32 @!p0 $0xFFFFF086;
	s6 =	sadd.s32 @!p0 s3, s7;
	s7 =	simm.s32 @!p0 $0x108  }
0x21: {  	s3 =	sadd.s32 s3, s9;
	s6 =	sadd.s32 @!p0 $0x88, s6;
	s7 =	simm.s32 @p2 $0x1082  }
0x22: {  	[simem:s7], [sflag:s8] =	dma.local @!p0 [hbm:s6], $0xF7A  }
0x23: {  	s9 =	sor.u32 $0xD0000000, s2;
	s6 =	simm.s32 $0x108;
	_ =	swait.ge @!p0 [sflag:s8], $0x0  }
0x24: {  	s3 =	sadd.s32 $0x88, s3;
	s6 =	simm.s32 @!p1 $0x1082;
	[sflag:s4] =	ssyncset.s32 $0xFFFFF086  }
0x25: {  	[simem:s6], [sflag:s4] =	dma.local [hbm:s3], $0xF7A  }
0x26: {  	[smem:$0x3F99] =	sst s1;
	(tag) =	ssettag s2;
	_ =	strace s9  }
0x27: {  	s1 =	sld [smem:$0x3FA9]  }
0x28: {  	s2 =	sld [smem:$0x3FAA]  }
0x29: {  	s4 =	sld [smem:$0x3FAC]  }
0x2a: {  	p0 =	seq.s32 s5, $0x0;
	s5 =	sld [smem:$0x3FAD]  }
0x2b: {  	s6 =	sld [smem:$0x3FAE]  }
0x2c: {  	s7 =	sld [smem:$0x3FAF]  }
0x2d: {  	s3 =	simm.s32 $0x108;
	s8 =	sld [smem:$0x3FB0]  }
0x2e: {  	s3 =	simm.s32 @!p0 $0x1082;
	s9 =	sld [smem:$0x3FB1]  }
0x2f: {  	lr =	sadd.s32 s0, s3;
	s0 =	sld [smem:$0x3FA8]  }
0x30: {  	s3 =	sld [smem:$0x3FAB]  }
0x31: {  	[smem:$0x3FB4] =	sst s10  }
0x32: {  	s10 =	sld [smem:$0x3FB2];
	_ =	sdelay $0x3  }
0x33: {  	p0 =	seq.s32 s10, $0x1;
	s10 =	sld [smem:$0x3FB4];
	_ =	sdelay $0x3  }
0x34: {  	[smem:$0x3FB4] =	sst s10  }
0x35: {  	s10 =	sld [smem:$0x3FB3];
	_ =	sdelay $0x3  }
0x36: {  	p1 =	seq.s32 s10, $0x1;
	s10 =	sld [smem:$0x3FB4];
	_ =	sdelay $0x3  }
0x37: {  	[smem:$0x3FB4] =	sst s10  }
0x38: {  	s10 =	sld [smem:$0x3FB5]  }
0x39: {  	_ = 	snop;
	(pc) =	sbr.ind lr, $3  }
0x3a: {  	_ = 	snop  }
0x3b: {  	_ = 	snop  }
0x3c: {  	p2 =	seq.s32 s10, $0x1;
	s10 =	sld [smem:$0x3FB4]  }
0x3d: {  	_ =	shalt  }
0x3e: {  	_ =	shalt  }
0x3f: {  	_ =	shalt  }
0x40: {  	_ =	shalt  }
0x41: {  	_ =	shalt  }
0x42: {  	_ =	shalt  }
0x43: {  	_ =	shalt  }
0x44: {  	_ =	shalt  }
0x45: {  	_ =	shalt  }
0x46: {  	_ =	shalt  }
0x47: {  	_ =	shalt  }
0x48: {  	_ =	shalt  }
0x49: {  	_ =	shalt  }
0x4a: {  	_ =	shalt  }
0x4b: {  	_ =	shalt  }
0x4c: {  	_ =	shalt  }
0x4d: {  	_ =	shalt  }
0x4e: {  	_ =	shalt  }
0x4f: {  	_ =	shalt  }
0x50: {  	_ =	shalt  }
0x51: {  	_ =	shalt  }
0x52: {  	_ =	shalt  }
0x53: {  	_ =	shalt  }
0x54: {  	_ =	shalt  }
0x55: {  	_ =	shalt  }
0x56: {  	_ =	shalt  }
0x57: {  	_ =	shalt  }
0x58: {  	_ =	shalt  }
0x59: {  	_ =	shalt  }
0x5a: {  	_ =	shalt  }
0x5b: {  	_ =	shalt  }
0x5c: {  	_ =	shalt  }
0x5d: {  	_ =	shalt  }
0x5e: {  	_ =	shalt  }
0x5f: {  	_ =	shalt  }
0x60: {  	_ =	shalt  }
0x61: {  	_ =	shalt  }
0x62: {  	_ =	shalt  }
0x63: {  	_ =	shalt  }
0x64: {  	_ =	shalt  }
0x65: {  	_ =	shalt  }
0x66: {  	_ =	shalt  }
0x67: {  	_ =	shalt  }
0x68: {  	_ =	shalt  }
0x69: {  	_ =	shalt  }
0x6a: {  	_ =	shalt  }
0x6b: {  	_ =	shalt  }
0x6c: {  	_ =	shalt  }
0x6d: {  	_ =	shalt  }
0x6e: {  	_ =	shalt  }
0x6f: {  	_ =	shalt  }
0x70: {  	_ =	shalt  }
0x71: {  	_ =	shalt  }
0x72: {  	_ =	shalt  }
0x73: {  	_ =	shalt  }
0x74: {  	_ =	shalt  }
0x75: {  	_ =	shalt  }
0x76: {  	_ =	shalt  }
0x77: {  	_ =	shalt  }
0x78: {  	_ =	shalt  }
0x79: {  	_ =	shalt  }
0x7a: {  	_ =	shalt  }
0x7b: {  	_ =	shalt  }
0x7c: {  	_ =	shalt  }
0x7d: {  	_ =	shalt  }
0x7e: {  	_ =	shalt  }
0x7f: {  	_ =	shalt  }
0x80: {  	_ =	shalt  }
0x81: {  	_ =	shalt  }
0x82: {  	_ =	shalt  }
0x83: {  	_ =	shalt  }
0x84: {  	_ =	shalt  }
0x85: {  	_ =	shalt  }
0x86: {  	_ =	shalt  }
0x87: {  	_ =	shalt  }
.Lfunc_end0:
.L_simem_size_0:
called_computation_lowered:
.L_overlay_start_0:
0x88: {  	s2 =	sld [smem:$0x3FD9]  }
0x89: {  	s3 =	sld [smem:$0x3FFE];
	_ =	sdelay $0x1  }
0x8a: {  	s1 =	srdreg.scid  }
0x8b: {  	s0 =	sand.u32 $0x1, s1  }
0x8c: {  	s16 =	sshll.u32 s0, $0xA;
	s2 =	sadd.s32 s3, s2  }
0x8d: {  	s2 =	sadd.s32 s2, s16  }
0x8e: {  	[smem:$0x3FC0] =	sst s2  }
0x8f: {  	_ = 	snop  }
0x90: {  	(tm) =	ssettm $0x1  }
0x91: {  	s17 =	sld [smem:$0x3FFB];
	_ =	sdelay $0x3  }
0x92: {  	_ =	strace s17  }
0x93: {  	s2 =	sld [smem:$0x3FFC];
	_ =	sdelay $0x3  }
0x94: {  	_ =	strace s2  }
0x95: {  	s2 =	sld [smem:$0x3FFD];
	_ =	sdelay $0x3  }
0x96: {  	_ =	strace s2  }
0x97: {  	_ =	strace $0x8FFFFFFF  }
0x98: {  	s18 =	sld [smem:$0x3FDB];
	_ =	sdelay $0x1  }
0x99: {  	s19 =	simm.s32 $_scs_section_size  }
0x9a: {  	s4 =	simm.s32 $_size__tile_overlayer_lowered;
	s5 =	simm.s32 $_tile_overlayer_lowered  }
0x9b: {  	s22 =	simm.s32 $0x1BFF;
	s21 =	sshll.u32 s5, $0x1;
	s2 =	sadd.s32 s19, s18  }
0x9c: {  	s6 =	simm.s32 $0x0;
	s20 =	sshll.u32 s4, $0x1;
	s4 =	sadd.s32 s21, s2  }
0x9d: {  	[timem:s6], [sflag:s22] =	dma.local [hbm:s4], s20  }
0x9e: {  	_ =	swait.ge [sflag:s22], s20  }
0x9f: {  	s3 =	ssub.s32 $0x0, s20;
	[sflag:s22] =	ssyncset.done $0x0  }
0xa0: {  	[sflag:s22] =	ssyncadd.s32 s3;
	_ =	sdelay $0x1  }
0xa1: {  	s23 =	simm.s32 $0x1B8B  }
0xa2: {  	_ =	swait.ge [sflag:s23], $0x1  }
0xa3: {  	[sflag:s23] =	ssyncset.done $0x0  }
0xa4: {  	s25 =	simm.s32 $0x1B8E;
	s24 =	sld [smem:$0x3FFE];
	[sflag:s23] =	ssyncadd.s32 $0xFFFFFFFF  }
0xa5: {  	s26 =	simm.s32 $execute0_lowered;
	[smem:$0x3FD2] =	sst s25  }
0xa6: {  	s4 =	sshll.u32 s26, $0x1;
	_ =	strace $0x80000046;
	[dreg:$0x1] =	wrdreg $0xFFFFFFFF  }
0xa7: {  	s28 =	simm.s32 $_size_execute0_lowered;
	s2 =	sadd.s32 s2, s4;
	[dreg:$0x0] =	wrdreg $0x0  }
0xa8: {  	s4 =	sshll.u32 s28, $0x1;
	[dreg:$0x2] =	wrdreg s2  }
0xa9: {  	[dreg:$0x3] =	wrdreg s4  }
0xaa: {  	[dreg:$0x4] =	wrdreg $0xC0  }
0xab: {  	_ =	task [dreg:s6], $0x5FFFF  }
0xac: {  	[dreg:$0x1] =	wrdreg $0xFFFFFFFF  }
0xad: {  	[dreg:$0x0] =	wrdreg $0x60  }
0xae: {  	[dreg:$0x2] =	wrdreg s24  }
0xaf: {  	[dreg:$0x3] =	wrdreg $0x9  }
0xb0: {  	_ =	task.clear_ibuf [dreg:s6], $0x4FFFF;
	_ =	strace $0x90000046  }
0xb1: {  	s29 =	simm.s32 $0x9;
	_ =	strace $0x80000048  }
0xb2: {  	_ =	swait.ge [sflag:s29], $0x1  }
0xb3: {  	[sflag:s29] =	ssyncadd.s32 $0xFFFFFFFF  }
0xb4: {  	_ =	strace $0x90000048  }
0xb5: {  	_ =	sfence  }
0xb6: {  	s30 =	sld [smem:$0x0];
	_ =	sdelay $0x2  }
0xb7: {  	s31 =	sshll.u32 s1, $0xD;
	s1 =	sshrl.u32 s1, $0x2  }
0xb8: {  	s3 =	sand.u32 $0x4000, s31;
	s1 =	sadd.s32 s1, s30  }
0xb9: {  	s0 =	sor.u32 s3, s0;
	s1 =	sshll.u32 s1, $0x11  }
0xba: {  	s0 =	sor.u32 s1, s0  }
0xbb: {  	s0 =	sadd.s32 $0x8F2B, s0  }
0xbc: {  	[sflag:s0] =	ssyncadd.remote.s32 $0x1  }
0xbd: {  	_ =	sfence.sel $0xFFFF  }
0xbe: {  	[dreg:$0x0] =	wrdreg $0xFFFFFFFF;
	(pc) =	sbr.abs _section_cstart, $3  }
0xbf: {  	[dreg:$0x1] =	wrdreg $0xFFFFFFFF  }
0xc0: {  	_ =	task.clear_ibuf [dreg:s6], $0x2FFFF;
	_ =	strace $0x9FFFFFFF  }
0xc1: {  	(tm) =	ssettm $0x7FFFFFFF  }
tec
execute0_lowered:
.L_overlay_start_1:
0x0: {  	(tag) =	ssettag $0x1  }
0x1: {  	s0 =	srdreg.scid  }
0x2: {  	s2 =	sand.u32 $0x1, s0;
	s0 =	stileid.u32  }
0x3: {  	s3 =	sor.u32 s0, s2  }
0x4: {  	p0 =	sne.s32 s3, $0x0  }
.Ltmp0:
0x5: {  	_ = 	snop;
	(pc) =	sbr.rel @p0 .LBB2_3-.Ltmp0, $3  }
0x6: {  	_ =	sdelay $0x1  }
0x7: {  	s5 =	rddreg [dreg:$0x0]  }
0x8: {  	s1 =	rddreg [dreg:$0x1];
	_ =	strace $0x80000047  }
0x9: {  	s6 =	ssub.s32 $0x2, s2  }
0xa: {  	s2 =	sadd.s32 $0xA600, s5;
	s3 =	sadd.s32 $0xA800, s5;
	s4 =	sadd.s32 $0x1E00, s5  }
0xb: {  	s5 =	sadd.s32 $0xAA00, s5;
	s8 =	simm.s32 $0x2;
	s9 =	simm.s32 $0x180  }
0xc: {  	s10 =	simm.s32 $0x80;
	s11 =	simm.s32 $0x200;
	s12 =	simm.s32 $0x300  }
0xd: {  	s13 =	simm.s32 $0x280;
	s14 =	simm.s32 $0x4300;
	s7 =	sshrl.u32 s6, $0x1  }
0xe: {  	v0 =	vimm.s32 $0x0;
	s15 =	simm.s32 $0x1;
	s6 =	ssub.s32 s6, s7;
	s7 =	simm.s32 $0x0  }
.LBB2_2:
0xf: {  	[tilespmem:s7], [sflag:$0x2] =	stream.linear.gather [hbm4b:s2+s7], $0x180, $0x38;
	[tilespmem:$0x8300] =	vst v63  }
0x10: {  	_ =	swait.ge [sflag:s8], $0x180  }
0x11: {  	[sflag:s8] =	ssyncset.done $0x0  }
0x12: {  	[sflag:s8] =	ssyncadd.s32 $0xFFFFFE80  }
0x13: {  	[tilespmem:s9], [sflag:$0x2] =	stream.linear.gather [hbm4b:s3+s7], $0x80, $0x38;
	[tilespmem:$0x8300] =	vst v63  }
0x14: {  	_ =	swait.ge [sflag:s8], $0x80  }
0x15: {  	[sflag:s8] =	ssyncset.done $0x0  }
0x16: {  	[sflag:s8] =	ssyncadd.s32 $0xFFFFFF80  }
0x17: {  	v1 =	vld [tilespmem:$0x100]  }
0x18: {  	v2 =	vld [tilespmem:$0x140]  }
0x19: {  	v3 =	vld [tilespmem:$0x180]  }
0x1a: {  	v4 =	vld [tilespmem:$0x190]  }
0x1b: {  	v5 =	vld [tilespmem:$0x1A0]  }
0x1c: {  	v6 =	vld [tilespmem:$0x1B0]  }
0x1d: {  	v8 =	vld [tilespmem:$0x1C0]  }
0x1e: {  	v9 =	vld [tilespmem:$0x1D0]  }
0x1f: {  	v12 =	vld [tilespmem:$0x110]  }
0x20: {  	v13 =	vld [tilespmem:$0x150]  }
0x21: {  	v63 =	vld [tilespmem:$0x180]  }
0x22: {  	v14 =	vld [tilespmem:$0x190]  }
0x23: {  	v21 =	vld [tilespmem:$0x1A0]  }
0x24: {  	v16 =	vld [tilespmem:$0x1B0]  }
0x25: {  	v27 =	vld [tilespmem:$0x1C0]  }
0x26: {  	v31 =	vld [tilespmem:$0x1D0]  }
0x27: {  	v34 =	vld [tilespmem:$0x0]  }
0x28: {  	v36 =	vld [tilespmem:$0x80]  }
0x29: {  	v47 =	vld [tilespmem:$0x120]  }
0x2a: {  	v48 =	vld [tilespmem:$0x160]  }
0x2b: {  	v50 =	vld [tilespmem:$0x180];
	v1 =	vmul.f32 $7.600000000e+01, v1  }
0x2c: {  	v51 =	vld [tilespmem:$0x190];
	v2 =	vmul.f32 $7.600000000e+01, v2;
	v7 =	vmul.f32 v4, v3  }
0x2d: {  	v53 =	vld [tilespmem:$0x1A0];
	v11 =	vmul.f32 v6, v5;
	v15 =	vmul.f32 v9, v8  }
0x2e: {  	v54 =	vld [tilespmem:$0x1B0];
	v24 =	vmul.f32 $7.600000000e+01, v12;
	v25 =	vmul.f32 $7.600000000e+01, v13  }
0x2f: {  	v26 =	vmul.f32 v14, v63;
	v30 =	vmul.f32 v16, v21  }
0x30: {  	v35 =	vmul.f32 v31, v27;
	v43 =	vtrunc.f32 v34  }
0x31: {  	v45 =	vmul.f32 $7.600000000e+01, v36;
	v56 =	vmul.f32 $7.600000000e+01, v47  }
0x32: {  	v13 =	vmul.f32 $7.600000000e+01, v48;
	v17 =	vmul.f32 v51, v50  }
0x33: {  	v41 =	vld [tilespmem:$0x10];
	v58 =	vmul.f32 v54, v53;
	v7 =	vadd.f32 $1.000000020e-16, v7;
	v10 =	vmul.f32 v2, v1  }
0x34: {  	v44 =	vld [tilespmem:$0x90];
	v3 =	vmin.f32 v3, v1;
	v4 =	vmin.f32 v4, v2;
	v62 =	vadd.f32 $1.000000020e-16, v11  }
0x35: {  	v5 =	vmin.f32 v5, v1;
	v6 =	vmin.f32 v6, v2;
	v1 =	vmin.f32 v8, v1  }
0x36: {  	v23 =	vadd.f32 $1.000000020e-16, v15;
	v2 =	vmin.f32 v9, v2;
	v28 =	vadd.f32 $1.000000020e-16, v26  }
0x37: {  	v29 =	vmul.f32 v25, v24;
	v11 =	vmin.f32 v63, v24;
	v14 =	vmin.f32 v14, v25  }
0x38: {  	v12 =	vadd.f32 $1.000000020e-16, v30;
	v32 =	vmin.f32 v16, v25;
	v39 =	vmin.f32 v31, v25  }
0x39: {  	v9 =	vtrunc.f32 v41;
	v8 =	vmul.f32 $7.600000000e+01, v44;
	v15 =	vmin.f32 v51, v13  }
0x3a: {  	v17 =	vadd.f32 $1.000000020e-16, v17;
	v3 =	vmul.f32 v4, v3;
	v61 =	vadd.f32 v7, v10  }
0x3b: {  	v38 =	vld [tilespmem:$0xC0];
	v19 =	vmul.f32 v13, v56;
	v16 =	vmin.f32 v53, v56;
	v5 =	vmul.f32 v6, v5  }
0x3c: {  	v1 =	vmul.f32 v2, v1;
	v20 =	vadd.f32 v62, v10;
	v4 =	vsub.f32 v61, v3  }
0x3d: {  	v11 =	vmul.f32 v14, v11;
	v14 =	vadd.f32 $1.000000020e-16, v35;
	v2 =	vadd.f32 v23, v10  }
0x3e: {  	v9 =	vcvt.f32.s32 v9;
	v22 =	vsub.f32 v20, v5;
	(erf) = vrcp.f32 v4  }
0x3f: {  	v57 =	vld [tilespmem:$0xD0];
	v6 =	vadd.f32 v28, v29;
	v10 =	vcvt.f32.s32 v43;
	v2 =	vsub.f32 v2, v1  }
0x40: {  	v33 =	vadd.f32 v12, v29;
	v7 =	vmul.f32 $7.600000000e+01, v38;
	(erf) = vrcp.f32 v22  }
0x41: {  	v12 =	vtrunc.f32 v45;
	(erf) = vrcp.f32 v2;
	v2 =	vmin.f32 v21, v24  }
0x42: {  	v17 =	vadd.f32 v17, v19;
	v6 =	vsub.f32 v6, v11;
	v2 =	vmul.f32 v32, v2  }
0x43: {  	v63 =	vld [tilespmem:$0x190];
	v8 =	vtrunc.f32 v8;
	v42 =	vadd.f32 v14, v29;
	v12 =	vcvt.f32.s32 v12  }
0x44: {  	v62 =	vld [tilespmem:$0x180];
	v14 =	vmul.f32 $7.600000000e+01, v57;
	(erf) = vrcp.f32 v6;
	v37 =	vsub.f32 v33, v2  }
0x45: {  	v8 =	vcvt.f32.s32 v8;
	v7 =	vtrunc.f32 v7;
	v4 =	vmin.f32 v27, v24  }
0x46: {  	v60 =	vld [tilespmem:$0x130];
	v9 =	vmul.u32 $0x43B0, v9;
	v4 =	vmul.f32 v39, v4;
	(erf) = vrcp.f32 v37  }
0x47: {  	v25 =	vld [tilespmem:$0x1C0];
	v10 =	vmul.u32 $0x43B0, v10;
	v7 =	vcvt.f32.s32 v7;
	v14 =	vtrunc.f32 v14;
	v40 =	vpop (erf)  }
0x48: {  	v23 =	vld [tilespmem:$0x1B0];
	v8 =	vadd.s32 v8, v9;
	v6 =	vsub.f32 v42, v4;
	v3 =	vmul.f32 v40, v3  }
0x49: {  	v10 =	vadd.s32 v12, v10;
	v27 =	vld [tilespmem:$0x1D0];
	v7 =	vmul.u32 $0x4C, v7;
	v26 =	vmul.f32 v63, v62;
	v46 =	vpop (erf)  }
0x4a: {  	v22 =	vld [tilespmem:$0x1A0];
	v5 =	vmul.f32 v46, v5;
	v49 =	vpop (erf);
	(erf) = vrcp.f32 v6;
	vm0 =	vgt.f32 v3, $-1.000000000e+00  }
0x4b: {  	v21 =	vcvt.f32.s32 v14;
	v24 =	vmul.f32 $7.600000000e+01, v60;
	v3 =	vnsel vm0, $0xBF800000, v3  }
0x4c: {  	v7 =	vadd.s32 v7, v10;
	v33 =	vld [tilespmem:$0x20];
	v1 =	vmul.f32 v49, v1;
	vm0 =	vgt.f32 v5, v3  }
0x4d: {  	v29 =	vadd.f32 $1.000000020e-16, v26;
	v28 =	vmul.u32 $0x4C, v21;
	v52 =	vpop (erf);
	v3 =	vsel vm0, v5, v3  }
0x4e: {  	v35 =	vmin.f32 v25, v24;
	vm1 =	vgt.f32 v1, v3;
	v3 =	vmul.f32 v52, v11  }
0x4f: {  	v47 =	vadd.s32 $0x1690, v7;
	v32 =	vmul.f32 v27, v25;
	v31 =	vmul.f32 v23, v22;
	v55 =	vpop (erf)  }
0x50: {  	v59 =	vld [tilespmem:$0x1D0];
	v8 =	vadd.s32 v28, v8;
	v2 =	vmul.f32 v55, v2;
	vm10 =	vgt.f32 v3, $-1.000000000e+00  }
0x51: {  	v20 =	vld [tilespmem:$0x1C0];
	v10 =	vadd.f32 $1.000000020e-16, v32;
	v41 =	vtrunc.f32 v33;
	v3 =	vnsel vm10, $0xBF800000, v3  }
0x52: {  	v61 =	vld [tilespmem:$0x170];
	v6 =	vadd.f32 $1.000000020e-16, v58;
	v1 =	vsel vm0, $0x1690, v0;
	vm0 =	vgt.f32 v2, v3  }
0x53: {  	v42 =	vcvt.f32.s32 v41;
	v18 =	vpop (erf);
	v2 =	vsel vm0, v2, v3;
	v3 =	vmin.f32 v50, v56  }
0x54: {  	v36 =	vld [tilespmem:$0xE0];
	v46 =	vshrl.u32 v7, $0x7;
	v4 =	vmul.f32 v18, v4;
	v3 =	vmul.f32 v15, v3  }
0x55: {  	v49 =	vld [tilespmem:$0x30];
	v6 =	vadd.f32 v6, v19;
	v5 =	vmin.f32 v54, v13;
	v13 =	vmin.f32 v59, v13  }
0x56: {  	v54 =	vadd.s32 $0x1690, v8;
	vm11 =	vgt.f32 v4, v2;
	v2 =	vsub.f32 v17, v3  }
0x57: {  	v5 =	vmul.f32 v5, v16;
	v11 =	vmin.f32 v20, v56;
	v16 =	vmul.f32 $7.600000000e+01, v61  }
0x58: {  	v1 =	vsel vm1, $0x2D20, v1;
	(erf) = vrcp.f32 v2;
	v2 =	vmul.f32 v59, v20  }
0x59: {  	v11 =	vmul.f32 v13, v11;
	v13 =	vmul.f32 $7.600000000e+01, v36;
	v55 =	vshrl.u32 v8, $0x7  }
0x5a: {  	v57 =	vtrunc.f32 v49;
	v6 =	vsub.f32 v6, v5;
	v2 =	vadd.f32 $1.000000020e-16, v2  }
0x5b: {  	v30 =	vmul.f32 v16, v24;
	v14 =	vmin.f32 v23, v16;
	v37 =	vmin.f32 v27, v16  }
0x5c: {  	v1 =	vadd.s32 v7, v1;
	v7 =	vadd.s32 $0x2D20, v7;
	v2 =	vadd.f32 v2, v19  }
0x5d: {  	v4 =	vmin.f32 v62, v24;
	v17 =	vmin.f32 v63, v16;
	(erf) = vrcp.f32 v6  }
0x5e: {  	v52 =	vld [tilespmem:$0xB0];
	v9 =	vadd.f32 v29, v30;
	v4 =	vmul.f32 v17, v4;
	v2 =	vsub.f32 v2, v11  }
0x5f: {  	v1 =	vshrl.u32 v1, $0x7;
	v13 =	vtrunc.f32 v13;
	v7 =	vshrl.u32 v7, $0x7  }
0x60: {  	v34 =	vld [tilespmem:$0xA0];
	v9 =	vsub.f32 v9, v4;
	(erf) = vrcp.f32 v2;
	v2 =	vadd.f32 $1.000000020e-16, v31  }
0x61: {  	v10 =	vadd.f32 v10, v30;
	v13 =	vcvt.f32.s32 v13;
	v50 =	vld [tilespmem:$0xF0];
	v6 =	vmin.f32 v22, v24  }
0x62: {  	v6 =	vmul.f32 v14, v6;
	(erf) = vrcp.f32 v9;
	v2 =	vadd.f32 v2, v30  }
0x63: {  	[tilespmem:$0x2C0] =	vst v7;
	v7 =	vcvt.f32.s32 v57;
	v40 =	vsel vm0, $0x1690, v0;
	v58 =	vmul.f32 $7.600000000e+01, v52  }
0x64: {  	v13 =	vmul.u32 $0x4C, v13;
	v38 =	vpop (erf);
	v9 =	vmul.f32 v37, v35;
	v2 =	vsub.f32 v2, v6  }
0x65: {  	v7 =	vmul.u32 $0x43B0, v7;
	v14 =	vmul.f32 $7.600000000e+01, v34;
	v3 =	vmul.f32 v38, v3  }
0x66: {  	v56 =	vmul.f32 $7.600000000e+01, v50;
	v39 =	vpop (erf);
	(erf) = vrcp.f32 v2;
	v2 =	vsub.f32 v10, v9  }
0x67: {  	v14 =	vtrunc.f32 v14;
	v5 =	vmul.f32 v39, v5;
	vm12 =	vgt.f32 v3, $-1.000000000e+00  }
0x68: {  	v14 =	vcvt.f32.s32 v14;
	v3 =	vnsel vm12, $0xBF800000, v3;
	(erf) = vrcp.f32 v2  }
0x69: {  	vm0 =	vgt.f32 v5, v3;
	v10 =	vmul.u32 $0x43B0, v42;
	v2 =	vsel vm11, $0x2D20, v40  }
0x6a: {  	v3 =	vsel vm0, v5, v3;
	v48 =	vsel vm0, $0x1690, v0;
	v43 =	vpop (erf);
	v2 =	vadd.s32 v8, v2  }
0x6b: {  	v8 =	vadd.s32 $0x2D20, v8;
	v44 =	vmul.f32 v43, v11;
	v45 =	vpop (erf);
	v11 =	vshrl.u32 v47, $0x7  }
0x6c: {  	[tilespmem:$0x200] =	vst v1;
	v1 =	vshrl.u32 v2, $0x7;
	v8 =	vshrl.u32 v8, $0x7;
	v4 =	vmul.f32 v45, v4  }
0x6d: {  	[tilespmem:$0x280] =	vst v11;
	v11 =	vtrunc.f32 v56;
	vm13 =	vgt.f32 v44, v3;
	v3 =	vadd.s32 v14, v10  }
0x6e: {  	v10 =	vtrunc.f32 v58;
	v11 =	vcvt.f32.s32 v11;
	v3 =	vadd.s32 v13, v3  }
0x6f: {  	[tilespmem:$0x240] =	vst v46;
	v5 =	vsel vm13, $0x2D20, v48;
	vm14 =	vgt.f32 v4, $-1.000000000e+00;
	v60 =	vcvt.f32.s32 v10;
	v51 =	vpop (erf)  }
0x70: {  	[tilespmem:$0x250] =	vst v55;
	v4 =	vnsel vm14, $0xBF800000, v4;
	v5 =	vadd.s32 v3, v5;
	v6 =	vmul.f32 v51, v6  }
0x71: {  	[tilespmem:$0x210] =	vst v1;
	v1 =	vshrl.u32 v3, $0x7;
	v59 =	vadd.s32 $0x1690, v3;
	v62 =	vmul.u32 $0x4C, v11;
	v53 =	vpop (erf)  }
0x72: {  	[tilespmem:$0x2D0] =	vst v8;
	v5 =	vshrl.u32 v5, $0x7;
	v2 =	vmul.f32 v53, v9;
	vm0 =	vgt.f32 v6, v4  }
0x73: {  	v61 =	vshrl.u32 v59, $0x7;
	[tilespmem:$0x260] =	vst v1;
	v1 =	vadd.s32 $0x2D20, v3;
	v4 =	vsel vm0, v6, v4  }
0x74: {  	[tilespmem:$0x220] =	vst v5;
	v63 =	vsel vm0, $0x1690, v0;
	vm15 =	vgt.f32 v2, v4;
	v2 =	vadd.s32 v60, v7  }
0x75: {  	[tilespmem:$0x2A0] =	vst v61;
	v1 =	vshrl.u32 v1, $0x7;
	v2 =	vadd.s32 v62, v2;
	v3 =	vsel vm15, $0x2D20, v63  }
0x76: {  	[tilespmem:$0x2E0] =	vst v1;
	v9 =	vshrl.u32 v54, $0x7;
	v3 =	vadd.s32 v2, v3  }
0x77: {  	[tilespmem:$0x290] =	vst v9;
	v1 =	vshrl.u32 v3, $0x7  }
0x78: {  	v3 =	vadd.s32 $0x1690, v2;
	[tilespmem:$0x230] =	vst v1;
	v1 =	vshrl.u32 v2, $0x7  }
0x79: {  	v2 =	vadd.s32 $0x2D20, v2;
	[tilespmem:$0x270] =	vst v1;
	v1 =	vshrl.u32 v3, $0x7  }
0x7a: {  	[tilespmem:$0x2B0] =	vst v1;
	v1 =	vshrl.u32 v2, $0x7  }
0x7b: {  	[tilespmem:$0x2F0] =	vst v1  }
0x7c: {  	[tilespmem:s12], [sflag:$0x1] =	stream.indirect.gather [hbm4b:s4+s10], $0x80, s11, s10, $0xb8;
	[tilespmem:$0x8300] =	vst v63  }
0x7d: {  	_ = 	snop  }
0x7e: {  	[tilespmem:s14], [sflag:$0x1] =	stream.indirect.gather [hbm4b:s4+s10], $0x80, s13, s10, $0xb8;
	[tilespmem:$0x8300] =	vst v63  }
0x7f: {  	_ =	swait.ge [sflag:s15], $0x4000  }
0x80: {  	[sflag:s15] =	ssyncset.done $0x0  }
0x81: {  	[sflag:s15] =	ssyncadd.s32 $0xFFFFC000  }
0x82: {  	_ =	swait.ge [sflag:s15], $0x4000  }
0x83: {  	p0 =	sne.s32 s6, $0x1;
	[sflag:s15] =	ssyncset.done $0x0  }
.Ltmp1:
0x84: {  	[sflag:s15] =	ssyncadd.s32 $0xFFFFC000;
	(pc) =	sbr.rel @p0 .LBB2_2-.Ltmp1, $4  }
0x85: {  	[hbm4b:s5+s7] =	stream.linear.scatter [tilespmem:s12], [sflag:$0x2], $0x8000, $0x38;
	[tilespmem:$0x8300] =	vst v63  }
0x86: {  	_ =	swait.ge [sflag:s8], $0x8000  }
0x87: {  	[sflag:s8] =	ssyncset.done $0x0  }
0x88: {  	s6 =	sadd.s32 $0xFFFFFFFF, s6;
	[sflag:s8] =	ssyncadd.s32 $0xFFFF8000  }
.LBB2_3:
0x89: {  	_ =	sfence.sel $0x180000  }
0x8a: {  	[bflag:$0x0] =	sbarrier.arrive $0xFFFF  }
0x8b: {  	p0 =	sne.s32 s0, $0x0;
	_ =	strace $0x90000047  }
0x8c: {  	s0 =	sadd.s32 @!p0 $0x100000, s1;
	[bflag:$0x2] =	sbarrier.arrive $0xFFFF  }
0x8d: {  	[sflag:s0] =	ssyncadd.tile.s32 @!p0 $0x1;
	_ =	shalt  }
.Lfunc_end2:
_tile_overlayer_lowered:
.L_overlay_start_2:
0x8e: {  	(tag) =	ssettag $0x2  }
0x8f: {  	s0 =	rddreg [dreg:$0x0];
	s2 =	stileid.u32  }
0x90: {  	s1 =	rddreg [dreg:$0x1];
	p0 =	sne.s32 s2, $0x0  }
0x91: {  	s3 =	rddreg [dreg:$0x2];
	[bflag:$0x3] =	sbarrier.arrive $0xFFFF;
	s2 =	simm.s32 @!p0 $0x1C02  }
0x92: {  	[timem:s3], [sflag:s2] =	dma.local @!p0 [hbm:s0], s1  }
0x93: {  	s0 =	simm.s32 @!p0 $0x2  }
0x94: {  	_ =	swait.ge @!p0 [sflag:s0], s1  }
0x95: {  	s1 =	ssub.s32 @!p0 $0x0, s1;
	[sflag:s0] =	ssyncset.done @!p0 $0x0  }
0x96: {  	[sflag:s0] =	ssyncadd.s32 @!p0 s1  }
0x97: {  	[bflag:$0x3] =	sbarrier.arrive $0xFFFF  }
0x98: {  	_ =	shalt  }

</sc_bundles>
